<compile_context>
chip_gen: v7x
topology: tpu7x:2x2x1
jax: 0.10.2.dev20260603
libtpu: 0.0.44.dev20260713+nightly
codegen_flags: <defaults>
</compile_context>

<pallas_src>
import functools

import jax
import jax.numpy as jnp
from jax import lax
from jax.experimental import pallas as pl
from jax.experimental.pallas import tpu as pltpu
from jax.experimental.pallas import tpu_sc as plsc

N = 10000
E = 160000
DIN = 128
C = 256
HALF = 128
OUT = 64

NC = 2
NS = 16
BN = 2000
NB = N // BN
EPT = E // NS
CHUNK = 128
NCHP = 80
NCHS = EPT // CHUNK + 1
NPH = 4
PCH = NCHP // NPH
NA = N + 8
ZPT = 624

_f32 = jnp.float32



def _enc_body(seed_ref, x_ref, we_ref, be_ref, ide_ref, out_ref):
    h = jnp.dot(x_ref[...], we_ref[...], preferred_element_type=_f32)
    h = h + be_ref[...]
    i = pl.program_id(0)
    rows = i * BN + lax.broadcasted_iota(jnp.int32, (BN, 1), 0)
    is_seed = (rows < seed_ref[0]).astype(_f32)
    h = h + is_seed * ide_ref[...]
    out_ref[0] = h[:, :HALF]
    out_ref[1] = h[:, HALF:]


def _encode(x, seed, W_enc, b_enc, id_emb):
    return pl.pallas_call(
        _enc_body,
        grid_spec=pltpu.PrefetchScalarGridSpec(
            num_scalar_prefetch=1,
            grid=(NB,),
            in_specs=[
                pl.BlockSpec((BN, DIN), lambda i, *_: (i, 0)),
                pl.BlockSpec((DIN, C), lambda i, *_: (0, 0)),
                pl.BlockSpec((1, C), lambda i, *_: (0, 0)),
                pl.BlockSpec((1, C), lambda i, *_: (0, 0)),
            ],
            out_specs=pl.BlockSpec((2, BN, HALF), lambda i, *_: (0, i, 0)),
        ),
        out_shape=jax.ShapeDtypeStruct((2, N, HALF), _f32),
    )(seed, x, W_enc, b_enc.reshape(1, C), id_emb)


def _sage_body(h_ref, a_ref, ws_ref, wn_ref, b_ref, out_ref, *, relu):
    z = jnp.dot(h_ref[0], ws_ref[:HALF, :], preferred_element_type=_f32)
    z += jnp.dot(h_ref[1], ws_ref[HALF:, :], preferred_element_type=_f32)
    z += jnp.dot(a_ref[0], wn_ref[:HALF, :], preferred_element_type=_f32)
    z += jnp.dot(a_ref[1], wn_ref[HALF:, :], preferred_element_type=_f32)
    z += b_ref[...]
    if relu:
        z = jnp.maximum(z, 0.0)
    out_ref[0] = z[:, :HALF]
    out_ref[1] = z[:, HALF:]


def _sage(h_split, a_split, W_self, W_neigh, b, relu):
    return pl.pallas_call(
        functools.partial(_sage_body, relu=relu),
        grid=(NB,),
        in_specs=[
            pl.BlockSpec((2, BN, HALF), lambda i: (0, i, 0)),
            pl.BlockSpec((2, BN, HALF), lambda i: (0, i, 0)),
            pl.BlockSpec((C, C), lambda i: (0, 0)),
            pl.BlockSpec((C, C), lambda i: (0, 0)),
            pl.BlockSpec((1, C), lambda i: (0, 0)),
        ],
        out_specs=pl.BlockSpec((2, BN, HALF), lambda i: (0, i, 0)),
        out_shape=jax.ShapeDtypeStruct((2, N, HALF), _f32),
    )(h_split, a_split, W_self, W_neigh, b.reshape(1, C))


def _final_body(h_ref, a_ref, ws_ref, wn_ref, b_ref, lns_ref, lnb_ref,
                wh_ref, bh_ref, out_ref):
    z = jnp.dot(h_ref[0], ws_ref[:HALF, :], preferred_element_type=_f32)
    z += jnp.dot(h_ref[1], ws_ref[HALF:, :], preferred_element_type=_f32)
    z += jnp.dot(a_ref[0], wn_ref[:HALF, :], preferred_element_type=_f32)
    z += jnp.dot(a_ref[1], wn_ref[HALF:, :], preferred_element_type=_f32)
    z += b_ref[...]
    mu = jnp.mean(z, axis=-1, keepdims=True)
    var = jnp.mean((z - mu) * (z - mu), axis=-1, keepdims=True)
    hn = (z - mu) * lax.rsqrt(var + 1e-5) * lns_ref[...] + lnb_ref[...]
    out_ref[...] = jnp.dot(hn, wh_ref[...], preferred_element_type=_f32)
    out_ref[...] += bh_ref[...]


def _final(h_split, a_split, W_self, W_neigh, b, ln_scale, ln_bias,
           W_head, b_head):
    return pl.pallas_call(
        _final_body,
        grid=(NB,),
        in_specs=[
            pl.BlockSpec((2, BN, HALF), lambda i: (0, i, 0)),
            pl.BlockSpec((2, BN, HALF), lambda i: (0, i, 0)),
            pl.BlockSpec((C, C), lambda i: (0, 0)),
            pl.BlockSpec((C, C), lambda i: (0, 0)),
            pl.BlockSpec((1, C), lambda i: (0, 0)),
            pl.BlockSpec((1, C), lambda i: (0, 0)),
            pl.BlockSpec((1, C), lambda i: (0, 0)),
            pl.BlockSpec((C, OUT), lambda i: (0, 0)),
            pl.BlockSpec((1, OUT), lambda i: (0, 0)),
        ],
        out_specs=pl.BlockSpec((BN, OUT), lambda i: (i, 0)),
        out_shape=jax.ShapeDtypeStruct((N, OUT), _f32),
    )(h_split, a_split, W_self, W_neigh, b.reshape(1, C),
      ln_scale.reshape(1, C), ln_bias.reshape(1, C), W_head,
      b_head.reshape(1, OUT))



def _segsum_body(h_hbm, edg_hbm, out_hbm,
                 srcv, dstv, rows0, rows1, agg_sh, sem0, sem1):
    c = lax.axis_index("c")
    s = lax.axis_index("s")
    zrow = s * ZPT
    tail = NS * ZPT

    zv = jnp.zeros((16,), _f32)

    def zbody(i, carry):
        for kk in range(HALF // 16):
            rows0[i, pl.ds(kk * 16, 16)] = zv
        return carry

    lax.fori_loop(0, CHUNK, zbody, 0)
    for m in range(ZPT // CHUNK):
        pltpu.sync_copy(rows0, agg_sh.at[pl.ds(zrow + m * CHUNK, CHUNK)])
    rem = ZPT % CHUNK
    pltpu.sync_copy(rows0.at[pl.ds(0, rem)],
                    agg_sh.at[pl.ds(zrow + ZPT - rem, rem)])

    @pl.when(s == NS - 1)
    def _():
        pltpu.sync_copy(rows0.at[pl.ds(0, NA - tail)],
                        agg_sh.at[pl.ds(tail, NA - tail)])
    plsc.subcore_barrier()

    hc = h_hbm.at[c]
    for p in range(NPH):
        pltpu.sync_copy(edg_hbm.at[s * NPH + p], srcv)
        pltpu.sync_copy(edg_hbm.at[(NS + s) * NPH + p], dstv)
        pltpu.async_copy(hc.at[srcv.at[0]], rows0, sem0)
        guarded = (p + 1) * PCH > NCHS

        def body(k, carry):
            j = 2 * k
            g = p * PCH + j
            pltpu.make_async_copy(hc.at[srcv.at[0]], rows0, sem0).wait()
            d1 = pltpu.async_copy(hc.at[srcv.at[j + 1]], rows1, sem1)
            if guarded:
                @pl.when(g < NCHS)
                def _():
                    pltpu.sync_copy(rows0, agg_sh.at[dstv.at[j]], add=True)
            else:
                pltpu.sync_copy(rows0, agg_sh.at[dstv.at[j]], add=True)

            @pl.when(j + 2 < PCH)
            def _():
                pltpu.async_copy(hc.at[srcv.at[j + 2]], rows0, sem0)

            d1.wait()
            if guarded:
                @pl.when(g + 1 < NCHS)
                def _():
                    pltpu.sync_copy(rows1, agg_sh.at[dstv.at[j + 1]], add=True)
            else:
                pltpu.sync_copy(rows1, agg_sh.at[dstv.at[j + 1]], add=True)
            return carry

        lax.fori_loop(0, PCH // 2, body, 0)
    plsc.subcore_barrier()
    pltpu.sync_copy(agg_sh.at[pl.ds(zrow, ZPT)],
                    out_hbm.at[pl.ds(c * N + zrow, ZPT)])

    @pl.when(s == NS - 1)
    def _():
        pltpu.sync_copy(agg_sh.at[pl.ds(tail, N - tail)],
                        out_hbm.at[pl.ds(c * N + tail, N - tail)])


@functools.lru_cache(maxsize=None)
def _segsum_call():
    return pl.kernel(
        _segsum_body,
        out_type=jax.ShapeDtypeStruct((2 * N, HALF), _f32),
        name="segsum",
        mesh=plsc.VectorSubcoreMesh(
            core_axis_name="c", subcore_axis_name="s", num_cores=NC,
            num_subcores=NS),
        scratch_types=[
            pltpu.VMEM((PCH, CHUNK), jnp.int32),
            pltpu.VMEM((PCH, CHUNK), jnp.int32),
            pltpu.VMEM((CHUNK, HALF), _f32),
            pltpu.VMEM((CHUNK, HALF), _f32),
            pltpu.VMEM_SHARED((NA, HALF), _f32),
            pltpu.SemaphoreType.DMA,
            pltpu.SemaphoreType.DMA,
        ],
    )


def _segment_sum(h_split, eip):
    agg = _segsum_call()(h_split, eip)
    return agg.reshape(2, N, HALF)



def kernel(x, edge_index, seed_count, W_enc, b_enc, id_emb, W_self1, W_neigh1,
           b1, W_self2, W_neigh2, b2, ln_scale, ln_bias, W_head, b_head):
    seed = jnp.asarray(seed_count, jnp.int32).reshape(1)
    npad = NCHP * CHUNK - EPT
    pad_rows = (jnp.arange(NS * npad, dtype=jnp.int32) % N).reshape(1, NS, npad)
    pad_dump = N + (jnp.arange(NS * npad, dtype=jnp.int32) % 8).reshape(
        1, NS, npad)
    pads = jnp.concatenate([pad_rows, pad_dump], axis=0)
    eip = jnp.concatenate([edge_index.reshape(2, NS, EPT), pads],
                          axis=2).reshape(2 * NS * NPH, PCH, CHUNK)

    h0 = _encode(x, seed, W_enc, b_enc, id_emb)
    a1 = _segment_sum(h0, eip)
    h1 = _sage(h0, a1, W_self1, W_neigh1, b1, relu=True)
    a2 = _segment_sum(h1, eip)
    return _final(h1, a2, W_self2, W_neigh2, b2, ln_scale, ln_bias,
                  W_head, b_head)

# --- scband reference (transcript-rebuilt; emitter-appended) ---
"""Pipeline reference for scband-idgnn-25967372271869 (READ-ONLY COPY).

The authoritative reference and input builder live on the scoring server;
editing this copy changes nothing except your own understanding.
"""

import jax, jax.numpy as jnp
import numpy as np

N = 10000
E = 160000
D_IN = 128
C = 256
OUT = 64


def setup_inputs(seed: int = 0) -> dict:
    key = jax.random.key(seed)
    ks = jax.random.split(key, 16)

    def nrm(k, shape, scale=0.05):
        return jax.random.normal(k, shape, dtype=jnp.float32) * scale

    inp = {}
    inp['x'] = jax.random.normal(ks[0], (N, D_IN), dtype=jnp.float32)
    inp['edge_index'] = jax.random.randint(ks[1], (2, E), 0, N, dtype=jnp.int32)
    inp['seed_count'] = 1024
    # encoder (stand-in for HeteroEncoder feature projection)
    inp['W_enc'] = nrm(ks[2], (D_IN, C))
    inp['b_enc'] = jnp.zeros((C,), dtype=jnp.float32)
    # id-awareness embedding (nn.Embedding(1, channels))
    inp['id_emb'] = nrm(ks[3], (1, C))
    # HeteroGraphSAGE layer 1
    inp['W_self1'] = nrm(ks[4], (C, C))
    inp['W_neigh1'] = nrm(ks[5], (C, C))
    inp['b1'] = jnp.zeros((C,), dtype=jnp.float32)
    # HeteroGraphSAGE layer 2
    inp['W_self2'] = nrm(ks[6], (C, C))
    inp['W_neigh2'] = nrm(ks[7], (C, C))
    inp['b2'] = jnp.zeros((C,), dtype=jnp.float32)
    # head MLP (num_layers=1, layer_norm)
    inp['ln_scale'] = jnp.ones((C,), dtype=jnp.float32)
    inp['ln_bias'] = jnp.zeros((C,), dtype=jnp.float32)
    inp['W_head'] = nrm(ks[8], (C, OUT))
    inp['b_head'] = jnp.zeros((OUT,), dtype=jnp.float32)
    return inp


def reference(x, edge_index, seed_count, W_enc, b_enc, id_emb, W_self1, W_neigh1, b1,
              W_self2, W_neigh2, b2, ln_scale, ln_bias, W_head, b_head):
    # encoder: project raw features to channels
    h = x @ W_enc + b_enc
    # add id-awareness embedding to seed rows
    seed_mask = jnp.arange(N) < seed_count
    h = h + jnp.where(seed_mask[:, None], id_emb[0], jnp.float32(0.0))
    src = edge_index[0]
    dst = edge_index[1]
    # GraphSAGE layer 1 (sum aggregation)
    agg = jax.ops.segment_sum(h[src], dst, num_segments=N)
    h = jax.nn.relu(h @ W_self1 + agg @ W_neigh1 + b1)
    # GraphSAGE layer 2 (last layer, no activation)
    agg = jax.ops.segment_sum(h[src], dst, num_segments=N)
    h = h @ W_self2 + agg @ W_neigh2 + b2
    # head: layer_norm + linear
    mu = jnp.mean(h, axis=-1, keepdims=True)
    var = jnp.var(h, axis=-1, keepdims=True)
    hn = (h - mu) / jnp.sqrt(var + 1e-5) * ln_scale + ln_bias
    return hn @ W_head + b_head

if __name__ == "__main__":
    import jax
    _d = setup_inputs()
    print(jax.jit(kernel)(*tuple(_d.values())))

</pallas_src>

<mosaic_0001>
#map = affine_map<(d0, d1) -> (0, 0, 0)>
#map1 = affine_map<(d0, d1) -> (0, 0)>
module attributes {stable_mosaic.version = 14 : i64} {
  func.func @segsum(%arg0: i32, %arg1: i32, %arg2: memref<2x10000x128xf32, #tpu.memory_space<hbm>>, %arg3: memref<128x20x128xi32, #tpu.memory_space<hbm>>, %arg4: memref<20000x128xf32, #tpu.memory_space<hbm>>, %arg5: memref<20x128xi32, #tpu.memory_space<vmem>>, %arg6: memref<20x128xi32, #tpu.memory_space<vmem>>, %arg7: memref<128x128xf32, #tpu.memory_space<vmem>>, %arg8: memref<128x128xf32, #tpu.memory_space<vmem>>, %arg9: memref<10008x128xf32, #tpu.memory_space<vmem_shared>>, %arg10: memref<!tpu.dma_semaphore, #tpu.memory_space<semaphore_mem>>, %arg11: memref<!tpu.dma_semaphore, #tpu.memory_space<semaphore_mem>>) attributes {dimension_semantics = [#tpu.dimension_semantics<core_parallel>, #tpu.dimension_semantics<subcore_parallel>], iteration_bounds = array<i64: 2, 16>, scalar_prefetch = 0 : i64, scratch_operands = 7 : i64, tpu.core_type = #tpu.core_type<sc_vector_subcore>, window_params = [{transform_indices = #map}, {transform_indices = #map}, {transform_indices = #map1}]} {
    %mul3A = arith.constant 624 : i32
    %mul3A_0 = arith.muli %arg1, %mul3A : i32
    %broadcast_in_dim3A = arith.constant 0.000000e+00 : f32
    %broadcast_in_dim3A_1 = vector.broadcast %broadcast_in_dim3A : f32 to vector<16xf32>
    %scan3A = arith.constant 0 : i32
    %scan3A_2 = arith.constant 0 : i32
    %scan3A_3 = arith.constant 128 : i32
    %scan3A_4 = arith.addi %scan3A_2, %scan3A_3 : i32
    %scan3A_5 = arith.constant 1 : i32
    scf.for %scan3A_135 = %scan3A_2 to %scan3A_4 step %scan3A_5  : i32 {
      %swap3A = arith.index_cast %scan3A_135 : i32 to index
      %swap3A_136 = arith.constant 0 : index
      %swap3A_137 = tpu.vector_load %arg7[%swap3A, %swap3A_136] {strides = array<i32>} : memref<128x128xf32, #tpu.memory_space<vmem>>, vector<1x16xf32>,
      %swap3A_138 = vector.shape_cast %swap3A_137 : vector<1x16xf32> to vector<16xf32>
      %swap3A_139 = vector.shape_cast %broadcast_in_dim3A_1 : vector<16xf32> to vector<1x16xf32>
      tpu.vector_store %arg7[%swap3A, %swap3A_136], %swap3A_139 {strides = array<i32>} : memref<128x128xf32, #tpu.memory_space<vmem>>, vector<1x16xf32>,
      %swap3A_140 = arith.index_cast %scan3A_135 : i32 to index
      %swap3A_141 = arith.constant 16 : index
      %swap3A_142 = tpu.vector_load %arg7[%swap3A_140, %swap3A_141] {strides = array<i32>} : memref<128x128xf32, #tpu.memory_space<vmem>>, vector<1x16xf32>,
      %swap3A_143 = vector.shape_cast %swap3A_142 : vector<1x16xf32> to vector<16xf32>
      %swap3A_144 = vector.shape_cast %broadcast_in_dim3A_1 : vector<16xf32> to vector<1x16xf32>
      tpu.vector_store %arg7[%swap3A_140, %swap3A_141], %swap3A_144 {strides = array<i32>} : memref<128x128xf32, #tpu.memory_space<vmem>>, vector<1x16xf32>,
      %swap3A_145 = arith.index_cast %scan3A_135 : i32 to index
      %swap3A_146 = arith.constant 32 : index
      %swap3A_147 = tpu.vector_load %arg7[%swap3A_145, %swap3A_146] {strides = array<i32>} : memref<128x128xf32, #tpu.memory_space<vmem>>, vector<1x16xf32>,
      %swap3A_148 = vector.shape_cast %swap3A_147 : vector<1x16xf32> to vector<16xf32>
      %swap3A_149 = vector.shape_cast %broadcast_in_dim3A_1 : vector<16xf32> to vector<1x16xf32>
      tpu.vector_store %arg7[%swap3A_145, %swap3A_146], %swap3A_149 {strides = array<i32>} : memref<128x128xf32, #tpu.memory_space<vmem>>, vector<1x16xf32>,
      %swap3A_150 = arith.index_cast %scan3A_135 : i32 to index
      %swap3A_151 = arith.constant 48 : index
      %swap3A_152 = tpu.vector_load %arg7[%swap3A_150, %swap3A_151] {strides = array<i32>} : memref<128x128xf32, #tpu.memory_space<vmem>>, vector<1x16xf32>,
      %swap3A_153 = vector.shape_cast %swap3A_152 : vector<1x16xf32> to vector<16xf32>
      %swap3A_154 = vector.shape_cast %broadcast_in_dim3A_1 : vector<16xf32> to vector<1x16xf32>
      tpu.vector_store %arg7[%swap3A_150, %swap3A_151], %swap3A_154 {strides = array<i32>} : memref<128x128xf32, #tpu.memory_space<vmem>>, vector<1x16xf32>,
      %swap3A_155 = arith.index_cast %scan3A_135 : i32 to index
      %swap3A_156 = arith.constant 64 : index
      %swap3A_157 = tpu.vector_load %arg7[%swap3A_155, %swap3A_156] {strides = array<i32>} : memref<128x128xf32, #tpu.memory_space<vmem>>, vector<1x16xf32>,
      %swap3A_158 = vector.shape_cast %swap3A_157 : vector<1x16xf32> to vector<16xf32>
      %swap3A_159 = vector.shape_cast %broadcast_in_dim3A_1 : vector<16xf32> to vector<1x16xf32>
      tpu.vector_store %arg7[%swap3A_155, %swap3A_156], %swap3A_159 {strides = array<i32>} : memref<128x128xf32, #tpu.memory_space<vmem>>, vector<1x16xf32>,
      %swap3A_160 = arith.index_cast %scan3A_135 : i32 to index
      %swap3A_161 = arith.constant 80 : index
      %swap3A_162 = tpu.vector_load %arg7[%swap3A_160, %swap3A_161] {strides = array<i32>} : memref<128x128xf32, #tpu.memory_space<vmem>>, vector<1x16xf32>,
      %swap3A_163 = vector.shape_cast %swap3A_162 : vector<1x16xf32> to vector<16xf32>
      %swap3A_164 = vector.shape_cast %broadcast_in_dim3A_1 : vector<16xf32> to vector<1x16xf32>
      tpu.vector_store %arg7[%swap3A_160, %swap3A_161], %swap3A_164 {strides = array<i32>} : memref<128x128xf32, #tpu.memory_space<vmem>>, vector<1x16xf32>,
      %swap3A_165 = arith.index_cast %scan3A_135 : i32 to index
      %swap3A_166 = arith.constant 96 : index
      %swap3A_167 = tpu.vector_load %arg7[%swap3A_165, %swap3A_166] {strides = array<i32>} : memref<128x128xf32, #tpu.memory_space<vmem>>, vector<1x16xf32>,
      %swap3A_168 = vector.shape_cast %swap3A_167 : vector<1x16xf32> to vector<16xf32>
      %swap3A_169 = vector.shape_cast %broadcast_in_dim3A_1 : vector<16xf32> to vector<1x16xf32>
      tpu.vector_store %arg7[%swap3A_165, %swap3A_166], %swap3A_169 {strides = array<i32>} : memref<128x128xf32, #tpu.memory_space<vmem>>, vector<1x16xf32>,
      %swap3A_170 = arith.index_cast %scan3A_135 : i32 to index
      %swap3A_171 = arith.constant 112 : index
      %swap3A_172 = tpu.vector_load %arg7[%swap3A_170, %swap3A_171] {strides = array<i32>} : memref<128x128xf32, #tpu.memory_space<vmem>>, vector<1x16xf32>,
      %swap3A_173 = vector.shape_cast %swap3A_172 : vector<1x16xf32> to vector<16xf32>
      %swap3A_174 = vector.shape_cast %broadcast_in_dim3A_1 : vector<16xf32> to vector<1x16xf32>
      tpu.vector_store %arg7[%swap3A_170, %swap3A_171], %swap3A_174 {strides = array<i32>} : memref<128x128xf32, #tpu.memory_space<vmem>>, vector<1x16xf32>,
    }
    %scan3A_6 = arith.constant 128 : i32
    %add3A = arith.constant 0 : i32
    %add3A_7 = arith.addi %mul3A_0, %add3A : i32
    "tpu.region"() ({
      %run_scoped3A = tpu.sem_alloc : memref<!tpu.dma_semaphore, #tpu.memory_space<semaphore_mem>>
      %dma_start3A_135 = arith.constant 0 : i32
      %dma_start3A_136 = tpu.memref_slice %arg9[%add3A_7, %dma_start3A_135] : memref<10008x128xf32, #tpu.memory_space<vmem_shared>> -> memref<128x128xf32, #tpu.memory_space<vmem_shared>>
      %dma_start3A_137 = arith.constant 0 : i32
      %dma_start3A_138 = tpu.memref_slice %arg9[%add3A_7, %dma_start3A_137] : memref<10008x128xf32, #tpu.memory_space<vmem_shared>> -> memref<128x128xf32, #tpu.memory_space<vmem_shared>>
      tpu.enqueue_dma source(%arg7 : memref<128x128xf32, #tpu.memory_space<vmem>>) target(%dma_start3A_138 : memref<128x128xf32, #tpu.memory_space<vmem_shared>>) target_semaphore(%run_scoped3A : memref<!tpu.dma_semaphore, #tpu.memory_space<semaphore_mem>>)
      %dma_wait3A = arith.constant 0 : i32
      %dma_wait3A_139 = tpu.memref_slice %arg9[%add3A_7, %dma_wait3A] : memref<10008x128xf32, #tpu.memory_space<vmem_shared>> -> memref<128x128xf32, #tpu.memory_space<vmem_shared>>
      %dma_wait3A_140 = arith.constant 0 : i32
      %dma_wait3A_141 = tpu.memref_slice %arg9[%add3A_7, %dma_wait3A_140] : memref<10008x128xf32, #tpu.memory_space<vmem_shared>> -> memref<128x128xf32, #tpu.memory_space<vmem_shared>>
      tpu.wait_dma2 semaphore(%run_scoped3A : memref<!tpu.dma_semaphore, #tpu.memory_space<semaphore_mem>>) src(%arg7 : memref<128x128xf32, #tpu.memory_space<vmem>>) dst(%dma_wait3A_141 : memref<128x128xf32, #tpu.memory_space<vmem_shared>>)
      tpu.yield
    }) : () -> ()
    %add3A_8 = arith.constant 128 : i32
    %add3A_9 = arith.addi %mul3A_0, %add3A_8 : i32
    "tpu.region"() ({
      %run_scoped3A = tpu.sem_alloc : memref<!tpu.dma_semaphore, #tpu.memory_space<semaphore_mem>>
      %dma_start3A_135 = arith.constant 0 : i32
      %dma_start3A_136 = tpu.memref_slice %arg9[%add3A_9, %dma_start3A_135] : memref<10008x128xf32, #tpu.memory_space<vmem_shared>> -> memref<128x128xf32, #tpu.memory_space<vmem_shared>>
      %dma_start3A_137 = arith.constant 0 : i32
      %dma_start3A_138 = tpu.memref_slice %arg9[%add3A_9, %dma_start3A_137] : memref<10008x128xf32, #tpu.memory_space<vmem_shared>> -> memref<128x128xf32, #tpu.memory_space<vmem_shared>>
      tpu.enqueue_dma source(%arg7 : memref<128x128xf32, #tpu.memory_space<vmem>>) target(%dma_start3A_138 : memref<128x128xf32, #tpu.memory_space<vmem_shared>>) target_semaphore(%run_scoped3A : memref<!tpu.dma_semaphore, #tpu.memory_space<semaphore_mem>>)
      %dma_wait3A = arith.constant 0 : i32
      %dma_wait3A_139 = tpu.memref_slice %arg9[%add3A_9, %dma_wait3A] : memref<10008x128xf32, #tpu.memory_space<vmem_shared>> -> memref<128x128xf32, #tpu.memory_space<vmem_shared>>
      %dma_wait3A_140 = arith.constant 0 : i32
      %dma_wait3A_141 = tpu.memref_slice %arg9[%add3A_9, %dma_wait3A_140] : memref<10008x128xf32, #tpu.memory_space<vmem_shared>> -> memref<128x128xf32, #tpu.memory_space<vmem_shared>>
      tpu.wait_dma2 semaphore(%run_scoped3A : memref<!tpu.dma_semaphore, #tpu.memory_space<semaphore_mem>>) src(%arg7 : memref<128x128xf32, #tpu.memory_space<vmem>>) dst(%dma_wait3A_141 : memref<128x128xf32, #tpu.memory_space<vmem_shared>>)
      tpu.yield
    }) : () -> ()
    %add3A_10 = arith.constant 256 : i32
    %add3A_11 = arith.addi %mul3A_0, %add3A_10 : i32
    "tpu.region"() ({
      %run_scoped3A = tpu.sem_alloc : memref<!tpu.dma_semaphore, #tpu.memory_space<semaphore_mem>>
      %dma_start3A_135 = arith.constant 0 : i32
      %dma_start3A_136 = tpu.memref_slice %arg9[%add3A_11, %dma_start3A_135] : memref<10008x128xf32, #tpu.memory_space<vmem_shared>> -> memref<128x128xf32, #tpu.memory_space<vmem_shared>>
      %dma_start3A_137 = arith.constant 0 : i32
      %dma_start3A_138 = tpu.memref_slice %arg9[%add3A_11, %dma_start3A_137] : memref<10008x128xf32, #tpu.memory_space<vmem_shared>> -> memref<128x128xf32, #tpu.memory_space<vmem_shared>>
      tpu.enqueue_dma source(%arg7 : memref<128x128xf32, #tpu.memory_space<vmem>>) target(%dma_start3A_138 : memref<128x128xf32, #tpu.memory_space<vmem_shared>>) target_semaphore(%run_scoped3A : memref<!tpu.dma_semaphore, #tpu.memory_space<semaphore_mem>>)
      %dma_wait3A = arith.constant 0 : i32
      %dma_wait3A_139 = tpu.memref_slice %arg9[%add3A_11, %dma_wait3A] : memref<10008x128xf32, #tpu.memory_space<vmem_shared>> -> memref<128x128xf32, #tpu.memory_space<vmem_shared>>
      %dma_wait3A_140 = arith.constant 0 : i32
      %dma_wait3A_141 = tpu.memref_slice %arg9[%add3A_11, %dma_wait3A_140] : memref<10008x128xf32, #tpu.memory_space<vmem_shared>> -> memref<128x128xf32, #tpu.memory_space<vmem_shared>>
      tpu.wait_dma2 semaphore(%run_scoped3A : memref<!tpu.dma_semaphore, #tpu.memory_space<semaphore_mem>>) src(%arg7 : memref<128x128xf32, #tpu.memory_space<vmem>>) dst(%dma_wait3A_141 : memref<128x128xf32, #tpu.memory_space<vmem_shared>>)
      tpu.yield
    }) : () -> ()
    %add3A_12 = arith.constant 384 : i32
    %add3A_13 = arith.addi %mul3A_0, %add3A_12 : i32
    "tpu.region"() ({
      %run_scoped3A = tpu.sem_alloc : memref<!tpu.dma_semaphore, #tpu.memory_space<semaphore_mem>>
      %dma_start3A_135 = arith.constant 0 : i32
      %dma_start3A_136 = tpu.memref_slice %arg9[%add3A_13, %dma_start3A_135] : memref<10008x128xf32, #tpu.memory_space<vmem_shared>> -> memref<128x128xf32, #tpu.memory_space<vmem_shared>>
      %dma_start3A_137 = arith.constant 0 : i32
      %dma_start3A_138 = tpu.memref_slice %arg9[%add3A_13, %dma_start3A_137] : memref<10008x128xf32, #tpu.memory_space<vmem_shared>> -> memref<128x128xf32, #tpu.memory_space<vmem_shared>>
      tpu.enqueue_dma source(%arg7 : memref<128x128xf32, #tpu.memory_space<vmem>>) target(%dma_start3A_138 : memref<128x128xf32, #tpu.memory_space<vmem_shared>>) target_semaphore(%run_scoped3A : memref<!tpu.dma_semaphore, #tpu.memory_space<semaphore_mem>>)
      %dma_wait3A = arith.constant 0 : i32
      %dma_wait3A_139 = tpu.memref_slice %arg9[%add3A_13, %dma_wait3A] : memref<10008x128xf32, #tpu.memory_space<vmem_shared>> -> memref<128x128xf32, #tpu.memory_space<vmem_shared>>
      %dma_wait3A_140 = arith.constant 0 : i32
      %dma_wait3A_141 = tpu.memref_slice %arg9[%add3A_13, %dma_wait3A_140] : memref<10008x128xf32, #tpu.memory_space<vmem_shared>> -> memref<128x128xf32, #tpu.memory_space<vmem_shared>>
      tpu.wait_dma2 semaphore(%run_scoped3A : memref<!tpu.dma_semaphore, #tpu.memory_space<semaphore_mem>>) src(%arg7 : memref<128x128xf32, #tpu.memory_space<vmem>>) dst(%dma_wait3A_141 : memref<128x128xf32, #tpu.memory_space<vmem_shared>>)
      tpu.yield
    }) : () -> ()
    %add3A_14 = arith.constant 624 : i32
    %add3A_15 = arith.addi %mul3A_0, %add3A_14 : i32
    %sub3A = arith.constant 112 : i32
    %sub3A_16 = arith.subi %add3A_15, %sub3A : i32
    "tpu.region"() ({
      %run_scoped3A = tpu.sem_alloc : memref<!tpu.dma_semaphore, #tpu.memory_space<semaphore_mem>>
      %dma_start3A_135 = arith.constant 0 : i32
      %dma_start3A_136 = arith.constant 0 : i32
      %dma_start3A_137 = tpu.memref_slice %arg7[%dma_start3A_135, %dma_start3A_136] : memref<128x128xf32, #tpu.memory_space<vmem>> -> memref<112x128xf32, #tpu.memory_space<vmem>>
      %dma_start3A_138 = arith.constant 0 : i32
      %dma_start3A_139 = tpu.memref_slice %arg9[%sub3A_16, %dma_start3A_138] : memref<10008x128xf32, #tpu.memory_space<vmem_shared>> -> memref<112x128xf32, #tpu.memory_space<vmem_shared>>
      %dma_start3A_140 = arith.constant 0 : i32
      %dma_start3A_141 = tpu.memref_slice %arg9[%sub3A_16, %dma_start3A_140] : memref<10008x128xf32, #tpu.memory_space<vmem_shared>> -> memref<112x128xf32, #tpu.memory_space<vmem_shared>>
      %dma_start3A_142 = arith.constant 0 : i32
      %dma_start3A_143 = arith.constant 0 : i32
      %dma_start3A_144 = tpu.memref_slice %arg7[%dma_start3A_142, %dma_start3A_143] : memref<128x128xf32, #tpu.memory_space<vmem>> -> memref<112x128xf32, #tpu.memory_space<vmem>>
      tpu.enqueue_dma source(%dma_start3A_144 : memref<112x128xf32, #tpu.memory_space<vmem>>) target(%dma_start3A_141 : memref<112x128xf32, #tpu.memory_space<vmem_shared>>) target_semaphore(%run_scoped3A : memref<!tpu.dma_semaphore, #tpu.memory_space<semaphore_mem>>)
      %dma_wait3A = arith.constant 0 : i32
      %dma_wait3A_145 = arith.constant 0 : i32
      %dma_wait3A_146 = tpu.memref_slice %arg7[%dma_wait3A, %dma_wait3A_145] : memref<128x128xf32, #tpu.memory_space<vmem>> -> memref<112x128xf32, #tpu.memory_space<vmem>>
      %dma_wait3A_147 = arith.constant 0 : i32
      %dma_wait3A_148 = tpu.memref_slice %arg9[%sub3A_16, %dma_wait3A_147] : memref<10008x128xf32, #tpu.memory_space<vmem_shared>> -> memref<112x128xf32, #tpu.memory_space<vmem_shared>>
      %dma_wait3A_149 = arith.constant 0 : i32
      %dma_wait3A_150 = tpu.memref_slice %arg9[%sub3A_16, %dma_wait3A_149] : memref<10008x128xf32, #tpu.memory_space<vmem_shared>> -> memref<112x128xf32, #tpu.memory_space<vmem_shared>>
      %dma_wait3A_151 = arith.constant 0 : i32
      %dma_wait3A_152 = arith.constant 0 : i32
      %dma_wait3A_153 = tpu.memref_slice %arg7[%dma_wait3A_151, %dma_wait3A_152] : memref<128x128xf32, #tpu.memory_space<vmem>> -> memref<112x128xf32, #tpu.memory_space<vmem>>
      tpu.wait_dma2 semaphore(%run_scoped3A : memref<!tpu.dma_semaphore, #tpu.memory_space<semaphore_mem>>) src(%dma_wait3A_153 : memref<112x128xf32, #tpu.memory_space<vmem>>) dst(%dma_wait3A_150 : memref<112x128xf32, #tpu.memory_space<vmem_shared>>)
      tpu.yield
    }) : () -> ()
    %eq3A = arith.constant 15 : i32
    %eq3A_17 = arith.cmpi eq, %arg1, %eq3A : i32
    %convert_element_type3A = arith.extui %eq3A_17 : i1 to i32
    %cond3A = arith.constant 0 : i32
    %cond3A_18 = arith.cmpi ne, %convert_element_type3A, %cond3A : i32
    scf.if %cond3A_18 {
      "tpu.region"() ({
        %run_scoped3A = tpu.sem_alloc : memref<!tpu.dma_semaphore, #tpu.memory_space<semaphore_mem>>
        %dma_start3A_135 = arith.constant 0 : i32
        %dma_start3A_136 = arith.constant 0 : i32
        %dma_start3A_137 = tpu.memref_slice %arg7[%dma_start3A_135, %dma_start3A_136] : memref<128x128xf32, #tpu.memory_space<vmem>> -> memref<24x128xf32, #tpu.memory_space<vmem>>
        %dma_start3A_138 = arith.constant 9984 : i32
        %dma_start3A_139 = arith.constant 0 : i32
        %dma_start3A_140 = tpu.memref_slice %arg9[%dma_start3A_138, %dma_start3A_139] : memref<10008x128xf32, #tpu.memory_space<vmem_shared>> -> memref<24x128xf32, #tpu.memory_space<vmem_shared>>
        %dma_start3A_141 = arith.constant 9984 : i32
        %dma_start3A_142 = arith.constant 0 : i32
        %dma_start3A_143 = tpu.memref_slice %arg9[%dma_start3A_141, %dma_start3A_142] : memref<10008x128xf32, #tpu.memory_space<vmem_shared>> -> memref<24x128xf32, #tpu.memory_space<vmem_shared>>
        %dma_start3A_144 = arith.constant 0 : i32
        %dma_start3A_145 = arith.constant 0 : i32
        %dma_start3A_146 = tpu.memref_slice %arg7[%dma_start3A_144, %dma_start3A_145] : memref<128x128xf32, #tpu.memory_space<vmem>> -> memref<24x128xf32, #tpu.memory_space<vmem>>
        tpu.enqueue_dma source(%dma_start3A_146 : memref<24x128xf32, #tpu.memory_space<vmem>>) target(%dma_start3A_143 : memref<24x128xf32, #tpu.memory_space<vmem_shared>>) target_semaphore(%run_scoped3A : memref<!tpu.dma_semaphore, #tpu.memory_space<semaphore_mem>>)
        %dma_wait3A = arith.constant 0 : i32
        %dma_wait3A_147 = arith.constant 0 : i32
        %dma_wait3A_148 = tpu.memref_slice %arg7[%dma_wait3A, %dma_wait3A_147] : memref<128x128xf32, #tpu.memory_space<vmem>> -> memref<24x128xf32, #tpu.memory_space<vmem>>
        %dma_wait3A_149 = arith.constant 9984 : i32
        %dma_wait3A_150 = arith.constant 0 : i32
        %dma_wait3A_151 = tpu.memref_slice %arg9[%dma_wait3A_149, %dma_wait3A_150] : memref<10008x128xf32, #tpu.memory_space<vmem_shared>> -> memref<24x128xf32, #tpu.memory_space<vmem_shared>>
        %dma_wait3A_152 = arith.constant 9984 : i32
        %dma_wait3A_153 = arith.constant 0 : i32
        %dma_wait3A_154 = tpu.memref_slice %arg9[%dma_wait3A_152, %dma_wait3A_153] : memref<10008x128xf32, #tpu.memory_space<vmem_shared>> -> memref<24x128xf32, #tpu.memory_space<vmem_shared>>
        %dma_wait3A_155 = arith.constant 0 : i32
        %dma_wait3A_156 = arith.constant 0 : i32
        %dma_wait3A_157 = tpu.memref_slice %arg7[%dma_wait3A_155, %dma_wait3A_156] : memref<128x128xf32, #tpu.memory_space<vmem>> -> memref<24x128xf32, #tpu.memory_space<vmem>>
        tpu.wait_dma2 semaphore(%run_scoped3A : memref<!tpu.dma_semaphore, #tpu.memory_space<semaphore_mem>>) src(%dma_wait3A_157 : memref<24x128xf32, #tpu.memory_space<vmem>>) dst(%dma_wait3A_154 : memref<24x128xf32, #tpu.memory_space<vmem_shared>>)
        tpu.yield
      }) : () -> ()
    } else {
    }
    %barrier3A = arith.constant 0 : index
    tpu.barrier barrier_id(%barrier3A)
    %mul3A_19 = arith.constant 4 : i32
    %mul3A_20 = arith.muli %arg1, %mul3A_19 : i32
    %add3A_21 = arith.constant 0 : i32
    %add3A_22 = arith.addi %mul3A_20, %add3A_21 : i32
    "tpu.region"() ({
      %run_scoped3A = tpu.sem_alloc : memref<!tpu.dma_semaphore, #tpu.memory_space<semaphore_mem>>
      %dma_start3A_135 = arith.constant 0 : i32
      %dma_start3A_136 = arith.constant 0 : i32
      %dma_start3A_137 = tpu.memref_slice %arg3[%add3A_22, %dma_start3A_135, %dma_start3A_136] : memref<128x20x128xi32, #tpu.memory_space<hbm>> -> memref<1x20x128xi32, #tpu.memory_space<hbm>>
      %dma_start3A_138 = tpu.memref_squeeze %dma_start3A_137 : memref<1x20x128xi32, #tpu.memory_space<hbm>> -> memref<20x128xi32, #tpu.memory_space<hbm>>
      %dma_start3A_139 = arith.constant 0 : i32
      %dma_start3A_140 = arith.constant 0 : i32
      %dma_start3A_141 = tpu.memref_slice %arg3[%add3A_22, %dma_start3A_139, %dma_start3A_140] : memref<128x20x128xi32, #tpu.memory_space<hbm>> -> memref<1x20x128xi32, #tpu.memory_space<hbm>>
      %dma_start3A_142 = tpu.memref_squeeze %dma_start3A_141 : memref<1x20x128xi32, #tpu.memory_space<hbm>> -> memref<20x128xi32, #tpu.memory_space<hbm>>
      tpu.enqueue_dma source(%dma_start3A_142 : memref<20x128xi32, #tpu.memory_space<hbm>>) target(%arg5 : memref<20x128xi32, #tpu.memory_space<vmem>>) target_semaphore(%run_scoped3A : memref<!tpu.dma_semaphore, #tpu.memory_space<semaphore_mem>>)
      %dma_wait3A = arith.constant 0 : i32
      %dma_wait3A_143 = arith.constant 0 : i32
      %dma_wait3A_144 = tpu.memref_slice %arg3[%add3A_22, %dma_wait3A, %dma_wait3A_143] : memref<128x20x128xi32, #tpu.memory_space<hbm>> -> memref<1x20x128xi32, #tpu.memory_space<hbm>>
      %dma_wait3A_145 = tpu.memref_squeeze %dma_wait3A_144 : memref<1x20x128xi32, #tpu.memory_space<hbm>> -> memref<20x128xi32, #tpu.memory_space<hbm>>
      %dma_wait3A_146 = arith.constant 0 : i32
      %dma_wait3A_147 = arith.constant 0 : i32
      %dma_wait3A_148 = tpu.memref_slice %arg3[%add3A_22, %dma_wait3A_146, %dma_wait3A_147] : memref<128x20x128xi32, #tpu.memory_space<hbm>> -> memref<1x20x128xi32, #tpu.memory_space<hbm>>
      %dma_wait3A_149 = tpu.memref_squeeze %dma_wait3A_148 : memref<1x20x128xi32, #tpu.memory_space<hbm>> -> memref<20x128xi32, #tpu.memory_space<hbm>>
      tpu.wait_dma2 semaphore(%run_scoped3A : memref<!tpu.dma_semaphore, #tpu.memory_space<semaphore_mem>>) src(%dma_wait3A_149 : memref<20x128xi32, #tpu.memory_space<hbm>>) dst(%arg5 : memref<20x128xi32, #tpu.memory_space<vmem>>)
      tpu.yield
    }) : () -> ()
    %add3A_23 = arith.constant 16 : i32
    %add3A_24 = arith.addi %add3A_23, %arg1 : i32
    %mul3A_25 = arith.constant 4 : i32
    %mul3A_26 = arith.muli %add3A_24, %mul3A_25 : i32
    %add3A_27 = arith.constant 0 : i32
    %add3A_28 = arith.addi %mul3A_26, %add3A_27 : i32
    "tpu.region"() ({
      %run_scoped3A = tpu.sem_alloc : memref<!tpu.dma_semaphore, #tpu.memory_space<semaphore_mem>>
      %dma_start3A_135 = arith.constant 0 : i32
      %dma_start3A_136 = arith.constant 0 : i32
      %dma_start3A_137 = tpu.memref_slice %arg3[%add3A_28, %dma_start3A_135, %dma_start3A_136] : memref<128x20x128xi32, #tpu.memory_space<hbm>> -> memref<1x20x128xi32, #tpu.memory_space<hbm>>
      %dma_start3A_138 = tpu.memref_squeeze %dma_start3A_137 : memref<1x20x128xi32, #tpu.memory_space<hbm>> -> memref<20x128xi32, #tpu.memory_space<hbm>>
      %dma_start3A_139 = arith.constant 0 : i32
      %dma_start3A_140 = arith.constant 0 : i32
      %dma_start3A_141 = tpu.memref_slice %arg3[%add3A_28, %dma_start3A_139, %dma_start3A_140] : memref<128x20x128xi32, #tpu.memory_space<hbm>> -> memref<1x20x128xi32, #tpu.memory_space<hbm>>
      %dma_start3A_142 = tpu.memref_squeeze %dma_start3A_141 : memref<1x20x128xi32, #tpu.memory_space<hbm>> -> memref<20x128xi32, #tpu.memory_space<hbm>>
      tpu.enqueue_dma source(%dma_start3A_142 : memref<20x128xi32, #tpu.memory_space<hbm>>) target(%arg6 : memref<20x128xi32, #tpu.memory_space<vmem>>) target_semaphore(%run_scoped3A : memref<!tpu.dma_semaphore, #tpu.memory_space<semaphore_mem>>)
      %dma_wait3A = arith.constant 0 : i32
      %dma_wait3A_143 = arith.constant 0 : i32
      %dma_wait3A_144 = tpu.memref_slice %arg3[%add3A_28, %dma_wait3A, %dma_wait3A_143] : memref<128x20x128xi32, #tpu.memory_space<hbm>> -> memref<1x20x128xi32, #tpu.memory_space<hbm>>
      %dma_wait3A_145 = tpu.memref_squeeze %dma_wait3A_144 : memref<1x20x128xi32, #tpu.memory_space<hbm>> -> memref<20x128xi32, #tpu.memory_space<hbm>>
      %dma_wait3A_146 = arith.constant 0 : i32
      %dma_wait3A_147 = arith.constant 0 : i32
      %dma_wait3A_148 = tpu.memref_slice %arg3[%add3A_28, %dma_wait3A_146, %dma_wait3A_147] : memref<128x20x128xi32, #tpu.memory_space<hbm>> -> memref<1x20x128xi32, #tpu.memory_space<hbm>>
      %dma_wait3A_149 = tpu.memref_squeeze %dma_wait3A_148 : memref<1x20x128xi32, #tpu.memory_space<hbm>> -> memref<20x128xi32, #tpu.memory_space<hbm>>
      tpu.wait_dma2 semaphore(%run_scoped3A : memref<!tpu.dma_semaphore, #tpu.memory_space<semaphore_mem>>) src(%dma_wait3A_149 : memref<20x128xi32, #tpu.memory_space<hbm>>) dst(%arg6 : memref<20x128xi32, #tpu.memory_space<vmem>>)
      tpu.yield
    }) : () -> ()
    %dma_start3A = arith.constant 0 : i32
    %dma_start3A_29 = arith.constant 0 : i32
    %dma_start3A_30 = tpu.memref_slice %arg5[%dma_start3A, %dma_start3A_29] : memref<20x128xi32, #tpu.memory_space<vmem>> -> memref<1x128xi32, #tpu.memory_space<vmem>>
    %dma_start3A_31 = tpu.memref_squeeze %dma_start3A_30 : memref<1x128xi32, #tpu.memory_space<vmem>> -> memref<128xi32, #tpu.memory_space<vmem>>
    %dma_start3A_32 = arith.constant 0 : i32
    %dma_start3A_33 = arith.constant 0 : i32
    %dma_start3A_34 = tpu.memref_slice %arg2[%arg0, %dma_start3A_32, %dma_start3A_33] : memref<2x10000x128xf32, #tpu.memory_space<hbm>> -> memref<1x10000x128xf32, #tpu.memory_space<hbm>>
    %dma_start3A_35 = tpu.memref_squeeze %dma_start3A_34 : memref<1x10000x128xf32, #tpu.memory_space<hbm>> -> memref<10000x128xf32, #tpu.memory_space<hbm>>
    %dma_start3A_36 = arith.constant 0 : i32
    %dma_start3A_37 = arith.constant 0 : i32
    %dma_start3A_38 = tpu.memref_slice %dma_start3A_35[%dma_start3A_36, %dma_start3A_37] : memref<10000x128xf32, #tpu.memory_space<hbm>> -> memref<10000x128xf32, #tpu.memory_space<hbm>>
    tpu.enqueue_indirect_dma source(%dma_start3A_38 : memref<10000x128xf32, #tpu.memory_space<hbm>>) target(%arg7 : memref<128x128xf32, #tpu.memory_space<vmem>>) offsets(%dma_start3A_31 : memref<128xi32, #tpu.memory_space<vmem>>) semaphore(%arg10 : memref<!tpu.dma_semaphore, #tpu.memory_space<semaphore_mem>>)
    %scan3A_39 = arith.constant 0 : i32
    %scan3A_40 = arith.constant 0 : i32
    %scan3A_41 = arith.constant 10 : i32
    %scan3A_42 = arith.addi %scan3A_40, %scan3A_41 : i32
    %scan3A_43 = arith.constant 1 : i32
    scf.for %scan3A_135 = %scan3A_40 to %scan3A_42 step %scan3A_43  : i32 {
      %mul3A_136 = arith.constant 2 : i32
      %mul3A_137 = arith.muli %mul3A_136, %scan3A_135 : i32
      %add3A_138 = arith.constant 0 : i32
      %add3A_139 = arith.addi %add3A_138, %mul3A_137 : i32
      %dma_wait3A = arith.constant 0 : i32
      %dma_wait3A_140 = arith.constant 0 : i32
      %dma_wait3A_141 = tpu.memref_slice %arg5[%dma_wait3A, %dma_wait3A_140] : memref<20x128xi32, #tpu.memory_space<vmem>> -> memref<1x128xi32, #tpu.memory_space<vmem>>
      %dma_wait3A_142 = tpu.memref_squeeze %dma_wait3A_141 : memref<1x128xi32, #tpu.memory_space<vmem>> -> memref<128xi32, #tpu.memory_space<vmem>>
      %dma_wait3A_143 = arith.constant 0 : i32
      %dma_wait3A_144 = arith.constant 0 : i32
      %dma_wait3A_145 = tpu.memref_slice %arg2[%arg0, %dma_wait3A_143, %dma_wait3A_144] : memref<2x10000x128xf32, #tpu.memory_space<hbm>> -> memref<1x10000x128xf32, #tpu.memory_space<hbm>>
      %dma_wait3A_146 = tpu.memref_squeeze %dma_wait3A_145 : memref<1x10000x128xf32, #tpu.memory_space<hbm>> -> memref<10000x128xf32, #tpu.memory_space<hbm>>
      %dma_wait3A_147 = arith.constant 0 : i32
      %dma_wait3A_148 = arith.constant 0 : i32
      %dma_wait3A_149 = tpu.memref_slice %dma_wait3A_146[%dma_wait3A_147, %dma_wait3A_148] : memref<10000x128xf32, #tpu.memory_space<hbm>> -> memref<10000x128xf32, #tpu.memory_space<hbm>>
      tpu.wait_indirect_dma semaphore(%arg10 : memref<!tpu.dma_semaphore, #tpu.memory_space<semaphore_mem>>) src(%dma_wait3A_149 : memref<10000x128xf32, #tpu.memory_space<hbm>>) dst(%arg7 : memref<128x128xf32, #tpu.memory_space<vmem>>)
      %add3A_150 = arith.constant 1 : i32
      %add3A_151 = arith.addi %mul3A_137, %add3A_150 : i32
      %dma_start3A_152 = arith.constant 0 : i32
      %dma_start3A_153 = tpu.memref_slice %arg5[%add3A_151, %dma_start3A_152] : memref<20x128xi32, #tpu.memory_space<vmem>> -> memref<1x128xi32, #tpu.memory_space<vmem>>
      %dma_start3A_154 = tpu.memref_squeeze %dma_start3A_153 : memref<1x128xi32, #tpu.memory_space<vmem>> -> memref<128xi32, #tpu.memory_space<vmem>>
      %dma_start3A_155 = arith.constant 0 : i32
      %dma_start3A_156 = arith.constant 0 : i32
      %dma_start3A_157 = tpu.memref_slice %arg2[%arg0, %dma_start3A_155, %dma_start3A_156] : memref<2x10000x128xf32, #tpu.memory_space<hbm>> -> memref<1x10000x128xf32, #tpu.memory_space<hbm>>
      %dma_start3A_158 = tpu.memref_squeeze %dma_start3A_157 : memref<1x10000x128xf32, #tpu.memory_space<hbm>> -> memref<10000x128xf32, #tpu.memory_space<hbm>>
      %dma_start3A_159 = arith.constant 0 : i32
      %dma_start3A_160 = arith.constant 0 : i32
      %dma_start3A_161 = tpu.memref_slice %dma_start3A_158[%dma_start3A_159, %dma_start3A_160] : memref<10000x128xf32, #tpu.memory_space<hbm>> -> memref<10000x128xf32, #tpu.memory_space<hbm>>
      tpu.enqueue_indirect_dma source(%dma_start3A_161 : memref<10000x128xf32, #tpu.memory_space<hbm>>) target(%arg8 : memref<128x128xf32, #tpu.memory_space<vmem>>) offsets(%dma_start3A_154 : memref<128xi32, #tpu.memory_space<vmem>>) semaphore(%arg11 : memref<!tpu.dma_semaphore, #tpu.memory_space<semaphore_mem>>)
      "tpu.region"() ({
        %run_scoped3A = tpu.sem_alloc : memref<!tpu.dma_semaphore, #tpu.memory_space<semaphore_mem>>
        %dma_start3A_180 = arith.constant 0 : i32
        %dma_start3A_181 = tpu.memref_slice %arg6[%mul3A_137, %dma_start3A_180] : memref<20x128xi32, #tpu.memory_space<vmem>> -> memref<1x128xi32, #tpu.memory_space<vmem>>
        %dma_start3A_182 = tpu.memref_squeeze %dma_start3A_181 : memref<1x128xi32, #tpu.memory_space<vmem>> -> memref<128xi32, #tpu.memory_space<vmem>>
        %dma_start3A_183 = arith.constant 0 : i32
        %dma_start3A_184 = arith.constant 0 : i32
        %dma_start3A_185 = tpu.memref_slice %arg9[%dma_start3A_183, %dma_start3A_184] : memref<10008x128xf32, #tpu.memory_space<vmem_shared>> -> memref<10008x128xf32, #tpu.memory_space<vmem_shared>>
        tpu.enqueue_indirect_dma source(%arg7 : memref<128x128xf32, #tpu.memory_space<vmem>>) target(%dma_start3A_185 : memref<10008x128xf32, #tpu.memory_space<vmem_shared>>) offsets(%dma_start3A_182 : memref<128xi32, #tpu.memory_space<vmem>>) semaphore(%run_scoped3A : memref<!tpu.dma_semaphore, #tpu.memory_space<semaphore_mem>>) {add = true}
        %dma_wait3A_186 = arith.constant 0 : i32
        %dma_wait3A_187 = tpu.memref_slice %arg6[%mul3A_137, %dma_wait3A_186] : memref<20x128xi32, #tpu.memory_space<vmem>> -> memref<1x128xi32, #tpu.memory_space<vmem>>
        %dma_wait3A_188 = tpu.memref_squeeze %dma_wait3A_187 : memref<1x128xi32, #tpu.memory_space<vmem>> -> memref<128xi32, #tpu.memory_space<vmem>>
        %dma_wait3A_189 = arith.constant 0 : i32
        %dma_wait3A_190 = arith.constant 0 : i32
        %dma_wait3A_191 = tpu.memref_slice %arg9[%dma_wait3A_189, %dma_wait3A_190] : memref<10008x128xf32, #tpu.memory_space<vmem_shared>> -> memref<10008x128xf32, #tpu.memory_space<vmem_shared>>
        tpu.wait_indirect_dma semaphore(%run_scoped3A : memref<!tpu.dma_semaphore, #tpu.memory_space<semaphore_mem>>) src(%arg7 : memref<128x128xf32, #tpu.memory_space<vmem>>) dst(%dma_wait3A_191 : memref<10008x128xf32, #tpu.memory_space<vmem_shared>>)
        tpu.yield
      }) : () -> ()
      %add3A_162 = arith.constant 2 : i32
      %add3A_163 = arith.addi %mul3A_137, %add3A_162 : i32
      %lt3A = arith.constant 20 : i32
      %lt3A_164 = arith.cmpi slt, %add3A_163, %lt3A : i32
      %convert_element_type3A_165 = arith.extui %lt3A_164 : i1 to i32
      %cond3A_166 = arith.constant 0 : i32
      %cond3A_167 = arith.cmpi ne, %convert_element_type3A_165, %cond3A_166 : i32
      scf.if %cond3A_167 {
        %add3A_180 = arith.constant 2 : i32
        %add3A_181 = arith.addi %mul3A_137, %add3A_180 : i32
        %dma_start3A_182 = arith.constant 0 : i32
        %dma_start3A_183 = tpu.memref_slice %arg5[%add3A_181, %dma_start3A_182] : memref<20x128xi32, #tpu.memory_space<vmem>> -> memref<1x128xi32, #tpu.memory_space<vmem>>
        %dma_start3A_184 = tpu.memref_squeeze %dma_start3A_183 : memref<1x128xi32, #tpu.memory_space<vmem>> -> memref<128xi32, #tpu.memory_space<vmem>>
        %dma_start3A_185 = arith.constant 0 : i32
        %dma_start3A_186 = arith.constant 0 : i32
        %dma_start3A_187 = tpu.memref_slice %arg2[%arg0, %dma_start3A_185, %dma_start3A_186] : memref<2x10000x128xf32, #tpu.memory_space<hbm>> -> memref<1x10000x128xf32, #tpu.memory_space<hbm>>
        %dma_start3A_188 = tpu.memref_squeeze %dma_start3A_187 : memref<1x10000x128xf32, #tpu.memory_space<hbm>> -> memref<10000x128xf32, #tpu.memory_space<hbm>>
        %dma_start3A_189 = arith.constant 0 : i32
        %dma_start3A_190 = arith.constant 0 : i32
        %dma_start3A_191 = tpu.memref_slice %dma_start3A_188[%dma_start3A_189, %dma_start3A_190] : memref<10000x128xf32, #tpu.memory_space<hbm>> -> memref<10000x128xf32, #tpu.memory_space<hbm>>
        tpu.enqueue_indirect_dma source(%dma_start3A_191 : memref<10000x128xf32, #tpu.memory_space<hbm>>) target(%arg7 : memref<128x128xf32, #tpu.memory_space<vmem>>) offsets(%dma_start3A_184 : memref<128xi32, #tpu.memory_space<vmem>>) semaphore(%arg10 : memref<!tpu.dma_semaphore, #tpu.memory_space<semaphore_mem>>)
      } else {
      }
      %dma_wait3A_168 = arith.constant 0 : i32
      %dma_wait3A_169 = tpu.memref_slice %arg5[%add3A_151, %dma_wait3A_168] : memref<20x128xi32, #tpu.memory_space<vmem>> -> memref<1x128xi32, #tpu.memory_space<vmem>>
      %dma_wait3A_170 = tpu.memref_squeeze %dma_wait3A_169 : memref<1x128xi32, #tpu.memory_space<vmem>> -> memref<128xi32, #tpu.memory_space<vmem>>
      %dma_wait3A_171 = arith.constant 0 : i32
      %dma_wait3A_172 = arith.constant 0 : i32
      %dma_wait3A_173 = tpu.memref_slice %arg2[%arg0, %dma_wait3A_171, %dma_wait3A_172] : memref<2x10000x128xf32, #tpu.memory_space<hbm>> -> memref<1x10000x128xf32, #tpu.memory_space<hbm>>
      %dma_wait3A_174 = tpu.memref_squeeze %dma_wait3A_173 : memref<1x10000x128xf32, #tpu.memory_space<hbm>> -> memref<10000x128xf32, #tpu.memory_space<hbm>>
      %dma_wait3A_175 = arith.constant 0 : i32
      %dma_wait3A_176 = arith.constant 0 : i32
      %dma_wait3A_177 = tpu.memref_slice %dma_wait3A_174[%dma_wait3A_175, %dma_wait3A_176] : memref<10000x128xf32, #tpu.memory_space<hbm>> -> memref<10000x128xf32, #tpu.memory_space<hbm>>
      tpu.wait_indirect_dma semaphore(%arg11 : memref<!tpu.dma_semaphore, #tpu.memory_space<semaphore_mem>>) src(%dma_wait3A_177 : memref<10000x128xf32, #tpu.memory_space<hbm>>) dst(%arg8 : memref<128x128xf32, #tpu.memory_space<vmem>>)
      %add3A_178 = arith.constant 1 : i32
      %add3A_179 = arith.addi %mul3A_137, %add3A_178 : i32
      "tpu.region"() ({
        %run_scoped3A = tpu.sem_alloc : memref<!tpu.dma_semaphore, #tpu.memory_space<semaphore_mem>>
        %dma_start3A_180 = arith.constant 0 : i32
        %dma_start3A_181 = tpu.memref_slice %arg6[%add3A_179, %dma_start3A_180] : memref<20x128xi32, #tpu.memory_space<vmem>> -> memref<1x128xi32, #tpu.memory_space<vmem>>
        %dma_start3A_182 = tpu.memref_squeeze %dma_start3A_181 : memref<1x128xi32, #tpu.memory_space<vmem>> -> memref<128xi32, #tpu.memory_space<vmem>>
        %dma_start3A_183 = arith.constant 0 : i32
        %dma_start3A_184 = arith.constant 0 : i32
        %dma_start3A_185 = tpu.memref_slice %arg9[%dma_start3A_183, %dma_start3A_184] : memref<10008x128xf32, #tpu.memory_space<vmem_shared>> -> memref<10008x128xf32, #tpu.memory_space<vmem_shared>>
        tpu.enqueue_indirect_dma source(%arg8 : memref<128x128xf32, #tpu.memory_space<vmem>>) target(%dma_start3A_185 : memref<10008x128xf32, #tpu.memory_space<vmem_shared>>) offsets(%dma_start3A_182 : memref<128xi32, #tpu.memory_space<vmem>>) semaphore(%run_scoped3A : memref<!tpu.dma_semaphore, #tpu.memory_space<semaphore_mem>>) {add = true}
        %dma_wait3A_186 = arith.constant 0 : i32
        %dma_wait3A_187 = tpu.memref_slice %arg6[%add3A_179, %dma_wait3A_186] : memref<20x128xi32, #tpu.memory_space<vmem>> -> memref<1x128xi32, #tpu.memory_space<vmem>>
        %dma_wait3A_188 = tpu.memref_squeeze %dma_wait3A_187 : memref<1x128xi32, #tpu.memory_space<vmem>> -> memref<128xi32, #tpu.memory_space<vmem>>
        %dma_wait3A_189 = arith.constant 0 : i32
        %dma_wait3A_190 = arith.constant 0 : i32
        %dma_wait3A_191 = tpu.memref_slice %arg9[%dma_wait3A_189, %dma_wait3A_190] : memref<10008x128xf32, #tpu.memory_space<vmem_shared>> -> memref<10008x128xf32, #tpu.memory_space<vmem_shared>>
        tpu.wait_indirect_dma semaphore(%run_scoped3A : memref<!tpu.dma_semaphore, #tpu.memory_space<semaphore_mem>>) src(%arg8 : memref<128x128xf32, #tpu.memory_space<vmem>>) dst(%dma_wait3A_191 : memref<10008x128xf32, #tpu.memory_space<vmem_shared>>)
        tpu.yield
      }) : () -> ()
    }
    %scan3A_44 = arith.constant 10 : i32
    %mul3A_45 = arith.constant 4 : i32
    %mul3A_46 = arith.muli %arg1, %mul3A_45 : i32
    %add3A_47 = arith.constant 1 : i32
    %add3A_48 = arith.addi %mul3A_46, %add3A_47 : i32
    "tpu.region"() ({
      %run_scoped3A = tpu.sem_alloc : memref<!tpu.dma_semaphore, #tpu.memory_space<semaphore_mem>>
      %dma_start3A_135 = arith.constant 0 : i32
      %dma_start3A_136 = arith.constant 0 : i32
      %dma_start3A_137 = tpu.memref_slice %arg3[%add3A_48, %dma_start3A_135, %dma_start3A_136] : memref<128x20x128xi32, #tpu.memory_space<hbm>> -> memref<1x20x128xi32, #tpu.memory_space<hbm>>
      %dma_start3A_138 = tpu.memref_squeeze %dma_start3A_137 : memref<1x20x128xi32, #tpu.memory_space<hbm>> -> memref<20x128xi32, #tpu.memory_space<hbm>>
      %dma_start3A_139 = arith.constant 0 : i32
      %dma_start3A_140 = arith.constant 0 : i32
      %dma_start3A_141 = tpu.memref_slice %arg3[%add3A_48, %dma_start3A_139, %dma_start3A_140] : memref<128x20x128xi32, #tpu.memory_space<hbm>> -> memref<1x20x128xi32, #tpu.memory_space<hbm>>
      %dma_start3A_142 = tpu.memref_squeeze %dma_start3A_141 : memref<1x20x128xi32, #tpu.memory_space<hbm>> -> memref<20x128xi32, #tpu.memory_space<hbm>>
      tpu.enqueue_dma source(%dma_start3A_142 : memref<20x128xi32, #tpu.memory_space<hbm>>) target(%arg5 : memref<20x128xi32, #tpu.memory_space<vmem>>) target_semaphore(%run_scoped3A : memref<!tpu.dma_semaphore, #tpu.memory_space<semaphore_mem>>)
      %dma_wait3A = arith.constant 0 : i32
      %dma_wait3A_143 = arith.constant 0 : i32
      %dma_wait3A_144 = tpu.memref_slice %arg3[%add3A_48, %dma_wait3A, %dma_wait3A_143] : memref<128x20x128xi32, #tpu.memory_space<hbm>> -> memref<1x20x128xi32, #tpu.memory_space<hbm>>
      %dma_wait3A_145 = tpu.memref_squeeze %dma_wait3A_144 : memref<1x20x128xi32, #tpu.memory_space<hbm>> -> memref<20x128xi32, #tpu.memory_space<hbm>>
      %dma_wait3A_146 = arith.constant 0 : i32
      %dma_wait3A_147 = arith.constant 0 : i32
      %dma_wait3A_148 = tpu.memref_slice %arg3[%add3A_48, %dma_wait3A_146, %dma_wait3A_147] : memref<128x20x128xi32, #tpu.memory_space<hbm>> -> memref<1x20x128xi32, #tpu.memory_space<hbm>>
      %dma_wait3A_149 = tpu.memref_squeeze %dma_wait3A_148 : memref<1x20x128xi32, #tpu.memory_space<hbm>> -> memref<20x128xi32, #tpu.memory_space<hbm>>
      tpu.wait_dma2 semaphore(%run_scoped3A : memref<!tpu.dma_semaphore, #tpu.memory_space<semaphore_mem>>) src(%dma_wait3A_149 : memref<20x128xi32, #tpu.memory_space<hbm>>) dst(%arg5 : memref<20x128xi32, #tpu.memory_space<vmem>>)
      tpu.yield
    }) : () -> ()
    %add3A_49 = arith.constant 16 : i32
    %add3A_50 = arith.addi %add3A_49, %arg1 : i32
    %mul3A_51 = arith.constant 4 : i32
    %mul3A_52 = arith.muli %add3A_50, %mul3A_51 : i32
    %add3A_53 = arith.constant 1 : i32
    %add3A_54 = arith.addi %mul3A_52, %add3A_53 : i32
    "tpu.region"() ({
      %run_scoped3A = tpu.sem_alloc : memref<!tpu.dma_semaphore, #tpu.memory_space<semaphore_mem>>
      %dma_start3A_135 = arith.constant 0 : i32
      %dma_start3A_136 = arith.constant 0 : i32
      %dma_start3A_137 = tpu.memref_slice %arg3[%add3A_54, %dma_start3A_135, %dma_start3A_136] : memref<128x20x128xi32, #tpu.memory_space<hbm>> -> memref<1x20x128xi32, #tpu.memory_space<hbm>>
      %dma_start3A_138 = tpu.memref_squeeze %dma_start3A_137 : memref<1x20x128xi32, #tpu.memory_space<hbm>> -> memref<20x128xi32, #tpu.memory_space<hbm>>
      %dma_start3A_139 = arith.constant 0 : i32
      %dma_start3A_140 = arith.constant 0 : i32
      %dma_start3A_141 = tpu.memref_slice %arg3[%add3A_54, %dma_start3A_139, %dma_start3A_140] : memref<128x20x128xi32, #tpu.memory_space<hbm>> -> memref<1x20x128xi32, #tpu.memory_space<hbm>>
      %dma_start3A_142 = tpu.memref_squeeze %dma_start3A_141 : memref<1x20x128xi32, #tpu.memory_space<hbm>> -> memref<20x128xi32, #tpu.memory_space<hbm>>
      tpu.enqueue_dma source(%dma_start3A_142 : memref<20x128xi32, #tpu.memory_space<hbm>>) target(%arg6 : memref<20x128xi32, #tpu.memory_space<vmem>>) target_semaphore(%run_scoped3A : memref<!tpu.dma_semaphore, #tpu.memory_space<semaphore_mem>>)
      %dma_wait3A = arith.constant 0 : i32
      %dma_wait3A_143 = arith.constant 0 : i32
      %dma_wait3A_144 = tpu.memref_slice %arg3[%add3A_54, %dma_wait3A, %dma_wait3A_143] : memref<128x20x128xi32, #tpu.memory_space<hbm>> -> memref<1x20x128xi32, #tpu.memory_space<hbm>>
      %dma_wait3A_145 = tpu.memref_squeeze %dma_wait3A_144 : memref<1x20x128xi32, #tpu.memory_space<hbm>> -> memref<20x128xi32, #tpu.memory_space<hbm>>
      %dma_wait3A_146 = arith.constant 0 : i32
      %dma_wait3A_147 = arith.constant 0 : i32
      %dma_wait3A_148 = tpu.memref_slice %arg3[%add3A_54, %dma_wait3A_146, %dma_wait3A_147] : memref<128x20x128xi32, #tpu.memory_space<hbm>> -> memref<1x20x128xi32, #tpu.memory_space<hbm>>
      %dma_wait3A_149 = tpu.memref_squeeze %dma_wait3A_148 : memref<1x20x128xi32, #tpu.memory_space<hbm>> -> memref<20x128xi32, #tpu.memory_space<hbm>>
      tpu.wait_dma2 semaphore(%run_scoped3A : memref<!tpu.dma_semaphore, #tpu.memory_space<semaphore_mem>>) src(%dma_wait3A_149 : memref<20x128xi32, #tpu.memory_space<hbm>>) dst(%arg6 : memref<20x128xi32, #tpu.memory_space<vmem>>)
      tpu.yield
    }) : () -> ()
    %dma_start3A_55 = arith.constant 0 : i32
    %dma_start3A_56 = arith.constant 0 : i32
    %dma_start3A_57 = tpu.memref_slice %arg5[%dma_start3A_55, %dma_start3A_56] : memref<20x128xi32, #tpu.memory_space<vmem>> -> memref<1x128xi32, #tpu.memory_space<vmem>>
    %dma_start3A_58 = tpu.memref_squeeze %dma_start3A_57 : memref<1x128xi32, #tpu.memory_space<vmem>> -> memref<128xi32, #tpu.memory_space<vmem>>
    %dma_start3A_59 = arith.constant 0 : i32
    %dma_start3A_60 = arith.constant 0 : i32
    %dma_start3A_61 = tpu.memref_slice %arg2[%arg0, %dma_start3A_59, %dma_start3A_60] : memref<2x10000x128xf32, #tpu.memory_space<hbm>> -> memref<1x10000x128xf32, #tpu.memory_space<hbm>>
    %dma_start3A_62 = tpu.memref_squeeze %dma_start3A_61 : memref<1x10000x128xf32, #tpu.memory_space<hbm>> -> memref<10000x128xf32, #tpu.memory_space<hbm>>
    %dma_start3A_63 = arith.constant 0 : i32
    %dma_start3A_64 = arith.constant 0 : i32
    %dma_start3A_65 = tpu.memref_slice %dma_start3A_62[%dma_start3A_63, %dma_start3A_64] : memref<10000x128xf32, #tpu.memory_space<hbm>> -> memref<10000x128xf32, #tpu.memory_space<hbm>>
    tpu.enqueue_indirect_dma source(%dma_start3A_65 : memref<10000x128xf32, #tpu.memory_space<hbm>>) target(%arg7 : memref<128x128xf32, #tpu.memory_space<vmem>>) offsets(%dma_start3A_58 : memref<128xi32, #tpu.memory_space<vmem>>) semaphore(%arg10 : memref<!tpu.dma_semaphore, #tpu.memory_space<semaphore_mem>>)
    %scan3A_66 = arith.constant 0 : i32
    %scan3A_67 = arith.constant 0 : i32
    %scan3A_68 = arith.constant 10 : i32
    %scan3A_69 = arith.addi %scan3A_67, %scan3A_68 : i32
    %scan3A_70 = arith.constant 1 : i32
    scf.for %scan3A_135 = %scan3A_67 to %scan3A_69 step %scan3A_70  : i32 {
      %mul3A_136 = arith.constant 2 : i32
      %mul3A_137 = arith.muli %mul3A_136, %scan3A_135 : i32
      %add3A_138 = arith.constant 20 : i32
      %add3A_139 = arith.addi %add3A_138, %mul3A_137 : i32
      %dma_wait3A = arith.constant 0 : i32
      %dma_wait3A_140 = arith.constant 0 : i32
      %dma_wait3A_141 = tpu.memref_slice %arg5[%dma_wait3A, %dma_wait3A_140] : memref<20x128xi32, #tpu.memory_space<vmem>> -> memref<1x128xi32, #tpu.memory_space<vmem>>
      %dma_wait3A_142 = tpu.memref_squeeze %dma_wait3A_141 : memref<1x128xi32, #tpu.memory_space<vmem>> -> memref<128xi32, #tpu.memory_space<vmem>>
      %dma_wait3A_143 = arith.constant 0 : i32
      %dma_wait3A_144 = arith.constant 0 : i32
      %dma_wait3A_145 = tpu.memref_slice %arg2[%arg0, %dma_wait3A_143, %dma_wait3A_144] : memref<2x10000x128xf32, #tpu.memory_space<hbm>> -> memref<1x10000x128xf32, #tpu.memory_space<hbm>>
      %dma_wait3A_146 = tpu.memref_squeeze %dma_wait3A_145 : memref<1x10000x128xf32, #tpu.memory_space<hbm>> -> memref<10000x128xf32, #tpu.memory_space<hbm>>
      %dma_wait3A_147 = arith.constant 0 : i32
      %dma_wait3A_148 = arith.constant 0 : i32
      %dma_wait3A_149 = tpu.memref_slice %dma_wait3A_146[%dma_wait3A_147, %dma_wait3A_148] : memref<10000x128xf32, #tpu.memory_space<hbm>> -> memref<10000x128xf32, #tpu.memory_space<hbm>>
      tpu.wait_indirect_dma semaphore(%arg10 : memref<!tpu.dma_semaphore, #tpu.memory_space<semaphore_mem>>) src(%dma_wait3A_149 : memref<10000x128xf32, #tpu.memory_space<hbm>>) dst(%arg7 : memref<128x128xf32, #tpu.memory_space<vmem>>)
      %add3A_150 = arith.constant 1 : i32
      %add3A_151 = arith.addi %mul3A_137, %add3A_150 : i32
      %dma_start3A_152 = arith.constant 0 : i32
      %dma_start3A_153 = tpu.memref_slice %arg5[%add3A_151, %dma_start3A_152] : memref<20x128xi32, #tpu.memory_space<vmem>> -> memref<1x128xi32, #tpu.memory_space<vmem>>
      %dma_start3A_154 = tpu.memref_squeeze %dma_start3A_153 : memref<1x128xi32, #tpu.memory_space<vmem>> -> memref<128xi32, #tpu.memory_space<vmem>>
      %dma_start3A_155 = arith.constant 0 : i32
      %dma_start3A_156 = arith.constant 0 : i32
      %dma_start3A_157 = tpu.memref_slice %arg2[%arg0, %dma_start3A_155, %dma_start3A_156] : memref<2x10000x128xf32, #tpu.memory_space<hbm>> -> memref<1x10000x128xf32, #tpu.memory_space<hbm>>
      %dma_start3A_158 = tpu.memref_squeeze %dma_start3A_157 : memref<1x10000x128xf32, #tpu.memory_space<hbm>> -> memref<10000x128xf32, #tpu.memory_space<hbm>>
      %dma_start3A_159 = arith.constant 0 : i32
      %dma_start3A_160 = arith.constant 0 : i32
      %dma_start3A_161 = tpu.memref_slice %dma_start3A_158[%dma_start3A_159, %dma_start3A_160] : memref<10000x128xf32, #tpu.memory_space<hbm>> -> memref<10000x128xf32, #tpu.memory_space<hbm>>
      tpu.enqueue_indirect_dma source(%dma_start3A_161 : memref<10000x128xf32, #tpu.memory_space<hbm>>) target(%arg8 : memref<128x128xf32, #tpu.memory_space<vmem>>) offsets(%dma_start3A_154 : memref<128xi32, #tpu.memory_space<vmem>>) semaphore(%arg11 : memref<!tpu.dma_semaphore, #tpu.memory_space<semaphore_mem>>)
      "tpu.region"() ({
        %run_scoped3A = tpu.sem_alloc : memref<!tpu.dma_semaphore, #tpu.memory_space<semaphore_mem>>
        %dma_start3A_180 = arith.constant 0 : i32
        %dma_start3A_181 = tpu.memref_slice %arg6[%mul3A_137, %dma_start3A_180] : memref<20x128xi32, #tpu.memory_space<vmem>> -> memref<1x128xi32, #tpu.memory_space<vmem>>
        %dma_start3A_182 = tpu.memref_squeeze %dma_start3A_181 : memref<1x128xi32, #tpu.memory_space<vmem>> -> memref<128xi32, #tpu.memory_space<vmem>>
        %dma_start3A_183 = arith.constant 0 : i32
        %dma_start3A_184 = arith.constant 0 : i32
        %dma_start3A_185 = tpu.memref_slice %arg9[%dma_start3A_183, %dma_start3A_184] : memref<10008x128xf32, #tpu.memory_space<vmem_shared>> -> memref<10008x128xf32, #tpu.memory_space<vmem_shared>>
        tpu.enqueue_indirect_dma source(%arg7 : memref<128x128xf32, #tpu.memory_space<vmem>>) target(%dma_start3A_185 : memref<10008x128xf32, #tpu.memory_space<vmem_shared>>) offsets(%dma_start3A_182 : memref<128xi32, #tpu.memory_space<vmem>>) semaphore(%run_scoped3A : memref<!tpu.dma_semaphore, #tpu.memory_space<semaphore_mem>>) {add = true}
        %dma_wait3A_186 = arith.constant 0 : i32
        %dma_wait3A_187 = tpu.memref_slice %arg6[%mul3A_137, %dma_wait3A_186] : memref<20x128xi32, #tpu.memory_space<vmem>> -> memref<1x128xi32, #tpu.memory_space<vmem>>
        %dma_wait3A_188 = tpu.memref_squeeze %dma_wait3A_187 : memref<1x128xi32, #tpu.memory_space<vmem>> -> memref<128xi32, #tpu.memory_space<vmem>>
        %dma_wait3A_189 = arith.constant 0 : i32
        %dma_wait3A_190 = arith.constant 0 : i32
        %dma_wait3A_191 = tpu.memref_slice %arg9[%dma_wait3A_189, %dma_wait3A_190] : memref<10008x128xf32, #tpu.memory_space<vmem_shared>> -> memref<10008x128xf32, #tpu.memory_space<vmem_shared>>
        tpu.wait_indirect_dma semaphore(%run_scoped3A : memref<!tpu.dma_semaphore, #tpu.memory_space<semaphore_mem>>) src(%arg7 : memref<128x128xf32, #tpu.memory_space<vmem>>) dst(%dma_wait3A_191 : memref<10008x128xf32, #tpu.memory_space<vmem_shared>>)
        tpu.yield
      }) : () -> ()
      %add3A_162 = arith.constant 2 : i32
      %add3A_163 = arith.addi %mul3A_137, %add3A_162 : i32
      %lt3A = arith.constant 20 : i32
      %lt3A_164 = arith.cmpi slt, %add3A_163, %lt3A : i32
      %convert_element_type3A_165 = arith.extui %lt3A_164 : i1 to i32
      %cond3A_166 = arith.constant 0 : i32
      %cond3A_167 = arith.cmpi ne, %convert_element_type3A_165, %cond3A_166 : i32
      scf.if %cond3A_167 {
        %add3A_180 = arith.constant 2 : i32
        %add3A_181 = arith.addi %mul3A_137, %add3A_180 : i32
        %dma_start3A_182 = arith.constant 0 : i32
        %dma_start3A_183 = tpu.memref_slice %arg5[%add3A_181, %dma_start3A_182] : memref<20x128xi32, #tpu.memory_space<vmem>> -> memref<1x128xi32, #tpu.memory_space<vmem>>
        %dma_start3A_184 = tpu.memref_squeeze %dma_start3A_183 : memref<1x128xi32, #tpu.memory_space<vmem>> -> memref<128xi32, #tpu.memory_space<vmem>>
        %dma_start3A_185 = arith.constant 0 : i32
        %dma_start3A_186 = arith.constant 0 : i32
        %dma_start3A_187 = tpu.memref_slice %arg2[%arg0, %dma_start3A_185, %dma_start3A_186] : memref<2x10000x128xf32, #tpu.memory_space<hbm>> -> memref<1x10000x128xf32, #tpu.memory_space<hbm>>
        %dma_start3A_188 = tpu.memref_squeeze %dma_start3A_187 : memref<1x10000x128xf32, #tpu.memory_space<hbm>> -> memref<10000x128xf32, #tpu.memory_space<hbm>>
        %dma_start3A_189 = arith.constant 0 : i32
        %dma_start3A_190 = arith.constant 0 : i32
        %dma_start3A_191 = tpu.memref_slice %dma_start3A_188[%dma_start3A_189, %dma_start3A_190] : memref<10000x128xf32, #tpu.memory_space<hbm>> -> memref<10000x128xf32, #tpu.memory_space<hbm>>
        tpu.enqueue_indirect_dma source(%dma_start3A_191 : memref<10000x128xf32, #tpu.memory_space<hbm>>) target(%arg7 : memref<128x128xf32, #tpu.memory_space<vmem>>) offsets(%dma_start3A_184 : memref<128xi32, #tpu.memory_space<vmem>>) semaphore(%arg10 : memref<!tpu.dma_semaphore, #tpu.memory_space<semaphore_mem>>)
      } else {
      }
      %dma_wait3A_168 = arith.constant 0 : i32
      %dma_wait3A_169 = tpu.memref_slice %arg5[%add3A_151, %dma_wait3A_168] : memref<20x128xi32, #tpu.memory_space<vmem>> -> memref<1x128xi32, #tpu.memory_space<vmem>>
      %dma_wait3A_170 = tpu.memref_squeeze %dma_wait3A_169 : memref<1x128xi32, #tpu.memory_space<vmem>> -> memref<128xi32, #tpu.memory_space<vmem>>
      %dma_wait3A_171 = arith.constant 0 : i32
      %dma_wait3A_172 = arith.constant 0 : i32
      %dma_wait3A_173 = tpu.memref_slice %arg2[%arg0, %dma_wait3A_171, %dma_wait3A_172] : memref<2x10000x128xf32, #tpu.memory_space<hbm>> -> memref<1x10000x128xf32, #tpu.memory_space<hbm>>
      %dma_wait3A_174 = tpu.memref_squeeze %dma_wait3A_173 : memref<1x10000x128xf32, #tpu.memory_space<hbm>> -> memref<10000x128xf32, #tpu.memory_space<hbm>>
      %dma_wait3A_175 = arith.constant 0 : i32
      %dma_wait3A_176 = arith.constant 0 : i32
      %dma_wait3A_177 = tpu.memref_slice %dma_wait3A_174[%dma_wait3A_175, %dma_wait3A_176] : memref<10000x128xf32, #tpu.memory_space<hbm>> -> memref<10000x128xf32, #tpu.memory_space<hbm>>
      tpu.wait_indirect_dma semaphore(%arg11 : memref<!tpu.dma_semaphore, #tpu.memory_space<semaphore_mem>>) src(%dma_wait3A_177 : memref<10000x128xf32, #tpu.memory_space<hbm>>) dst(%arg8 : memref<128x128xf32, #tpu.memory_space<vmem>>)
      %add3A_178 = arith.constant 1 : i32
      %add3A_179 = arith.addi %mul3A_137, %add3A_178 : i32
      "tpu.region"() ({
        %run_scoped3A = tpu.sem_alloc : memref<!tpu.dma_semaphore, #tpu.memory_space<semaphore_mem>>
        %dma_start3A_180 = arith.constant 0 : i32
        %dma_start3A_181 = tpu.memref_slice %arg6[%add3A_179, %dma_start3A_180] : memref<20x128xi32, #tpu.memory_space<vmem>> -> memref<1x128xi32, #tpu.memory_space<vmem>>
        %dma_start3A_182 = tpu.memref_squeeze %dma_start3A_181 : memref<1x128xi32, #tpu.memory_space<vmem>> -> memref<128xi32, #tpu.memory_space<vmem>>
        %dma_start3A_183 = arith.constant 0 : i32
        %dma_start3A_184 = arith.constant 0 : i32
        %dma_start3A_185 = tpu.memref_slice %arg9[%dma_start3A_183, %dma_start3A_184] : memref<10008x128xf32, #tpu.memory_space<vmem_shared>> -> memref<10008x128xf32, #tpu.memory_space<vmem_shared>>
        tpu.enqueue_indirect_dma source(%arg8 : memref<128x128xf32, #tpu.memory_space<vmem>>) target(%dma_start3A_185 : memref<10008x128xf32, #tpu.memory_space<vmem_shared>>) offsets(%dma_start3A_182 : memref<128xi32, #tpu.memory_space<vmem>>) semaphore(%run_scoped3A : memref<!tpu.dma_semaphore, #tpu.memory_space<semaphore_mem>>) {add = true}
        %dma_wait3A_186 = arith.constant 0 : i32
        %dma_wait3A_187 = tpu.memref_slice %arg6[%add3A_179, %dma_wait3A_186] : memref<20x128xi32, #tpu.memory_space<vmem>> -> memref<1x128xi32, #tpu.memory_space<vmem>>
        %dma_wait3A_188 = tpu.memref_squeeze %dma_wait3A_187 : memref<1x128xi32, #tpu.memory_space<vmem>> -> memref<128xi32, #tpu.memory_space<vmem>>
        %dma_wait3A_189 = arith.constant 0 : i32
        %dma_wait3A_190 = arith.constant 0 : i32
        %dma_wait3A_191 = tpu.memref_slice %arg9[%dma_wait3A_189, %dma_wait3A_190] : memref<10008x128xf32, #tpu.memory_space<vmem_shared>> -> memref<10008x128xf32, #tpu.memory_space<vmem_shared>>
        tpu.wait_indirect_dma semaphore(%run_scoped3A : memref<!tpu.dma_semaphore, #tpu.memory_space<semaphore_mem>>) src(%arg8 : memref<128x128xf32, #tpu.memory_space<vmem>>) dst(%dma_wait3A_191 : memref<10008x128xf32, #tpu.memory_space<vmem_shared>>)
        tpu.yield
      }) : () -> ()
    }
    %scan3A_71 = arith.constant 10 : i32
    %mul3A_72 = arith.constant 4 : i32
    %mul3A_73 = arith.muli %arg1, %mul3A_72 : i32
    %add3A_74 = arith.constant 2 : i32
    %add3A_75 = arith.addi %mul3A_73, %add3A_74 : i32
    "tpu.region"() ({
      %run_scoped3A = tpu.sem_alloc : memref<!tpu.dma_semaphore, #tpu.memory_space<semaphore_mem>>
      %dma_start3A_135 = arith.constant 0 : i32
      %dma_start3A_136 = arith.constant 0 : i32
      %dma_start3A_137 = tpu.memref_slice %arg3[%add3A_75, %dma_start3A_135, %dma_start3A_136] : memref<128x20x128xi32, #tpu.memory_space<hbm>> -> memref<1x20x128xi32, #tpu.memory_space<hbm>>
      %dma_start3A_138 = tpu.memref_squeeze %dma_start3A_137 : memref<1x20x128xi32, #tpu.memory_space<hbm>> -> memref<20x128xi32, #tpu.memory_space<hbm>>
      %dma_start3A_139 = arith.constant 0 : i32
      %dma_start3A_140 = arith.constant 0 : i32
      %dma_start3A_141 = tpu.memref_slice %arg3[%add3A_75, %dma_start3A_139, %dma_start3A_140] : memref<128x20x128xi32, #tpu.memory_space<hbm>> -> memref<1x20x128xi32, #tpu.memory_space<hbm>>
      %dma_start3A_142 = tpu.memref_squeeze %dma_start3A_141 : memref<1x20x128xi32, #tpu.memory_space<hbm>> -> memref<20x128xi32, #tpu.memory_space<hbm>>
      tpu.enqueue_dma source(%dma_start3A_142 : memref<20x128xi32, #tpu.memory_space<hbm>>) target(%arg5 : memref<20x128xi32, #tpu.memory_space<vmem>>) target_semaphore(%run_scoped3A : memref<!tpu.dma_semaphore, #tpu.memory_space<semaphore_mem>>)
      %dma_wait3A = arith.constant 0 : i32
      %dma_wait3A_143 = arith.constant 0 : i32
      %dma_wait3A_144 = tpu.memref_slice %arg3[%add3A_75, %dma_wait3A, %dma_wait3A_143] : memref<128x20x128xi32, #tpu.memory_space<hbm>> -> memref<1x20x128xi32, #tpu.memory_space<hbm>>
      %dma_wait3A_145 = tpu.memref_squeeze %dma_wait3A_144 : memref<1x20x128xi32, #tpu.memory_space<hbm>> -> memref<20x128xi32, #tpu.memory_space<hbm>>
      %dma_wait3A_146 = arith.constant 0 : i32
      %dma_wait3A_147 = arith.constant 0 : i32
      %dma_wait3A_148 = tpu.memref_slice %arg3[%add3A_75, %dma_wait3A_146, %dma_wait3A_147] : memref<128x20x128xi32, #tpu.memory_space<hbm>> -> memref<1x20x128xi32, #tpu.memory_space<hbm>>
      %dma_wait3A_149 = tpu.memref_squeeze %dma_wait3A_148 : memref<1x20x128xi32, #tpu.memory_space<hbm>> -> memref<20x128xi32, #tpu.memory_space<hbm>>
      tpu.wait_dma2 semaphore(%run_scoped3A : memref<!tpu.dma_semaphore, #tpu.memory_space<semaphore_mem>>) src(%dma_wait3A_149 : memref<20x128xi32, #tpu.memory_space<hbm>>) dst(%arg5 : memref<20x128xi32, #tpu.memory_space<vmem>>)
      tpu.yield
    }) : () -> ()
    %add3A_76 = arith.constant 16 : i32
    %add3A_77 = arith.addi %add3A_76, %arg1 : i32
    %mul3A_78 = arith.constant 4 : i32
    %mul3A_79 = arith.muli %add3A_77, %mul3A_78 : i32
    %add3A_80 = arith.constant 2 : i32
    %add3A_81 = arith.addi %mul3A_79, %add3A_80 : i32
    "tpu.region"() ({
      %run_scoped3A = tpu.sem_alloc : memref<!tpu.dma_semaphore, #tpu.memory_space<semaphore_mem>>
      %dma_start3A_135 = arith.constant 0 : i32
      %dma_start3A_136 = arith.constant 0 : i32
      %dma_start3A_137 = tpu.memref_slice %arg3[%add3A_81, %dma_start3A_135, %dma_start3A_136] : memref<128x20x128xi32, #tpu.memory_space<hbm>> -> memref<1x20x128xi32, #tpu.memory_space<hbm>>
      %dma_start3A_138 = tpu.memref_squeeze %dma_start3A_137 : memref<1x20x128xi32, #tpu.memory_space<hbm>> -> memref<20x128xi32, #tpu.memory_space<hbm>>
      %dma_start3A_139 = arith.constant 0 : i32
      %dma_start3A_140 = arith.constant 0 : i32
      %dma_start3A_141 = tpu.memref_slice %arg3[%add3A_81, %dma_start3A_139, %dma_start3A_140] : memref<128x20x128xi32, #tpu.memory_space<hbm>> -> memref<1x20x128xi32, #tpu.memory_space<hbm>>
      %dma_start3A_142 = tpu.memref_squeeze %dma_start3A_141 : memref<1x20x128xi32, #tpu.memory_space<hbm>> -> memref<20x128xi32, #tpu.memory_space<hbm>>
      tpu.enqueue_dma source(%dma_start3A_142 : memref<20x128xi32, #tpu.memory_space<hbm>>) target(%arg6 : memref<20x128xi32, #tpu.memory_space<vmem>>) target_semaphore(%run_scoped3A : memref<!tpu.dma_semaphore, #tpu.memory_space<semaphore_mem>>)
      %dma_wait3A = arith.constant 0 : i32
      %dma_wait3A_143 = arith.constant 0 : i32
      %dma_wait3A_144 = tpu.memref_slice %arg3[%add3A_81, %dma_wait3A, %dma_wait3A_143] : memref<128x20x128xi32, #tpu.memory_space<hbm>> -> memref<1x20x128xi32, #tpu.memory_space<hbm>>
      %dma_wait3A_145 = tpu.memref_squeeze %dma_wait3A_144 : memref<1x20x128xi32, #tpu.memory_space<hbm>> -> memref<20x128xi32, #tpu.memory_space<hbm>>
      %dma_wait3A_146 = arith.constant 0 : i32
      %dma_wait3A_147 = arith.constant 0 : i32
      %dma_wait3A_148 = tpu.memref_slice %arg3[%add3A_81, %dma_wait3A_146, %dma_wait3A_147] : memref<128x20x128xi32, #tpu.memory_space<hbm>> -> memref<1x20x128xi32, #tpu.memory_space<hbm>>
      %dma_wait3A_149 = tpu.memref_squeeze %dma_wait3A_148 : memref<1x20x128xi32, #tpu.memory_space<hbm>> -> memref<20x128xi32, #tpu.memory_space<hbm>>
      tpu.wait_dma2 semaphore(%run_scoped3A : memref<!tpu.dma_semaphore, #tpu.memory_space<semaphore_mem>>) src(%dma_wait3A_149 : memref<20x128xi32, #tpu.memory_space<hbm>>) dst(%arg6 : memref<20x128xi32, #tpu.memory_space<vmem>>)
      tpu.yield
    }) : () -> ()
    %dma_start3A_82 = arith.constant 0 : i32
    %dma_start3A_83 = arith.constant 0 : i32
    %dma_start3A_84 = tpu.memref_slice %arg5[%dma_start3A_82, %dma_start3A_83] : memref<20x128xi32, #tpu.memory_space<vmem>> -> memref<1x128xi32, #tpu.memory_space<vmem>>
    %dma_start3A_85 = tpu.memref_squeeze %dma_start3A_84 : memref<1x128xi32, #tpu.memory_space<vmem>> -> memref<128xi32, #tpu.memory_space<vmem>>
    %dma_start3A_86 = arith.constant 0 : i32
    %dma_start3A_87 = arith.constant 0 : i32
    %dma_start3A_88 = tpu.memref_slice %arg2[%arg0, %dma_start3A_86, %dma_start3A_87] : memref<2x10000x128xf32, #tpu.memory_space<hbm>> -> memref<1x10000x128xf32, #tpu.memory_space<hbm>>
    %dma_start3A_89 = tpu.memref_squeeze %dma_start3A_88 : memref<1x10000x128xf32, #tpu.memory_space<hbm>> -> memref<10000x128xf32, #tpu.memory_space<hbm>>
    %dma_start3A_90 = arith.constant 0 : i32
    %dma_start3A_91 = arith.constant 0 : i32
    %dma_start3A_92 = tpu.memref_slice %dma_start3A_89[%dma_start3A_90, %dma_start3A_91] : memref<10000x128xf32, #tpu.memory_space<hbm>> -> memref<10000x128xf32, #tpu.memory_space<hbm>>
    tpu.enqueue_indirect_dma source(%dma_start3A_92 : memref<10000x128xf32, #tpu.memory_space<hbm>>) target(%arg7 : memref<128x128xf32, #tpu.memory_space<vmem>>) offsets(%dma_start3A_85 : memref<128xi32, #tpu.memory_space<vmem>>) semaphore(%arg10 : memref<!tpu.dma_semaphore, #tpu.memory_space<semaphore_mem>>)
    %scan3A_93 = arith.constant 0 : i32
    %scan3A_94 = arith.constant 0 : i32
    %scan3A_95 = arith.constant 10 : i32
    %scan3A_96 = arith.addi %scan3A_94, %scan3A_95 : i32
    %scan3A_97 = arith.constant 1 : i32
    scf.for %scan3A_135 = %scan3A_94 to %scan3A_96 step %scan3A_97  : i32 {
      %mul3A_136 = arith.constant 2 : i32
      %mul3A_137 = arith.muli %mul3A_136, %scan3A_135 : i32
      %add3A_138 = arith.constant 40 : i32
      %add3A_139 = arith.addi %add3A_138, %mul3A_137 : i32
      %dma_wait3A = arith.constant 0 : i32
      %dma_wait3A_140 = arith.constant 0 : i32
      %dma_wait3A_141 = tpu.memref_slice %arg5[%dma_wait3A, %dma_wait3A_140] : memref<20x128xi32, #tpu.memory_space<vmem>> -> memref<1x128xi32, #tpu.memory_space<vmem>>
      %dma_wait3A_142 = tpu.memref_squeeze %dma_wait3A_141 : memref<1x128xi32, #tpu.memory_space<vmem>> -> memref<128xi32, #tpu.memory_space<vmem>>
      %dma_wait3A_143 = arith.constant 0 : i32
      %dma_wait3A_144 = arith.constant 0 : i32
      %dma_wait3A_145 = tpu.memref_slice %arg2[%arg0, %dma_wait3A_143, %dma_wait3A_144] : memref<2x10000x128xf32, #tpu.memory_space<hbm>> -> memref<1x10000x128xf32, #tpu.memory_space<hbm>>
      %dma_wait3A_146 = tpu.memref_squeeze %dma_wait3A_145 : memref<1x10000x128xf32, #tpu.memory_space<hbm>> -> memref<10000x128xf32, #tpu.memory_space<hbm>>
      %dma_wait3A_147 = arith.constant 0 : i32
      %dma_wait3A_148 = arith.constant 0 : i32
      %dma_wait3A_149 = tpu.memref_slice %dma_wait3A_146[%dma_wait3A_147, %dma_wait3A_148] : memref<10000x128xf32, #tpu.memory_space<hbm>> -> memref<10000x128xf32, #tpu.memory_space<hbm>>
      tpu.wait_indirect_dma semaphore(%arg10 : memref<!tpu.dma_semaphore, #tpu.memory_space<semaphore_mem>>) src(%dma_wait3A_149 : memref<10000x128xf32, #tpu.memory_space<hbm>>) dst(%arg7 : memref<128x128xf32, #tpu.memory_space<vmem>>)
      %add3A_150 = arith.constant 1 : i32
      %add3A_151 = arith.addi %mul3A_137, %add3A_150 : i32
      %dma_start3A_152 = arith.constant 0 : i32
      %dma_start3A_153 = tpu.memref_slice %arg5[%add3A_151, %dma_start3A_152] : memref<20x128xi32, #tpu.memory_space<vmem>> -> memref<1x128xi32, #tpu.memory_space<vmem>>
      %dma_start3A_154 = tpu.memref_squeeze %dma_start3A_153 : memref<1x128xi32, #tpu.memory_space<vmem>> -> memref<128xi32, #tpu.memory_space<vmem>>
      %dma_start3A_155 = arith.constant 0 : i32
      %dma_start3A_156 = arith.constant 0 : i32
      %dma_start3A_157 = tpu.memref_slice %arg2[%arg0, %dma_start3A_155, %dma_start3A_156] : memref<2x10000x128xf32, #tpu.memory_space<hbm>> -> memref<1x10000x128xf32, #tpu.memory_space<hbm>>
      %dma_start3A_158 = tpu.memref_squeeze %dma_start3A_157 : memref<1x10000x128xf32, #tpu.memory_space<hbm>> -> memref<10000x128xf32, #tpu.memory_space<hbm>>
      %dma_start3A_159 = arith.constant 0 : i32
      %dma_start3A_160 = arith.constant 0 : i32
      %dma_start3A_161 = tpu.memref_slice %dma_start3A_158[%dma_start3A_159, %dma_start3A_160] : memref<10000x128xf32, #tpu.memory_space<hbm>> -> memref<10000x128xf32, #tpu.memory_space<hbm>>
      tpu.enqueue_indirect_dma source(%dma_start3A_161 : memref<10000x128xf32, #tpu.memory_space<hbm>>) target(%arg8 : memref<128x128xf32, #tpu.memory_space<vmem>>) offsets(%dma_start3A_154 : memref<128xi32, #tpu.memory_space<vmem>>) semaphore(%arg11 : memref<!tpu.dma_semaphore, #tpu.memory_space<semaphore_mem>>)
      "tpu.region"() ({
        %run_scoped3A = tpu.sem_alloc : memref<!tpu.dma_semaphore, #tpu.memory_space<semaphore_mem>>
        %dma_start3A_180 = arith.constant 0 : i32
        %dma_start3A_181 = tpu.memref_slice %arg6[%mul3A_137, %dma_start3A_180] : memref<20x128xi32, #tpu.memory_space<vmem>> -> memref<1x128xi32, #tpu.memory_space<vmem>>
        %dma_start3A_182 = tpu.memref_squeeze %dma_start3A_181 : memref<1x128xi32, #tpu.memory_space<vmem>> -> memref<128xi32, #tpu.memory_space<vmem>>
        %dma_start3A_183 = arith.constant 0 : i32
        %dma_start3A_184 = arith.constant 0 : i32
        %dma_start3A_185 = tpu.memref_slice %arg9[%dma_start3A_183, %dma_start3A_184] : memref<10008x128xf32, #tpu.memory_space<vmem_shared>> -> memref<10008x128xf32, #tpu.memory_space<vmem_shared>>
        tpu.enqueue_indirect_dma source(%arg7 : memref<128x128xf32, #tpu.memory_space<vmem>>) target(%dma_start3A_185 : memref<10008x128xf32, #tpu.memory_space<vmem_shared>>) offsets(%dma_start3A_182 : memref<128xi32, #tpu.memory_space<vmem>>) semaphore(%run_scoped3A : memref<!tpu.dma_semaphore, #tpu.memory_space<semaphore_mem>>) {add = true}
        %dma_wait3A_186 = arith.constant 0 : i32
        %dma_wait3A_187 = tpu.memref_slice %arg6[%mul3A_137, %dma_wait3A_186] : memref<20x128xi32, #tpu.memory_space<vmem>> -> memref<1x128xi32, #tpu.memory_space<vmem>>
        %dma_wait3A_188 = tpu.memref_squeeze %dma_wait3A_187 : memref<1x128xi32, #tpu.memory_space<vmem>> -> memref<128xi32, #tpu.memory_space<vmem>>
        %dma_wait3A_189 = arith.constant 0 : i32
        %dma_wait3A_190 = arith.constant 0 : i32
        %dma_wait3A_191 = tpu.memref_slice %arg9[%dma_wait3A_189, %dma_wait3A_190] : memref<10008x128xf32, #tpu.memory_space<vmem_shared>> -> memref<10008x128xf32, #tpu.memory_space<vmem_shared>>
        tpu.wait_indirect_dma semaphore(%run_scoped3A : memref<!tpu.dma_semaphore, #tpu.memory_space<semaphore_mem>>) src(%arg7 : memref<128x128xf32, #tpu.memory_space<vmem>>) dst(%dma_wait3A_191 : memref<10008x128xf32, #tpu.memory_space<vmem_shared>>)
        tpu.yield
      }) : () -> ()
      %add3A_162 = arith.constant 2 : i32
      %add3A_163 = arith.addi %mul3A_137, %add3A_162 : i32
      %lt3A = arith.constant 20 : i32
      %lt3A_164 = arith.cmpi slt, %add3A_163, %lt3A : i32
      %convert_element_type3A_165 = arith.extui %lt3A_164 : i1 to i32
      %cond3A_166 = arith.constant 0 : i32
      %cond3A_167 = arith.cmpi ne, %convert_element_type3A_165, %cond3A_166 : i32
      scf.if %cond3A_167 {
        %add3A_180 = arith.constant 2 : i32
        %add3A_181 = arith.addi %mul3A_137, %add3A_180 : i32
        %dma_start3A_182 = arith.constant 0 : i32
        %dma_start3A_183 = tpu.memref_slice %arg5[%add3A_181, %dma_start3A_182] : memref<20x128xi32, #tpu.memory_space<vmem>> -> memref<1x128xi32, #tpu.memory_space<vmem>>
        %dma_start3A_184 = tpu.memref_squeeze %dma_start3A_183 : memref<1x128xi32, #tpu.memory_space<vmem>> -> memref<128xi32, #tpu.memory_space<vmem>>
        %dma_start3A_185 = arith.constant 0 : i32
        %dma_start3A_186 = arith.constant 0 : i32
        %dma_start3A_187 = tpu.memref_slice %arg2[%arg0, %dma_start3A_185, %dma_start3A_186] : memref<2x10000x128xf32, #tpu.memory_space<hbm>> -> memref<1x10000x128xf32, #tpu.memory_space<hbm>>
        %dma_start3A_188 = tpu.memref_squeeze %dma_start3A_187 : memref<1x10000x128xf32, #tpu.memory_space<hbm>> -> memref<10000x128xf32, #tpu.memory_space<hbm>>
        %dma_start3A_189 = arith.constant 0 : i32
        %dma_start3A_190 = arith.constant 0 : i32
        %dma_start3A_191 = tpu.memref_slice %dma_start3A_188[%dma_start3A_189, %dma_start3A_190] : memref<10000x128xf32, #tpu.memory_space<hbm>> -> memref<10000x128xf32, #tpu.memory_space<hbm>>
        tpu.enqueue_indirect_dma source(%dma_start3A_191 : memref<10000x128xf32, #tpu.memory_space<hbm>>) target(%arg7 : memref<128x128xf32, #tpu.memory_space<vmem>>) offsets(%dma_start3A_184 : memref<128xi32, #tpu.memory_space<vmem>>) semaphore(%arg10 : memref<!tpu.dma_semaphore, #tpu.memory_space<semaphore_mem>>)
      } else {
      }
      %dma_wait3A_168 = arith.constant 0 : i32
      %dma_wait3A_169 = tpu.memref_slice %arg5[%add3A_151, %dma_wait3A_168] : memref<20x128xi32, #tpu.memory_space<vmem>> -> memref<1x128xi32, #tpu.memory_space<vmem>>
      %dma_wait3A_170 = tpu.memref_squeeze %dma_wait3A_169 : memref<1x128xi32, #tpu.memory_space<vmem>> -> memref<128xi32, #tpu.memory_space<vmem>>
      %dma_wait3A_171 = arith.constant 0 : i32
      %dma_wait3A_172 = arith.constant 0 : i32
      %dma_wait3A_173 = tpu.memref_slice %arg2[%arg0, %dma_wait3A_171, %dma_wait3A_172] : memref<2x10000x128xf32, #tpu.memory_space<hbm>> -> memref<1x10000x128xf32, #tpu.memory_space<hbm>>
      %dma_wait3A_174 = tpu.memref_squeeze %dma_wait3A_173 : memref<1x10000x128xf32, #tpu.memory_space<hbm>> -> memref<10000x128xf32, #tpu.memory_space<hbm>>
      %dma_wait3A_175 = arith.constant 0 : i32
      %dma_wait3A_176 = arith.constant 0 : i32
      %dma_wait3A_177 = tpu.memref_slice %dma_wait3A_174[%dma_wait3A_175, %dma_wait3A_176] : memref<10000x128xf32, #tpu.memory_space<hbm>> -> memref<10000x128xf32, #tpu.memory_space<hbm>>
      tpu.wait_indirect_dma semaphore(%arg11 : memref<!tpu.dma_semaphore, #tpu.memory_space<semaphore_mem>>) src(%dma_wait3A_177 : memref<10000x128xf32, #tpu.memory_space<hbm>>) dst(%arg8 : memref<128x128xf32, #tpu.memory_space<vmem>>)
      %add3A_178 = arith.constant 1 : i32
      %add3A_179 = arith.addi %mul3A_137, %add3A_178 : i32
      "tpu.region"() ({
        %run_scoped3A = tpu.sem_alloc : memref<!tpu.dma_semaphore, #tpu.memory_space<semaphore_mem>>
        %dma_start3A_180 = arith.constant 0 : i32
        %dma_start3A_181 = tpu.memref_slice %arg6[%add3A_179, %dma_start3A_180] : memref<20x128xi32, #tpu.memory_space<vmem>> -> memref<1x128xi32, #tpu.memory_space<vmem>>
        %dma_start3A_182 = tpu.memref_squeeze %dma_start3A_181 : memref<1x128xi32, #tpu.memory_space<vmem>> -> memref<128xi32, #tpu.memory_space<vmem>>
        %dma_start3A_183 = arith.constant 0 : i32
        %dma_start3A_184 = arith.constant 0 : i32
        %dma_start3A_185 = tpu.memref_slice %arg9[%dma_start3A_183, %dma_start3A_184] : memref<10008x128xf32, #tpu.memory_space<vmem_shared>> -> memref<10008x128xf32, #tpu.memory_space<vmem_shared>>
        tpu.enqueue_indirect_dma source(%arg8 : memref<128x128xf32, #tpu.memory_space<vmem>>) target(%dma_start3A_185 : memref<10008x128xf32, #tpu.memory_space<vmem_shared>>) offsets(%dma_start3A_182 : memref<128xi32, #tpu.memory_space<vmem>>) semaphore(%run_scoped3A : memref<!tpu.dma_semaphore, #tpu.memory_space<semaphore_mem>>) {add = true}
        %dma_wait3A_186 = arith.constant 0 : i32
        %dma_wait3A_187 = tpu.memref_slice %arg6[%add3A_179, %dma_wait3A_186] : memref<20x128xi32, #tpu.memory_space<vmem>> -> memref<1x128xi32, #tpu.memory_space<vmem>>
        %dma_wait3A_188 = tpu.memref_squeeze %dma_wait3A_187 : memref<1x128xi32, #tpu.memory_space<vmem>> -> memref<128xi32, #tpu.memory_space<vmem>>
        %dma_wait3A_189 = arith.constant 0 : i32
        %dma_wait3A_190 = arith.constant 0 : i32
        %dma_wait3A_191 = tpu.memref_slice %arg9[%dma_wait3A_189, %dma_wait3A_190] : memref<10008x128xf32, #tpu.memory_space<vmem_shared>> -> memref<10008x128xf32, #tpu.memory_space<vmem_shared>>
        tpu.wait_indirect_dma semaphore(%run_scoped3A : memref<!tpu.dma_semaphore, #tpu.memory_space<semaphore_mem>>) src(%arg8 : memref<128x128xf32, #tpu.memory_space<vmem>>) dst(%dma_wait3A_191 : memref<10008x128xf32, #tpu.memory_space<vmem_shared>>)
        tpu.yield
      }) : () -> ()
    }
    %scan3A_98 = arith.constant 10 : i32
    %mul3A_99 = arith.constant 4 : i32
    %mul3A_100 = arith.muli %arg1, %mul3A_99 : i32
    %add3A_101 = arith.constant 3 : i32
    %add3A_102 = arith.addi %mul3A_100, %add3A_101 : i32
    "tpu.region"() ({
      %run_scoped3A = tpu.sem_alloc : memref<!tpu.dma_semaphore, #tpu.memory_space<semaphore_mem>>
      %dma_start3A_135 = arith.constant 0 : i32
      %dma_start3A_136 = arith.constant 0 : i32
      %dma_start3A_137 = tpu.memref_slice %arg3[%add3A_102, %dma_start3A_135, %dma_start3A_136] : memref<128x20x128xi32, #tpu.memory_space<hbm>> -> memref<1x20x128xi32, #tpu.memory_space<hbm>>
      %dma_start3A_138 = tpu.memref_squeeze %dma_start3A_137 : memref<1x20x128xi32, #tpu.memory_space<hbm>> -> memref<20x128xi32, #tpu.memory_space<hbm>>
      %dma_start3A_139 = arith.constant 0 : i32
      %dma_start3A_140 = arith.constant 0 : i32
      %dma_start3A_141 = tpu.memref_slice %arg3[%add3A_102, %dma_start3A_139, %dma_start3A_140] : memref<128x20x128xi32, #tpu.memory_space<hbm>> -> memref<1x20x128xi32, #tpu.memory_space<hbm>>
      %dma_start3A_142 = tpu.memref_squeeze %dma_start3A_141 : memref<1x20x128xi32, #tpu.memory_space<hbm>> -> memref<20x128xi32, #tpu.memory_space<hbm>>
      tpu.enqueue_dma source(%dma_start3A_142 : memref<20x128xi32, #tpu.memory_space<hbm>>) target(%arg5 : memref<20x128xi32, #tpu.memory_space<vmem>>) target_semaphore(%run_scoped3A : memref<!tpu.dma_semaphore, #tpu.memory_space<semaphore_mem>>)
      %dma_wait3A = arith.constant 0 : i32
      %dma_wait3A_143 = arith.constant 0 : i32
      %dma_wait3A_144 = tpu.memref_slice %arg3[%add3A_102, %dma_wait3A, %dma_wait3A_143] : memref<128x20x128xi32, #tpu.memory_space<hbm>> -> memref<1x20x128xi32, #tpu.memory_space<hbm>>
      %dma_wait3A_145 = tpu.memref_squeeze %dma_wait3A_144 : memref<1x20x128xi32, #tpu.memory_space<hbm>> -> memref<20x128xi32, #tpu.memory_space<hbm>>
      %dma_wait3A_146 = arith.constant 0 : i32
      %dma_wait3A_147 = arith.constant 0 : i32
      %dma_wait3A_148 = tpu.memref_slice %arg3[%add3A_102, %dma_wait3A_146, %dma_wait3A_147] : memref<128x20x128xi32, #tpu.memory_space<hbm>> -> memref<1x20x128xi32, #tpu.memory_space<hbm>>
      %dma_wait3A_149 = tpu.memref_squeeze %dma_wait3A_148 : memref<1x20x128xi32, #tpu.memory_space<hbm>> -> memref<20x128xi32, #tpu.memory_space<hbm>>
      tpu.wait_dma2 semaphore(%run_scoped3A : memref<!tpu.dma_semaphore, #tpu.memory_space<semaphore_mem>>) src(%dma_wait3A_149 : memref<20x128xi32, #tpu.memory_space<hbm>>) dst(%arg5 : memref<20x128xi32, #tpu.memory_space<vmem>>)
      tpu.yield
    }) : () -> ()
    %add3A_103 = arith.constant 16 : i32
    %add3A_104 = arith.addi %add3A_103, %arg1 : i32
    %mul3A_105 = arith.constant 4 : i32
    %mul3A_106 = arith.muli %add3A_104, %mul3A_105 : i32
    %add3A_107 = arith.constant 3 : i32
    %add3A_108 = arith.addi %mul3A_106, %add3A_107 : i32
    "tpu.region"() ({
      %run_scoped3A = tpu.sem_alloc : memref<!tpu.dma_semaphore, #tpu.memory_space<semaphore_mem>>
      %dma_start3A_135 = arith.constant 0 : i32
      %dma_start3A_136 = arith.constant 0 : i32
      %dma_start3A_137 = tpu.memref_slice %arg3[%add3A_108, %dma_start3A_135, %dma_start3A_136] : memref<128x20x128xi32, #tpu.memory_space<hbm>> -> memref<1x20x128xi32, #tpu.memory_space<hbm>>
      %dma_start3A_138 = tpu.memref_squeeze %dma_start3A_137 : memref<1x20x128xi32, #tpu.memory_space<hbm>> -> memref<20x128xi32, #tpu.memory_space<hbm>>
      %dma_start3A_139 = arith.constant 0 : i32
      %dma_start3A_140 = arith.constant 0 : i32
      %dma_start3A_141 = tpu.memref_slice %arg3[%add3A_108, %dma_start3A_139, %dma_start3A_140] : memref<128x20x128xi32, #tpu.memory_space<hbm>> -> memref<1x20x128xi32, #tpu.memory_space<hbm>>
      %dma_start3A_142 = tpu.memref_squeeze %dma_start3A_141 : memref<1x20x128xi32, #tpu.memory_space<hbm>> -> memref<20x128xi32, #tpu.memory_space<hbm>>
      tpu.enqueue_dma source(%dma_start3A_142 : memref<20x128xi32, #tpu.memory_space<hbm>>) target(%arg6 : memref<20x128xi32, #tpu.memory_space<vmem>>) target_semaphore(%run_scoped3A : memref<!tpu.dma_semaphore, #tpu.memory_space<semaphore_mem>>)
      %dma_wait3A = arith.constant 0 : i32
      %dma_wait3A_143 = arith.constant 0 : i32
      %dma_wait3A_144 = tpu.memref_slice %arg3[%add3A_108, %dma_wait3A, %dma_wait3A_143] : memref<128x20x128xi32, #tpu.memory_space<hbm>> -> memref<1x20x128xi32, #tpu.memory_space<hbm>>
      %dma_wait3A_145 = tpu.memref_squeeze %dma_wait3A_144 : memref<1x20x128xi32, #tpu.memory_space<hbm>> -> memref<20x128xi32, #tpu.memory_space<hbm>>
      %dma_wait3A_146 = arith.constant 0 : i32
      %dma_wait3A_147 = arith.constant 0 : i32
      %dma_wait3A_148 = tpu.memref_slice %arg3[%add3A_108, %dma_wait3A_146, %dma_wait3A_147] : memref<128x20x128xi32, #tpu.memory_space<hbm>> -> memref<1x20x128xi32, #tpu.memory_space<hbm>>
      %dma_wait3A_149 = tpu.memref_squeeze %dma_wait3A_148 : memref<1x20x128xi32, #tpu.memory_space<hbm>> -> memref<20x128xi32, #tpu.memory_space<hbm>>
      tpu.wait_dma2 semaphore(%run_scoped3A : memref<!tpu.dma_semaphore, #tpu.memory_space<semaphore_mem>>) src(%dma_wait3A_149 : memref<20x128xi32, #tpu.memory_space<hbm>>) dst(%arg6 : memref<20x128xi32, #tpu.memory_space<vmem>>)
      tpu.yield
    }) : () -> ()
    %dma_start3A_109 = arith.constant 0 : i32
    %dma_start3A_110 = arith.constant 0 : i32
    %dma_start3A_111 = tpu.memref_slice %arg5[%dma_start3A_109, %dma_start3A_110] : memref<20x128xi32, #tpu.memory_space<vmem>> -> memref<1x128xi32, #tpu.memory_space<vmem>>
    %dma_start3A_112 = tpu.memref_squeeze %dma_start3A_111 : memref<1x128xi32, #tpu.memory_space<vmem>> -> memref<128xi32, #tpu.memory_space<vmem>>
    %dma_start3A_113 = arith.constant 0 : i32
    %dma_start3A_114 = arith.constant 0 : i32
    %dma_start3A_115 = tpu.memref_slice %arg2[%arg0, %dma_start3A_113, %dma_start3A_114] : memref<2x10000x128xf32, #tpu.memory_space<hbm>> -> memref<1x10000x128xf32, #tpu.memory_space<hbm>>
    %dma_start3A_116 = tpu.memref_squeeze %dma_start3A_115 : memref<1x10000x128xf32, #tpu.memory_space<hbm>> -> memref<10000x128xf32, #tpu.memory_space<hbm>>
    %dma_start3A_117 = arith.constant 0 : i32
    %dma_start3A_118 = arith.constant 0 : i32
    %dma_start3A_119 = tpu.memref_slice %dma_start3A_116[%dma_start3A_117, %dma_start3A_118] : memref<10000x128xf32, #tpu.memory_space<hbm>> -> memref<10000x128xf32, #tpu.memory_space<hbm>>
    tpu.enqueue_indirect_dma source(%dma_start3A_119 : memref<10000x128xf32, #tpu.memory_space<hbm>>) target(%arg7 : memref<128x128xf32, #tpu.memory_space<vmem>>) offsets(%dma_start3A_112 : memref<128xi32, #tpu.memory_space<vmem>>) semaphore(%arg10 : memref<!tpu.dma_semaphore, #tpu.memory_space<semaphore_mem>>)
    %scan3A_120 = arith.constant 0 : i32
    %scan3A_121 = arith.constant 0 : i32
    %scan3A_122 = arith.constant 10 : i32
    %scan3A_123 = arith.addi %scan3A_121, %scan3A_122 : i32
    %scan3A_124 = arith.constant 1 : i32
    scf.for %scan3A_135 = %scan3A_121 to %scan3A_123 step %scan3A_124  : i32 {
      %mul3A_136 = arith.constant 2 : i32
      %mul3A_137 = arith.muli %mul3A_136, %scan3A_135 : i32
      %add3A_138 = arith.constant 60 : i32
      %add3A_139 = arith.addi %add3A_138, %mul3A_137 : i32
      %dma_wait3A = arith.constant 0 : i32
      %dma_wait3A_140 = arith.constant 0 : i32
      %dma_wait3A_141 = tpu.memref_slice %arg5[%dma_wait3A, %dma_wait3A_140] : memref<20x128xi32, #tpu.memory_space<vmem>> -> memref<1x128xi32, #tpu.memory_space<vmem>>
      %dma_wait3A_142 = tpu.memref_squeeze %dma_wait3A_141 : memref<1x128xi32, #tpu.memory_space<vmem>> -> memref<128xi32, #tpu.memory_space<vmem>>
      %dma_wait3A_143 = arith.constant 0 : i32
      %dma_wait3A_144 = arith.constant 0 : i32
      %dma_wait3A_145 = tpu.memref_slice %arg2[%arg0, %dma_wait3A_143, %dma_wait3A_144] : memref<2x10000x128xf32, #tpu.memory_space<hbm>> -> memref<1x10000x128xf32, #tpu.memory_space<hbm>>
      %dma_wait3A_146 = tpu.memref_squeeze %dma_wait3A_145 : memref<1x10000x128xf32, #tpu.memory_space<hbm>> -> memref<10000x128xf32, #tpu.memory_space<hbm>>
      %dma_wait3A_147 = arith.constant 0 : i32
      %dma_wait3A_148 = arith.constant 0 : i32
      %dma_wait3A_149 = tpu.memref_slice %dma_wait3A_146[%dma_wait3A_147, %dma_wait3A_148] : memref<10000x128xf32, #tpu.memory_space<hbm>> -> memref<10000x128xf32, #tpu.memory_space<hbm>>
      tpu.wait_indirect_dma semaphore(%arg10 : memref<!tpu.dma_semaphore, #tpu.memory_space<semaphore_mem>>) src(%dma_wait3A_149 : memref<10000x128xf32, #tpu.memory_space<hbm>>) dst(%arg7 : memref<128x128xf32, #tpu.memory_space<vmem>>)
      %add3A_150 = arith.constant 1 : i32
      %add3A_151 = arith.addi %mul3A_137, %add3A_150 : i32
      %dma_start3A_152 = arith.constant 0 : i32
      %dma_start3A_153 = tpu.memref_slice %arg5[%add3A_151, %dma_start3A_152] : memref<20x128xi32, #tpu.memory_space<vmem>> -> memref<1x128xi32, #tpu.memory_space<vmem>>
      %dma_start3A_154 = tpu.memref_squeeze %dma_start3A_153 : memref<1x128xi32, #tpu.memory_space<vmem>> -> memref<128xi32, #tpu.memory_space<vmem>>
      %dma_start3A_155 = arith.constant 0 : i32
      %dma_start3A_156 = arith.constant 0 : i32
      %dma_start3A_157 = tpu.memref_slice %arg2[%arg0, %dma_start3A_155, %dma_start3A_156] : memref<2x10000x128xf32, #tpu.memory_space<hbm>> -> memref<1x10000x128xf32, #tpu.memory_space<hbm>>
      %dma_start3A_158 = tpu.memref_squeeze %dma_start3A_157 : memref<1x10000x128xf32, #tpu.memory_space<hbm>> -> memref<10000x128xf32, #tpu.memory_space<hbm>>
      %dma_start3A_159 = arith.constant 0 : i32
      %dma_start3A_160 = arith.constant 0 : i32
      %dma_start3A_161 = tpu.memref_slice %dma_start3A_158[%dma_start3A_159, %dma_start3A_160] : memref<10000x128xf32, #tpu.memory_space<hbm>> -> memref<10000x128xf32, #tpu.memory_space<hbm>>
      tpu.enqueue_indirect_dma source(%dma_start3A_161 : memref<10000x128xf32, #tpu.memory_space<hbm>>) target(%arg8 : memref<128x128xf32, #tpu.memory_space<vmem>>) offsets(%dma_start3A_154 : memref<128xi32, #tpu.memory_space<vmem>>) semaphore(%arg11 : memref<!tpu.dma_semaphore, #tpu.memory_space<semaphore_mem>>)
      %lt3A = arith.constant 79 : i32
      %lt3A_162 = arith.cmpi slt, %add3A_139, %lt3A : i32
      %convert_element_type3A_163 = arith.extui %lt3A_162 : i1 to i32
      %cond3A_164 = arith.constant 0 : i32
      %cond3A_165 = arith.cmpi ne, %convert_element_type3A_163, %cond3A_164 : i32
      scf.if %cond3A_165 {
        "tpu.region"() ({
          %run_scoped3A = tpu.sem_alloc : memref<!tpu.dma_semaphore, #tpu.memory_space<semaphore_mem>>
          %dma_start3A_190 = arith.constant 0 : i32
          %dma_start3A_191 = tpu.memref_slice %arg6[%mul3A_137, %dma_start3A_190] : memref<20x128xi32, #tpu.memory_space<vmem>> -> memref<1x128xi32, #tpu.memory_space<vmem>>
          %dma_start3A_192 = tpu.memref_squeeze %dma_start3A_191 : memref<1x128xi32, #tpu.memory_space<vmem>> -> memref<128xi32, #tpu.memory_space<vmem>>
          %dma_start3A_193 = arith.constant 0 : i32
          %dma_start3A_194 = arith.constant 0 : i32
          %dma_start3A_195 = tpu.memref_slice %arg9[%dma_start3A_193, %dma_start3A_194] : memref<10008x128xf32, #tpu.memory_space<vmem_shared>> -> memref<10008x128xf32, #tpu.memory_space<vmem_shared>>
          tpu.enqueue_indirect_dma source(%arg7 : memref<128x128xf32, #tpu.memory_space<vmem>>) target(%dma_start3A_195 : memref<10008x128xf32, #tpu.memory_space<vmem_shared>>) offsets(%dma_start3A_192 : memref<128xi32, #tpu.memory_space<vmem>>) semaphore(%run_scoped3A : memref<!tpu.dma_semaphore, #tpu.memory_space<semaphore_mem>>) {add = true}
          %dma_wait3A_196 = arith.constant 0 : i32
          %dma_wait3A_197 = tpu.memref_slice %arg6[%mul3A_137, %dma_wait3A_196] : memref<20x128xi32, #tpu.memory_space<vmem>> -> memref<1x128xi32, #tpu.memory_space<vmem>>
          %dma_wait3A_198 = tpu.memref_squeeze %dma_wait3A_197 : memref<1x128xi32, #tpu.memory_space<vmem>> -> memref<128xi32, #tpu.memory_space<vmem>>
          %dma_wait3A_199 = arith.constant 0 : i32
          %dma_wait3A_200 = arith.constant 0 : i32
          %dma_wait3A_201 = tpu.memref_slice %arg9[%dma_wait3A_199, %dma_wait3A_200] : memref<10008x128xf32, #tpu.memory_space<vmem_shared>> -> memref<10008x128xf32, #tpu.memory_space<vmem_shared>>
          tpu.wait_indirect_dma semaphore(%run_scoped3A : memref<!tpu.dma_semaphore, #tpu.memory_space<semaphore_mem>>) src(%arg7 : memref<128x128xf32, #tpu.memory_space<vmem>>) dst(%dma_wait3A_201 : memref<10008x128xf32, #tpu.memory_space<vmem_shared>>)
          tpu.yield
        }) : () -> ()
      } else {
      }
      %add3A_166 = arith.constant 2 : i32
      %add3A_167 = arith.addi %mul3A_137, %add3A_166 : i32
      %lt3A_168 = arith.constant 20 : i32
      %lt3A_169 = arith.cmpi slt, %add3A_167, %lt3A_168 : i32
      %convert_element_type3A_170 = arith.extui %lt3A_169 : i1 to i32
      %cond3A_171 = arith.constant 0 : i32
      %cond3A_172 = arith.cmpi ne, %convert_element_type3A_170, %cond3A_171 : i32
      scf.if %cond3A_172 {
        %add3A_190 = arith.constant 2 : i32
        %add3A_191 = arith.addi %mul3A_137, %add3A_190 : i32
        %dma_start3A_192 = arith.constant 0 : i32
        %dma_start3A_193 = tpu.memref_slice %arg5[%add3A_191, %dma_start3A_192] : memref<20x128xi32, #tpu.memory_space<vmem>> -> memref<1x128xi32, #tpu.memory_space<vmem>>
        %dma_start3A_194 = tpu.memref_squeeze %dma_start3A_193 : memref<1x128xi32, #tpu.memory_space<vmem>> -> memref<128xi32, #tpu.memory_space<vmem>>
        %dma_start3A_195 = arith.constant 0 : i32
        %dma_start3A_196 = arith.constant 0 : i32
        %dma_start3A_197 = tpu.memref_slice %arg2[%arg0, %dma_start3A_195, %dma_start3A_196] : memref<2x10000x128xf32, #tpu.memory_space<hbm>> -> memref<1x10000x128xf32, #tpu.memory_space<hbm>>
        %dma_start3A_198 = tpu.memref_squeeze %dma_start3A_197 : memref<1x10000x128xf32, #tpu.memory_space<hbm>> -> memref<10000x128xf32, #tpu.memory_space<hbm>>
        %dma_start3A_199 = arith.constant 0 : i32
        %dma_start3A_200 = arith.constant 0 : i32
        %dma_start3A_201 = tpu.memref_slice %dma_start3A_198[%dma_start3A_199, %dma_start3A_200] : memref<10000x128xf32, #tpu.memory_space<hbm>> -> memref<10000x128xf32, #tpu.memory_space<hbm>>
        tpu.enqueue_indirect_dma source(%dma_start3A_201 : memref<10000x128xf32, #tpu.memory_space<hbm>>) target(%arg7 : memref<128x128xf32, #tpu.memory_space<vmem>>) offsets(%dma_start3A_194 : memref<128xi32, #tpu.memory_space<vmem>>) semaphore(%arg10 : memref<!tpu.dma_semaphore, #tpu.memory_space<semaphore_mem>>)
      } else {
      }
      %dma_wait3A_173 = arith.constant 0 : i32
      %dma_wait3A_174 = tpu.memref_slice %arg5[%add3A_151, %dma_wait3A_173] : memref<20x128xi32, #tpu.memory_space<vmem>> -> memref<1x128xi32, #tpu.memory_space<vmem>>
      %dma_wait3A_175 = tpu.memref_squeeze %dma_wait3A_174 : memref<1x128xi32, #tpu.memory_space<vmem>> -> memref<128xi32, #tpu.memory_space<vmem>>
      %dma_wait3A_176 = arith.constant 0 : i32
      %dma_wait3A_177 = arith.constant 0 : i32
      %dma_wait3A_178 = tpu.memref_slice %arg2[%arg0, %dma_wait3A_176, %dma_wait3A_177] : memref<2x10000x128xf32, #tpu.memory_space<hbm>> -> memref<1x10000x128xf32, #tpu.memory_space<hbm>>
      %dma_wait3A_179 = tpu.memref_squeeze %dma_wait3A_178 : memref<1x10000x128xf32, #tpu.memory_space<hbm>> -> memref<10000x128xf32, #tpu.memory_space<hbm>>
      %dma_wait3A_180 = arith.constant 0 : i32
      %dma_wait3A_181 = arith.constant 0 : i32
      %dma_wait3A_182 = tpu.memref_slice %dma_wait3A_179[%dma_wait3A_180, %dma_wait3A_181] : memref<10000x128xf32, #tpu.memory_space<hbm>> -> memref<10000x128xf32, #tpu.memory_space<hbm>>
      tpu.wait_indirect_dma semaphore(%arg11 : memref<!tpu.dma_semaphore, #tpu.memory_space<semaphore_mem>>) src(%dma_wait3A_182 : memref<10000x128xf32, #tpu.memory_space<hbm>>) dst(%arg8 : memref<128x128xf32, #tpu.memory_space<vmem>>)
      %add3A_183 = arith.constant 1 : i32
      %add3A_184 = arith.addi %add3A_139, %add3A_183 : i32
      %lt3A_185 = arith.constant 79 : i32
      %lt3A_186 = arith.cmpi slt, %add3A_184, %lt3A_185 : i32
      %convert_element_type3A_187 = arith.extui %lt3A_186 : i1 to i32
      %cond3A_188 = arith.constant 0 : i32
      %cond3A_189 = arith.cmpi ne, %convert_element_type3A_187, %cond3A_188 : i32
      scf.if %cond3A_189 {
        %add3A_190 = arith.constant 1 : i32
        %add3A_191 = arith.addi %mul3A_137, %add3A_190 : i32
        "tpu.region"() ({
          %run_scoped3A = tpu.sem_alloc : memref<!tpu.dma_semaphore, #tpu.memory_space<semaphore_mem>>
          %dma_start3A_192 = arith.constant 0 : i32
          %dma_start3A_193 = tpu.memref_slice %arg6[%add3A_191, %dma_start3A_192] : memref<20x128xi32, #tpu.memory_space<vmem>> -> memref<1x128xi32, #tpu.memory_space<vmem>>
          %dma_start3A_194 = tpu.memref_squeeze %dma_start3A_193 : memref<1x128xi32, #tpu.memory_space<vmem>> -> memref<128xi32, #tpu.memory_space<vmem>>
          %dma_start3A_195 = arith.constant 0 : i32
          %dma_start3A_196 = arith.constant 0 : i32
          %dma_start3A_197 = tpu.memref_slice %arg9[%dma_start3A_195, %dma_start3A_196] : memref<10008x128xf32, #tpu.memory_space<vmem_shared>> -> memref<10008x128xf32, #tpu.memory_space<vmem_shared>>
          tpu.enqueue_indirect_dma source(%arg8 : memref<128x128xf32, #tpu.memory_space<vmem>>) target(%dma_start3A_197 : memref<10008x128xf32, #tpu.memory_space<vmem_shared>>) offsets(%dma_start3A_194 : memref<128xi32, #tpu.memory_space<vmem>>) semaphore(%run_scoped3A : memref<!tpu.dma_semaphore, #tpu.memory_space<semaphore_mem>>) {add = true}
          %dma_wait3A_198 = arith.constant 0 : i32
          %dma_wait3A_199 = tpu.memref_slice %arg6[%add3A_191, %dma_wait3A_198] : memref<20x128xi32, #tpu.memory_space<vmem>> -> memref<1x128xi32, #tpu.memory_space<vmem>>
          %dma_wait3A_200 = tpu.memref_squeeze %dma_wait3A_199 : memref<1x128xi32, #tpu.memory_space<vmem>> -> memref<128xi32, #tpu.memory_space<vmem>>
          %dma_wait3A_201 = arith.constant 0 : i32
          %dma_wait3A_202 = arith.constant 0 : i32
          %dma_wait3A_203 = tpu.memref_slice %arg9[%dma_wait3A_201, %dma_wait3A_202] : memref<10008x128xf32, #tpu.memory_space<vmem_shared>> -> memref<10008x128xf32, #tpu.memory_space<vmem_shared>>
          tpu.wait_indirect_dma semaphore(%run_scoped3A : memref<!tpu.dma_semaphore, #tpu.memory_space<semaphore_mem>>) src(%arg8 : memref<128x128xf32, #tpu.memory_space<vmem>>) dst(%dma_wait3A_203 : memref<10008x128xf32, #tpu.memory_space<vmem_shared>>)
          tpu.yield
        }) : () -> ()
      } else {
      }
    }
    %scan3A_125 = arith.constant 10 : i32
    %barrier3A_126 = arith.constant 0 : index
    tpu.barrier barrier_id(%barrier3A_126)
    %mul3A_127 = arith.constant 10000 : i32
    %mul3A_128 = arith.muli %arg0, %mul3A_127 : i32
    %add3A_129 = arith.addi %mul3A_128, %mul3A_0 : i32
    "tpu.region"() ({
      %run_scoped3A = tpu.sem_alloc : memref<!tpu.dma_semaphore, #tpu.memory_space<semaphore_mem>>
      %dma_start3A_135 = arith.constant 0 : i32
      %dma_start3A_136 = tpu.memref_slice %arg4[%add3A_129, %dma_start3A_135] : memref<20000x128xf32, #tpu.memory_space<hbm>> -> memref<624x128xf32, #tpu.memory_space<hbm>>
      %dma_start3A_137 = arith.constant 0 : i32
      %dma_start3A_138 = tpu.memref_slice %arg9[%mul3A_0, %dma_start3A_137] : memref<10008x128xf32, #tpu.memory_space<vmem_shared>> -> memref<624x128xf32, #tpu.memory_space<vmem_shared>>
      tpu.enqueue_dma source(%dma_start3A_138 : memref<624x128xf32, #tpu.memory_space<vmem_shared>>) target(%dma_start3A_136 : memref<624x128xf32, #tpu.memory_space<hbm>>) target_semaphore(%run_scoped3A : memref<!tpu.dma_semaphore, #tpu.memory_space<semaphore_mem>>)
      %dma_wait3A = arith.constant 0 : i32
      %dma_wait3A_139 = tpu.memref_slice %arg4[%add3A_129, %dma_wait3A] : memref<20000x128xf32, #tpu.memory_space<hbm>> -> memref<624x128xf32, #tpu.memory_space<hbm>>
      %dma_wait3A_140 = arith.constant 0 : i32
      %dma_wait3A_141 = tpu.memref_slice %arg9[%mul3A_0, %dma_wait3A_140] : memref<10008x128xf32, #tpu.memory_space<vmem_shared>> -> memref<624x128xf32, #tpu.memory_space<vmem_shared>>
      tpu.wait_dma2 semaphore(%run_scoped3A : memref<!tpu.dma_semaphore, #tpu.memory_space<semaphore_mem>>) src(%dma_wait3A_141 : memref<624x128xf32, #tpu.memory_space<vmem_shared>>) dst(%dma_wait3A_139 : memref<624x128xf32, #tpu.memory_space<hbm>>)
      tpu.yield
    }) : () -> ()
    %eq3A_130 = arith.constant 15 : i32
    %eq3A_131 = arith.cmpi eq, %arg1, %eq3A_130 : i32
    %convert_element_type3A_132 = arith.extui %eq3A_131 : i1 to i32
    %cond3A_133 = arith.constant 0 : i32
    %cond3A_134 = arith.cmpi ne, %convert_element_type3A_132, %cond3A_133 : i32
    scf.if %cond3A_134 {
      %mul3A_135 = arith.constant 10000 : i32
      %mul3A_136 = arith.muli %arg0, %mul3A_135 : i32
      %add3A_137 = arith.constant 9984 : i32
      %add3A_138 = arith.addi %mul3A_136, %add3A_137 : i32
      "tpu.region"() ({
        %run_scoped3A = tpu.sem_alloc : memref<!tpu.dma_semaphore, #tpu.memory_space<semaphore_mem>>
        %dma_start3A_139 = arith.constant 0 : i32
        %dma_start3A_140 = tpu.memref_slice %arg4[%add3A_138, %dma_start3A_139] : memref<20000x128xf32, #tpu.memory_space<hbm>> -> memref<16x128xf32, #tpu.memory_space<hbm>>
        %dma_start3A_141 = arith.constant 9984 : i32
        %dma_start3A_142 = arith.constant 0 : i32
        %dma_start3A_143 = tpu.memref_slice %arg9[%dma_start3A_141, %dma_start3A_142] : memref<10008x128xf32, #tpu.memory_space<vmem_shared>> -> memref<16x128xf32, #tpu.memory_space<vmem_shared>>
        tpu.enqueue_dma source(%dma_start3A_143 : memref<16x128xf32, #tpu.memory_space<vmem_shared>>) target(%dma_start3A_140 : memref<16x128xf32, #tpu.memory_space<hbm>>) target_semaphore(%run_scoped3A : memref<!tpu.dma_semaphore, #tpu.memory_space<semaphore_mem>>)
        %dma_wait3A = arith.constant 0 : i32
        %dma_wait3A_144 = tpu.memref_slice %arg4[%add3A_138, %dma_wait3A] : memref<20000x128xf32, #tpu.memory_space<hbm>> -> memref<16x128xf32, #tpu.memory_space<hbm>>
        %dma_wait3A_145 = arith.constant 9984 : i32
        %dma_wait3A_146 = arith.constant 0 : i32
        %dma_wait3A_147 = tpu.memref_slice %arg9[%dma_wait3A_145, %dma_wait3A_146] : memref<10008x128xf32, #tpu.memory_space<vmem_shared>> -> memref<16x128xf32, #tpu.memory_space<vmem_shared>>
        tpu.wait_dma2 semaphore(%run_scoped3A : memref<!tpu.dma_semaphore, #tpu.memory_space<semaphore_mem>>) src(%dma_wait3A_147 : memref<16x128xf32, #tpu.memory_space<vmem_shared>>) dst(%dma_wait3A_144 : memref<16x128xf32, #tpu.memory_space<hbm>>)
        tpu.yield
      }) : () -> ()
    } else {
    }
    return
  }
}

#map = affine_map<(d0, d1) -> (0, 0, 0)>
#map1 = affine_map<(d0, d1) -> (0, 0)>
module attributes {stable_mosaic.version = 14 : i64} {
  func.func @segsum(%arg0: i32, %arg1: i32, %arg2: memref<2x10000x128xf32, #tpu.memory_space<hbm>>, %arg3: memref<128x20x128xi32, #tpu.memory_space<hbm>>, %arg4: memref<20000x128xf32, #tpu.memory_space<hbm>>, %arg5: memref<20x128xi32, #tpu.memory_space<vmem>>, %arg6: memref<20x128xi32, #tpu.memory_space<vmem>>, %arg7: memref<128x128xf32, #tpu.memory_space<vmem>>, %arg8: memref<128x128xf32, #tpu.memory_space<vmem>>, %arg9: memref<10008x128xf32, #tpu.memory_space<vmem_shared>>, %arg10: memref<!tpu.dma_semaphore, #tpu.memory_space<semaphore_mem>>, %arg11: memref<!tpu.dma_semaphore, #tpu.memory_space<semaphore_mem>>) attributes {dimension_semantics = [#tpu.dimension_semantics<core_parallel>, #tpu.dimension_semantics<subcore_parallel>], iteration_bounds = array<i64: 2, 16>, scalar_prefetch = 0 : i64, scratch_operands = 7 : i64, tpu.core_type = #tpu.core_type<sc_vector_subcore>, window_params = [{transform_indices = #map}, {transform_indices = #map}, {transform_indices = #map1}]} {
    %mul3A = arith.constant 624 : i32
    %mul3A_0 = arith.muli %arg1, %mul3A : i32
    %broadcast_in_dim3A = arith.constant 0.000000e+00 : f32
    %broadcast_in_dim3A_1 = vector.broadcast %broadcast_in_dim3A : f32 to vector<16xf32>
    %scan3A = arith.constant 0 : i32
    %scan3A_2 = arith.constant 0 : i32
    %scan3A_3 = arith.constant 128 : i32
    %scan3A_4 = arith.addi %scan3A_2, %scan3A_3 : i32
    %scan3A_5 = arith.constant 1 : i32
    scf.for %scan3A_135 = %scan3A_2 to %scan3A_4 step %scan3A_5  : i32 {
      %swap3A = arith.index_cast %scan3A_135 : i32 to index
      %swap3A_136 = arith.constant 0 : index
      %swap3A_137 = tpu.vector_load %arg7[%swap3A, %swap3A_136] {strides = array<i32>} : memref<128x128xf32, #tpu.memory_space<vmem>>, vector<1x16xf32>,
      %swap3A_138 = vector.shape_cast %swap3A_137 : vector<1x16xf32> to vector<16xf32>
      %swap3A_139 = vector.shape_cast %broadcast_in_dim3A_1 : vector<16xf32> to vector<1x16xf32>
      tpu.vector_store %arg7[%swap3A, %swap3A_136], %swap3A_139 {strides = array<i32>} : memref<128x128xf32, #tpu.memory_space<vmem>>, vector<1x16xf32>,
      %swap3A_140 = arith.index_cast %scan3A_135 : i32 to index
      %swap3A_141 = arith.constant 16 : index
      %swap3A_142 = tpu.vector_load %arg7[%swap3A_140, %swap3A_141] {strides = array<i32>} : memref<128x128xf32, #tpu.memory_space<vmem>>, vector<1x16xf32>,
      %swap3A_143 = vector.shape_cast %swap3A_142 : vector<1x16xf32> to vector<16xf32>
      %swap3A_144 = vector.shape_cast %broadcast_in_dim3A_1 : vector<16xf32> to vector<1x16xf32>
      tpu.vector_store %arg7[%swap3A_140, %swap3A_141], %swap3A_144 {strides = array<i32>} : memref<128x128xf32, #tpu.memory_space<vmem>>, vector<1x16xf32>,
      %swap3A_145 = arith.index_cast %scan3A_135 : i32 to index
      %swap3A_146 = arith.constant 32 : index
      %swap3A_147 = tpu.vector_load %arg7[%swap3A_145, %swap3A_146] {strides = array<i32>} : memref<128x128xf32, #tpu.memory_space<vmem>>, vector<1x16xf32>,
      %swap3A_148 = vector.shape_cast %swap3A_147 : vector<1x16xf32> to vector<16xf32>
      %swap3A_149 = vector.shape_cast %broadcast_in_dim3A_1 : vector<16xf32> to vector<1x16xf32>
      tpu.vector_store %arg7[%swap3A_145, %swap3A_146], %swap3A_149 {strides = array<i32>} : memref<128x128xf32, #tpu.memory_space<vmem>>, vector<1x16xf32>,
      %swap3A_150 = arith.index_cast %scan3A_135 : i32 to index
      %swap3A_151 = arith.constant 48 : index
      %swap3A_152 = tpu.vector_load %arg7[%swap3A_150, %swap3A_151] {strides = array<i32>} : memref<128x128xf32, #tpu.memory_space<vmem>>, vector<1x16xf32>,
      %swap3A_153 = vector.shape_cast %swap3A_152 : vector<1x16xf32> to vector<16xf32>
      %swap3A_154 = vector.shape_cast %broadcast_in_dim3A_1 : vector<16xf32> to vector<1x16xf32>
      tpu.vector_store %arg7[%swap3A_150, %swap3A_151], %swap3A_154 {strides = array<i32>} : memref<128x128xf32, #tpu.memory_space<vmem>>, vector<1x16xf32>,
      %swap3A_155 = arith.index_cast %scan3A_135 : i32 to index
      %swap3A_156 = arith.constant 64 : index
      %swap3A_157 = tpu.vector_load %arg7[%swap3A_155, %swap3A_156] {strides = array<i32>} : memref<128x128xf32, #tpu.memory_space<vmem>>, vector<1x16xf32>,
      %swap3A_158 = vector.shape_cast %swap3A_157 : vector<1x16xf32> to vector<16xf32>
      %swap3A_159 = vector.shape_cast %broadcast_in_dim3A_1 : vector<16xf32> to vector<1x16xf32>
      tpu.vector_store %arg7[%swap3A_155, %swap3A_156], %swap3A_159 {strides = array<i32>} : memref<128x128xf32, #tpu.memory_space<vmem>>, vector<1x16xf32>,
      %swap3A_160 = arith.index_cast %scan3A_135 : i32 to index
      %swap3A_161 = arith.constant 80 : index
      %swap3A_162 = tpu.vector_load %arg7[%swap3A_160, %swap3A_161] {strides = array<i32>} : memref<128x128xf32, #tpu.memory_space<vmem>>, vector<1x16xf32>,
      %swap3A_163 = vector.shape_cast %swap3A_162 : vector<1x16xf32> to vector<16xf32>
      %swap3A_164 = vector.shape_cast %broadcast_in_dim3A_1 : vector<16xf32> to vector<1x16xf32>
      tpu.vector_store %arg7[%swap3A_160, %swap3A_161], %swap3A_164 {strides = array<i32>} : memref<128x128xf32, #tpu.memory_space<vmem>>, vector<1x16xf32>,
      %swap3A_165 = arith.index_cast %scan3A_135 : i32 to index
      %swap3A_166 = arith.constant 96 : index
      %swap3A_167 = tpu.vector_load %arg7[%swap3A_165, %swap3A_166] {strides = array<i32>} : memref<128x128xf32, #tpu.memory_space<vmem>>, vector<1x16xf32>,
      %swap3A_168 = vector.shape_cast %swap3A_167 : vector<1x16xf32> to vector<16xf32>
      %swap3A_169 = vector.shape_cast %broadcast_in_dim3A_1 : vector<16xf32> to vector<1x16xf32>
      tpu.vector_store %arg7[%swap3A_165, %swap3A_166], %swap3A_169 {strides = array<i32>} : memref<128x128xf32, #tpu.memory_space<vmem>>, vector<1x16xf32>,
      %swap3A_170 = arith.index_cast %scan3A_135 : i32 to index
      %swap3A_171 = arith.constant 112 : index
      %swap3A_172 = tpu.vector_load %arg7[%swap3A_170, %swap3A_171] {strides = array<i32>} : memref<128x128xf32, #tpu.memory_space<vmem>>, vector<1x16xf32>,
      %swap3A_173 = vector.shape_cast %swap3A_172 : vector<1x16xf32> to vector<16xf32>
      %swap3A_174 = vector.shape_cast %broadcast_in_dim3A_1 : vector<16xf32> to vector<1x16xf32>
      tpu.vector_store %arg7[%swap3A_170, %swap3A_171], %swap3A_174 {strides = array<i32>} : memref<128x128xf32, #tpu.memory_space<vmem>>, vector<1x16xf32>,
    }
    %scan3A_6 = arith.constant 128 : i32
    %add3A = arith.constant 0 : i32
    %add3A_7 = arith.addi %mul3A_0, %add3A : i32
    "tpu.region"() ({
      %run_scoped3A = tpu.sem_alloc : memref<!tpu.dma_semaphore, #tpu.memory_space<semaphore_mem>>
      %dma_start3A_135 = arith.constant 0 : i32
      %dma_start3A_136 = tpu.memref_slice %arg9[%add3A_7, %dma_start3A_135] : memref<10008x128xf32, #tpu.memory_space<vmem_shared>> -> memref<128x128xf32, #tpu.memory_space<vmem_shared>>
      %dma_start3A_137 = arith.constant 0 : i32
      %dma_start3A_138 = tpu.memref_slice %arg9[%add3A_7, %dma_start3A_137] : memref<10008x128xf32, #tpu.memory_space<vmem_shared>> -> memref<128x128xf32, #tpu.memory_space<vmem_shared>>
      tpu.enqueue_dma source(%arg7 : memref<128x128xf32, #tpu.memory_space<vmem>>) target(%dma_start3A_138 : memref<128x128xf32, #tpu.memory_space<vmem_shared>>) target_semaphore(%run_scoped3A : memref<!tpu.dma_semaphore, #tpu.memory_space<semaphore_mem>>)
      %dma_wait3A = arith.constant 0 : i32
      %dma_wait3A_139 = tpu.memref_slice %arg9[%add3A_7, %dma_wait3A] : memref<10008x128xf32, #tpu.memory_space<vmem_shared>> -> memref<128x128xf32, #tpu.memory_space<vmem_shared>>
      %dma_wait3A_140 = arith.constant 0 : i32
      %dma_wait3A_141 = tpu.memref_slice %arg9[%add3A_7, %dma_wait3A_140] : memref<10008x128xf32, #tpu.memory_space<vmem_shared>> -> memref<128x128xf32, #tpu.memory_space<vmem_shared>>
      tpu.wait_dma2 semaphore(%run_scoped3A : memref<!tpu.dma_semaphore, #tpu.memory_space<semaphore_mem>>) src(%arg7 : memref<128x128xf32, #tpu.memory_space<vmem>>) dst(%dma_wait3A_141 : memref<128x128xf32, #tpu.memory_space<vmem_shared>>)
      tpu.yield
    }) : () -> ()
    %add3A_8 = arith.constant 128 : i32
    %add3A_9 = arith.addi %mul3A_0, %add3A_8 : i32
    "tpu.region"() ({
      %run_scoped3A = tpu.sem_alloc : memref<!tpu.dma_semaphore, #tpu.memory_space<semaphore_mem>>
      %dma_start3A_135 = arith.constant 0 : i32
      %dma_start3A_136 = tpu.memref_slice %arg9[%add3A_9, %dma_start3A_135] : memref<10008x128xf32, #tpu.memory_space<vmem_shared>> -> memref<128x128xf32, #tpu.memory_space<vmem_shared>>
      %dma_start3A_137 = arith.constant 0 : i32
      %dma_start3A_138 = tpu.memref_slice %arg9[%add3A_9, %dma_start3A_137] : memref<10008x128xf32, #tpu.memory_space<vmem_shared>> -> memref<128x128xf32, #tpu.memory_space<vmem_shared>>
      tpu.enqueue_dma source(%arg7 : memref<128x128xf32, #tpu.memory_space<vmem>>) target(%dma_start3A_138 : memref<128x128xf32, #tpu.memory_space<vmem_shared>>) target_semaphore(%run_scoped3A : memref<!tpu.dma_semaphore, #tpu.memory_space<semaphore_mem>>)
      %dma_wait3A = arith.constant 0 : i32
      %dma_wait3A_139 = tpu.memref_slice %arg9[%add3A_9, %dma_wait3A] : memref<10008x128xf32, #tpu.memory_space<vmem_shared>> -> memref<128x128xf32, #tpu.memory_space<vmem_shared>>
      %dma_wait3A_140 = arith.constant 0 : i32
      %dma_wait3A_141 = tpu.memref_slice %arg9[%add3A_9, %dma_wait3A_140] : memref<10008x128xf32, #tpu.memory_space<vmem_shared>> -> memref<128x128xf32, #tpu.memory_space<vmem_shared>>
      tpu.wait_dma2 semaphore(%run_scoped3A : memref<!tpu.dma_semaphore, #tpu.memory_space<semaphore_mem>>) src(%arg7 : memref<128x128xf32, #tpu.memory_space<vmem>>) dst(%dma_wait3A_141 : memref<128x128xf32, #tpu.memory_space<vmem_shared>>)
      tpu.yield
    }) : () -> ()
    %add3A_10 = arith.constant 256 : i32
    %add3A_11 = arith.addi %mul3A_0, %add3A_10 : i32
    "tpu.region"() ({
      %run_scoped3A = tpu.sem_alloc : memref<!tpu.dma_semaphore, #tpu.memory_space<semaphore_mem>>
      %dma_start3A_135 = arith.constant 0 : i32
      %dma_start3A_136 = tpu.memref_slice %arg9[%add3A_11, %dma_start3A_135] : memref<10008x128xf32, #tpu.memory_space<vmem_shared>> -> memref<128x128xf32, #tpu.memory_space<vmem_shared>>
      %dma_start3A_137 = arith.constant 0 : i32
      %dma_start3A_138 = tpu.memref_slice %arg9[%add3A_11, %dma_start3A_137] : memref<10008x128xf32, #tpu.memory_space<vmem_shared>> -> memref<128x128xf32, #tpu.memory_space<vmem_shared>>
      tpu.enqueue_dma source(%arg7 : memref<128x128xf32, #tpu.memory_space<vmem>>) target(%dma_start3A_138 : memref<128x128xf32, #tpu.memory_space<vmem_shared>>) target_semaphore(%run_scoped3A : memref<!tpu.dma_semaphore, #tpu.memory_space<semaphore_mem>>)
      %dma_wait3A = arith.constant 0 : i32
      %dma_wait3A_139 = tpu.memref_slice %arg9[%add3A_11, %dma_wait3A] : memref<10008x128xf32, #tpu.memory_space<vmem_shared>> -> memref<128x128xf32, #tpu.memory_space<vmem_shared>>
      %dma_wait3A_140 = arith.constant 0 : i32
      %dma_wait3A_141 = tpu.memref_slice %arg9[%add3A_11, %dma_wait3A_140] : memref<10008x128xf32, #tpu.memory_space<vmem_shared>> -> memref<128x128xf32, #tpu.memory_space<vmem_shared>>
      tpu.wait_dma2 semaphore(%run_scoped3A : memref<!tpu.dma_semaphore, #tpu.memory_space<semaphore_mem>>) src(%arg7 : memref<128x128xf32, #tpu.memory_space<vmem>>) dst(%dma_wait3A_141 : memref<128x128xf32, #tpu.memory_space<vmem_shared>>)
      tpu.yield
    }) : () -> ()
    %add3A_12 = arith.constant 384 : i32
    %add3A_13 = arith.addi %mul3A_0, %add3A_12 : i32
    "tpu.region"() ({
      %run_scoped3A = tpu.sem_alloc : memref<!tpu.dma_semaphore, #tpu.memory_space<semaphore_mem>>
      %dma_start3A_135 = arith.constant 0 : i32
      %dma_start3A_136 = tpu.memref_slice %arg9[%add3A_13, %dma_start3A_135] : memref<10008x128xf32, #tpu.memory_space<vmem_shared>> -> memref<128x128xf32, #tpu.memory_space<vmem_shared>>
      %dma_start3A_137 = arith.constant 0 : i32
      %dma_start3A_138 = tpu.memref_slice %arg9[%add3A_13, %dma_start3A_137] : memref<10008x128xf32, #tpu.memory_space<vmem_shared>> -> memref<128x128xf32, #tpu.memory_space<vmem_shared>>
      tpu.enqueue_dma source(%arg7 : memref<128x128xf32, #tpu.memory_space<vmem>>) target(%dma_start3A_138 : memref<128x128xf32, #tpu.memory_space<vmem_shared>>) target_semaphore(%run_scoped3A : memref<!tpu.dma_semaphore, #tpu.memory_space<semaphore_mem>>)
      %dma_wait3A = arith.constant 0 : i32
      %dma_wait3A_139 = tpu.memref_slice %arg9[%add3A_13, %dma_wait3A] : memref<10008x128xf32, #tpu.memory_space<vmem_shared>> -> memref<128x128xf32, #tpu.memory_space<vmem_shared>>
      %dma_wait3A_140 = arith.constant 0 : i32
      %dma_wait3A_141 = tpu.memref_slice %arg9[%add3A_13, %dma_wait3A_140] : memref<10008x128xf32, #tpu.memory_space<vmem_shared>> -> memref<128x128xf32, #tpu.memory_space<vmem_shared>>
      tpu.wait_dma2 semaphore(%run_scoped3A : memref<!tpu.dma_semaphore, #tpu.memory_space<semaphore_mem>>) src(%arg7 : memref<128x128xf32, #tpu.memory_space<vmem>>) dst(%dma_wait3A_141 : memref<128x128xf32, #tpu.memory_space<vmem_shared>>)
      tpu.yield
    }) : () -> ()
    %add3A_14 = arith.constant 624 : i32
    %add3A_15 = arith.addi %mul3A_0, %add3A_14 : i32
    %sub3A = arith.constant 112 : i32
    %sub3A_16 = arith.subi %add3A_15, %sub3A : i32
    "tpu.region"() ({
      %run_scoped3A = tpu.sem_alloc : memref<!tpu.dma_semaphore, #tpu.memory_space<semaphore_mem>>
      %dma_start3A_135 = arith.constant 0 : i32
      %dma_start3A_136 = arith.constant 0 : i32
      %dma_start3A_137 = tpu.memref_slice %arg7[%dma_start3A_135, %dma_start3A_136] : memref<128x128xf32, #tpu.memory_space<vmem>> -> memref<112x128xf32, #tpu.memory_space<vmem>>
      %dma_start3A_138 = arith.constant 0 : i32
      %dma_start3A_139 = tpu.memref_slice %arg9[%sub3A_16, %dma_start3A_138] : memref<10008x128xf32, #tpu.memory_space<vmem_shared>> -> memref<112x128xf32, #tpu.memory_space<vmem_shared>>
      %dma_start3A_140 = arith.constant 0 : i32
      %dma_start3A_141 = tpu.memref_slice %arg9[%sub3A_16, %dma_start3A_140] : memref<10008x128xf32, #tpu.memory_space<vmem_shared>> -> memref<112x128xf32, #tpu.memory_space<vmem_shared>>
      %dma_start3A_142 = arith.constant 0 : i32
      %dma_start3A_143 = arith.constant 0 : i32
      %dma_start3A_144 = tpu.memref_slice %arg7[%dma_start3A_142, %dma_start3A_143] : memref<128x128xf32, #tpu.memory_space<vmem>> -> memref<112x128xf32, #tpu.memory_space<vmem>>
      tpu.enqueue_dma source(%dma_start3A_144 : memref<112x128xf32, #tpu.memory_space<vmem>>) target(%dma_start3A_141 : memref<112x128xf32, #tpu.memory_space<vmem_shared>>) target_semaphore(%run_scoped3A : memref<!tpu.dma_semaphore, #tpu.memory_space<semaphore_mem>>)
      %dma_wait3A = arith.constant 0 : i32
      %dma_wait3A_145 = arith.constant 0 : i32
      %dma_wait3A_146 = tpu.memref_slice %arg7[%dma_wait3A, %dma_wait3A_145] : memref<128x128xf32, #tpu.memory_space<vmem>> -> memref<112x128xf32, #tpu.memory_space<vmem>>
      %dma_wait3A_147 = arith.constant 0 : i32
      %dma_wait3A_148 = tpu.memref_slice %arg9[%sub3A_16, %dma_wait3A_147] : memref<10008x128xf32, #tpu.memory_space<vmem_shared>> -> memref<112x128xf32, #tpu.memory_space<vmem_shared>>
      %dma_wait3A_149 = arith.constant 0 : i32
      %dma_wait3A_150 = tpu.memref_slice %arg9[%sub3A_16, %dma_wait3A_149] : memref<10008x128xf32, #tpu.memory_space<vmem_shared>> -> memref<112x128xf32, #tpu.memory_space<vmem_shared>>
      %dma_wait3A_151 = arith.constant 0 : i32
      %dma_wait3A_152 = arith.constant 0 : i32
      %dma_wait3A_153 = tpu.memref_slice %arg7[%dma_wait3A_151, %dma_wait3A_152] : memref<128x128xf32, #tpu.memory_space<vmem>> -> memref<112x128xf32, #tpu.memory_space<vmem>>
      tpu.wait_dma2 semaphore(%run_scoped3A : memref<!tpu.dma_semaphore, #tpu.memory_space<semaphore_mem>>) src(%dma_wait3A_153 : memref<112x128xf32, #tpu.memory_space<vmem>>) dst(%dma_wait3A_150 : memref<112x128xf32, #tpu.memory_space<vmem_shared>>)
      tpu.yield
    }) : () -> ()
    %eq3A = arith.constant 15 : i32
    %eq3A_17 = arith.cmpi eq, %arg1, %eq3A : i32
    %convert_element_type3A = arith.extui %eq3A_17 : i1 to i32
    %cond3A = arith.constant 0 : i32
    %cond3A_18 = arith.cmpi ne, %convert_element_type3A, %cond3A : i32
    scf.if %cond3A_18 {
      "tpu.region"() ({
        %run_scoped3A = tpu.sem_alloc : memref<!tpu.dma_semaphore, #tpu.memory_space<semaphore_mem>>
        %dma_start3A_135 = arith.constant 0 : i32
        %dma_start3A_136 = arith.constant 0 : i32
        %dma_start3A_137 = tpu.memref_slice %arg7[%dma_start3A_135, %dma_start3A_136] : memref<128x128xf32, #tpu.memory_space<vmem>> -> memref<24x128xf32, #tpu.memory_space<vmem>>
        %dma_start3A_138 = arith.constant 9984 : i32
        %dma_start3A_139 = arith.constant 0 : i32
        %dma_start3A_140 = tpu.memref_slice %arg9[%dma_start3A_138, %dma_start3A_139] : memref<10008x128xf32, #tpu.memory_space<vmem_shared>> -> memref<24x128xf32, #tpu.memory_space<vmem_shared>>
        %dma_start3A_141 = arith.constant 9984 : i32
        %dma_start3A_142 = arith.constant 0 : i32
        %dma_start3A_143 = tpu.memref_slice %arg9[%dma_start3A_141, %dma_start3A_142] : memref<10008x128xf32, #tpu.memory_space<vmem_shared>> -> memref<24x128xf32, #tpu.memory_space<vmem_shared>>
        %dma_start3A_144 = arith.constant 0 : i32
        %dma_start3A_145 = arith.constant 0 : i32
        %dma_start3A_146 = tpu.memref_slice %arg7[%dma_start3A_144, %dma_start3A_145] : memref<128x128xf32, #tpu.memory_space<vmem>> -> memref<24x128xf32, #tpu.memory_space<vmem>>
        tpu.enqueue_dma source(%dma_start3A_146 : memref<24x128xf32, #tpu.memory_space<vmem>>) target(%dma_start3A_143 : memref<24x128xf32, #tpu.memory_space<vmem_shared>>) target_semaphore(%run_scoped3A : memref<!tpu.dma_semaphore, #tpu.memory_space<semaphore_mem>>)
        %dma_wait3A = arith.constant 0 : i32
        %dma_wait3A_147 = arith.constant 0 : i32
        %dma_wait3A_148 = tpu.memref_slice %arg7[%dma_wait3A, %dma_wait3A_147] : memref<128x128xf32, #tpu.memory_space<vmem>> -> memref<24x128xf32, #tpu.memory_space<vmem>>
        %dma_wait3A_149 = arith.constant 9984 : i32
        %dma_wait3A_150 = arith.constant 0 : i32
        %dma_wait3A_151 = tpu.memref_slice %arg9[%dma_wait3A_149, %dma_wait3A_150] : memref<10008x128xf32, #tpu.memory_space<vmem_shared>> -> memref<24x128xf32, #tpu.memory_space<vmem_shared>>
        %dma_wait3A_152 = arith.constant 9984 : i32
        %dma_wait3A_153 = arith.constant 0 : i32
        %dma_wait3A_154 = tpu.memref_slice %arg9[%dma_wait3A_152, %dma_wait3A_153] : memref<10008x128xf32, #tpu.memory_space<vmem_shared>> -> memref<24x128xf32, #tpu.memory_space<vmem_shared>>
        %dma_wait3A_155 = arith.constant 0 : i32
        %dma_wait3A_156 = arith.constant 0 : i32
        %dma_wait3A_157 = tpu.memref_slice %arg7[%dma_wait3A_155, %dma_wait3A_156] : memref<128x128xf32, #tpu.memory_space<vmem>> -> memref<24x128xf32, #tpu.memory_space<vmem>>
        tpu.wait_dma2 semaphore(%run_scoped3A : memref<!tpu.dma_semaphore, #tpu.memory_space<semaphore_mem>>) src(%dma_wait3A_157 : memref<24x128xf32, #tpu.memory_space<vmem>>) dst(%dma_wait3A_154 : memref<24x128xf32, #tpu.memory_space<vmem_shared>>)
        tpu.yield
      }) : () -> ()
    } else {
    }
    %barrier3A = arith.constant 0 : index
    tpu.barrier barrier_id(%barrier3A)
    %mul3A_19 = arith.constant 4 : i32
    %mul3A_20 = arith.muli %arg1, %mul3A_19 : i32
    %add3A_21 = arith.constant 0 : i32
    %add3A_22 = arith.addi %mul3A_20, %add3A_21 : i32
    "tpu.region"() ({
      %run_scoped3A = tpu.sem_alloc : memref<!tpu.dma_semaphore, #tpu.memory_space<semaphore_mem>>
      %dma_start3A_135 = arith.constant 0 : i32
      %dma_start3A_136 = arith.constant 0 : i32
      %dma_start3A_137 = tpu.memref_slice %arg3[%add3A_22, %dma_start3A_135, %dma_start3A_136] : memref<128x20x128xi32, #tpu.memory_space<hbm>> -> memref<1x20x128xi32, #tpu.memory_space<hbm>>
      %dma_start3A_138 = tpu.memref_squeeze %dma_start3A_137 : memref<1x20x128xi32, #tpu.memory_space<hbm>> -> memref<20x128xi32, #tpu.memory_space<hbm>>
      %dma_start3A_139 = arith.constant 0 : i32
      %dma_start3A_140 = arith.constant 0 : i32
      %dma_start3A_141 = tpu.memref_slice %arg3[%add3A_22, %dma_start3A_139, %dma_start3A_140] : memref<128x20x128xi32, #tpu.memory_space<hbm>> -> memref<1x20x128xi32, #tpu.memory_space<hbm>>
      %dma_start3A_142 = tpu.memref_squeeze %dma_start3A_141 : memref<1x20x128xi32, #tpu.memory_space<hbm>> -> memref<20x128xi32, #tpu.memory_space<hbm>>
      tpu.enqueue_dma source(%dma_start3A_142 : memref<20x128xi32, #tpu.memory_space<hbm>>) target(%arg5 : memref<20x128xi32, #tpu.memory_space<vmem>>) target_semaphore(%run_scoped3A : memref<!tpu.dma_semaphore, #tpu.memory_space<semaphore_mem>>)
      %dma_wait3A = arith.constant 0 : i32
      %dma_wait3A_143 = arith.constant 0 : i32
      %dma_wait3A_144 = tpu.memref_slice %arg3[%add3A_22, %dma_wait3A, %dma_wait3A_143] : memref<128x20x128xi32, #tpu.memory_space<hbm>> -> memref<1x20x128xi32, #tpu.memory_space<hbm>>
      %dma_wait3A_145 = tpu.memref_squeeze %dma_wait3A_144 : memref<1x20x128xi32, #tpu.memory_space<hbm>> -> memref<20x128xi32, #tpu.memory_space<hbm>>
      %dma_wait3A_146 = arith.constant 0 : i32
      %dma_wait3A_147 = arith.constant 0 : i32
      %dma_wait3A_148 = tpu.memref_slice %arg3[%add3A_22, %dma_wait3A_146, %dma_wait3A_147] : memref<128x20x128xi32, #tpu.memory_space<hbm>> -> memref<1x20x128xi32, #tpu.memory_space<hbm>>
      %dma_wait3A_149 = tpu.memref_squeeze %dma_wait3A_148 : memref<1x20x128xi32, #tpu.memory_space<hbm>> -> memref<20x128xi32, #tpu.memory_space<hbm>>
      tpu.wait_dma2 semaphore(%run_scoped3A : memref<!tpu.dma_semaphore, #tpu.memory_space<semaphore_mem>>) src(%dma_wait3A_149 : memref<20x128xi32, #tpu.memory_space<hbm>>) dst(%arg5 : memref<20x128xi32, #tpu.memory_space<vmem>>)
      tpu.yield
    }) : () -> ()
    %add3A_23 = arith.constant 16 : i32
    %add3A_24 = arith.addi %add3A_23, %arg1 : i32
    %mul3A_25 = arith.constant 4 : i32
    %mul3A_26 = arith.muli %add3A_24, %mul3A_25 : i32
    %add3A_27 = arith.constant 0 : i32
    %add3A_28 = arith.addi %mul3A_26, %add3A_27 : i32
    "tpu.region"() ({
      %run_scoped3A = tpu.sem_alloc : memref<!tpu.dma_semaphore, #tpu.memory_space<semaphore_mem>>
      %dma_start3A_135 = arith.constant 0 : i32
      %dma_start3A_136 = arith.constant 0 : i32
      %dma_start3A_137 = tpu.memref_slice %arg3[%add3A_28, %dma_start3A_135, %dma_start3A_136] : memref<128x20x128xi32, #tpu.memory_space<hbm>> -> memref<1x20x128xi32, #tpu.memory_space<hbm>>
      %dma_start3A_138 = tpu.memref_squeeze %dma_start3A_137 : memref<1x20x128xi32, #tpu.memory_space<hbm>> -> memref<20x128xi32, #tpu.memory_space<hbm>>
      %dma_start3A_139 = arith.constant 0 : i32
      %dma_start3A_140 = arith.constant 0 : i32
      %dma_start3A_141 = tpu.memref_slice %arg3[%add3A_28, %dma_start3A_139, %dma_start3A_140] : memref<128x20x128xi32, #tpu.memory_space<hbm>> -> memref<1x20x128xi32, #tpu.memory_space<hbm>>
      %dma_start3A_142 = tpu.memref_squeeze %dma_start3A_141 : memref<1x20x128xi32, #tpu.memory_space<hbm>> -> memref<20x128xi32, #tpu.memory_space<hbm>>
      tpu.enqueue_dma source(%dma_start3A_142 : memref<20x128xi32, #tpu.memory_space<hbm>>) target(%arg6 : memref<20x128xi32, #tpu.memory_space<vmem>>) target_semaphore(%run_scoped3A : memref<!tpu.dma_semaphore, #tpu.memory_space<semaphore_mem>>)
      %dma_wait3A = arith.constant 0 : i32
      %dma_wait3A_143 = arith.constant 0 : i32
      %dma_wait3A_144 = tpu.memref_slice %arg3[%add3A_28, %dma_wait3A, %dma_wait3A_143] : memref<128x20x128xi32, #tpu.memory_space<hbm>> -> memref<1x20x128xi32, #tpu.memory_space<hbm>>
      %dma_wait3A_145 = tpu.memref_squeeze %dma_wait3A_144 : memref<1x20x128xi32, #tpu.memory_space<hbm>> -> memref<20x128xi32, #tpu.memory_space<hbm>>
      %dma_wait3A_146 = arith.constant 0 : i32
      %dma_wait3A_147 = arith.constant 0 : i32
      %dma_wait3A_148 = tpu.memref_slice %arg3[%add3A_28, %dma_wait3A_146, %dma_wait3A_147] : memref<128x20x128xi32, #tpu.memory_space<hbm>> -> memref<1x20x128xi32, #tpu.memory_space<hbm>>
      %dma_wait3A_149 = tpu.memref_squeeze %dma_wait3A_148 : memref<1x20x128xi32, #tpu.memory_space<hbm>> -> memref<20x128xi32, #tpu.memory_space<hbm>>
      tpu.wait_dma2 semaphore(%run_scoped3A : memref<!tpu.dma_semaphore, #tpu.memory_space<semaphore_mem>>) src(%dma_wait3A_149 : memref<20x128xi32, #tpu.memory_space<hbm>>) dst(%arg6 : memref<20x128xi32, #tpu.memory_space<vmem>>)
      tpu.yield
    }) : () -> ()
    %dma_start3A = arith.constant 0 : i32
    %dma_start3A_29 = arith.constant 0 : i32
    %dma_start3A_30 = tpu.memref_slice %arg5[%dma_start3A, %dma_start3A_29] : memref<20x128xi32, #tpu.memory_space<vmem>> -> memref<1x128xi32, #tpu.memory_space<vmem>>
    %dma_start3A_31 = tpu.memref_squeeze %dma_start3A_30 : memref<1x128xi32, #tpu.memory_space<vmem>> -> memref<128xi32, #tpu.memory_space<vmem>>
    %dma_start3A_32 = arith.constant 0 : i32
    %dma_start3A_33 = arith.constant 0 : i32
    %dma_start3A_34 = tpu.memref_slice %arg2[%arg0, %dma_start3A_32, %dma_start3A_33] : memref<2x10000x128xf32, #tpu.memory_space<hbm>> -> memref<1x10000x128xf32, #tpu.memory_space<hbm>>
    %dma_start3A_35 = tpu.memref_squeeze %dma_start3A_34 : memref<1x10000x128xf32, #tpu.memory_space<hbm>> -> memref<10000x128xf32, #tpu.memory_space<hbm>>
    %dma_start3A_36 = arith.constant 0 : i32
    %dma_start3A_37 = arith.constant 0 : i32
    %dma_start3A_38 = tpu.memref_slice %dma_start3A_35[%dma_start3A_36, %dma_start3A_37] : memref<10000x128xf32, #tpu.memory_space<hbm>> -> memref<10000x128xf32, #tpu.memory_space<hbm>>
    tpu.enqueue_indirect_dma source(%dma_start3A_38 : memref<10000x128xf32, #tpu.memory_space<hbm>>) target(%arg7 : memref<128x128xf32, #tpu.memory_space<vmem>>) offsets(%dma_start3A_31 : memref<128xi32, #tpu.memory_space<vmem>>) semaphore(%arg10 : memref<!tpu.dma_semaphore, #tpu.memory_space<semaphore_mem>>)
    %scan3A_39 = arith.constant 0 : i32
    %scan3A_40 = arith.constant 0 : i32
    %scan3A_41 = arith.constant 10 : i32
    %scan3A_42 = arith.addi %scan3A_40, %scan3A_41 : i32
    %scan3A_43 = arith.constant 1 : i32
    scf.for %scan3A_135 = %scan3A_40 to %scan3A_42 step %scan3A_43  : i32 {
      %mul3A_136 = arith.constant 2 : i32
      %mul3A_137 = arith.muli %mul3A_136, %scan3A_135 : i32
      %add3A_138 = arith.constant 0 : i32
      %add3A_139 = arith.addi %add3A_138, %mul3A_137 : i32
      %dma_wait3A = arith.constant 0 : i32
      %dma_wait3A_140 = arith.constant 0 : i32
      %dma_wait3A_141 = tpu.memref_slice %arg5[%dma_wait3A, %dma_wait3A_140] : memref<20x128xi32, #tpu.memory_space<vmem>> -> memref<1x128xi32, #tpu.memory_space<vmem>>
      %dma_wait3A_142 = tpu.memref_squeeze %dma_wait3A_141 : memref<1x128xi32, #tpu.memory_space<vmem>> -> memref<128xi32, #tpu.memory_space<vmem>>
      %dma_wait3A_143 = arith.constant 0 : i32
      %dma_wait3A_144 = arith.constant 0 : i32
      %dma_wait3A_145 = tpu.memref_slice %arg2[%arg0, %dma_wait3A_143, %dma_wait3A_144] : memref<2x10000x128xf32, #tpu.memory_space<hbm>> -> memref<1x10000x128xf32, #tpu.memory_space<hbm>>
      %dma_wait3A_146 = tpu.memref_squeeze %dma_wait3A_145 : memref<1x10000x128xf32, #tpu.memory_space<hbm>> -> memref<10000x128xf32, #tpu.memory_space<hbm>>
      %dma_wait3A_147 = arith.constant 0 : i32
      %dma_wait3A_148 = arith.constant 0 : i32
      %dma_wait3A_149 = tpu.memref_slice %dma_wait3A_146[%dma_wait3A_147, %dma_wait3A_148] : memref<10000x128xf32, #tpu.memory_space<hbm>> -> memref<10000x128xf32, #tpu.memory_space<hbm>>
      tpu.wait_indirect_dma semaphore(%arg10 : memref<!tpu.dma_semaphore, #tpu.memory_space<semaphore_mem>>) src(%dma_wait3A_149 : memref<10000x128xf32, #tpu.memory_space<hbm>>) dst(%arg7 : memref<128x128xf32, #tpu.memory_space<vmem>>)
      %add3A_150 = arith.constant 1 : i32
      %add3A_151 = arith.addi %mul3A_137, %add3A_150 : i32
      %dma_start3A_152 = arith.constant 0 : i32
      %dma_start3A_153 = tpu.memref_slice %arg5[%add3A_151, %dma_start3A_152] : memref<20x128xi32, #tpu.memory_space<vmem>> -> memref<1x128xi32, #tpu.memory_space<vmem>>
      %dma_start3A_154 = tpu.memref_squeeze %dma_start3A_153 : memref<1x128xi32, #tpu.memory_space<vmem>> -> memref<128xi32, #tpu.memory_space<vmem>>
      %dma_start3A_155 = arith.constant 0 : i32
      %dma_start3A_156 = arith.constant 0 : i32
      %dma_start3A_157 = tpu.memref_slice %arg2[%arg0, %dma_start3A_155, %dma_start3A_156] : memref<2x10000x128xf32, #tpu.memory_space<hbm>> -> memref<1x10000x128xf32, #tpu.memory_space<hbm>>
      %dma_start3A_158 = tpu.memref_squeeze %dma_start3A_157 : memref<1x10000x128xf32, #tpu.memory_space<hbm>> -> memref<10000x128xf32, #tpu.memory_space<hbm>>
      %dma_start3A_159 = arith.constant 0 : i32
      %dma_start3A_160 = arith.constant 0 : i32
      %dma_start3A_161 = tpu.memref_slice %dma_start3A_158[%dma_start3A_159, %dma_start3A_160] : memref<10000x128xf32, #tpu.memory_space<hbm>> -> memref<10000x128xf32, #tpu.memory_space<hbm>>
      tpu.enqueue_indirect_dma source(%dma_start3A_161 : memref<10000x128xf32, #tpu.memory_space<hbm>>) target(%arg8 : memref<128x128xf32, #tpu.memory_space<vmem>>) offsets(%dma_start3A_154 : memref<128xi32, #tpu.memory_space<vmem>>) semaphore(%arg11 : memref<!tpu.dma_semaphore, #tpu.memory_space<semaphore_mem>>)
      "tpu.region"() ({
        %run_scoped3A = tpu.sem_alloc : memref<!tpu.dma_semaphore, #tpu.memory_space<semaphore_mem>>
        %dma_start3A_180 = arith.constant 0 : i32
        %dma_start3A_181 = tpu.memref_slice %arg6[%mul3A_137, %dma_start3A_180] : memref<20x128xi32, #tpu.memory_space<vmem>> -> memref<1x128xi32, #tpu.memory_space<vmem>>
        %dma_start3A_182 = tpu.memref_squeeze %dma_start3A_181 : memref<1x128xi32, #tpu.memory_space<vmem>> -> memref<128xi32, #tpu.memory_space<vmem>>
        %dma_start3A_183 = arith.constant 0 : i32
        %dma_start3A_184 = arith.constant 0 : i32
        %dma_start3A_185 = tpu.memref_slice %arg9[%dma_start3A_183, %dma_start3A_184] : memref<10008x128xf32, #tpu.memory_space<vmem_shared>> -> memref<10008x128xf32, #tpu.memory_space<vmem_shared>>
        tpu.enqueue_indirect_dma source(%arg7 : memref<128x128xf32, #tpu.memory_space<vmem>>) target(%dma_start3A_185 : memref<10008x128xf32, #tpu.memory_space<vmem_shared>>) offsets(%dma_start3A_182 : memref<128xi32, #tpu.memory_space<vmem>>) semaphore(%run_scoped3A : memref<!tpu.dma_semaphore, #tpu.memory_space<semaphore_mem>>) {add = true}
        %dma_wait3A_186 = arith.constant 0 : i32
        %dma_wait3A_187 = tpu.memref_slice %arg6[%mul3A_137, %dma_wait3A_186] : memref<20x128xi32, #tpu.memory_space<vmem>> -> memref<1x128xi32, #tpu.memory_space<vmem>>
        %dma_wait3A_188 = tpu.memref_squeeze %dma_wait3A_187 : memref<1x128xi32, #tpu.memory_space<vmem>> -> memref<128xi32, #tpu.memory_space<vmem>>
        %dma_wait3A_189 = arith.constant 0 : i32
        %dma_wait3A_190 = arith.constant 0 : i32
        %dma_wait3A_191 = tpu.memref_slice %arg9[%dma_wait3A_189, %dma_wait3A_190] : memref<10008x128xf32, #tpu.memory_space<vmem_shared>> -> memref<10008x128xf32, #tpu.memory_space<vmem_shared>>
        tpu.wait_indirect_dma semaphore(%run_scoped3A : memref<!tpu.dma_semaphore, #tpu.memory_space<semaphore_mem>>) src(%arg7 : memref<128x128xf32, #tpu.memory_space<vmem>>) dst(%dma_wait3A_191 : memref<10008x128xf32, #tpu.memory_space<vmem_shared>>)
        tpu.yield
      }) : () -> ()
      %add3A_162 = arith.constant 2 : i32
      %add3A_163 = arith.addi %mul3A_137, %add3A_162 : i32
      %lt3A = arith.constant 20 : i32
      %lt3A_164 = arith.cmpi slt, %add3A_163, %lt3A : i32
      %convert_element_type3A_165 = arith.extui %lt3A_164 : i1 to i32
      %cond3A_166 = arith.constant 0 : i32
      %cond3A_167 = arith.cmpi ne, %convert_element_type3A_165, %cond3A_166 : i32
      scf.if %cond3A_167 {
        %add3A_180 = arith.constant 2 : i32
        %add3A_181 = arith.addi %mul3A_137, %add3A_180 : i32
        %dma_start3A_182 = arith.constant 0 : i32
        %dma_start3A_183 = tpu.memref_slice %arg5[%add3A_181, %dma_start3A_182] : memref<20x128xi32, #tpu.memory_space<vmem>> -> memref<1x128xi32, #tpu.memory_space<vmem>>
        %dma_start3A_184 = tpu.memref_squeeze %dma_start3A_183 : memref<1x128xi32, #tpu.memory_space<vmem>> -> memref<128xi32, #tpu.memory_space<vmem>>
        %dma_start3A_185 = arith.constant 0 : i32
        %dma_start3A_186 = arith.constant 0 : i32
        %dma_start3A_187 = tpu.memref_slice %arg2[%arg0, %dma_start3A_185, %dma_start3A_186] : memref<2x10000x128xf32, #tpu.memory_space<hbm>> -> memref<1x10000x128xf32, #tpu.memory_space<hbm>>
        %dma_start3A_188 = tpu.memref_squeeze %dma_start3A_187 : memref<1x10000x128xf32, #tpu.memory_space<hbm>> -> memref<10000x128xf32, #tpu.memory_space<hbm>>
        %dma_start3A_189 = arith.constant 0 : i32
        %dma_start3A_190 = arith.constant 0 : i32
        %dma_start3A_191 = tpu.memref_slice %dma_start3A_188[%dma_start3A_189, %dma_start3A_190] : memref<10000x128xf32, #tpu.memory_space<hbm>> -> memref<10000x128xf32, #tpu.memory_space<hbm>>
        tpu.enqueue_indirect_dma source(%dma_start3A_191 : memref<10000x128xf32, #tpu.memory_space<hbm>>) target(%arg7 : memref<128x128xf32, #tpu.memory_space<vmem>>) offsets(%dma_start3A_184 : memref<128xi32, #tpu.memory_space<vmem>>) semaphore(%arg10 : memref<!tpu.dma_semaphore, #tpu.memory_space<semaphore_mem>>)
      } else {
      }
      %dma_wait3A_168 = arith.constant 0 : i32
      %dma_wait3A_169 = tpu.memref_slice %arg5[%add3A_151, %dma_wait3A_168] : memref<20x128xi32, #tpu.memory_space<vmem>> -> memref<1x128xi32, #tpu.memory_space<vmem>>
      %dma_wait3A_170 = tpu.memref_squeeze %dma_wait3A_169 : memref<1x128xi32, #tpu.memory_space<vmem>> -> memref<128xi32, #tpu.memory_space<vmem>>
      %dma_wait3A_171 = arith.constant 0 : i32
      %dma_wait3A_172 = arith.constant 0 : i32
      %dma_wait3A_173 = tpu.memref_slice %arg2[%arg0, %dma_wait3A_171, %dma_wait3A_172] : memref<2x10000x128xf32, #tpu.memory_space<hbm>> -> memref<1x10000x128xf32, #tpu.memory_space<hbm>>
      %dma_wait3A_174 = tpu.memref_squeeze %dma_wait3A_173 : memref<1x10000x128xf32, #tpu.memory_space<hbm>> -> memref<10000x128xf32, #tpu.memory_space<hbm>>
      %dma_wait3A_175 = arith.constant 0 : i32
      %dma_wait3A_176 = arith.constant 0 : i32
      %dma_wait3A_177 = tpu.memref_slice %dma_wait3A_174[%dma_wait3A_175, %dma_wait3A_176] : memref<10000x128xf32, #tpu.memory_space<hbm>> -> memref<10000x128xf32, #tpu.memory_space<hbm>>
      tpu.wait_indirect_dma semaphore(%arg11 : memref<!tpu.dma_semaphore, #tpu.memory_space<semaphore_mem>>) src(%dma_wait3A_177 : memref<10000x128xf32, #tpu.memory_space<hbm>>) dst(%arg8 : memref<128x128xf32, #tpu.memory_space<vmem>>)
      %add3A_178 = arith.constant 1 : i32
      %add3A_179 = arith.addi %mul3A_137, %add3A_178 : i32
      "tpu.region"() ({
        %run_scoped3A = tpu.sem_alloc : memref<!tpu.dma_semaphore, #tpu.memory_space<semaphore_mem>>
        %dma_start3A_180 = arith.constant 0 : i32
        %dma_start3A_181 = tpu.memref_slice %arg6[%add3A_179, %dma_start3A_180] : memref<20x128xi32, #tpu.memory_space<vmem>> -> memref<1x128xi32, #tpu.memory_space<vmem>>
        %dma_start3A_182 = tpu.memref_squeeze %dma_start3A_181 : memref<1x128xi32, #tpu.memory_space<vmem>> -> memref<128xi32, #tpu.memory_space<vmem>>
        %dma_start3A_183 = arith.constant 0 : i32
        %dma_start3A_184 = arith.constant 0 : i32
        %dma_start3A_185 = tpu.memref_slice %arg9[%dma_start3A_183, %dma_start3A_184] : memref<10008x128xf32, #tpu.memory_space<vmem_shared>> -> memref<10008x128xf32, #tpu.memory_space<vmem_shared>>
        tpu.enqueue_indirect_dma source(%arg8 : memref<128x128xf32, #tpu.memory_space<vmem>>) target(%dma_start3A_185 : memref<10008x128xf32, #tpu.memory_space<vmem_shared>>) offsets(%dma_start3A_182 : memref<128xi32, #tpu.memory_space<vmem>>) semaphore(%run_scoped3A : memref<!tpu.dma_semaphore, #tpu.memory_space<semaphore_mem>>) {add = true}
        %dma_wait3A_186 = arith.constant 0 : i32
        %dma_wait3A_187 = tpu.memref_slice %arg6[%add3A_179, %dma_wait3A_186] : memref<20x128xi32, #tpu.memory_space<vmem>> -> memref<1x128xi32, #tpu.memory_space<vmem>>
        %dma_wait3A_188 = tpu.memref_squeeze %dma_wait3A_187 : memref<1x128xi32, #tpu.memory_space<vmem>> -> memref<128xi32, #tpu.memory_space<vmem>>
        %dma_wait3A_189 = arith.constant 0 : i32
        %dma_wait3A_190 = arith.constant 0 : i32
        %dma_wait3A_191 = tpu.memref_slice %arg9[%dma_wait3A_189, %dma_wait3A_190] : memref<10008x128xf32, #tpu.memory_space<vmem_shared>> -> memref<10008x128xf32, #tpu.memory_space<vmem_shared>>
        tpu.wait_indirect_dma semaphore(%run_scoped3A : memref<!tpu.dma_semaphore, #tpu.memory_space<semaphore_mem>>) src(%arg8 : memref<128x128xf32, #tpu.memory_space<vmem>>) dst(%dma_wait3A_191 : memref<10008x128xf32, #tpu.memory_space<vmem_shared>>)
        tpu.yield
      }) : () -> ()
    }
    %scan3A_44 = arith.constant 10 : i32
    %mul3A_45 = arith.constant 4 : i32
    %mul3A_46 = arith.muli %arg1, %mul3A_45 : i32
    %add3A_47 = arith.constant 1 : i32
    %add3A_48 = arith.addi %mul3A_46, %add3A_47 : i32
    "tpu.region"() ({
      %run_scoped3A = tpu.sem_alloc : memref<!tpu.dma_semaphore, #tpu.memory_space<semaphore_mem>>
      %dma_start3A_135 = arith.constant 0 : i32
      %dma_start3A_136 = arith.constant 0 : i32
      %dma_start3A_137 = tpu.memref_slice %arg3[%add3A_48, %dma_start3A_135, %dma_start3A_136] : memref<128x20x128xi32, #tpu.memory_space<hbm>> -> memref<1x20x128xi32, #tpu.memory_space<hbm>>
      %dma_start3A_138 = tpu.memref_squeeze %dma_start3A_137 : memref<1x20x128xi32, #tpu.memory_space<hbm>> -> memref<20x128xi32, #tpu.memory_space<hbm>>
      %dma_start3A_139 = arith.constant 0 : i32
      %dma_start3A_140 = arith.constant 0 : i32
      %dma_start3A_141 = tpu.memref_slice %arg3[%add3A_48, %dma_start3A_139, %dma_start3A_140] : memref<128x20x128xi32, #tpu.memory_space<hbm>> -> memref<1x20x128xi32, #tpu.memory_space<hbm>>
      %dma_start3A_142 = tpu.memref_squeeze %dma_start3A_141 : memref<1x20x128xi32, #tpu.memory_space<hbm>> -> memref<20x128xi32, #tpu.memory_space<hbm>>
      tpu.enqueue_dma source(%dma_start3A_142 : memref<20x128xi32, #tpu.memory_space<hbm>>) target(%arg5 : memref<20x128xi32, #tpu.memory_space<vmem>>) target_semaphore(%run_scoped3A : memref<!tpu.dma_semaphore, #tpu.memory_space<semaphore_mem>>)
      %dma_wait3A = arith.constant 0 : i32
      %dma_wait3A_143 = arith.constant 0 : i32
      %dma_wait3A_144 = tpu.memref_slice %arg3[%add3A_48, %dma_wait3A, %dma_wait3A_143] : memref<128x20x128xi32, #tpu.memory_space<hbm>> -> memref<1x20x128xi32, #tpu.memory_space<hbm>>
      %dma_wait3A_145 = tpu.memref_squeeze %dma_wait3A_144 : memref<1x20x128xi32, #tpu.memory_space<hbm>> -> memref<20x128xi32, #tpu.memory_space<hbm>>
      %dma_wait3A_146 = arith.constant 0 : i32
      %dma_wait3A_147 = arith.constant 0 : i32
      %dma_wait3A_148 = tpu.memref_slice %arg3[%add3A_48, %dma_wait3A_146, %dma_wait3A_147] : memref<128x20x128xi32, #tpu.memory_space<hbm>> -> memref<1x20x128xi32, #tpu.memory_space<hbm>>
      %dma_wait3A_149 = tpu.memref_squeeze %dma_wait3A_148 : memref<1x20x128xi32, #tpu.memory_space<hbm>> -> memref<20x128xi32, #tpu.memory_space<hbm>>
      tpu.wait_dma2 semaphore(%run_scoped3A : memref<!tpu.dma_semaphore, #tpu.memory_space<semaphore_mem>>) src(%dma_wait3A_149 : memref<20x128xi32, #tpu.memory_space<hbm>>) dst(%arg5 : memref<20x128xi32, #tpu.memory_space<vmem>>)
      tpu.yield
    }) : () -> ()
    %add3A_49 = arith.constant 16 : i32
    %add3A_50 = arith.addi %add3A_49, %arg1 : i32
    %mul3A_51 = arith.constant 4 : i32
    %mul3A_52 = arith.muli %add3A_50, %mul3A_51 : i32
    %add3A_53 = arith.constant 1 : i32
    %add3A_54 = arith.addi %mul3A_52, %add3A_53 : i32
    "tpu.region"() ({
      %run_scoped3A = tpu.sem_alloc : memref<!tpu.dma_semaphore, #tpu.memory_space<semaphore_mem>>
      %dma_start3A_135 = arith.constant 0 : i32
      %dma_start3A_136 = arith.constant 0 : i32
      %dma_start3A_137 = tpu.memref_slice %arg3[%add3A_54, %dma_start3A_135, %dma_start3A_136] : memref<128x20x128xi32, #tpu.memory_space<hbm>> -> memref<1x20x128xi32, #tpu.memory_space<hbm>>
      %dma_start3A_138 = tpu.memref_squeeze %dma_start3A_137 : memref<1x20x128xi32, #tpu.memory_space<hbm>> -> memref<20x128xi32, #tpu.memory_space<hbm>>
      %dma_start3A_139 = arith.constant 0 : i32
      %dma_start3A_140 = arith.constant 0 : i32
      %dma_start3A_141 = tpu.memref_slice %arg3[%add3A_54, %dma_start3A_139, %dma_start3A_140] : memref<128x20x128xi32, #tpu.memory_space<hbm>> -> memref<1x20x128xi32, #tpu.memory_space<hbm>>
      %dma_start3A_142 = tpu.memref_squeeze %dma_start3A_141 : memref<1x20x128xi32, #tpu.memory_space<hbm>> -> memref<20x128xi32, #tpu.memory_space<hbm>>
      tpu.enqueue_dma source(%dma_start3A_142 : memref<20x128xi32, #tpu.memory_space<hbm>>) target(%arg6 : memref<20x128xi32, #tpu.memory_space<vmem>>) target_semaphore(%run_scoped3A : memref<!tpu.dma_semaphore, #tpu.memory_space<semaphore_mem>>)
      %dma_wait3A = arith.constant 0 : i32
      %dma_wait3A_143 = arith.constant 0 : i32
      %dma_wait3A_144 = tpu.memref_slice %arg3[%add3A_54, %dma_wait3A, %dma_wait3A_143] : memref<128x20x128xi32, #tpu.memory_space<hbm>> -> memref<1x20x128xi32, #tpu.memory_space<hbm>>
      %dma_wait3A_145 = tpu.memref_squeeze %dma_wait3A_144 : memref<1x20x128xi32, #tpu.memory_space<hbm>> -> memref<20x128xi32, #tpu.memory_space<hbm>>
      %dma_wait3A_146 = arith.constant 0 : i32
      %dma_wait3A_147 = arith.constant 0 : i32
      %dma_wait3A_148 = tpu.memref_slice %arg3[%add3A_54, %dma_wait3A_146, %dma_wait3A_147] : memref<128x20x128xi32, #tpu.memory_space<hbm>> -> memref<1x20x128xi32, #tpu.memory_space<hbm>>
      %dma_wait3A_149 = tpu.memref_squeeze %dma_wait3A_148 : memref<1x20x128xi32, #tpu.memory_space<hbm>> -> memref<20x128xi32, #tpu.memory_space<hbm>>
      tpu.wait_dma2 semaphore(%run_scoped3A : memref<!tpu.dma_semaphore, #tpu.memory_space<semaphore_mem>>) src(%dma_wait3A_149 : memref<20x128xi32, #tpu.memory_space<hbm>>) dst(%arg6 : memref<20x128xi32, #tpu.memory_space<vmem>>)
      tpu.yield
    }) : () -> ()
    %dma_start3A_55 = arith.constant 0 : i32
    %dma_start3A_56 = arith.constant 0 : i32
    %dma_start3A_57 = tpu.memref_slice %arg5[%dma_start3A_55, %dma_start3A_56] : memref<20x128xi32, #tpu.memory_space<vmem>> -> memref<1x128xi32, #tpu.memory_space<vmem>>
    %dma_start3A_58 = tpu.memref_squeeze %dma_start3A_57 : memref<1x128xi32, #tpu.memory_space<vmem>> -> memref<128xi32, #tpu.memory_space<vmem>>
    %dma_start3A_59 = arith.constant 0 : i32
    %dma_start3A_60 = arith.constant 0 : i32
    %dma_start3A_61 = tpu.memref_slice %arg2[%arg0, %dma_start3A_59, %dma_start3A_60] : memref<2x10000x128xf32, #tpu.memory_space<hbm>> -> memref<1x10000x128xf32, #tpu.memory_space<hbm>>
    %dma_start3A_62 = tpu.memref_squeeze %dma_start3A_61 : memref<1x10000x128xf32, #tpu.memory_space<hbm>> -> memref<10000x128xf32, #tpu.memory_space<hbm>>
    %dma_start3A_63 = arith.constant 0 : i32
    %dma_start3A_64 = arith.constant 0 : i32
    %dma_start3A_65 = tpu.memref_slice %dma_start3A_62[%dma_start3A_63, %dma_start3A_64] : memref<10000x128xf32, #tpu.memory_space<hbm>> -> memref<10000x128xf32, #tpu.memory_space<hbm>>
    tpu.enqueue_indirect_dma source(%dma_start3A_65 : memref<10000x128xf32, #tpu.memory_space<hbm>>) target(%arg7 : memref<128x128xf32, #tpu.memory_space<vmem>>) offsets(%dma_start3A_58 : memref<128xi32, #tpu.memory_space<vmem>>) semaphore(%arg10 : memref<!tpu.dma_semaphore, #tpu.memory_space<semaphore_mem>>)
    %scan3A_66 = arith.constant 0 : i32
    %scan3A_67 = arith.constant 0 : i32
    %scan3A_68 = arith.constant 10 : i32
    %scan3A_69 = arith.addi %scan3A_67, %scan3A_68 : i32
    %scan3A_70 = arith.constant 1 : i32
    scf.for %scan3A_135 = %scan3A_67 to %scan3A_69 step %scan3A_70  : i32 {
      %mul3A_136 = arith.constant 2 : i32
      %mul3A_137 = arith.muli %mul3A_136, %scan3A_135 : i32
      %add3A_138 = arith.constant 20 : i32
      %add3A_139 = arith.addi %add3A_138, %mul3A_137 : i32
      %dma_wait3A = arith.constant 0 : i32
      %dma_wait3A_140 = arith.constant 0 : i32
      %dma_wait3A_141 = tpu.memref_slice %arg5[%dma_wait3A, %dma_wait3A_140] : memref<20x128xi32, #tpu.memory_space<vmem>> -> memref<1x128xi32, #tpu.memory_space<vmem>>
      %dma_wait3A_142 = tpu.memref_squeeze %dma_wait3A_141 : memref<1x128xi32, #tpu.memory_space<vmem>> -> memref<128xi32, #tpu.memory_space<vmem>>
      %dma_wait3A_143 = arith.constant 0 : i32
      %dma_wait3A_144 = arith.constant 0 : i32
      %dma_wait3A_145 = tpu.memref_slice %arg2[%arg0, %dma_wait3A_143, %dma_wait3A_144] : memref<2x10000x128xf32, #tpu.memory_space<hbm>> -> memref<1x10000x128xf32, #tpu.memory_space<hbm>>
      %dma_wait3A_146 = tpu.memref_squeeze %dma_wait3A_145 : memref<1x10000x128xf32, #tpu.memory_space<hbm>> -> memref<10000x128xf32, #tpu.memory_space<hbm>>
      %dma_wait3A_147 = arith.constant 0 : i32
      %dma_wait3A_148 = arith.constant 0 : i32
      %dma_wait3A_149 = tpu.memref_slice %dma_wait3A_146[%dma_wait3A_147, %dma_wait3A_148] : memref<10000x128xf32, #tpu.memory_space<hbm>> -> memref<10000x128xf32, #tpu.memory_space<hbm>>
      tpu.wait_indirect_dma semaphore(%arg10 : memref<!tpu.dma_semaphore, #tpu.memory_space<semaphore_mem>>) src(%dma_wait3A_149 : memref<10000x128xf32, #tpu.memory_space<hbm>>) dst(%arg7 : memref<128x128xf32, #tpu.memory_space<vmem>>)
      %add3A_150 = arith.constant 1 : i32
      %add3A_151 = arith.addi %mul3A_137, %add3A_150 : i32
      %dma_start3A_152 = arith.constant 0 : i32
      %dma_start3A_153 = tpu.memref_slice %arg5[%add3A_151, %dma_start3A_152] : memref<20x128xi32, #tpu.memory_space<vmem>> -> memref<1x128xi32, #tpu.memory_space<vmem>>
      %dma_start3A_154 = tpu.memref_squeeze %dma_start3A_153 : memref<1x128xi32, #tpu.memory_space<vmem>> -> memref<128xi32, #tpu.memory_space<vmem>>
      %dma_start3A_155 = arith.constant 0 : i32
      %dma_start3A_156 = arith.constant 0 : i32
      %dma_start3A_157 = tpu.memref_slice %arg2[%arg0, %dma_start3A_155, %dma_start3A_156] : memref<2x10000x128xf32, #tpu.memory_space<hbm>> -> memref<1x10000x128xf32, #tpu.memory_space<hbm>>
      %dma_start3A_158 = tpu.memref_squeeze %dma_start3A_157 : memref<1x10000x128xf32, #tpu.memory_space<hbm>> -> memref<10000x128xf32, #tpu.memory_space<hbm>>
      %dma_start3A_159 = arith.constant 0 : i32
      %dma_start3A_160 = arith.constant 0 : i32
      %dma_start3A_161 = tpu.memref_slice %dma_start3A_158[%dma_start3A_159, %dma_start3A_160] : memref<10000x128xf32, #tpu.memory_space<hbm>> -> memref<10000x128xf32, #tpu.memory_space<hbm>>
      tpu.enqueue_indirect_dma source(%dma_start3A_161 : memref<10000x128xf32, #tpu.memory_space<hbm>>) target(%arg8 : memref<128x128xf32, #tpu.memory_space<vmem>>) offsets(%dma_start3A_154 : memref<128xi32, #tpu.memory_space<vmem>>) semaphore(%arg11 : memref<!tpu.dma_semaphore, #tpu.memory_space<semaphore_mem>>)
      "tpu.region"() ({
        %run_scoped3A = tpu.sem_alloc : memref<!tpu.dma_semaphore, #tpu.memory_space<semaphore_mem>>
        %dma_start3A_180 = arith.constant 0 : i32
        %dma_start3A_181 = tpu.memref_slice %arg6[%mul3A_137, %dma_start3A_180] : memref<20x128xi32, #tpu.memory_space<vmem>> -> memref<1x128xi32, #tpu.memory_space<vmem>>
        %dma_start3A_182 = tpu.memref_squeeze %dma_start3A_181 : memref<1x128xi32, #tpu.memory_space<vmem>> -> memref<128xi32, #tpu.memory_space<vmem>>
        %dma_start3A_183 = arith.constant 0 : i32
        %dma_start3A_184 = arith.constant 0 : i32
        %dma_start3A_185 = tpu.memref_slice %arg9[%dma_start3A_183, %dma_start3A_184] : memref<10008x128xf32, #tpu.memory_space<vmem_shared>> -> memref<10008x128xf32, #tpu.memory_space<vmem_shared>>
        tpu.enqueue_indirect_dma source(%arg7 : memref<128x128xf32, #tpu.memory_space<vmem>>) target(%dma_start3A_185 : memref<10008x128xf32, #tpu.memory_space<vmem_shared>>) offsets(%dma_start3A_182 : memref<128xi32, #tpu.memory_space<vmem>>) semaphore(%run_scoped3A : memref<!tpu.dma_semaphore, #tpu.memory_space<semaphore_mem>>) {add = true}
        %dma_wait3A_186 = arith.constant 0 : i32
        %dma_wait3A_187 = tpu.memref_slice %arg6[%mul3A_137, %dma_wait3A_186] : memref<20x128xi32, #tpu.memory_space<vmem>> -> memref<1x128xi32, #tpu.memory_space<vmem>>
        %dma_wait3A_188 = tpu.memref_squeeze %dma_wait3A_187 : memref<1x128xi32, #tpu.memory_space<vmem>> -> memref<128xi32, #tpu.memory_space<vmem>>
        %dma_wait3A_189 = arith.constant 0 : i32
        %dma_wait3A_190 = arith.constant 0 : i32
        %dma_wait3A_191 = tpu.memref_slice %arg9[%dma_wait3A_189, %dma_wait3A_190] : memref<10008x128xf32, #tpu.memory_space<vmem_shared>> -> memref<10008x128xf32, #tpu.memory_space<vmem_shared>>
        tpu.wait_indirect_dma semaphore(%run_scoped3A : memref<!tpu.dma_semaphore, #tpu.memory_space<semaphore_mem>>) src(%arg7 : memref<128x128xf32, #tpu.memory_space<vmem>>) dst(%dma_wait3A_191 : memref<10008x128xf32, #tpu.memory_space<vmem_shared>>)
        tpu.yield
      }) : () -> ()
      %add3A_162 = arith.constant 2 : i32
      %add3A_163 = arith.addi %mul3A_137, %add3A_162 : i32
      %lt3A = arith.constant 20 : i32
      %lt3A_164 = arith.cmpi slt, %add3A_163, %lt3A : i32
      %convert_element_type3A_165 = arith.extui %lt3A_164 : i1 to i32
      %cond3A_166 = arith.constant 0 : i32
      %cond3A_167 = arith.cmpi ne, %convert_element_type3A_165, %cond3A_166 : i32
      scf.if %cond3A_167 {
        %add3A_180 = arith.constant 2 : i32
        %add3A_181 = arith.addi %mul3A_137, %add3A_180 : i32
        %dma_start3A_182 = arith.constant 0 : i32
        %dma_start3A_183 = tpu.memref_slice %arg5[%add3A_181, %dma_start3A_182] : memref<20x128xi32, #tpu.memory_space<vmem>> -> memref<1x128xi32, #tpu.memory_space<vmem>>
        %dma_start3A_184 = tpu.memref_squeeze %dma_start3A_183 : memref<1x128xi32, #tpu.memory_space<vmem>> -> memref<128xi32, #tpu.memory_space<vmem>>
        %dma_start3A_185 = arith.constant 0 : i32
        %dma_start3A_186 = arith.constant 0 : i32
        %dma_start3A_187 = tpu.memref_slice %arg2[%arg0, %dma_start3A_185, %dma_start3A_186] : memref<2x10000x128xf32, #tpu.memory_space<hbm>> -> memref<1x10000x128xf32, #tpu.memory_space<hbm>>
        %dma_start3A_188 = tpu.memref_squeeze %dma_start3A_187 : memref<1x10000x128xf32, #tpu.memory_space<hbm>> -> memref<10000x128xf32, #tpu.memory_space<hbm>>
        %dma_start3A_189 = arith.constant 0 : i32
        %dma_start3A_190 = arith.constant 0 : i32
        %dma_start3A_191 = tpu.memref_slice %dma_start3A_188[%dma_start3A_189, %dma_start3A_190] : memref<10000x128xf32, #tpu.memory_space<hbm>> -> memref<10000x128xf32, #tpu.memory_space<hbm>>
        tpu.enqueue_indirect_dma source(%dma_start3A_191 : memref<10000x128xf32, #tpu.memory_space<hbm>>) target(%arg7 : memref<128x128xf32, #tpu.memory_space<vmem>>) offsets(%dma_start3A_184 : memref<128xi32, #tpu.memory_space<vmem>>) semaphore(%arg10 : memref<!tpu.dma_semaphore, #tpu.memory_space<semaphore_mem>>)
      } else {
      }
      %dma_wait3A_168 = arith.constant 0 : i32
      %dma_wait3A_169 = tpu.memref_slice %arg5[%add3A_151, %dma_wait3A_168] : memref<20x128xi32, #tpu.memory_space<vmem>> -> memref<1x128xi32, #tpu.memory_space<vmem>>
      %dma_wait3A_170 = tpu.memref_squeeze %dma_wait3A_169 : memref<1x128xi32, #tpu.memory_space<vmem>> -> memref<128xi32, #tpu.memory_space<vmem>>
      %dma_wait3A_171 = arith.constant 0 : i32
      %dma_wait3A_172 = arith.constant 0 : i32
      %dma_wait3A_173 = tpu.memref_slice %arg2[%arg0, %dma_wait3A_171, %dma_wait3A_172] : memref<2x10000x128xf32, #tpu.memory_space<hbm>> -> memref<1x10000x128xf32, #tpu.memory_space<hbm>>
      %dma_wait3A_174 = tpu.memref_squeeze %dma_wait3A_173 : memref<1x10000x128xf32, #tpu.memory_space<hbm>> -> memref<10000x128xf32, #tpu.memory_space<hbm>>
      %dma_wait3A_175 = arith.constant 0 : i32
      %dma_wait3A_176 = arith.constant 0 : i32
      %dma_wait3A_177 = tpu.memref_slice %dma_wait3A_174[%dma_wait3A_175, %dma_wait3A_176] : memref<10000x128xf32, #tpu.memory_space<hbm>> -> memref<10000x128xf32, #tpu.memory_space<hbm>>
      tpu.wait_indirect_dma semaphore(%arg11 : memref<!tpu.dma_semaphore, #tpu.memory_space<semaphore_mem>>) src(%dma_wait3A_177 : memref<10000x128xf32, #tpu.memory_space<hbm>>) dst(%arg8 : memref<128x128xf32, #tpu.memory_space<vmem>>)
      %add3A_178 = arith.constant 1 : i32
      %add3A_179 = arith.addi %mul3A_137, %add3A_178 : i32
      "tpu.region"() ({
        %run_scoped3A = tpu.sem_alloc : memref<!tpu.dma_semaphore, #tpu.memory_space<semaphore_mem>>
        %dma_start3A_180 = arith.constant 0 : i32
        %dma_start3A_181 = tpu.memref_slice %arg6[%add3A_179, %dma_start3A_180] : memref<20x128xi32, #tpu.memory_space<vmem>> -> memref<1x128xi32, #tpu.memory_space<vmem>>
        %dma_start3A_182 = tpu.memref_squeeze %dma_start3A_181 : memref<1x128xi32, #tpu.memory_space<vmem>> -> memref<128xi32, #tpu.memory_space<vmem>>
        %dma_start3A_183 = arith.constant 0 : i32
        %dma_start3A_184 = arith.constant 0 : i32
        %dma_start3A_185 = tpu.memref_slice %arg9[%dma_start3A_183, %dma_start3A_184] : memref<10008x128xf32, #tpu.memory_space<vmem_shared>> -> memref<10008x128xf32, #tpu.memory_space<vmem_shared>>
        tpu.enqueue_indirect_dma source(%arg8 : memref<128x128xf32, #tpu.memory_space<vmem>>) target(%dma_start3A_185 : memref<10008x128xf32, #tpu.memory_space<vmem_shared>>) offsets(%dma_start3A_182 : memref<128xi32, #tpu.memory_space<vmem>>) semaphore(%run_scoped3A : memref<!tpu.dma_semaphore, #tpu.memory_space<semaphore_mem>>) {add = true}
        %dma_wait3A_186 = arith.constant 0 : i32
        %dma_wait3A_187 = tpu.memref_slice %arg6[%add3A_179, %dma_wait3A_186] : memref<20x128xi32, #tpu.memory_space<vmem>> -> memref<1x128xi32, #tpu.memory_space<vmem>>
        %dma_wait3A_188 = tpu.memref_squeeze %dma_wait3A_187 : memref<1x128xi32, #tpu.memory_space<vmem>> -> memref<128xi32, #tpu.memory_space<vmem>>
        %dma_wait3A_189 = arith.constant 0 : i32
        %dma_wait3A_190 = arith.constant 0 : i32
        %dma_wait3A_191 = tpu.memref_slice %arg9[%dma_wait3A_189, %dma_wait3A_190] : memref<10008x128xf32, #tpu.memory_space<vmem_shared>> -> memref<10008x128xf32, #tpu.memory_space<vmem_shared>>
        tpu.wait_indirect_dma semaphore(%run_scoped3A : memref<!tpu.dma_semaphore, #tpu.memory_space<semaphore_mem>>) src(%arg8 : memref<128x128xf32, #tpu.memory_space<vmem>>) dst(%dma_wait3A_191 : memref<10008x128xf32, #tpu.memory_space<vmem_shared>>)
        tpu.yield
      }) : () -> ()
    }
    %scan3A_71 = arith.constant 10 : i32
    %mul3A_72 = arith.constant 4 : i32
    %mul3A_73 = arith.muli %arg1, %mul3A_72 : i32
    %add3A_74 = arith.constant 2 : i32
    %add3A_75 = arith.addi %mul3A_73, %add3A_74 : i32
    "tpu.region"() ({
      %run_scoped3A = tpu.sem_alloc : memref<!tpu.dma_semaphore, #tpu.memory_space<semaphore_mem>>
      %dma_start3A_135 = arith.constant 0 : i32
      %dma_start3A_136 = arith.constant 0 : i32
      %dma_start3A_137 = tpu.memref_slice %arg3[%add3A_75, %dma_start3A_135, %dma_start3A_136] : memref<128x20x128xi32, #tpu.memory_space<hbm>> -> memref<1x20x128xi32, #tpu.memory_space<hbm>>
      %dma_start3A_138 = tpu.memref_squeeze %dma_start3A_137 : memref<1x20x128xi32, #tpu.memory_space<hbm>> -> memref<20x128xi32, #tpu.memory_space<hbm>>
      %dma_start3A_139 = arith.constant 0 : i32
      %dma_start3A_140 = arith.constant 0 : i32
      %dma_start3A_141 = tpu.memref_slice %arg3[%add3A_75, %dma_start3A_139, %dma_start3A_140] : memref<128x20x128xi32, #tpu.memory_space<hbm>> -> memref<1x20x128xi32, #tpu.memory_space<hbm>>
      %dma_start3A_142 = tpu.memref_squeeze %dma_start3A_141 : memref<1x20x128xi32, #tpu.memory_space<hbm>> -> memref<20x128xi32, #tpu.memory_space<hbm>>
      tpu.enqueue_dma source(%dma_start3A_142 : memref<20x128xi32, #tpu.memory_space<hbm>>) target(%arg5 : memref<20x128xi32, #tpu.memory_space<vmem>>) target_semaphore(%run_scoped3A : memref<!tpu.dma_semaphore, #tpu.memory_space<semaphore_mem>>)
      %dma_wait3A = arith.constant 0 : i32
      %dma_wait3A_143 = arith.constant 0 : i32
      %dma_wait3A_144 = tpu.memref_slice %arg3[%add3A_75, %dma_wait3A, %dma_wait3A_143] : memref<128x20x128xi32, #tpu.memory_space<hbm>> -> memref<1x20x128xi32, #tpu.memory_space<hbm>>
      %dma_wait3A_145 = tpu.memref_squeeze %dma_wait3A_144 : memref<1x20x128xi32, #tpu.memory_space<hbm>> -> memref<20x128xi32, #tpu.memory_space<hbm>>
      %dma_wait3A_146 = arith.constant 0 : i32
      %dma_wait3A_147 = arith.constant 0 : i32
      %dma_wait3A_148 = tpu.memref_slice %arg3[%add3A_75, %dma_wait3A_146, %dma_wait3A_147] : memref<128x20x128xi32, #tpu.memory_space<hbm>> -> memref<1x20x128xi32, #tpu.memory_space<hbm>>
      %dma_wait3A_149 = tpu.memref_squeeze %dma_wait3A_148 : memref<1x20x128xi32, #tpu.memory_space<hbm>> -> memref<20x128xi32, #tpu.memory_space<hbm>>
      tpu.wait_dma2 semaphore(%run_scoped3A : memref<!tpu.dma_semaphore, #tpu.memory_space<semaphore_mem>>) src(%dma_wait3A_149 : memref<20x128xi32, #tpu.memory_space<hbm>>) dst(%arg5 : memref<20x128xi32, #tpu.memory_space<vmem>>)
      tpu.yield
    }) : () -> ()
    %add3A_76 = arith.constant 16 : i32
    %add3A_77 = arith.addi %add3A_76, %arg1 : i32
    %mul3A_78 = arith.constant 4 : i32
    %mul3A_79 = arith.muli %add3A_77, %mul3A_78 : i32
    %add3A_80 = arith.constant 2 : i32
    %add3A_81 = arith.addi %mul3A_79, %add3A_80 : i32
    "tpu.region"() ({
      %run_scoped3A = tpu.sem_alloc : memref<!tpu.dma_semaphore, #tpu.memory_space<semaphore_mem>>
      %dma_start3A_135 = arith.constant 0 : i32
      %dma_start3A_136 = arith.constant 0 : i32
      %dma_start3A_137 = tpu.memref_slice %arg3[%add3A_81, %dma_start3A_135, %dma_start3A_136] : memref<128x20x128xi32, #tpu.memory_space<hbm>> -> memref<1x20x128xi32, #tpu.memory_space<hbm>>
      %dma_start3A_138 = tpu.memref_squeeze %dma_start3A_137 : memref<1x20x128xi32, #tpu.memory_space<hbm>> -> memref<20x128xi32, #tpu.memory_space<hbm>>
      %dma_start3A_139 = arith.constant 0 : i32
      %dma_start3A_140 = arith.constant 0 : i32
      %dma_start3A_141 = tpu.memref_slice %arg3[%add3A_81, %dma_start3A_139, %dma_start3A_140] : memref<128x20x128xi32, #tpu.memory_space<hbm>> -> memref<1x20x128xi32, #tpu.memory_space<hbm>>
      %dma_start3A_142 = tpu.memref_squeeze %dma_start3A_141 : memref<1x20x128xi32, #tpu.memory_space<hbm>> -> memref<20x128xi32, #tpu.memory_space<hbm>>
      tpu.enqueue_dma source(%dma_start3A_142 : memref<20x128xi32, #tpu.memory_space<hbm>>) target(%arg6 : memref<20x128xi32, #tpu.memory_space<vmem>>) target_semaphore(%run_scoped3A : memref<!tpu.dma_semaphore, #tpu.memory_space<semaphore_mem>>)
      %dma_wait3A = arith.constant 0 : i32
      %dma_wait3A_143 = arith.constant 0 : i32
      %dma_wait3A_144 = tpu.memref_slice %arg3[%add3A_81, %dma_wait3A, %dma_wait3A_143] : memref<128x20x128xi32, #tpu.memory_space<hbm>> -> memref<1x20x128xi32, #tpu.memory_space<hbm>>
      %dma_wait3A_145 = tpu.memref_squeeze %dma_wait3A_144 : memref<1x20x128xi32, #tpu.memory_space<hbm>> -> memref<20x128xi32, #tpu.memory_space<hbm>>
      %dma_wait3A_146 = arith.constant 0 : i32
      %dma_wait3A_147 = arith.constant 0 : i32
      %dma_wait3A_148 = tpu.memref_slice %arg3[%add3A_81, %dma_wait3A_146, %dma_wait3A_147] : memref<128x20x128xi32, #tpu.memory_space<hbm>> -> memref<1x20x128xi32, #tpu.memory_space<hbm>>
      %dma_wait3A_149 = tpu.memref_squeeze %dma_wait3A_148 : memref<1x20x128xi32, #tpu.memory_space<hbm>> -> memref<20x128xi32, #tpu.memory_space<hbm>>
      tpu.wait_dma2 semaphore(%run_scoped3A : memref<!tpu.dma_semaphore, #tpu.memory_space<semaphore_mem>>) src(%dma_wait3A_149 : memref<20x128xi32, #tpu.memory_space<hbm>>) dst(%arg6 : memref<20x128xi32, #tpu.memory_space<vmem>>)
      tpu.yield
    }) : () -> ()
    %dma_start3A_82 = arith.constant 0 : i32
    %dma_start3A_83 = arith.constant 0 : i32
    %dma_start3A_84 = tpu.memref_slice %arg5[%dma_start3A_82, %dma_start3A_83] : memref<20x128xi32, #tpu.memory_space<vmem>> -> memref<1x128xi32, #tpu.memory_space<vmem>>
    %dma_start3A_85 = tpu.memref_squeeze %dma_start3A_84 : memref<1x128xi32, #tpu.memory_space<vmem>> -> memref<128xi32, #tpu.memory_space<vmem>>
    %dma_start3A_86 = arith.constant 0 : i32
    %dma_start3A_87 = arith.constant 0 : i32
    %dma_start3A_88 = tpu.memref_slice %arg2[%arg0, %dma_start3A_86, %dma_start3A_87] : memref<2x10000x128xf32, #tpu.memory_space<hbm>> -> memref<1x10000x128xf32, #tpu.memory_space<hbm>>
    %dma_start3A_89 = tpu.memref_squeeze %dma_start3A_88 : memref<1x10000x128xf32, #tpu.memory_space<hbm>> -> memref<10000x128xf32, #tpu.memory_space<hbm>>
    %dma_start3A_90 = arith.constant 0 : i32
    %dma_start3A_91 = arith.constant 0 : i32
    %dma_start3A_92 = tpu.memref_slice %dma_start3A_89[%dma_start3A_90, %dma_start3A_91] : memref<10000x128xf32, #tpu.memory_space<hbm>> -> memref<10000x128xf32, #tpu.memory_space<hbm>>
    tpu.enqueue_indirect_dma source(%dma_start3A_92 : memref<10000x128xf32, #tpu.memory_space<hbm>>) target(%arg7 : memref<128x128xf32, #tpu.memory_space<vmem>>) offsets(%dma_start3A_85 : memref<128xi32, #tpu.memory_space<vmem>>) semaphore(%arg10 : memref<!tpu.dma_semaphore, #tpu.memory_space<semaphore_mem>>)
    %scan3A_93 = arith.constant 0 : i32
    %scan3A_94 = arith.constant 0 : i32
    %scan3A_95 = arith.constant 10 : i32
    %scan3A_96 = arith.addi %scan3A_94, %scan3A_95 : i32
    %scan3A_97 = arith.constant 1 : i32
    scf.for %scan3A_135 = %scan3A_94 to %scan3A_96 step %scan3A_97  : i32 {
      %mul3A_136 = arith.constant 2 : i32
      %mul3A_137 = arith.muli %mul3A_136, %scan3A_135 : i32
      %add3A_138 = arith.constant 40 : i32
      %add3A_139 = arith.addi %add3A_138, %mul3A_137 : i32
      %dma_wait3A = arith.constant 0 : i32
      %dma_wait3A_140 = arith.constant 0 : i32
      %dma_wait3A_141 = tpu.memref_slice %arg5[%dma_wait3A, %dma_wait3A_140] : memref<20x128xi32, #tpu.memory_space<vmem>> -> memref<1x128xi32, #tpu.memory_space<vmem>>
      %dma_wait3A_142 = tpu.memref_squeeze %dma_wait3A_141 : memref<1x128xi32, #tpu.memory_space<vmem>> -> memref<128xi32, #tpu.memory_space<vmem>>
      %dma_wait3A_143 = arith.constant 0 : i32
      %dma_wait3A_144 = arith.constant 0 : i32
      %dma_wait3A_145 = tpu.memref_slice %arg2[%arg0, %dma_wait3A_143, %dma_wait3A_144] : memref<2x10000x128xf32, #tpu.memory_space<hbm>> -> memref<1x10000x128xf32, #tpu.memory_space<hbm>>
      %dma_wait3A_146 = tpu.memref_squeeze %dma_wait3A_145 : memref<1x10000x128xf32, #tpu.memory_space<hbm>> -> memref<10000x128xf32, #tpu.memory_space<hbm>>
      %dma_wait3A_147 = arith.constant 0 : i32
      %dma_wait3A_148 = arith.constant 0 : i32
      %dma_wait3A_149 = tpu.memref_slice %dma_wait3A_146[%dma_wait3A_147, %dma_wait3A_148] : memref<10000x128xf32, #tpu.memory_space<hbm>> -> memref<10000x128xf32, #tpu.memory_space<hbm>>
      tpu.wait_indirect_dma semaphore(%arg10 : memref<!tpu.dma_semaphore, #tpu.memory_space<semaphore_mem>>) src(%dma_wait3A_149 : memref<10000x128xf32, #tpu.memory_space<hbm>>) dst(%arg7 : memref<128x128xf32, #tpu.memory_space<vmem>>)
      %add3A_150 = arith.constant 1 : i32
      %add3A_151 = arith.addi %mul3A_137, %add3A_150 : i32
      %dma_start3A_152 = arith.constant 0 : i32
      %dma_start3A_153 = tpu.memref_slice %arg5[%add3A_151, %dma_start3A_152] : memref<20x128xi32, #tpu.memory_space<vmem>> -> memref<1x128xi32, #tpu.memory_space<vmem>>
      %dma_start3A_154 = tpu.memref_squeeze %dma_start3A_153 : memref<1x128xi32, #tpu.memory_space<vmem>> -> memref<128xi32, #tpu.memory_space<vmem>>
      %dma_start3A_155 = arith.constant 0 : i32
      %dma_start3A_156 = arith.constant 0 : i32
      %dma_start3A_157 = tpu.memref_slice %arg2[%arg0, %dma_start3A_155, %dma_start3A_156] : memref<2x10000x128xf32, #tpu.memory_space<hbm>> -> memref<1x10000x128xf32, #tpu.memory_space<hbm>>
      %dma_start3A_158 = tpu.memref_squeeze %dma_start3A_157 : memref<1x10000x128xf32, #tpu.memory_space<hbm>> -> memref<10000x128xf32, #tpu.memory_space<hbm>>
      %dma_start3A_159 = arith.constant 0 : i32
      %dma_start3A_160 = arith.constant 0 : i32
      %dma_start3A_161 = tpu.memref_slice %dma_start3A_158[%dma_start3A_159, %dma_start3A_160] : memref<10000x128xf32, #tpu.memory_space<hbm>> -> memref<10000x128xf32, #tpu.memory_space<hbm>>
      tpu.enqueue_indirect_dma source(%dma_start3A_161 : memref<10000x128xf32, #tpu.memory_space<hbm>>) target(%arg8 : memref<128x128xf32, #tpu.memory_space<vmem>>) offsets(%dma_start3A_154 : memref<128xi32, #tpu.memory_space<vmem>>) semaphore(%arg11 : memref<!tpu.dma_semaphore, #tpu.memory_space<semaphore_mem>>)
      "tpu.region"() ({
        %run_scoped3A = tpu.sem_alloc : memref<!tpu.dma_semaphore, #tpu.memory_space<semaphore_mem>>
        %dma_start3A_180 = arith.constant 0 : i32
        %dma_start3A_181 = tpu.memref_slice %arg6[%mul3A_137, %dma_start3A_180] : memref<20x128xi32, #tpu.memory_space<vmem>> -> memref<1x128xi32, #tpu.memory_space<vmem>>
        %dma_start3A_182 = tpu.memref_squeeze %dma_start3A_181 : memref<1x128xi32, #tpu.memory_space<vmem>> -> memref<128xi32, #tpu.memory_space<vmem>>
        %dma_start3A_183 = arith.constant 0 : i32
        %dma_start3A_184 = arith.constant 0 : i32
        %dma_start3A_185 = tpu.memref_slice %arg9[%dma_start3A_183, %dma_start3A_184] : memref<10008x128xf32, #tpu.memory_space<vmem_shared>> -> memref<10008x128xf32, #tpu.memory_space<vmem_shared>>
        tpu.enqueue_indirect_dma source(%arg7 : memref<128x128xf32, #tpu.memory_space<vmem>>) target(%dma_start3A_185 : memref<10008x128xf32, #tpu.memory_space<vmem_shared>>) offsets(%dma_start3A_182 : memref<128xi32, #tpu.memory_space<vmem>>) semaphore(%run_scoped3A : memref<!tpu.dma_semaphore, #tpu.memory_space<semaphore_mem>>) {add = true}
        %dma_wait3A_186 = arith.constant 0 : i32
        %dma_wait3A_187 = tpu.memref_slice %arg6[%mul3A_137, %dma_wait3A_186] : memref<20x128xi32, #tpu.memory_space<vmem>> -> memref<1x128xi32, #tpu.memory_space<vmem>>
        %dma_wait3A_188 = tpu.memref_squeeze %dma_wait3A_187 : memref<1x128xi32, #tpu.memory_space<vmem>> -> memref<128xi32, #tpu.memory_space<vmem>>
        %dma_wait3A_189 = arith.constant 0 : i32
        %dma_wait3A_190 = arith.constant 0 : i32
        %dma_wait3A_191 = tpu.memref_slice %arg9[%dma_wait3A_189, %dma_wait3A_190] : memref<10008x128xf32, #tpu.memory_space<vmem_shared>> -> memref<10008x128xf32, #tpu.memory_space<vmem_shared>>
        tpu.wait_indirect_dma semaphore(%run_scoped3A : memref<!tpu.dma_semaphore, #tpu.memory_space<semaphore_mem>>) src(%arg7 : memref<128x128xf32, #tpu.memory_space<vmem>>) dst(%dma_wait3A_191 : memref<10008x128xf32, #tpu.memory_space<vmem_shared>>)
        tpu.yield
      }) : () -> ()
      %add3A_162 = arith.constant 2 : i32
      %add3A_163 = arith.addi %mul3A_137, %add3A_162 : i32
      %lt3A = arith.constant 20 : i32
      %lt3A_164 = arith.cmpi slt, %add3A_163, %lt3A : i32
      %convert_element_type3A_165 = arith.extui %lt3A_164 : i1 to i32
      %cond3A_166 = arith.constant 0 : i32
      %cond3A_167 = arith.cmpi ne, %convert_element_type3A_165, %cond3A_166 : i32
      scf.if %cond3A_167 {
        %add3A_180 = arith.constant 2 : i32
        %add3A_181 = arith.addi %mul3A_137, %add3A_180 : i32
        %dma_start3A_182 = arith.constant 0 : i32
        %dma_start3A_183 = tpu.memref_slice %arg5[%add3A_181, %dma_start3A_182] : memref<20x128xi32, #tpu.memory_space<vmem>> -> memref<1x128xi32, #tpu.memory_space<vmem>>
        %dma_start3A_184 = tpu.memref_squeeze %dma_start3A_183 : memref<1x128xi32, #tpu.memory_space<vmem>> -> memref<128xi32, #tpu.memory_space<vmem>>
        %dma_start3A_185 = arith.constant 0 : i32
        %dma_start3A_186 = arith.constant 0 : i32
        %dma_start3A_187 = tpu.memref_slice %arg2[%arg0, %dma_start3A_185, %dma_start3A_186] : memref<2x10000x128xf32, #tpu.memory_space<hbm>> -> memref<1x10000x128xf32, #tpu.memory_space<hbm>>
        %dma_start3A_188 = tpu.memref_squeeze %dma_start3A_187 : memref<1x10000x128xf32, #tpu.memory_space<hbm>> -> memref<10000x128xf32, #tpu.memory_space<hbm>>
        %dma_start3A_189 = arith.constant 0 : i32
        %dma_start3A_190 = arith.constant 0 : i32
        %dma_start3A_191 = tpu.memref_slice %dma_start3A_188[%dma_start3A_189, %dma_start3A_190] : memref<10000x128xf32, #tpu.memory_space<hbm>> -> memref<10000x128xf32, #tpu.memory_space<hbm>>
        tpu.enqueue_indirect_dma source(%dma_start3A_191 : memref<10000x128xf32, #tpu.memory_space<hbm>>) target(%arg7 : memref<128x128xf32, #tpu.memory_space<vmem>>) offsets(%dma_start3A_184 : memref<128xi32, #tpu.memory_space<vmem>>) semaphore(%arg10 : memref<!tpu.dma_semaphore, #tpu.memory_space<semaphore_mem>>)
      } else {
      }
      %dma_wait3A_168 = arith.constant 0 : i32
      %dma_wait3A_169 = tpu.memref_slice %arg5[%add3A_151, %dma_wait3A_168] : memref<20x128xi32, #tpu.memory_space<vmem>> -> memref<1x128xi32, #tpu.memory_space<vmem>>
      %dma_wait3A_170 = tpu.memref_squeeze %dma_wait3A_169 : memref<1x128xi32, #tpu.memory_space<vmem>> -> memref<128xi32, #tpu.memory_space<vmem>>
      %dma_wait3A_171 = arith.constant 0 : i32
      %dma_wait3A_172 = arith.constant 0 : i32
      %dma_wait3A_173 = tpu.memref_slice %arg2[%arg0, %dma_wait3A_171, %dma_wait3A_172] : memref<2x10000x128xf32, #tpu.memory_space<hbm>> -> memref<1x10000x128xf32, #tpu.memory_space<hbm>>
      %dma_wait3A_174 = tpu.memref_squeeze %dma_wait3A_173 : memref<1x10000x128xf32, #tpu.memory_space<hbm>> -> memref<10000x128xf32, #tpu.memory_space<hbm>>
      %dma_wait3A_175 = arith.constant 0 : i32
      %dma_wait3A_176 = arith.constant 0 : i32
      %dma_wait3A_177 = tpu.memref_slice %dma_wait3A_174[%dma_wait3A_175, %dma_wait3A_176] : memref<10000x128xf32, #tpu.memory_space<hbm>> -> memref<10000x128xf32, #tpu.memory_space<hbm>>
      tpu.wait_indirect_dma semaphore(%arg11 : memref<!tpu.dma_semaphore, #tpu.memory_space<semaphore_mem>>) src(%dma_wait3A_177 : memref<10000x128xf32, #tpu.memory_space<hbm>>) dst(%arg8 : memref<128x128xf32, #tpu.memory_space<vmem>>)
      %add3A_178 = arith.constant 1 : i32
      %add3A_179 = arith.addi %mul3A_137, %add3A_178 : i32
      "tpu.region"() ({
        %run_scoped3A = tpu.sem_alloc : memref<!tpu.dma_semaphore, #tpu.memory_space<semaphore_mem>>
        %dma_start3A_180 = arith.constant 0 : i32
        %dma_start3A_181 = tpu.memref_slice %arg6[%add3A_179, %dma_start3A_180] : memref<20x128xi32, #tpu.memory_space<vmem>> -> memref<1x128xi32, #tpu.memory_space<vmem>>
        %dma_start3A_182 = tpu.memref_squeeze %dma_start3A_181 : memref<1x128xi32, #tpu.memory_space<vmem>> -> memref<128xi32, #tpu.memory_space<vmem>>
        %dma_start3A_183 = arith.constant 0 : i32
        %dma_start3A_184 = arith.constant 0 : i32
        %dma_start3A_185 = tpu.memref_slice %arg9[%dma_start3A_183, %dma_start3A_184] : memref<10008x128xf32, #tpu.memory_space<vmem_shared>> -> memref<10008x128xf32, #tpu.memory_space<vmem_shared>>
        tpu.enqueue_indirect_dma source(%arg8 : memref<128x128xf32, #tpu.memory_space<vmem>>) target(%dma_start3A_185 : memref<10008x128xf32, #tpu.memory_space<vmem_shared>>) offsets(%dma_start3A_182 : memref<128xi32, #tpu.memory_space<vmem>>) semaphore(%run_scoped3A : memref<!tpu.dma_semaphore, #tpu.memory_space<semaphore_mem>>) {add = true}
        %dma_wait3A_186 = arith.constant 0 : i32
        %dma_wait3A_187 = tpu.memref_slice %arg6[%add3A_179, %dma_wait3A_186] : memref<20x128xi32, #tpu.memory_space<vmem>> -> memref<1x128xi32, #tpu.memory_space<vmem>>
        %dma_wait3A_188 = tpu.memref_squeeze %dma_wait3A_187 : memref<1x128xi32, #tpu.memory_space<vmem>> -> memref<128xi32, #tpu.memory_space<vmem>>
        %dma_wait3A_189 = arith.constant 0 : i32
        %dma_wait3A_190 = arith.constant 0 : i32
        %dma_wait3A_191 = tpu.memref_slice %arg9[%dma_wait3A_189, %dma_wait3A_190] : memref<10008x128xf32, #tpu.memory_space<vmem_shared>> -> memref<10008x128xf32, #tpu.memory_space<vmem_shared>>
        tpu.wait_indirect_dma semaphore(%run_scoped3A : memref<!tpu.dma_semaphore, #tpu.memory_space<semaphore_mem>>) src(%arg8 : memref<128x128xf32, #tpu.memory_space<vmem>>) dst(%dma_wait3A_191 : memref<10008x128xf32, #tpu.memory_space<vmem_shared>>)
        tpu.yield
      }) : () -> ()
    }
    %scan3A_98 = arith.constant 10 : i32
    %mul3A_99 = arith.constant 4 : i32
    %mul3A_100 = arith.muli %arg1, %mul3A_99 : i32
    %add3A_101 = arith.constant 3 : i32
    %add3A_102 = arith.addi %mul3A_100, %add3A_101 : i32
    "tpu.region"() ({
      %run_scoped3A = tpu.sem_alloc : memref<!tpu.dma_semaphore, #tpu.memory_space<semaphore_mem>>
      %dma_start3A_135 = arith.constant 0 : i32
      %dma_start3A_136 = arith.constant 0 : i32
      %dma_start3A_137 = tpu.memref_slice %arg3[%add3A_102, %dma_start3A_135, %dma_start3A_136] : memref<128x20x128xi32, #tpu.memory_space<hbm>> -> memref<1x20x128xi32, #tpu.memory_space<hbm>>
      %dma_start3A_138 = tpu.memref_squeeze %dma_start3A_137 : memref<1x20x128xi32, #tpu.memory_space<hbm>> -> memref<20x128xi32, #tpu.memory_space<hbm>>
      %dma_start3A_139 = arith.constant 0 : i32
      %dma_start3A_140 = arith.constant 0 : i32
      %dma_start3A_141 = tpu.memref_slice %arg3[%add3A_102, %dma_start3A_139, %dma_start3A_140] : memref<128x20x128xi32, #tpu.memory_space<hbm>> -> memref<1x20x128xi32, #tpu.memory_space<hbm>>
      %dma_start3A_142 = tpu.memref_squeeze %dma_start3A_141 : memref<1x20x128xi32, #tpu.memory_space<hbm>> -> memref<20x128xi32, #tpu.memory_space<hbm>>
      tpu.enqueue_dma source(%dma_start3A_142 : memref<20x128xi32, #tpu.memory_space<hbm>>) target(%arg5 : memref<20x128xi32, #tpu.memory_space<vmem>>) target_semaphore(%run_scoped3A : memref<!tpu.dma_semaphore, #tpu.memory_space<semaphore_mem>>)
      %dma_wait3A = arith.constant 0 : i32
      %dma_wait3A_143 = arith.constant 0 : i32
      %dma_wait3A_144 = tpu.memref_slice %arg3[%add3A_102, %dma_wait3A, %dma_wait3A_143] : memref<128x20x128xi32, #tpu.memory_space<hbm>> -> memref<1x20x128xi32, #tpu.memory_space<hbm>>
      %dma_wait3A_145 = tpu.memref_squeeze %dma_wait3A_144 : memref<1x20x128xi32, #tpu.memory_space<hbm>> -> memref<20x128xi32, #tpu.memory_space<hbm>>
      %dma_wait3A_146 = arith.constant 0 : i32
      %dma_wait3A_147 = arith.constant 0 : i32
      %dma_wait3A_148 = tpu.memref_slice %arg3[%add3A_102, %dma_wait3A_146, %dma_wait3A_147] : memref<128x20x128xi32, #tpu.memory_space<hbm>> -> memref<1x20x128xi32, #tpu.memory_space<hbm>>
      %dma_wait3A_149 = tpu.memref_squeeze %dma_wait3A_148 : memref<1x20x128xi32, #tpu.memory_space<hbm>> -> memref<20x128xi32, #tpu.memory_space<hbm>>
      tpu.wait_dma2 semaphore(%run_scoped3A : memref<!tpu.dma_semaphore, #tpu.memory_space<semaphore_mem>>) src(%dma_wait3A_149 : memref<20x128xi32, #tpu.memory_space<hbm>>) dst(%arg5 : memref<20x128xi32, #tpu.memory_space<vmem>>)
      tpu.yield
    }) : () -> ()
    %add3A_103 = arith.constant 16 : i32
    %add3A_104 = arith.addi %add3A_103, %arg1 : i32
    %mul3A_105 = arith.constant 4 : i32
    %mul3A_106 = arith.muli %add3A_104, %mul3A_105 : i32
    %add3A_107 = arith.constant 3 : i32
    %add3A_108 = arith.addi %mul3A_106, %add3A_107 : i32
    "tpu.region"() ({
      %run_scoped3A = tpu.sem_alloc : memref<!tpu.dma_semaphore, #tpu.memory_space<semaphore_mem>>
      %dma_start3A_135 = arith.constant 0 : i32
      %dma_start3A_136 = arith.constant 0 : i32
      %dma_start3A_137 = tpu.memref_slice %arg3[%add3A_108, %dma_start3A_135, %dma_start3A_136] : memref<128x20x128xi32, #tpu.memory_space<hbm>> -> memref<1x20x128xi32, #tpu.memory_space<hbm>>
      %dma_start3A_138 = tpu.memref_squeeze %dma_start3A_137 : memref<1x20x128xi32, #tpu.memory_space<hbm>> -> memref<20x128xi32, #tpu.memory_space<hbm>>
      %dma_start3A_139 = arith.constant 0 : i32
      %dma_start3A_140 = arith.constant 0 : i32
      %dma_start3A_141 = tpu.memref_slice %arg3[%add3A_108, %dma_start3A_139, %dma_start3A_140] : memref<128x20x128xi32, #tpu.memory_space<hbm>> -> memref<1x20x128xi32, #tpu.memory_space<hbm>>
      %dma_start3A_142 = tpu.memref_squeeze %dma_start3A_141 : memref<1x20x128xi32, #tpu.memory_space<hbm>> -> memref<20x128xi32, #tpu.memory_space<hbm>>
      tpu.enqueue_dma source(%dma_start3A_142 : memref<20x128xi32, #tpu.memory_space<hbm>>) target(%arg6 : memref<20x128xi32, #tpu.memory_space<vmem>>) target_semaphore(%run_scoped3A : memref<!tpu.dma_semaphore, #tpu.memory_space<semaphore_mem>>)
      %dma_wait3A = arith.constant 0 : i32
      %dma_wait3A_143 = arith.constant 0 : i32
      %dma_wait3A_144 = tpu.memref_slice %arg3[%add3A_108, %dma_wait3A, %dma_wait3A_143] : memref<128x20x128xi32, #tpu.memory_space<hbm>> -> memref<1x20x128xi32, #tpu.memory_space<hbm>>
      %dma_wait3A_145 = tpu.memref_squeeze %dma_wait3A_144 : memref<1x20x128xi32, #tpu.memory_space<hbm>> -> memref<20x128xi32, #tpu.memory_space<hbm>>
      %dma_wait3A_146 = arith.constant 0 : i32
      %dma_wait3A_147 = arith.constant 0 : i32
      %dma_wait3A_148 = tpu.memref_slice %arg3[%add3A_108, %dma_wait3A_146, %dma_wait3A_147] : memref<128x20x128xi32, #tpu.memory_space<hbm>> -> memref<1x20x128xi32, #tpu.memory_space<hbm>>
      %dma_wait3A_149 = tpu.memref_squeeze %dma_wait3A_148 : memref<1x20x128xi32, #tpu.memory_space<hbm>> -> memref<20x128xi32, #tpu.memory_space<hbm>>
      tpu.wait_dma2 semaphore(%run_scoped3A : memref<!tpu.dma_semaphore, #tpu.memory_space<semaphore_mem>>) src(%dma_wait3A_149 : memref<20x128xi32, #tpu.memory_space<hbm>>) dst(%arg6 : memref<20x128xi32, #tpu.memory_space<vmem>>)
      tpu.yield
    }) : () -> ()
    %dma_start3A_109 = arith.constant 0 : i32
    %dma_start3A_110 = arith.constant 0 : i32
    %dma_start3A_111 = tpu.memref_slice %arg5[%dma_start3A_109, %dma_start3A_110] : memref<20x128xi32, #tpu.memory_space<vmem>> -> memref<1x128xi32, #tpu.memory_space<vmem>>
    %dma_start3A_112 = tpu.memref_squeeze %dma_start3A_111 : memref<1x128xi32, #tpu.memory_space<vmem>> -> memref<128xi32, #tpu.memory_space<vmem>>
    %dma_start3A_113 = arith.constant 0 : i32
    %dma_start3A_114 = arith.constant 0 : i32
    %dma_start3A_115 = tpu.memref_slice %arg2[%arg0, %dma_start3A_113, %dma_start3A_114] : memref<2x10000x128xf32, #tpu.memory_space<hbm>> -> memref<1x10000x128xf32, #tpu.memory_space<hbm>>
    %dma_start3A_116 = tpu.memref_squeeze %dma_start3A_115 : memref<1x10000x128xf32, #tpu.memory_space<hbm>> -> memref<10000x128xf32, #tpu.memory_space<hbm>>
    %dma_start3A_117 = arith.constant 0 : i32
    %dma_start3A_118 = arith.constant 0 : i32
    %dma_start3A_119 = tpu.memref_slice %dma_start3A_116[%dma_start3A_117, %dma_start3A_118] : memref<10000x128xf32, #tpu.memory_space<hbm>> -> memref<10000x128xf32, #tpu.memory_space<hbm>>
    tpu.enqueue_indirect_dma source(%dma_start3A_119 : memref<10000x128xf32, #tpu.memory_space<hbm>>) target(%arg7 : memref<128x128xf32, #tpu.memory_space<vmem>>) offsets(%dma_start3A_112 : memref<128xi32, #tpu.memory_space<vmem>>) semaphore(%arg10 : memref<!tpu.dma_semaphore, #tpu.memory_space<semaphore_mem>>)
    %scan3A_120 = arith.constant 0 : i32
    %scan3A_121 = arith.constant 0 : i32
    %scan3A_122 = arith.constant 10 : i32
    %scan3A_123 = arith.addi %scan3A_121, %scan3A_122 : i32
    %scan3A_124 = arith.constant 1 : i32
    scf.for %scan3A_135 = %scan3A_121 to %scan3A_123 step %scan3A_124  : i32 {
      %mul3A_136 = arith.constant 2 : i32
      %mul3A_137 = arith.muli %mul3A_136, %scan3A_135 : i32
      %add3A_138 = arith.constant 60 : i32
      %add3A_139 = arith.addi %add3A_138, %mul3A_137 : i32
      %dma_wait3A = arith.constant 0 : i32
      %dma_wait3A_140 = arith.constant 0 : i32
      %dma_wait3A_141 = tpu.memref_slice %arg5[%dma_wait3A, %dma_wait3A_140] : memref<20x128xi32, #tpu.memory_space<vmem>> -> memref<1x128xi32, #tpu.memory_space<vmem>>
      %dma_wait3A_142 = tpu.memref_squeeze %dma_wait3A_141 : memref<1x128xi32, #tpu.memory_space<vmem>> -> memref<128xi32, #tpu.memory_space<vmem>>
      %dma_wait3A_143 = arith.constant 0 : i32
      %dma_wait3A_144 = arith.constant 0 : i32
      %dma_wait3A_145 = tpu.memref_slice %arg2[%arg0, %dma_wait3A_143, %dma_wait3A_144] : memref<2x10000x128xf32, #tpu.memory_space<hbm>> -> memref<1x10000x128xf32, #tpu.memory_space<hbm>>
      %dma_wait3A_146 = tpu.memref_squeeze %dma_wait3A_145 : memref<1x10000x128xf32, #tpu.memory_space<hbm>> -> memref<10000x128xf32, #tpu.memory_space<hbm>>
      %dma_wait3A_147 = arith.constant 0 : i32
      %dma_wait3A_148 = arith.constant 0 : i32
      %dma_wait3A_149 = tpu.memref_slice %dma_wait3A_146[%dma_wait3A_147, %dma_wait3A_148] : memref<10000x128xf32, #tpu.memory_space<hbm>> -> memref<10000x128xf32, #tpu.memory_space<hbm>>
      tpu.wait_indirect_dma semaphore(%arg10 : memref<!tpu.dma_semaphore, #tpu.memory_space<semaphore_mem>>) src(%dma_wait3A_149 : memref<10000x128xf32, #tpu.memory_space<hbm>>) dst(%arg7 : memref<128x128xf32, #tpu.memory_space<vmem>>)
      %add3A_150 = arith.constant 1 : i32
      %add3A_151 = arith.addi %mul3A_137, %add3A_150 : i32
      %dma_start3A_152 = arith.constant 0 : i32
      %dma_start3A_153 = tpu.memref_slice %arg5[%add3A_151, %dma_start3A_152] : memref<20x128xi32, #tpu.memory_space<vmem>> -> memref<1x128xi32, #tpu.memory_space<vmem>>
      %dma_start3A_154 = tpu.memref_squeeze %dma_start3A_153 : memref<1x128xi32, #tpu.memory_space<vmem>> -> memref<128xi32, #tpu.memory_space<vmem>>
      %dma_start3A_155 = arith.constant 0 : i32
      %dma_start3A_156 = arith.constant 0 : i32
      %dma_start3A_157 = tpu.memref_slice %arg2[%arg0, %dma_start3A_155, %dma_start3A_156] : memref<2x10000x128xf32, #tpu.memory_space<hbm>> -> memref<1x10000x128xf32, #tpu.memory_space<hbm>>
      %dma_start3A_158 = tpu.memref_squeeze %dma_start3A_157 : memref<1x10000x128xf32, #tpu.memory_space<hbm>> -> memref<10000x128xf32, #tpu.memory_space<hbm>>
      %dma_start3A_159 = arith.constant 0 : i32
      %dma_start3A_160 = arith.constant 0 : i32
      %dma_start3A_161 = tpu.memref_slice %dma_start3A_158[%dma_start3A_159, %dma_start3A_160] : memref<10000x128xf32, #tpu.memory_space<hbm>> -> memref<10000x128xf32, #tpu.memory_space<hbm>>
      tpu.enqueue_indirect_dma source(%dma_start3A_161 : memref<10000x128xf32, #tpu.memory_space<hbm>>) target(%arg8 : memref<128x128xf32, #tpu.memory_space<vmem>>) offsets(%dma_start3A_154 : memref<128xi32, #tpu.memory_space<vmem>>) semaphore(%arg11 : memref<!tpu.dma_semaphore, #tpu.memory_space<semaphore_mem>>)
      %lt3A = arith.constant 79 : i32
      %lt3A_162 = arith.cmpi slt, %add3A_139, %lt3A : i32
      %convert_element_type3A_163 = arith.extui %lt3A_162 : i1 to i32
      %cond3A_164 = arith.constant 0 : i32
      %cond3A_165 = arith.cmpi ne, %convert_element_type3A_163, %cond3A_164 : i32
      scf.if %cond3A_165 {
        "tpu.region"() ({
          %run_scoped3A = tpu.sem_alloc : memref<!tpu.dma_semaphore, #tpu.memory_space<semaphore_mem>>
          %dma_start3A_190 = arith.constant 0 : i32
          %dma_start3A_191 = tpu.memref_slice %arg6[%mul3A_137, %dma_start3A_190] : memref<20x128xi32, #tpu.memory_space<vmem>> -> memref<1x128xi32, #tpu.memory_space<vmem>>
          %dma_start3A_192 = tpu.memref_squeeze %dma_start3A_191 : memref<1x128xi32, #tpu.memory_space<vmem>> -> memref<128xi32, #tpu.memory_space<vmem>>
          %dma_start3A_193 = arith.constant 0 : i32
          %dma_start3A_194 = arith.constant 0 : i32
          %dma_start3A_195 = tpu.memref_slice %arg9[%dma_start3A_193, %dma_start3A_194] : memref<10008x128xf32, #tpu.memory_space<vmem_shared>> -> memref<10008x128xf32, #tpu.memory_space<vmem_shared>>
          tpu.enqueue_indirect_dma source(%arg7 : memref<128x128xf32, #tpu.memory_space<vmem>>) target(%dma_start3A_195 : memref<10008x128xf32, #tpu.memory_space<vmem_shared>>) offsets(%dma_start3A_192 : memref<128xi32, #tpu.memory_space<vmem>>) semaphore(%run_scoped3A : memref<!tpu.dma_semaphore, #tpu.memory_space<semaphore_mem>>) {add = true}
          %dma_wait3A_196 = arith.constant 0 : i32
          %dma_wait3A_197 = tpu.memref_slice %arg6[%mul3A_137, %dma_wait3A_196] : memref<20x128xi32, #tpu.memory_space<vmem>> -> memref<1x128xi32, #tpu.memory_space<vmem>>
          %dma_wait3A_198 = tpu.memref_squeeze %dma_wait3A_197 : memref<1x128xi32, #tpu.memory_space<vmem>> -> memref<128xi32, #tpu.memory_space<vmem>>
          %dma_wait3A_199 = arith.constant 0 : i32
          %dma_wait3A_200 = arith.constant 0 : i32
          %dma_wait3A_201 = tpu.memref_slice %arg9[%dma_wait3A_199, %dma_wait3A_200] : memref<10008x128xf32, #tpu.memory_space<vmem_shared>> -> memref<10008x128xf32, #tpu.memory_space<vmem_shared>>
          tpu.wait_indirect_dma semaphore(%run_scoped3A : memref<!tpu.dma_semaphore, #tpu.memory_space<semaphore_mem>>) src(%arg7 : memref<128x128xf32, #tpu.memory_space<vmem>>) dst(%dma_wait3A_201 : memref<10008x128xf32, #tpu.memory_space<vmem_shared>>)
          tpu.yield
        }) : () -> ()
      } else {
      }
      %add3A_166 = arith.constant 2 : i32
      %add3A_167 = arith.addi %mul3A_137, %add3A_166 : i32
      %lt3A_168 = arith.constant 20 : i32
      %lt3A_169 = arith.cmpi slt, %add3A_167, %lt3A_168 : i32
      %convert_element_type3A_170 = arith.extui %lt3A_169 : i1 to i32
      %cond3A_171 = arith.constant 0 : i32
      %cond3A_172 = arith.cmpi ne, %convert_element_type3A_170, %cond3A_171 : i32
      scf.if %cond3A_172 {
        %add3A_190 = arith.constant 2 : i32
        %add3A_191 = arith.addi %mul3A_137, %add3A_190 : i32
        %dma_start3A_192 = arith.constant 0 : i32
        %dma_start3A_193 = tpu.memref_slice %arg5[%add3A_191, %dma_start3A_192] : memref<20x128xi32, #tpu.memory_space<vmem>> -> memref<1x128xi32, #tpu.memory_space<vmem>>
        %dma_start3A_194 = tpu.memref_squeeze %dma_start3A_193 : memref<1x128xi32, #tpu.memory_space<vmem>> -> memref<128xi32, #tpu.memory_space<vmem>>
        %dma_start3A_195 = arith.constant 0 : i32
        %dma_start3A_196 = arith.constant 0 : i32
        %dma_start3A_197 = tpu.memref_slice %arg2[%arg0, %dma_start3A_195, %dma_start3A_196] : memref<2x10000x128xf32, #tpu.memory_space<hbm>> -> memref<1x10000x128xf32, #tpu.memory_space<hbm>>
        %dma_start3A_198 = tpu.memref_squeeze %dma_start3A_197 : memref<1x10000x128xf32, #tpu.memory_space<hbm>> -> memref<10000x128xf32, #tpu.memory_space<hbm>>
        %dma_start3A_199 = arith.constant 0 : i32
        %dma_start3A_200 = arith.constant 0 : i32
        %dma_start3A_201 = tpu.memref_slice %dma_start3A_198[%dma_start3A_199, %dma_start3A_200] : memref<10000x128xf32, #tpu.memory_space<hbm>> -> memref<10000x128xf32, #tpu.memory_space<hbm>>
        tpu.enqueue_indirect_dma source(%dma_start3A_201 : memref<10000x128xf32, #tpu.memory_space<hbm>>) target(%arg7 : memref<128x128xf32, #tpu.memory_space<vmem>>) offsets(%dma_start3A_194 : memref<128xi32, #tpu.memory_space<vmem>>) semaphore(%arg10 : memref<!tpu.dma_semaphore, #tpu.memory_space<semaphore_mem>>)
      } else {
      }
      %dma_wait3A_173 = arith.constant 0 : i32
      %dma_wait3A_174 = tpu.memref_slice %arg5[%add3A_151, %dma_wait3A_173] : memref<20x128xi32, #tpu.memory_space<vmem>> -> memref<1x128xi32, #tpu.memory_space<vmem>>
      %dma_wait3A_175 = tpu.memref_squeeze %dma_wait3A_174 : memref<1x128xi32, #tpu.memory_space<vmem>> -> memref<128xi32, #tpu.memory_space<vmem>>
      %dma_wait3A_176 = arith.constant 0 : i32
      %dma_wait3A_177 = arith.constant 0 : i32
      %dma_wait3A_178 = tpu.memref_slice %arg2[%arg0, %dma_wait3A_176, %dma_wait3A_177] : memref<2x10000x128xf32, #tpu.memory_space<hbm>> -> memref<1x10000x128xf32, #tpu.memory_space<hbm>>
      %dma_wait3A_179 = tpu.memref_squeeze %dma_wait3A_178 : memref<1x10000x128xf32, #tpu.memory_space<hbm>> -> memref<10000x128xf32, #tpu.memory_space<hbm>>
      %dma_wait3A_180 = arith.constant 0 : i32
      %dma_wait3A_181 = arith.constant 0 : i32
      %dma_wait3A_182 = tpu.memref_slice %dma_wait3A_179[%dma_wait3A_180, %dma_wait3A_181] : memref<10000x128xf32, #tpu.memory_space<hbm>> -> memref<10000x128xf32, #tpu.memory_space<hbm>>
      tpu.wait_indirect_dma semaphore(%arg11 : memref<!tpu.dma_semaphore, #tpu.memory_space<semaphore_mem>>) src(%dma_wait3A_182 : memref<10000x128xf32, #tpu.memory_space<hbm>>) dst(%arg8 : memref<128x128xf32, #tpu.memory_space<vmem>>)
      %add3A_183 = arith.constant 1 : i32
      %add3A_184 = arith.addi %add3A_139, %add3A_183 : i32
      %lt3A_185 = arith.constant 79 : i32
      %lt3A_186 = arith.cmpi slt, %add3A_184, %lt3A_185 : i32
      %convert_element_type3A_187 = arith.extui %lt3A_186 : i1 to i32
      %cond3A_188 = arith.constant 0 : i32
      %cond3A_189 = arith.cmpi ne, %convert_element_type3A_187, %cond3A_188 : i32
      scf.if %cond3A_189 {
        %add3A_190 = arith.constant 1 : i32
        %add3A_191 = arith.addi %mul3A_137, %add3A_190 : i32
        "tpu.region"() ({
          %run_scoped3A = tpu.sem_alloc : memref<!tpu.dma_semaphore, #tpu.memory_space<semaphore_mem>>
          %dma_start3A_192 = arith.constant 0 : i32
          %dma_start3A_193 = tpu.memref_slice %arg6[%add3A_191, %dma_start3A_192] : memref<20x128xi32, #tpu.memory_space<vmem>> -> memref<1x128xi32, #tpu.memory_space<vmem>>
          %dma_start3A_194 = tpu.memref_squeeze %dma_start3A_193 : memref<1x128xi32, #tpu.memory_space<vmem>> -> memref<128xi32, #tpu.memory_space<vmem>>
          %dma_start3A_195 = arith.constant 0 : i32
          %dma_start3A_196 = arith.constant 0 : i32
          %dma_start3A_197 = tpu.memref_slice %arg9[%dma_start3A_195, %dma_start3A_196] : memref<10008x128xf32, #tpu.memory_space<vmem_shared>> -> memref<10008x128xf32, #tpu.memory_space<vmem_shared>>
          tpu.enqueue_indirect_dma source(%arg8 : memref<128x128xf32, #tpu.memory_space<vmem>>) target(%dma_start3A_197 : memref<10008x128xf32, #tpu.memory_space<vmem_shared>>) offsets(%dma_start3A_194 : memref<128xi32, #tpu.memory_space<vmem>>) semaphore(%run_scoped3A : memref<!tpu.dma_semaphore, #tpu.memory_space<semaphore_mem>>) {add = true}
          %dma_wait3A_198 = arith.constant 0 : i32
          %dma_wait3A_199 = tpu.memref_slice %arg6[%add3A_191, %dma_wait3A_198] : memref<20x128xi32, #tpu.memory_space<vmem>> -> memref<1x128xi32, #tpu.memory_space<vmem>>
          %dma_wait3A_200 = tpu.memref_squeeze %dma_wait3A_199 : memref<1x128xi32, #tpu.memory_space<vmem>> -> memref<128xi32, #tpu.memory_space<vmem>>
          %dma_wait3A_201 = arith.constant 0 : i32
          %dma_wait3A_202 = arith.constant 0 : i32
          %dma_wait3A_203 = tpu.memref_slice %arg9[%dma_wait3A_201, %dma_wait3A_202] : memref<10008x128xf32, #tpu.memory_space<vmem_shared>> -> memref<10008x128xf32, #tpu.memory_space<vmem_shared>>
          tpu.wait_indirect_dma semaphore(%run_scoped3A : memref<!tpu.dma_semaphore, #tpu.memory_space<semaphore_mem>>) src(%arg8 : memref<128x128xf32, #tpu.memory_space<vmem>>) dst(%dma_wait3A_203 : memref<10008x128xf32, #tpu.memory_space<vmem_shared>>)
          tpu.yield
        }) : () -> ()
      } else {
      }
    }
    %scan3A_125 = arith.constant 10 : i32
    %barrier3A_126 = arith.constant 0 : index
    tpu.barrier barrier_id(%barrier3A_126)
    %mul3A_127 = arith.constant 10000 : i32
    %mul3A_128 = arith.muli %arg0, %mul3A_127 : i32
    %add3A_129 = arith.addi %mul3A_128, %mul3A_0 : i32
    "tpu.region"() ({
      %run_scoped3A = tpu.sem_alloc : memref<!tpu.dma_semaphore, #tpu.memory_space<semaphore_mem>>
      %dma_start3A_135 = arith.constant 0 : i32
      %dma_start3A_136 = tpu.memref_slice %arg4[%add3A_129, %dma_start3A_135] : memref<20000x128xf32, #tpu.memory_space<hbm>> -> memref<624x128xf32, #tpu.memory_space<hbm>>
      %dma_start3A_137 = arith.constant 0 : i32
      %dma_start3A_138 = tpu.memref_slice %arg9[%mul3A_0, %dma_start3A_137] : memref<10008x128xf32, #tpu.memory_space<vmem_shared>> -> memref<624x128xf32, #tpu.memory_space<vmem_shared>>
      tpu.enqueue_dma source(%dma_start3A_138 : memref<624x128xf32, #tpu.memory_space<vmem_shared>>) target(%dma_start3A_136 : memref<624x128xf32, #tpu.memory_space<hbm>>) target_semaphore(%run_scoped3A : memref<!tpu.dma_semaphore, #tpu.memory_space<semaphore_mem>>)
      %dma_wait3A = arith.constant 0 : i32
      %dma_wait3A_139 = tpu.memref_slice %arg4[%add3A_129, %dma_wait3A] : memref<20000x128xf32, #tpu.memory_space<hbm>> -> memref<624x128xf32, #tpu.memory_space<hbm>>
      %dma_wait3A_140 = arith.constant 0 : i32
      %dma_wait3A_141 = tpu.memref_slice %arg9[%mul3A_0, %dma_wait3A_140] : memref<10008x128xf32, #tpu.memory_space<vmem_shared>> -> memref<624x128xf32, #tpu.memory_space<vmem_shared>>
      tpu.wait_dma2 semaphore(%run_scoped3A : memref<!tpu.dma_semaphore, #tpu.memory_space<semaphore_mem>>) src(%dma_wait3A_141 : memref<624x128xf32, #tpu.memory_space<vmem_shared>>) dst(%dma_wait3A_139 : memref<624x128xf32, #tpu.memory_space<hbm>>)
      tpu.yield
    }) : () -> ()
    %eq3A_130 = arith.constant 15 : i32
    %eq3A_131 = arith.cmpi eq, %arg1, %eq3A_130 : i32
    %convert_element_type3A_132 = arith.extui %eq3A_131 : i1 to i32
    %cond3A_133 = arith.constant 0 : i32
    %cond3A_134 = arith.cmpi ne, %convert_element_type3A_132, %cond3A_133 : i32
    scf.if %cond3A_134 {
      %mul3A_135 = arith.constant 10000 : i32
      %mul3A_136 = arith.muli %arg0, %mul3A_135 : i32
      %add3A_137 = arith.constant 9984 : i32
      %add3A_138 = arith.addi %mul3A_136, %add3A_137 : i32
      "tpu.region"() ({
        %run_scoped3A = tpu.sem_alloc : memref<!tpu.dma_semaphore, #tpu.memory_space<semaphore_mem>>
        %dma_start3A_139 = arith.constant 0 : i32
        %dma_start3A_140 = tpu.memref_slice %arg4[%add3A_138, %dma_start3A_139] : memref<20000x128xf32, #tpu.memory_space<hbm>> -> memref<16x128xf32, #tpu.memory_space<hbm>>
        %dma_start3A_141 = arith.constant 9984 : i32
        %dma_start3A_142 = arith.constant 0 : i32
        %dma_start3A_143 = tpu.memref_slice %arg9[%dma_start3A_141, %dma_start3A_142] : memref<10008x128xf32, #tpu.memory_space<vmem_shared>> -> memref<16x128xf32, #tpu.memory_space<vmem_shared>>
        tpu.enqueue_dma source(%dma_start3A_143 : memref<16x128xf32, #tpu.memory_space<vmem_shared>>) target(%dma_start3A_140 : memref<16x128xf32, #tpu.memory_space<hbm>>) target_semaphore(%run_scoped3A : memref<!tpu.dma_semaphore, #tpu.memory_space<semaphore_mem>>)
        %dma_wait3A = arith.constant 0 : i32
        %dma_wait3A_144 = tpu.memref_slice %arg4[%add3A_138, %dma_wait3A] : memref<20000x128xf32, #tpu.memory_space<hbm>> -> memref<16x128xf32, #tpu.memory_space<hbm>>
        %dma_wait3A_145 = arith.constant 9984 : i32
        %dma_wait3A_146 = arith.constant 0 : i32
        %dma_wait3A_147 = tpu.memref_slice %arg9[%dma_wait3A_145, %dma_wait3A_146] : memref<10008x128xf32, #tpu.memory_space<vmem_shared>> -> memref<16x128xf32, #tpu.memory_space<vmem_shared>>
        tpu.wait_dma2 semaphore(%run_scoped3A : memref<!tpu.dma_semaphore, #tpu.memory_space<semaphore_mem>>) src(%dma_wait3A_147 : memref<16x128xf32, #tpu.memory_space<vmem_shared>>) dst(%dma_wait3A_144 : memref<16x128xf32, #tpu.memory_space<hbm>>)
        tpu.yield
      }) : () -> ()
    } else {
    }
    return
  }
}

module attributes {stable_mosaic.version = 14 : i64} {
  func.func @_enc_body(%arg0: i32, %arg1: memref<1xi32, #tpu.memory_space<smem>>, %arg2: memref<2000x128xf32, #tpu.memory_space<vmem>>, %arg3: memref<128x256xf32, #tpu.memory_space<vmem>>, %arg4: memref<1x256xf32, #tpu.memory_space<vmem>>, %arg5: memref<1x256xf32, #tpu.memory_space<vmem>>, %arg6: memref<2x2000x128xf32, #tpu.memory_space<vmem>>) attributes {dimension_semantics = [#tpu.dimension_semantics<arbitrary>], iteration_bounds = array<i64: 5>, scalar_prefetch = 1 : i64, scratch_operands = 0 : i64, tpu.core_type = #tpu.core_type<tc>, window_params = [{transform_indices = @transform_0, window_bounds = array<i64: 2000, 128>}, {pipeline_mode = #tpu.pipeline_mode<synchronous>, transform_indices = @transform_1, window_bounds = array<i64: 128, 256>}, {pipeline_mode = #tpu.pipeline_mode<synchronous>, transform_indices = @transform_2, window_bounds = array<i64: 1, 256>}, {pipeline_mode = #tpu.pipeline_mode<synchronous>, transform_indices = @transform_3, window_bounds = array<i64: 1, 256>}, {transform_indices = @transform_4, window_bounds = array<i64: 2, 2000, 128>}]} {
    %get3A = arith.constant 0 : index
    %get3A_0 = arith.constant 0 : index
    %get3A_1 = vector.load %arg2[%get3A, %get3A_0] : memref<2000x128xf32, #tpu.memory_space<vmem>>, vector<2000x128xf32>
    %get3A_2 = arith.constant 0 : index
    %get3A_3 = arith.constant 0 : index
    %get3A_4 = vector.load %arg3[%get3A_2, %get3A_3] : memref<128x256xf32, #tpu.memory_space<vmem>>, vector<128x256xf32>
    %dot_general3A = arith.constant dense<0.000000e+00> : vector<2000x256xf32>
    %dot_general3A_5 = tpu.matmul %get3A_1, %get3A_4, %dot_general3A {dimension_numbers = #tpu.dot_dimension_numbers<[1], [0], [0], [1], [0, 0, 1, 1], [], []>, transpose_lhs_hint = false} : vector<2000x128xf32>, vector<128x256xf32>, vector<2000x256xf32> -> vector<2000x256xf32>
    %get3A_6 = arith.constant 0 : index
    %get3A_7 = arith.constant 0 : index
    %get3A_8 = vector.load %arg4[%get3A_6, %get3A_7] : memref<1x256xf32, #tpu.memory_space<vmem>>, vector<1x256xf32>
    %add3A = vector.broadcast %get3A_8 : vector<1x256xf32> to vector<2000x256xf32>
    %add3A_9 = arith.addf %dot_general3A_5, %add3A : vector<2000x256xf32>
    %mul3A = arith.constant 2000 : i32
    %mul3A_10 = arith.muli %arg0, %mul3A : i32
    %iota3A = tpu.iota {dimensions = array<i32: 0>} : vector<2000x1xi32>
    %add3A_11 = vector.broadcast %mul3A_10 : i32 to vector<2000x1xi32>
    %add3A_12 = arith.addi %add3A_11, %iota3A : vector<2000x1xi32>
    %get3A_13 = arith.constant 0 : index
    %get3A_14 = memref.load %arg1[%get3A_13] : memref<1xi32, #tpu.memory_space<smem>>
    %lt3A = vector.broadcast %get3A_14 : i32 to vector<2000x1xi32>
    %lt3A_15 = arith.cmpi slt, %add3A_12, %lt3A : vector<2000x1xi32>
    %convert_element_type3A = arith.extui %lt3A_15 : vector<2000x1xi1> to vector<2000x1xi32>
    %convert_element_type3A_16 = arith.sitofp %convert_element_type3A : vector<2000x1xi32> to vector<2000x1xf32>
    %get3A_17 = arith.constant 0 : index
    %get3A_18 = arith.constant 0 : index
    %get3A_19 = vector.load %arg5[%get3A_17, %get3A_18] : memref<1x256xf32, #tpu.memory_space<vmem>>, vector<1x256xf32>
    %mul3A_20 = vector.broadcast %convert_element_type3A_16 : vector<2000x1xf32> to vector<2000x256xf32>
    %mul3A_21 = vector.broadcast %get3A_19 : vector<1x256xf32> to vector<2000x256xf32>
    %mul3A_22 = arith.mulf %mul3A_20, %mul3A_21 : vector<2000x256xf32>
    %add3A_23 = arith.addf %add3A_9, %mul3A_22 : vector<2000x256xf32>
    %slice3A = vector.extract_strided_slice %add3A_23 {offsets = [0, 0], sizes = [2000, 128], strides = [1, 1]} : vector<2000x256xf32> to vector<2000x128xf32>
    %swap3A = arith.constant 0 : index
    %swap3A_24 = arith.constant 0 : index
    %swap3A_25 = arith.constant 0 : index
    %swap3A_26 = vector.load %arg6[%swap3A, %swap3A_24, %swap3A_25] : memref<2x2000x128xf32, #tpu.memory_space<vmem>>, vector<1x2000x128xf32>
    %swap3A_27 = vector.shape_cast %swap3A_26 : vector<1x2000x128xf32> to vector<2000x128xf32>
    %swap3A_28 = vector.shape_cast %slice3A : vector<2000x128xf32> to vector<1x2000x128xf32>
    tpu.vector_store %arg6[%swap3A, %swap3A_24, %swap3A_25], %swap3A_28 {strides = array<i32>} : memref<2x2000x128xf32, #tpu.memory_space<vmem>>, vector<1x2000x128xf32>,
    %slice3A_29 = vector.extract_strided_slice %add3A_23 {offsets = [0, 128], sizes = [2000, 128], strides = [1, 1]} : vector<2000x256xf32> to vector<2000x128xf32>
    %swap3A_30 = arith.constant 1 : index
    %swap3A_31 = arith.constant 0 : index
    %swap3A_32 = arith.constant 0 : index
    %swap3A_33 = vector.load %arg6[%swap3A_30, %swap3A_31, %swap3A_32] : memref<2x2000x128xf32, #tpu.memory_space<vmem>>, vector<1x2000x128xf32>
    %swap3A_34 = vector.shape_cast %swap3A_33 : vector<1x2000x128xf32> to vector<2000x128xf32>
    %swap3A_35 = vector.shape_cast %slice3A_29 : vector<2000x128xf32> to vector<1x2000x128xf32>
    tpu.vector_store %arg6[%swap3A_30, %swap3A_31, %swap3A_32], %swap3A_35 {strides = array<i32>} : memref<2x2000x128xf32, #tpu.memory_space<vmem>>, vector<1x2000x128xf32>,
    return
  }
  func.func @transform_0(%arg0: i32, %arg1: memref<1xi32, #tpu.memory_space<smem>>) -> (i32, i32) {
    %c0_i32 = arith.constant 0 : i32
    %c0_i32_0 = arith.constant 0 : i32
    return %arg0, %c0_i32 : i32, i32
  }
  func.func @transform_1(%arg0: i32, %arg1: memref<1xi32, #tpu.memory_space<smem>>) -> (i32, i32) {
    %c0_i32 = arith.constant 0 : i32
    %c0_i32_0 = arith.constant 0 : i32
    %c0_i32_1 = arith.constant 0 : i32
    return %c0_i32, %c0_i32_0 : i32, i32
  }
  func.func @transform_2(%arg0: i32, %arg1: memref<1xi32, #tpu.memory_space<smem>>) -> (i32, i32) {
    %c0_i32 = arith.constant 0 : i32
    %c0_i32_0 = arith.constant 0 : i32
    %c0_i32_1 = arith.constant 0 : i32
    return %c0_i32, %c0_i32_0 : i32, i32
  }
  func.func @transform_3(%arg0: i32, %arg1: memref<1xi32, #tpu.memory_space<smem>>) -> (i32, i32) {
    %c0_i32 = arith.constant 0 : i32
    %c0_i32_0 = arith.constant 0 : i32
    %c0_i32_1 = arith.constant 0 : i32
    return %c0_i32, %c0_i32_0 : i32, i32
  }
  func.func @transform_4(%arg0: i32, %arg1: memref<1xi32, #tpu.memory_space<smem>>) -> (i32, i32, i32) {
    %c0_i32 = arith.constant 0 : i32
    %c0_i32_0 = arith.constant 0 : i32
    %c0_i32_1 = arith.constant 0 : i32
    return %c0_i32, %arg0, %c0_i32_0 : i32, i32, i32
  }
}

module attributes {stable_mosaic.version = 14 : i64} {
  func.func @_sage_body(%arg0: i32, %arg1: memref<2x2000x128xf32, #tpu.memory_space<vmem>>, %arg2: memref<2x2000x128xf32, #tpu.memory_space<vmem>>, %arg3: memref<256x256xf32, #tpu.memory_space<vmem>>, %arg4: memref<256x256xf32, #tpu.memory_space<vmem>>, %arg5: memref<1x256xf32, #tpu.memory_space<vmem>>, %arg6: memref<2x2000x128xf32, #tpu.memory_space<vmem>>) attributes {dimension_semantics = [#tpu.dimension_semantics<arbitrary>], iteration_bounds = array<i64: 5>, scalar_prefetch = 0 : i64, scratch_operands = 0 : i64, tpu.core_type = #tpu.core_type<tc>, window_params = [{transform_indices = @transform_0, window_bounds = array<i64: 2, 2000, 128>}, {transform_indices = @transform_1, window_bounds = array<i64: 2, 2000, 128>}, {pipeline_mode = #tpu.pipeline_mode<synchronous>, transform_indices = @transform_2, window_bounds = array<i64: 256, 256>}, {pipeline_mode = #tpu.pipeline_mode<synchronous>, transform_indices = @transform_3, window_bounds = array<i64: 256, 256>}, {pipeline_mode = #tpu.pipeline_mode<synchronous>, transform_indices = @transform_4, window_bounds = array<i64: 1, 256>}, {transform_indices = @transform_5, window_bounds = array<i64: 2, 2000, 128>}]} {
    %get3A = arith.constant 0 : index
    %get3A_0 = arith.constant 0 : index
    %get3A_1 = arith.constant 0 : index
    %get3A_2 = vector.load %arg1[%get3A, %get3A_0, %get3A_1] : memref<2x2000x128xf32, #tpu.memory_space<vmem>>, vector<1x2000x128xf32>
    %get3A_3 = vector.shape_cast %get3A_2 : vector<1x2000x128xf32> to vector<2000x128xf32>
    %get3A_4 = arith.constant 0 : index
    %get3A_5 = arith.constant 0 : index
    %get3A_6 = vector.load %arg3[%get3A_4, %get3A_5] : memref<256x256xf32, #tpu.memory_space<vmem>>, vector<128x256xf32>
    %dot_general3A = arith.constant dense<0.000000e+00> : vector<2000x256xf32>
    %dot_general3A_7 = tpu.matmul %get3A_3, %get3A_6, %dot_general3A {dimension_numbers = #tpu.dot_dimension_numbers<[1], [0], [0], [1], [0, 0, 1, 1], [], []>, transpose_lhs_hint = false} : vector<2000x128xf32>, vector<128x256xf32>, vector<2000x256xf32> -> vector<2000x256xf32>
    %get3A_8 = arith.constant 1 : index
    %get3A_9 = arith.constant 0 : index
    %get3A_10 = arith.constant 0 : index
    %get3A_11 = vector.load %arg1[%get3A_8, %get3A_9, %get3A_10] : memref<2x2000x128xf32, #tpu.memory_space<vmem>>, vector<1x2000x128xf32>
    %get3A_12 = vector.shape_cast %get3A_11 : vector<1x2000x128xf32> to vector<2000x128xf32>
    %get3A_13 = arith.constant 128 : index
    %get3A_14 = arith.constant 0 : index
    %get3A_15 = vector.load %arg3[%get3A_13, %get3A_14] : memref<256x256xf32, #tpu.memory_space<vmem>>, vector<128x256xf32>
    %dot_general3A_16 = arith.constant dense<0.000000e+00> : vector<2000x256xf32>
    %dot_general3A_17 = tpu.matmul %get3A_12, %get3A_15, %dot_general3A_16 {dimension_numbers = #tpu.dot_dimension_numbers<[1], [0], [0], [1], [0, 0, 1, 1], [], []>, transpose_lhs_hint = false} : vector<2000x128xf32>, vector<128x256xf32>, vector<2000x256xf32> -> vector<2000x256xf32>
    %add3A = arith.addf %dot_general3A_7, %dot_general3A_17 : vector<2000x256xf32>
    %get3A_18 = arith.constant 0 : index
    %get3A_19 = arith.constant 0 : index
    %get3A_20 = arith.constant 0 : index
    %get3A_21 = vector.load %arg2[%get3A_18, %get3A_19, %get3A_20] : memref<2x2000x128xf32, #tpu.memory_space<vmem>>, vector<1x2000x128xf32>
    %get3A_22 = vector.shape_cast %get3A_21 : vector<1x2000x128xf32> to vector<2000x128xf32>
    %get3A_23 = arith.constant 0 : index
    %get3A_24 = arith.constant 0 : index
    %get3A_25 = vector.load %arg4[%get3A_23, %get3A_24] : memref<256x256xf32, #tpu.memory_space<vmem>>, vector<128x256xf32>
    %dot_general3A_26 = arith.constant dense<0.000000e+00> : vector<2000x256xf32>
    %dot_general3A_27 = tpu.matmul %get3A_22, %get3A_25, %dot_general3A_26 {dimension_numbers = #tpu.dot_dimension_numbers<[1], [0], [0], [1], [0, 0, 1, 1], [], []>, transpose_lhs_hint = false} : vector<2000x128xf32>, vector<128x256xf32>, vector<2000x256xf32> -> vector<2000x256xf32>
    %add3A_28 = arith.addf %add3A, %dot_general3A_27 : vector<2000x256xf32>
    %get3A_29 = arith.constant 1 : index
    %get3A_30 = arith.constant 0 : index
    %get3A_31 = arith.constant 0 : index
    %get3A_32 = vector.load %arg2[%get3A_29, %get3A_30, %get3A_31] : memref<2x2000x128xf32, #tpu.memory_space<vmem>>, vector<1x2000x128xf32>
    %get3A_33 = vector.shape_cast %get3A_32 : vector<1x2000x128xf32> to vector<2000x128xf32>
    %get3A_34 = arith.constant 128 : index
    %get3A_35 = arith.constant 0 : index
    %get3A_36 = vector.load %arg4[%get3A_34, %get3A_35] : memref<256x256xf32, #tpu.memory_space<vmem>>, vector<128x256xf32>
    %dot_general3A_37 = arith.constant dense<0.000000e+00> : vector<2000x256xf32>
    %dot_general3A_38 = tpu.matmul %get3A_33, %get3A_36, %dot_general3A_37 {dimension_numbers = #tpu.dot_dimension_numbers<[1], [0], [0], [1], [0, 0, 1, 1], [], []>, transpose_lhs_hint = false} : vector<2000x128xf32>, vector<128x256xf32>, vector<2000x256xf32> -> vector<2000x256xf32>
    %add3A_39 = arith.addf %add3A_28, %dot_general3A_38 : vector<2000x256xf32>
    %get3A_40 = arith.constant 0 : index
    %get3A_41 = arith.constant 0 : index
    %get3A_42 = vector.load %arg5[%get3A_40, %get3A_41] : memref<1x256xf32, #tpu.memory_space<vmem>>, vector<1x256xf32>
    %add3A_43 = vector.broadcast %get3A_42 : vector<1x256xf32> to vector<2000x256xf32>
    %add3A_44 = arith.addf %add3A_39, %add3A_43 : vector<2000x256xf32>
    %max3A = arith.constant 0.000000e+00 : f32
    %max3A_45 = vector.broadcast %max3A : f32 to vector<2000x256xf32>
    %max3A_46 = arith.maximumf %add3A_44, %max3A_45 : vector<2000x256xf32>
    %slice3A = vector.extract_strided_slice %max3A_46 {offsets = [0, 0], sizes = [2000, 128], strides = [1, 1]} : vector<2000x256xf32> to vector<2000x128xf32>
    %swap3A = arith.constant 0 : index
    %swap3A_47 = arith.constant 0 : index
    %swap3A_48 = arith.constant 0 : index
    %swap3A_49 = vector.load %arg6[%swap3A, %swap3A_47, %swap3A_48] : memref<2x2000x128xf32, #tpu.memory_space<vmem>>, vector<1x2000x128xf32>
    %swap3A_50 = vector.shape_cast %swap3A_49 : vector<1x2000x128xf32> to vector<2000x128xf32>
    %swap3A_51 = vector.shape_cast %slice3A : vector<2000x128xf32> to vector<1x2000x128xf32>
    tpu.vector_store %arg6[%swap3A, %swap3A_47, %swap3A_48], %swap3A_51 {strides = array<i32>} : memref<2x2000x128xf32, #tpu.memory_space<vmem>>, vector<1x2000x128xf32>,
    %slice3A_52 = vector.extract_strided_slice %max3A_46 {offsets = [0, 128], sizes = [2000, 128], strides = [1, 1]} : vector<2000x256xf32> to vector<2000x128xf32>
    %swap3A_53 = arith.constant 1 : index
    %swap3A_54 = arith.constant 0 : index
    %swap3A_55 = arith.constant 0 : index
    %swap3A_56 = vector.load %arg6[%swap3A_53, %swap3A_54, %swap3A_55] : memref<2x2000x128xf32, #tpu.memory_space<vmem>>, vector<1x2000x128xf32>
    %swap3A_57 = vector.shape_cast %swap3A_56 : vector<1x2000x128xf32> to vector<2000x128xf32>
    %swap3A_58 = vector.shape_cast %slice3A_52 : vector<2000x128xf32> to vector<1x2000x128xf32>
    tpu.vector_store %arg6[%swap3A_53, %swap3A_54, %swap3A_55], %swap3A_58 {strides = array<i32>} : memref<2x2000x128xf32, #tpu.memory_space<vmem>>, vector<1x2000x128xf32>,
    return
  }
  func.func @transform_0(%arg0: i32) -> (i32, i32, i32) {
    %c0_i32 = arith.constant 0 : i32
    %c0_i32_0 = arith.constant 0 : i32
    %c0_i32_1 = arith.constant 0 : i32
    return %c0_i32, %arg0, %c0_i32_0 : i32, i32, i32
  }
  func.func @transform_1(%arg0: i32) -> (i32, i32, i32) {
    %c0_i32 = arith.constant 0 : i32
    %c0_i32_0 = arith.constant 0 : i32
    %c0_i32_1 = arith.constant 0 : i32
    return %c0_i32, %arg0, %c0_i32_0 : i32, i32, i32
  }
  func.func @transform_2(%arg0: i32) -> (i32, i32) {
    %c0_i32 = arith.constant 0 : i32
    %c0_i32_0 = arith.constant 0 : i32
    %c0_i32_1 = arith.constant 0 : i32
    return %c0_i32, %c0_i32_0 : i32, i32
  }
  func.func @transform_3(%arg0: i32) -> (i32, i32) {
    %c0_i32 = arith.constant 0 : i32
    %c0_i32_0 = arith.constant 0 : i32
    %c0_i32_1 = arith.constant 0 : i32
    return %c0_i32, %c0_i32_0 : i32, i32
  }
  func.func @transform_4(%arg0: i32) -> (i32, i32) {
    %c0_i32 = arith.constant 0 : i32
    %c0_i32_0 = arith.constant 0 : i32
    %c0_i32_1 = arith.constant 0 : i32
    return %c0_i32, %c0_i32_0 : i32, i32
  }
  func.func @transform_5(%arg0: i32) -> (i32, i32, i32) {
    %c0_i32 = arith.constant 0 : i32
    %c0_i32_0 = arith.constant 0 : i32
    %c0_i32_1 = arith.constant 0 : i32
    return %c0_i32, %arg0, %c0_i32_0 : i32, i32, i32
  }
}

module attributes {stable_mosaic.version = 14 : i64} {
  func.func @_final_body(%arg0: i32, %arg1: memref<2x2000x128xf32, #tpu.memory_space<vmem>>, %arg2: memref<2x2000x128xf32, #tpu.memory_space<vmem>>, %arg3: memref<256x256xf32, #tpu.memory_space<vmem>>, %arg4: memref<256x256xf32, #tpu.memory_space<vmem>>, %arg5: memref<1x256xf32, #tpu.memory_space<vmem>>, %arg6: memref<1x256xf32, #tpu.memory_space<vmem>>, %arg7: memref<1x256xf32, #tpu.memory_space<vmem>>, %arg8: memref<256x64xf32, #tpu.memory_space<vmem>>, %arg9: memref<1x64xf32, #tpu.memory_space<vmem>>, %arg10: memref<2000x64xf32, #tpu.memory_space<vmem>>) attributes {dimension_semantics = [#tpu.dimension_semantics<arbitrary>], iteration_bounds = array<i64: 5>, scalar_prefetch = 0 : i64, scratch_operands = 0 : i64, tpu.core_type = #tpu.core_type<tc>, window_params = [{transform_indices = @transform_0, window_bounds = array<i64: 2, 2000, 128>}, {transform_indices = @transform_1, window_bounds = array<i64: 2, 2000, 128>}, {pipeline_mode = #tpu.pipeline_mode<synchronous>, transform_indices = @transform_2, window_bounds = array<i64: 256, 256>}, {pipeline_mode = #tpu.pipeline_mode<synchronous>, transform_indices = @transform_3, window_bounds = array<i64: 256, 256>}, {pipeline_mode = #tpu.pipeline_mode<synchronous>, transform_indices = @transform_4, window_bounds = array<i64: 1, 256>}, {pipeline_mode = #tpu.pipeline_mode<synchronous>, transform_indices = @transform_5, window_bounds = array<i64: 1, 256>}, {pipeline_mode = #tpu.pipeline_mode<synchronous>, transform_indices = @transform_6, window_bounds = array<i64: 1, 256>}, {pipeline_mode = #tpu.pipeline_mode<synchronous>, transform_indices = @transform_7, window_bounds = array<i64: 256, 64>}, {pipeline_mode = #tpu.pipeline_mode<synchronous>, transform_indices = @transform_8, window_bounds = array<i64: 1, 64>}, {transform_indices = @transform_9, window_bounds = array<i64: 2000, 64>}]} {
    %get3A = arith.constant 0 : index
    %get3A_0 = arith.constant 0 : index
    %get3A_1 = arith.constant 0 : index
    %get3A_2 = vector.load %arg1[%get3A, %get3A_0, %get3A_1] : memref<2x2000x128xf32, #tpu.memory_space<vmem>>, vector<1x2000x128xf32>
    %get3A_3 = vector.shape_cast %get3A_2 : vector<1x2000x128xf32> to vector<2000x128xf32>
    %get3A_4 = arith.constant 0 : index
    %get3A_5 = arith.constant 0 : index
    %get3A_6 = vector.load %arg3[%get3A_4, %get3A_5] : memref<256x256xf32, #tpu.memory_space<vmem>>, vector<128x256xf32>
    %dot_general3A = arith.constant dense<0.000000e+00> : vector<2000x256xf32>
    %dot_general3A_7 = tpu.matmul %get3A_3, %get3A_6, %dot_general3A {dimension_numbers = #tpu.dot_dimension_numbers<[1], [0], [0], [1], [0, 0, 1, 1], [], []>, transpose_lhs_hint = false} : vector<2000x128xf32>, vector<128x256xf32>, vector<2000x256xf32> -> vector<2000x256xf32>
    %get3A_8 = arith.constant 1 : index
    %get3A_9 = arith.constant 0 : index
    %get3A_10 = arith.constant 0 : index
    %get3A_11 = vector.load %arg1[%get3A_8, %get3A_9, %get3A_10] : memref<2x2000x128xf32, #tpu.memory_space<vmem>>, vector<1x2000x128xf32>
    %get3A_12 = vector.shape_cast %get3A_11 : vector<1x2000x128xf32> to vector<2000x128xf32>
    %get3A_13 = arith.constant 128 : index
    %get3A_14 = arith.constant 0 : index
    %get3A_15 = vector.load %arg3[%get3A_13, %get3A_14] : memref<256x256xf32, #tpu.memory_space<vmem>>, vector<128x256xf32>
    %dot_general3A_16 = arith.constant dense<0.000000e+00> : vector<2000x256xf32>
    %dot_general3A_17 = tpu.matmul %get3A_12, %get3A_15, %dot_general3A_16 {dimension_numbers = #tpu.dot_dimension_numbers<[1], [0], [0], [1], [0, 0, 1, 1], [], []>, transpose_lhs_hint = false} : vector<2000x128xf32>, vector<128x256xf32>, vector<2000x256xf32> -> vector<2000x256xf32>
    %add3A = arith.addf %dot_general3A_7, %dot_general3A_17 : vector<2000x256xf32>
    %get3A_18 = arith.constant 0 : index
    %get3A_19 = arith.constant 0 : index
    %get3A_20 = arith.constant 0 : index
    %get3A_21 = vector.load %arg2[%get3A_18, %get3A_19, %get3A_20] : memref<2x2000x128xf32, #tpu.memory_space<vmem>>, vector<1x2000x128xf32>
    %get3A_22 = vector.shape_cast %get3A_21 : vector<1x2000x128xf32> to vector<2000x128xf32>
    %get3A_23 = arith.constant 0 : index
    %get3A_24 = arith.constant 0 : index
    %get3A_25 = vector.load %arg4[%get3A_23, %get3A_24] : memref<256x256xf32, #tpu.memory_space<vmem>>, vector<128x256xf32>
    %dot_general3A_26 = arith.constant dense<0.000000e+00> : vector<2000x256xf32>
    %dot_general3A_27 = tpu.matmul %get3A_22, %get3A_25, %dot_general3A_26 {dimension_numbers = #tpu.dot_dimension_numbers<[1], [0], [0], [1], [0, 0, 1, 1], [], []>, transpose_lhs_hint = false} : vector<2000x128xf32>, vector<128x256xf32>, vector<2000x256xf32> -> vector<2000x256xf32>
    %add3A_28 = arith.addf %add3A, %dot_general3A_27 : vector<2000x256xf32>
    %get3A_29 = arith.constant 1 : index
    %get3A_30 = arith.constant 0 : index
    %get3A_31 = arith.constant 0 : index
    %get3A_32 = vector.load %arg2[%get3A_29, %get3A_30, %get3A_31] : memref<2x2000x128xf32, #tpu.memory_space<vmem>>, vector<1x2000x128xf32>
    %get3A_33 = vector.shape_cast %get3A_32 : vector<1x2000x128xf32> to vector<2000x128xf32>
    %get3A_34 = arith.constant 128 : index
    %get3A_35 = arith.constant 0 : index
    %get3A_36 = vector.load %arg4[%get3A_34, %get3A_35] : memref<256x256xf32, #tpu.memory_space<vmem>>, vector<128x256xf32>
    %dot_general3A_37 = arith.constant dense<0.000000e+00> : vector<2000x256xf32>
    %dot_general3A_38 = tpu.matmul %get3A_33, %get3A_36, %dot_general3A_37 {dimension_numbers = #tpu.dot_dimension_numbers<[1], [0], [0], [1], [0, 0, 1, 1], [], []>, transpose_lhs_hint = false} : vector<2000x128xf32>, vector<128x256xf32>, vector<2000x256xf32> -> vector<2000x256xf32>
    %add3A_39 = arith.addf %add3A_28, %dot_general3A_38 : vector<2000x256xf32>
    %get3A_40 = arith.constant 0 : index
    %get3A_41 = arith.constant 0 : index
    %get3A_42 = vector.load %arg5[%get3A_40, %get3A_41] : memref<1x256xf32, #tpu.memory_space<vmem>>, vector<1x256xf32>
    %add3A_43 = vector.broadcast %get3A_42 : vector<1x256xf32> to vector<2000x256xf32>
    %add3A_44 = arith.addf %add3A_39, %add3A_43 : vector<2000x256xf32>
    %reduce_sum3A = arith.constant dense<0.000000e+00> : vector<2000xf32>
    %reduce_sum3A_45 = vector.multi_reduction <add>, %add3A_44, %reduce_sum3A [1] : vector<2000x256xf32> to vector<2000xf32>
    %broadcast_in_dim3A = vector.shape_cast %reduce_sum3A_45 : vector<2000xf32> to vector<2000x1xf32>
    %div3A = arith.constant 2.560000e+02 : f32
    %div3A_46 = vector.broadcast %div3A : f32 to vector<2000x1xf32>
    %div3A_47 = arith.divf %broadcast_in_dim3A, %div3A_46 : vector<2000x1xf32>
    %sub3A = vector.broadcast %div3A_47 : vector<2000x1xf32> to vector<2000x256xf32>
    %sub3A_48 = arith.subf %add3A_44, %sub3A : vector<2000x256xf32>
    %sub3A_49 = vector.broadcast %div3A_47 : vector<2000x1xf32> to vector<2000x256xf32>
    %sub3A_50 = arith.subf %add3A_44, %sub3A_49 : vector<2000x256xf32>
    %mul3A = arith.mulf %sub3A_48, %sub3A_50 : vector<2000x256xf32>
    %reduce_sum3A_51 = arith.constant dense<0.000000e+00> : vector<2000xf32>
    %reduce_sum3A_52 = vector.multi_reduction <add>, %mul3A, %reduce_sum3A_51 [1] : vector<2000x256xf32> to vector<2000xf32>
    %broadcast_in_dim3A_53 = vector.shape_cast %reduce_sum3A_52 : vector<2000xf32> to vector<2000x1xf32>
    %div3A_54 = arith.constant 2.560000e+02 : f32
    %div3A_55 = vector.broadcast %div3A_54 : f32 to vector<2000x1xf32>
    %div3A_56 = arith.divf %broadcast_in_dim3A_53, %div3A_55 : vector<2000x1xf32>
    %sub3A_57 = vector.broadcast %div3A_47 : vector<2000x1xf32> to vector<2000x256xf32>
    %sub3A_58 = arith.subf %add3A_44, %sub3A_57 : vector<2000x256xf32>
    %add3A_59 = arith.constant 9.99999974E-6 : f32
    %add3A_60 = vector.broadcast %add3A_59 : f32 to vector<2000x1xf32>
    %add3A_61 = arith.addf %div3A_56, %add3A_60 : vector<2000x1xf32>
    %rsqrt3A = math.rsqrt %add3A_61 : vector<2000x1xf32>
    %mul3A_62 = vector.broadcast %rsqrt3A : vector<2000x1xf32> to vector<2000x256xf32>
    %mul3A_63 = arith.mulf %sub3A_58, %mul3A_62 : vector<2000x256xf32>
    %get3A_64 = arith.constant 0 : index
    %get3A_65 = arith.constant 0 : index
    %get3A_66 = vector.load %arg6[%get3A_64, %get3A_65] : memref<1x256xf32, #tpu.memory_space<vmem>>, vector<1x256xf32>
    %mul3A_67 = vector.broadcast %get3A_66 : vector<1x256xf32> to vector<2000x256xf32>
    %mul3A_68 = arith.mulf %mul3A_63, %mul3A_67 : vector<2000x256xf32>
    %get3A_69 = arith.constant 0 : index
    %get3A_70 = arith.constant 0 : index
    %get3A_71 = vector.load %arg7[%get3A_69, %get3A_70] : memref<1x256xf32, #tpu.memory_space<vmem>>, vector<1x256xf32>
    %add3A_72 = vector.broadcast %get3A_71 : vector<1x256xf32> to vector<2000x256xf32>
    %add3A_73 = arith.addf %mul3A_68, %add3A_72 : vector<2000x256xf32>
    %get3A_74 = arith.constant 0 : index
    %get3A_75 = arith.constant 0 : index
    %get3A_76 = vector.load %arg8[%get3A_74, %get3A_75] : memref<256x64xf32, #tpu.memory_space<vmem>>, vector<256x64xf32>
    %dot_general3A_77 = arith.constant dense<0.000000e+00> : vector<2000x64xf32>
    %dot_general3A_78 = tpu.matmul %add3A_73, %get3A_76, %dot_general3A_77 {dimension_numbers = #tpu.dot_dimension_numbers<[1], [0], [0], [1], [0, 0, 1, 1], [], []>, transpose_lhs_hint = false} : vector<2000x256xf32>, vector<256x64xf32>, vector<2000x64xf32> -> vector<2000x64xf32>
    %swap3A = arith.constant 0 : index
    %swap3A_79 = arith.constant 0 : index
    %swap3A_80 = vector.load %arg10[%swap3A, %swap3A_79] : memref<2000x64xf32, #tpu.memory_space<vmem>>, vector<2000x64xf32>
    tpu.vector_store %arg10[%swap3A, %swap3A_79], %dot_general3A_78 {strides = array<i32>} : memref<2000x64xf32, #tpu.memory_space<vmem>>, vector<2000x64xf32>,
    %get3A_81 = arith.constant 0 : index
    %get3A_82 = arith.constant 0 : index
    %get3A_83 = vector.load %arg10[%get3A_81, %get3A_82] : memref<2000x64xf32, #tpu.memory_space<vmem>>, vector<2000x64xf32>
    %get3A_84 = arith.constant 0 : index
    %get3A_85 = arith.constant 0 : index
    %get3A_86 = vector.load %arg9[%get3A_84, %get3A_85] : memref<1x64xf32, #tpu.memory_space<vmem>>, vector<1x64xf32>
    %add3A_87 = vector.broadcast %get3A_86 : vector<1x64xf32> to vector<2000x64xf32>
    %add3A_88 = arith.addf %get3A_83, %add3A_87 : vector<2000x64xf32>
    %swap3A_89 = arith.constant 0 : index
    %swap3A_90 = arith.constant 0 : index
    %swap3A_91 = vector.load %arg10[%swap3A_89, %swap3A_90] : memref<2000x64xf32, #tpu.memory_space<vmem>>, vector<2000x64xf32>
    tpu.vector_store %arg10[%swap3A_89, %swap3A_90], %add3A_88 {strides = array<i32>} : memref<2000x64xf32, #tpu.memory_space<vmem>>, vector<2000x64xf32>,
    return
  }
  func.func @transform_0(%arg0: i32) -> (i32, i32, i32) {
    %c0_i32 = arith.constant 0 : i32
    %c0_i32_0 = arith.constant 0 : i32
    %c0_i32_1 = arith.constant 0 : i32
    return %c0_i32, %arg0, %c0_i32_0 : i32, i32, i32
  }
  func.func @transform_1(%arg0: i32) -> (i32, i32, i32) {
    %c0_i32 = arith.constant 0 : i32
    %c0_i32_0 = arith.constant 0 : i32
    %c0_i32_1 = arith.constant 0 : i32
    return %c0_i32, %arg0, %c0_i32_0 : i32, i32, i32
  }
  func.func @transform_2(%arg0: i32) -> (i32, i32) {
    %c0_i32 = arith.constant 0 : i32
    %c0_i32_0 = arith.constant 0 : i32
    %c0_i32_1 = arith.constant 0 : i32
    return %c0_i32, %c0_i32_0 : i32, i32
  }
  func.func @transform_3(%arg0: i32) -> (i32, i32) {
    %c0_i32 = arith.constant 0 : i32
    %c0_i32_0 = arith.constant 0 : i32
    %c0_i32_1 = arith.constant 0 : i32
    return %c0_i32, %c0_i32_0 : i32, i32
  }
  func.func @transform_4(%arg0: i32) -> (i32, i32) {
    %c0_i32 = arith.constant 0 : i32
    %c0_i32_0 = arith.constant 0 : i32
    %c0_i32_1 = arith.constant 0 : i32
    return %c0_i32, %c0_i32_0 : i32, i32
  }
  func.func @transform_5(%arg0: i32) -> (i32, i32) {
    %c0_i32 = arith.constant 0 : i32
    %c0_i32_0 = arith.constant 0 : i32
    %c0_i32_1 = arith.constant 0 : i32
    return %c0_i32, %c0_i32_0 : i32, i32
  }
  func.func @transform_6(%arg0: i32) -> (i32, i32) {
    %c0_i32 = arith.constant 0 : i32
    %c0_i32_0 = arith.constant 0 : i32
    %c0_i32_1 = arith.constant 0 : i32
    return %c0_i32, %c0_i32_0 : i32, i32
  }
  func.func @transform_7(%arg0: i32) -> (i32, i32) {
    %c0_i32 = arith.constant 0 : i32
    %c0_i32_0 = arith.constant 0 : i32
    %c0_i32_1 = arith.constant 0 : i32
    return %c0_i32, %c0_i32_0 : i32, i32
  }
  func.func @transform_8(%arg0: i32) -> (i32, i32) {
    %c0_i32 = arith.constant 0 : i32
    %c0_i32_0 = arith.constant 0 : i32
    %c0_i32_1 = arith.constant 0 : i32
    return %c0_i32, %c0_i32_0 : i32, i32
  }
  func.func @transform_9(%arg0: i32) -> (i32, i32) {
    %c0_i32 = arith.constant 0 : i32
    %c0_i32_0 = arith.constant 0 : i32
    return %arg0, %c0_i32 : i32, i32
  }
}

</mosaic_0001>

<sc_bundles>
// kernel: segsum.4.cloned.1.call-start
scs
__scs_entry_jumppad:
0x0: {  	(pc) =	sbr.rel $0x88, $3  }
0x1: {  	(tag) =	ssettag $0x0;
	lr =	simm.s32 $0x1  }
0x2: {  	[smem:$0x3F91] =	sst lr;
	_ =	strace $0xD0000000  }
0x3: {  	_ = 	snop  }
0x4: {  	_ = 	snop  }
0x5: {  	_ = 	snop  }
0x6: {  	_ = 	snop  }
0x7: {  	_ = 	snop  }
__scs_overlays_trampoline_lowered:
0x8: {  	[smem:$0x3FA0] =	sst s0  }
0x9: {  	[smem:$0x3FA1] =	sst s1  }
0xa: {  	[smem:$0x3FA2] =	sst s2  }
0xb: {  	[smem:$0x3FA3] =	sst s3  }
0xc: {  	[smem:$0x3FA4] =	sst s4  }
0xd: {  	[smem:$0x3FA5] =	sst s5  }
0xe: {  	[smem:$0x3FA6] =	sst s6  }
0xf: {  	[smem:$0x3FA7] =	sst s7  }
0x10: {  	[smem:$0x3FA8] =	sst s8  }
0x11: {  	[smem:$0x3FA9] =	sst s9;
	s0 =	simm.s32 @!p0 $0x0  }
0x12: {  	s1 =	sld [smem:$0x3F8F];
	s0 =	simm.s32 @p0 $0x1  }
0x13: {  	[smem:$0x3FAA] =	sst s0;
	s0 =	simm.s32 @!p1 $0x0  }
0x14: {  	s2 =	sld [smem:$0x3F8E];
	s0 =	simm.s32 @p1 $0x1  }
0x15: {  	[smem:$0x3FAB] =	sst s0;
	s0 =	simm.s32 @!p2 $0x0  }
0x16: {  	s3 =	sld [smem:$0x3FDB];
	s0 =	simm.s32 @p2 $0x1  }
0x17: {  	s4 =	simm.s32 $0x1BF5;
	[smem:$0x3FAD] =	sst s0  }
0x18: {  	s0 =	sld [smem:$0x3F90];
	_ =	swait.ge [sflag:s4], $0x0  }
0x19: {  	s7 =	sld [smem:$0x3F91]  }
0x1a: {  	s8 =	sadd.s32 $0xFFFFE003, lr  }
0x1b: {  	s9 =	sadd.s32 $0xFFFFFEF7, lr;
	s5 =	simm.s32 $0xFFFFFFFF;
	p2 =	slt.u32 s8, $0xFFFFF086  }
0x1c: {  	p1 =	slt.u32 s9, $0xF7A;
	s5 =	simm.s32 @!p2 $0x0  }
0x1d: {  	s5 =	simm.s32 @p1 $0x1;
	p0 =	seq.s32 s7, s2  }
0x1e: {  	s7 =	smul.u32 @!p0 $0xF7A, s2;
	p2 =	seq.s32 @!p0 s5, $0x0  }
0x1f: {  	s9 =	smul.u32 $0xF7A, s1;
	s8 =	simm.s32 @!p0 $0x1BF5;
	p2 =	por !p2, p0  }
0x20: {  	[sflag:s8] =	ssyncset.s32 @!p0 $0xFFFFF086;
	s6 =	sadd.s32 @!p0 s3, s7;
	s7 =	simm.s32 @!p0 $0x108  }
0x21: {  	s3 =	sadd.s32 s3, s9;
	s6 =	sadd.s32 @!p0 $0x88, s6;
	s7 =	simm.s32 @p2 $0x1082  }
0x22: {  	[simem:s7], [sflag:s8] =	dma.local @!p0 [hbm:s6], $0xF7A  }
0x23: {  	s9 =	sor.u32 $0xD0000000, s2;
	s6 =	simm.s32 $0x108;
	_ =	swait.ge @!p0 [sflag:s8], $0x0  }
0x24: {  	s3 =	sadd.s32 $0x88, s3;
	s6 =	simm.s32 @!p1 $0x1082;
	[sflag:s4] =	ssyncset.s32 $0xFFFFF086  }
0x25: {  	[simem:s6], [sflag:s4] =	dma.local [hbm:s3], $0xF7A  }
0x26: {  	[smem:$0x3F91] =	sst s1;
	(tag) =	ssettag s2;
	_ =	strace s9  }
0x27: {  	s1 =	sld [smem:$0x3FA1]  }
0x28: {  	s2 =	sld [smem:$0x3FA2]  }
0x29: {  	s4 =	sld [smem:$0x3FA4]  }
0x2a: {  	p0 =	seq.s32 s5, $0x0;
	s5 =	sld [smem:$0x3FA5]  }
0x2b: {  	s6 =	sld [smem:$0x3FA6]  }
0x2c: {  	s7 =	sld [smem:$0x3FA7]  }
0x2d: {  	s3 =	simm.s32 $0x108;
	s8 =	sld [smem:$0x3FA8]  }
0x2e: {  	s3 =	simm.s32 @!p0 $0x1082;
	s9 =	sld [smem:$0x3FA9]  }
0x2f: {  	lr =	sadd.s32 s0, s3;
	s0 =	sld [smem:$0x3FA0]  }
0x30: {  	s3 =	sld [smem:$0x3FA3]  }
0x31: {  	[smem:$0x3FAC] =	sst s10  }
0x32: {  	s10 =	sld [smem:$0x3FAA];
	_ =	sdelay $0x3  }
0x33: {  	p0 =	seq.s32 s10, $0x1;
	s10 =	sld [smem:$0x3FAC];
	_ =	sdelay $0x3  }
0x34: {  	[smem:$0x3FAC] =	sst s10  }
0x35: {  	s10 =	sld [smem:$0x3FAB];
	_ =	sdelay $0x3  }
0x36: {  	p1 =	seq.s32 s10, $0x1;
	s10 =	sld [smem:$0x3FAC];
	_ =	sdelay $0x3  }
0x37: {  	[smem:$0x3FAC] =	sst s10  }
0x38: {  	s10 =	sld [smem:$0x3FAD]  }
0x39: {  	_ = 	snop;
	(pc) =	sbr.ind lr, $3  }
0x3a: {  	_ = 	snop  }
0x3b: {  	_ = 	snop  }
0x3c: {  	p2 =	seq.s32 s10, $0x1;
	s10 =	sld [smem:$0x3FAC]  }
0x3d: {  	_ =	shalt  }
0x3e: {  	_ =	shalt  }
0x3f: {  	_ =	shalt  }
0x40: {  	_ =	shalt  }
0x41: {  	_ =	shalt  }
0x42: {  	_ =	shalt  }
0x43: {  	_ =	shalt  }
0x44: {  	_ =	shalt  }
0x45: {  	_ =	shalt  }
0x46: {  	_ =	shalt  }
0x47: {  	_ =	shalt  }
0x48: {  	_ =	shalt  }
0x49: {  	_ =	shalt  }
0x4a: {  	_ =	shalt  }
0x4b: {  	_ =	shalt  }
0x4c: {  	_ =	shalt  }
0x4d: {  	_ =	shalt  }
0x4e: {  	_ =	shalt  }
0x4f: {  	_ =	shalt  }
0x50: {  	_ =	shalt  }
0x51: {  	_ =	shalt  }
0x52: {  	_ =	shalt  }
0x53: {  	_ =	shalt  }
0x54: {  	_ =	shalt  }
0x55: {  	_ =	shalt  }
0x56: {  	_ =	shalt  }
0x57: {  	_ =	shalt  }
0x58: {  	_ =	shalt  }
0x59: {  	_ =	shalt  }
0x5a: {  	_ =	shalt  }
0x5b: {  	_ =	shalt  }
0x5c: {  	_ =	shalt  }
0x5d: {  	_ =	shalt  }
0x5e: {  	_ =	shalt  }
0x5f: {  	_ =	shalt  }
0x60: {  	_ =	shalt  }
0x61: {  	_ =	shalt  }
0x62: {  	_ =	shalt  }
0x63: {  	_ =	shalt  }
0x64: {  	_ =	shalt  }
0x65: {  	_ =	shalt  }
0x66: {  	_ =	shalt  }
0x67: {  	_ =	shalt  }
0x68: {  	_ =	shalt  }
0x69: {  	_ =	shalt  }
0x6a: {  	_ =	shalt  }
0x6b: {  	_ =	shalt  }
0x6c: {  	_ =	shalt  }
0x6d: {  	_ =	shalt  }
0x6e: {  	_ =	shalt  }
0x6f: {  	_ =	shalt  }
0x70: {  	_ =	shalt  }
0x71: {  	_ =	shalt  }
0x72: {  	_ =	shalt  }
0x73: {  	_ =	shalt  }
0x74: {  	_ =	shalt  }
0x75: {  	_ =	shalt  }
0x76: {  	_ =	shalt  }
0x77: {  	_ =	shalt  }
0x78: {  	_ =	shalt  }
0x79: {  	_ =	shalt  }
0x7a: {  	_ =	shalt  }
0x7b: {  	_ =	shalt  }
0x7c: {  	_ =	shalt  }
0x7d: {  	_ =	shalt  }
0x7e: {  	_ =	shalt  }
0x7f: {  	_ =	shalt  }
0x80: {  	_ =	shalt  }
0x81: {  	_ =	shalt  }
0x82: {  	_ =	shalt  }
0x83: {  	_ =	shalt  }
0x84: {  	_ =	shalt  }
0x85: {  	_ =	shalt  }
0x86: {  	_ =	shalt  }
0x87: {  	_ =	shalt  }
.Lfunc_end0:
.L_simem_size_0:
called_computation_lowered:
.L_overlay_start_0:
0x88: {  	s2 =	sld [smem:$0x3FD9]  }
0x89: {  	s3 =	sld [smem:$0x3FFE];
	_ =	sdelay $0x1  }
0x8a: {  	s1 =	srdreg.scid  }
0x8b: {  	s0 =	sand.u32 $0x1, s1  }
0x8c: {  	s17 =	sshll.u32 s0, $0xA;
	s2 =	sadd.s32 s3, s2  }
0x8d: {  	s2 =	sadd.s32 s2, s17  }
0x8e: {  	[smem:$0x3FB8] =	sst s2  }
0x8f: {  	_ = 	snop  }
0x90: {  	s2 =	sld [smem:$0x3FD0];
	(tm) =	ssettm $0x1  }
0x91: {  	s18 =	sld [smem:$0x3FFB];
	_ =	sdelay $0x3  }
0x92: {  	_ =	strace s18  }
0x93: {  	s3 =	sld [smem:$0x3FFC];
	_ =	sdelay $0x3  }
0x94: {  	_ =	strace s3  }
0x95: {  	s3 =	sld [smem:$0x3FFD];
	_ =	sdelay $0x3  }
0x96: {  	_ =	strace s3  }
0x97: {  	_ =	strace $0x8FFFFFFF  }
0x98: {  	s19 =	sld [smem:$0x3FDB];
	_ =	sdelay $0x1  }
0x99: {  	s4 =	simm.s32 $_scs_section_size  }
0x9a: {  	s5 =	simm.s32 $_size__tile_overlayer_lowered;
	s6 =	simm.s32 $_tile_overlayer_lowered  }
0x9b: {  	s22 =	simm.s32 $0x1BFF;
	s21 =	sshll.u32 s6, $0x1;
	s3 =	sadd.s32 s4, s19  }
0x9c: {  	s7 =	simm.s32 $0x0;
	s20 =	sshll.u32 s5, $0x1;
	s5 =	sadd.s32 s21, s3  }
0x9d: {  	[timem:s7], [sflag:s22] =	dma.local [hbm:s5], s20  }
0x9e: {  	_ =	swait.ge [sflag:s22], s20  }
0x9f: {  	s4 =	ssub.s32 $0x0, s20;
	[sflag:s22] =	ssyncset.done $0x0  }
0xa0: {  	[sflag:s22] =	ssyncadd.s32 s4;
	_ =	sdelay $0x1  }
0xa1: {  	s23 =	simm.s32 $0x1B8B  }
0xa2: {  	_ =	swait.ge [sflag:s23], $0x1  }
0xa3: {  	[sflag:s23] =	ssyncset.done $0x0  }
0xa4: {  	s25 =	simm.s32 $0x1B8E;
	s24 =	sld [smem:$0x3FFE];
	[sflag:s23] =	ssyncadd.s32 $0xFFFFFFFF  }
0xa5: {  	s26 =	simm.s32 $execute0_lowered;
	[smem:$0x3FD2] =	sst s25  }
0xa6: {  	s5 =	sshll.u32 s26, $0x1;
	_ =	strace $0x80000046;
	[dreg:$0x1] =	wrdreg $0xFFFFFFFF  }
0xa7: {  	s28 =	simm.s32 $_size_execute0_lowered;
	s3 =	sadd.s32 s3, s5;
	[dreg:$0x0] =	wrdreg $0x0  }
0xa8: {  	s5 =	sshll.u32 s28, $0x1;
	[dreg:$0x2] =	wrdreg s3  }
0xa9: {  	[dreg:$0x3] =	wrdreg s5  }
0xaa: {  	[dreg:$0x4] =	wrdreg $0xC0  }
0xab: {  	_ =	task [dreg:s7], $0x5FFFF  }
0xac: {  	[dreg:$0x1] =	wrdreg $0xFFFFFFFF  }
0xad: {  	[dreg:$0x0] =	wrdreg $0x60  }
0xae: {  	[dreg:$0x2] =	wrdreg s24  }
0xaf: {  	[dreg:$0x3] =	wrdreg s2  }
0xb0: {  	[dreg:$0x4] =	wrdreg $0x98000  }
0xb1: {  	[dreg:$0x5] =	wrdreg $0x9  }
0xb2: {  	_ =	task.clear_ibuf [dreg:s7], $0x6FFFF;
	_ =	strace $0x90000046  }
0xb3: {  	s29 =	simm.s32 $0x9;
	_ =	strace $0x80000048  }
0xb4: {  	_ =	swait.ge [sflag:s29], $0x1  }
0xb5: {  	[sflag:s29] =	ssyncadd.s32 $0xFFFFFFFF  }
0xb6: {  	_ =	strace $0x90000048  }
0xb7: {  	_ =	sfence  }
0xb8: {  	s30 =	sld [smem:$0x0];
	_ =	sdelay $0x2  }
0xb9: {  	s31 =	sshll.u32 s1, $0xD;
	s1 =	sshrl.u32 s1, $0x2  }
0xba: {  	s3 =	sand.u32 $0x4000, s31;
	s1 =	sadd.s32 s1, s30  }
0xbb: {  	s0 =	sor.u32 s3, s0;
	s1 =	sshll.u32 s1, $0x11  }
0xbc: {  	s0 =	sor.u32 s1, s0  }
0xbd: {  	s0 =	sadd.s32 $0x8F2B, s0  }
0xbe: {  	[sflag:s0] =	ssyncadd.remote.s32 $0x1  }
0xbf: {  	_ =	sfence.sel $0xFFFF  }
0xc0: {  	[dreg:$0x0] =	wrdreg $0xFFFFFFFF;
	(pc) =	sbr.abs _section_cstart, $3  }
0xc1: {  	[dreg:$0x1] =	wrdreg $0xFFFFFFFF  }
0xc2: {  	_ =	task.clear_ibuf [dreg:s7], $0x2FFFF;
	_ =	strace $0x9FFFFFFF  }
0xc3: {  	(tm) =	ssettm $0x7FFFFFFF  }
tec
execute0_lowered:
.L_overlay_start_1:
0x0: {  	(tag) =	ssettag $0x1  }
0x1: {  	s0 =	rddreg [dreg:$0x0]  }
0x2: {  	s2 =	rddreg [dreg:$0x1];
	s13 =	stileid.u32  }
0x3: {  	s1 =	rddreg [dreg:$0x2];
	s4 =	smul.u32 $0x4E000, s13  }
0x4: {  	s3 =	srdreg.scid;
	s11 =	simm.s32 $0x0;
	s12 =	smul.u32 $0x3000, s13  }
0x5: {  	s28 =	simm.s32 $0x5800;
	s30 =	simm.s32 $0x2;
	s10 =	smul.u32 $0x2700, s13  }
0x6: {  	s5 =	sand.u32 $0x1, s3;
	[smem:$0x7FF] =	sst s11;
	s16 =	smul.u32 $0x600, s13  }
0x7: {  	s17 =	sadd.s32 $0x138000, s1;
	p0 =	sne.s32 s13, $0xF;
	_ =	strace $0x80000047  }
0x8: {  	[dreg:$0x8] =	wrdreg s17;
	s4 =	sshrl.u32 s4, $0x2;
	s18 =	sadd.s32 s2, s16  }
0x9: {  	s3 =	simm.s32 $0xC00;
	s4 =	sadd.s32 s4, s1;
	[dreg:$0xa] =	wrdreg s18  }
0xa: {  	s8 =	ssub.s32 $0x2, s5;
	s11 =	sadd.s32 $0x4000, s4;
	[dreg:$0x9] =	wrdreg s4  }
0xb: {  	s9 =	sshrl.u32 s8, $0x1;
	s14 =	sadd.s32 $0x8000, s4;
	[dreg:$0x4] =	wrdreg s11  }
0xc: {  	s8 =	ssub.s32 s8, s9;
	s15 =	sadd.s32 $0xC000, s4;
	[dreg:$0x5] =	wrdreg s14  }
0xd: {  	s9 =	sshrl.u32 s12, $0x3;
	s12 =	sadd.s32 $0x10000, s4;
	[dreg:$0x6] =	wrdreg s15  }
0xe: {  	s6 =	smul.u32 $0x27100, s5;
	s4 =	sadd.s32 $0x180, s18;
	[dreg:$0x7] =	wrdreg s12  }
0xf: {  	s9 =	sadd.s32 s2, s9;
	s31 =	smax.u32 s8, $0x1;
	[dreg:$0xc] =	wrdreg s4  }
0x10: {  	s20 =	smul.u32 $0x138800, s5;
	s19 =	sadd.s32 $0x6000, s9;
	[dreg:$0x14] =	wrdreg s31  }
0x11: {  	s7 =	sadd.s32 s6, s0;
	s21 =	sadd.s32 $0x6180, s9;
	[dreg:$0xb] =	wrdreg s19  }
0x12: {  	s0 =	sadd.s32 $0x51000, s0;
	s22 =	sadd.s32 $0x300, s9;
	[dreg:$0xd] =	wrdreg s21  }
0x13: {  	s25 =	sadd.s32 s10, s6;
	s23 =	sadd.s32 $0x6300, s9;
	[dreg:$0xe] =	wrdreg s22  }
0x14: {  	s2 =	sshrl.u32 s20, $0x3;
	s24 =	sadd.s32 $0x480, s9;
	[dreg:$0xf] =	wrdreg s23  }
0x15: {  	s20 =	simm.s32 $0x4;
	s26 =	sadd.s32 $0x6480, s9;
	[dreg:$0x10] =	wrdreg s24  }
0x16: {  	s2 =	sadd.s32 s0, s2;
	s0 =	sadd.s32 s0, s25;
	[dreg:$0x11] =	wrdreg s26  }
0x17: {  	s12 =	sadd.s32 $0x2E00, s7;
	s25 =	simm.s32 $0x80;
	[dreg:$0x12] =	wrdreg s0  }
0x18: {  	s29 =	sadd.s32 $0x27000, s2;
	s22 =	simm.s32 $0x1800;
	s23 =	simm.s32 $0x3  }
0x19: {  	v0 =	vimm.f32 $0.0e+00;
	s26 =	simm.s32 $0x1;
	s21 =	simm.s32 $0x0;
	[dreg:$0x13] =	wrdreg s29  }
.LBB2_1:
0x1a: {  	s10 =	simm.s32 $0x0;
	s9 =	simm.s32 $0x200  }
.LBB2_2:
0x1b: {  	p1 =	sne.s32 s9, $0xFE00;
	[tilespmem:s10+$0x1870] =	vst v0  }
0x1c: {  	[tilespmem:s10+$0x1800] =	vst v0  }
0x1d: {  	[tilespmem:s10+$0x1810] =	vst v0  }
.Ltmp0:
0x1e: {  	[tilespmem:s10+$0x1820] =	vst v0;
	(pc) =	sbr.rel @p1 .LBB2_2-.Ltmp0, $4  }
0x1f: {  	[tilespmem:s10+$0x1830] =	vst v0  }
0x20: {  	[tilespmem:s10+$0x1840] =	vst v0  }
0x21: {  	[tilespmem:s10+$0x1850] =	vst v0  }
0x22: {  	[tilespmem:s10+$0x1860] =	vst v0;
	s10 =	sshra.s32 s9, $0x2;
	s9 =	sadd.s32 $0x200, s9  }
0x23: {  	[tilespmem:s10+$0x1870] =	vst v0  }
0x24: {  	[tilespmem:s10+$0x1800] =	vst v0  }
0x25: {  	[tilespmem:s10+$0x1810] =	vst v0  }
0x26: {  	[tilespmem:s10+$0x1820] =	vst v0  }
0x27: {  	[tilespmem:s10+$0x1830] =	vst v0  }
0x28: {  	[tilespmem:s10+$0x1840] =	vst v0  }
0x29: {  	[tilespmem:s10+$0x1850] =	vst v0  }
0x2a: {  	[tilespmem:s10+$0x1860] =	vst v0;
	s0 =	rddreg [dreg:$0x9]  }
0x2b: {  	[spmem:s0] =	stream.linear.scatter [tilespmem:s22], [sflag:$0x3], $0x4000, $0x38;
	[tilespmem:$0x1D0C0] =	vst v63  }
0x2c: {  	_ =	swait.ge [sflag:s23], $0x4000  }
0x2d: {  	[sflag:s23] =	ssyncset.done $0x0  }
0x2e: {  	s9 =	rddreg [dreg:$0x4];
	[sflag:s23] =	ssyncadd.s32 $0xFFFFC000  }
0x2f: {  	[spmem:s9] =	stream.linear.scatter [tilespmem:s22], [sflag:$0x3], $0x4000, $0x38;
	[tilespmem:$0x1D0C0] =	vst v63  }
0x30: {  	_ =	swait.ge [sflag:s23], $0x4000  }
0x31: {  	[sflag:s23] =	ssyncset.done $0x0  }
0x32: {  	s10 =	rddreg [dreg:$0x5];
	[sflag:s23] =	ssyncadd.s32 $0xFFFFC000  }
0x33: {  	[spmem:s10] =	stream.linear.scatter [tilespmem:s22], [sflag:$0x3], $0x4000, $0x38;
	[tilespmem:$0x1D0C0] =	vst v63  }
0x34: {  	_ =	swait.ge [sflag:s23], $0x4000  }
0x35: {  	[sflag:s23] =	ssyncset.done $0x0  }
0x36: {  	s11 =	rddreg [dreg:$0x6];
	[sflag:s23] =	ssyncadd.s32 $0xFFFFC000  }
0x37: {  	[spmem:s11] =	stream.linear.scatter [tilespmem:s22], [sflag:$0x3], $0x4000, $0x38;
	[tilespmem:$0x1D0C0] =	vst v63  }
0x38: {  	_ =	swait.ge [sflag:s23], $0x4000  }
0x39: {  	[sflag:s23] =	ssyncset.done $0x0  }
0x3a: {  	s13 =	rddreg [dreg:$0x7];
	[sflag:s23] =	ssyncadd.s32 $0xFFFFC000  }
0x3b: {  	[spmem:s13] =	stream.linear.scatter [tilespmem:s22], [sflag:$0x3], $0x3800, $0x38;
	[tilespmem:$0x1D0C0] =	vst v63  }
0x3c: {  	_ =	swait.ge [sflag:s23], $0x3800  }
0x3d: {  	[sflag:s23] =	ssyncset.done $0x0  }
0x3e: {  	s9 =	simm.s32 @!p0 $0x1800;
	s0 =	rddreg [dreg:$0x8];
	[sflag:s23] =	ssyncadd.s32 $0xFFFFC800  }
0x3f: {  	[spmem:s0] =	stream.linear.scatter @!p0 [tilespmem:s9], [sflag:$0x3], $0xC00, $0x38;
	[tilespmem:$0x1D0C0] =	vst v63  }
0x40: {  	s0 =	simm.s32 @!p0 $0x3  }
0x41: {  	_ =	swait.ge @!p0 [sflag:s0], $0xC00  }
0x42: {  	[sflag:s0] =	ssyncset.done @!p0 $0x0  }
0x43: {  	[sflag:s0] =	ssyncadd.s32 @!p0 $0xFFFFF400  }
0x44: {  	[bflag:$0x0] =	sbarrier.arrive $0xFFFF  }
0x45: {  	s2 =	simm.s32 $0x0;
	s14 =	rddreg [dreg:$0xa]  }
0x46: {  	[tilespmem:s2], [sflag:$0x3] =	stream.linear.gather [hbm4b:s14+s2], $0xA00, $0x38;
	[tilespmem:$0x1D0C0] =	vst v63  }
0x47: {  	_ =	swait.ge [sflag:s23], $0xA00  }
0x48: {  	[sflag:s23] =	ssyncset.done $0x0  }
0x49: {  	s15 =	rddreg [dreg:$0xb];
	[sflag:s23] =	ssyncadd.s32 $0xFFFFF600  }
0x4a: {  	[tilespmem:s3], [sflag:$0x3] =	stream.linear.gather [hbm4b:s15+s2], $0xA00, $0x38;
	[tilespmem:$0x1D0C0] =	vst v63  }
0x4b: {  	_ =	swait.ge [sflag:s23], $0xA00  }
0x4c: {  	[sflag:s23] =	ssyncset.done $0x0  }
0x4d: {  	[sflag:s23] =	ssyncadd.s32 $0xFFFFF600  }
0x4e: {  	[tilespmem:s22], [sflag:$0x1] =	stream.indirect.gather [hbm4b:s12+s25], $0x80, s2, s25, $0xb8;
	[tilespmem:$0x1D0C0] =	vst v63  }
0x4f: {  	_ =	swait.ge [sflag:s26], $0x4000  }
0x50: {  	[sflag:s26] =	ssyncset.done $0x0  }
0x51: {  	[sflag:s26] =	ssyncadd.s32 $0xFFFFC000  }
0x52: {  	[tilespmem:s28], [sflag:$0x2] =	stream.indirect.gather [hbm4b:s12+s25], $0x80, s25, s25, $0xb8;
	[tilespmem:$0x1D0C0] =	vst v63  }
0x53: {  	_ = 	snop  }
0x54: {  	[spmem:s1] =	stream.indirect.scatter.add.f32 [tilespmem:s22], [sflag:$0x3], $0x80, s3, s25, $0xb8;
	[tilespmem:$0x1D0C0] =	vst v63  }
0x55: {  	_ =	swait.ge [sflag:s23], $0x4000  }
0x56: {  	[sflag:s23] =	ssyncset.done $0x0  }
0x57: {  	s16 =	simm.s32 $0x100;
	[sflag:s23] =	ssyncadd.s32 $0xFFFFC000  }
0x58: {  	[tilespmem:s22], [sflag:$0x1] =	stream.indirect.gather [hbm4b:s12+s25], $0x80, s16, s25, $0xb8;
	[tilespmem:$0x1D0C0] =	vst v63  }
0x59: {  	_ =	swait.ge [sflag:s30], $0x4000  }
0x5a: {  	[sflag:s30] =	ssyncset.done $0x0  }
0x5b: {  	s17 =	simm.s32 $0xC80;
	[sflag:s30] =	ssyncadd.s32 $0xFFFFC000  }
0x5c: {  	[spmem:s1] =	stream.indirect.scatter.add.f32 [tilespmem:s28], [sflag:$0x3], $0x80, s17, s25, $0xb8;
	[tilespmem:$0x1D0C0] =	vst v63  }
0x5d: {  	_ =	swait.ge [sflag:s23], $0x4000  }
0x5e: {  	[sflag:s23] =	ssyncset.done $0x0  }
0x5f: {  	[sflag:s23] =	ssyncadd.s32 $0xFFFFC000  }
0x60: {  	_ =	swait.ge [sflag:s26], $0x4000  }
0x61: {  	[sflag:s26] =	ssyncset.done $0x0  }
0x62: {  	s18 =	simm.s32 $0x180;
	[sflag:s26] =	ssyncadd.s32 $0xFFFFC000  }
0x63: {  	[tilespmem:s28], [sflag:$0x2] =	stream.indirect.gather [hbm4b:s12+s25], $0x80, s18, s25, $0xb8;
	[tilespmem:$0x1D0C0] =	vst v63  }
0x64: {  	s19 =	simm.s32 $0xD00  }
0x65: {  	[spmem:s1] =	stream.indirect.scatter.add.f32 [tilespmem:s22], [sflag:$0x3], $0x80, s19, s25, $0xb8;
	[tilespmem:$0x1D0C0] =	vst v63  }
0x66: {  	_ =	swait.ge [sflag:s23], $0x4000  }
0x67: {  	[sflag:s23] =	ssyncset.done $0x0  }
0x68: {  	s24 =	simm.s32 $0x200;
	[sflag:s23] =	ssyncadd.s32 $0xFFFFC000  }
0x69: {  	[tilespmem:s22], [sflag:$0x1] =	stream.indirect.gather [hbm4b:s12+s25], $0x80, s24, s25, $0xb8;
	[tilespmem:$0x1D0C0] =	vst v63  }
0x6a: {  	_ =	swait.ge [sflag:s30], $0x4000  }
0x6b: {  	[sflag:s30] =	ssyncset.done $0x0  }
0x6c: {  	s29 =	simm.s32 $0xD80;
	[sflag:s30] =	ssyncadd.s32 $0xFFFFC000  }
0x6d: {  	[spmem:s1] =	stream.indirect.scatter.add.f32 [tilespmem:s28], [sflag:$0x3], $0x80, s29, s25, $0xb8;
	[tilespmem:$0x1D0C0] =	vst v63  }
0x6e: {  	_ =	swait.ge [sflag:s23], $0x4000  }
0x6f: {  	[sflag:s23] =	ssyncset.done $0x0  }
0x70: {  	[sflag:s23] =	ssyncadd.s32 $0xFFFFC000  }
0x71: {  	_ =	swait.ge [sflag:s26], $0x4000  }
0x72: {  	[sflag:s26] =	ssyncset.done $0x0  }
0x73: {  	s5 =	simm.s32 $0x280;
	[sflag:s26] =	ssyncadd.s32 $0xFFFFC000  }
0x74: {  	[tilespmem:s28], [sflag:$0x2] =	stream.indirect.gather [hbm4b:s12+s25], $0x80, s5, s25, $0xb8;
	[tilespmem:$0x1D0C0] =	vst v63  }
0x75: {  	s7 =	simm.s32 $0xE00  }
0x76: {  	[spmem:s1] =	stream.indirect.scatter.add.f32 [tilespmem:s22], [sflag:$0x3], $0x80, s7, s25, $0xb8;
	[tilespmem:$0x1D0C0] =	vst v63  }
0x77: {  	_ =	swait.ge [sflag:s23], $0x4000  }
0x78: {  	[sflag:s23] =	ssyncset.done $0x0  }
0x79: {  	s8 =	simm.s32 $0x300;
	[sflag:s23] =	ssyncadd.s32 $0xFFFFC000  }
0x7a: {  	[tilespmem:s22], [sflag:$0x1] =	stream.indirect.gather [hbm4b:s12+s25], $0x80, s8, s25, $0xb8;
	[tilespmem:$0x1D0C0] =	vst v63  }
0x7b: {  	_ =	swait.ge [sflag:s30], $0x4000  }
0x7c: {  	[sflag:s30] =	ssyncset.done $0x0  }
0x7d: {  	s9 =	simm.s32 $0xE80;
	[sflag:s30] =	ssyncadd.s32 $0xFFFFC000  }
0x7e: {  	[spmem:s1] =	stream.indirect.scatter.add.f32 [tilespmem:s28], [sflag:$0x3], $0x80, s9, s25, $0xb8;
	[tilespmem:$0x1D0C0] =	vst v63  }
0x7f: {  	_ =	swait.ge [sflag:s23], $0x4000  }
0x80: {  	[sflag:s23] =	ssyncset.done $0x0  }
0x81: {  	[sflag:s23] =	ssyncadd.s32 $0xFFFFC000  }
0x82: {  	_ =	swait.ge [sflag:s26], $0x4000  }
0x83: {  	[sflag:s26] =	ssyncset.done $0x0  }
0x84: {  	s11 =	simm.s32 $0x380;
	[sflag:s26] =	ssyncadd.s32 $0xFFFFC000  }
0x85: {  	[tilespmem:s28], [sflag:$0x2] =	stream.indirect.gather [hbm4b:s12+s25], $0x80, s11, s25, $0xb8;
	[tilespmem:$0x1D0C0] =	vst v63  }
0x86: {  	s18 =	simm.s32 $0xF00  }
0x87: {  	[spmem:s1] =	stream.indirect.scatter.add.f32 [tilespmem:s22], [sflag:$0x3], $0x80, s18, s25, $0xb8;
	[tilespmem:$0x1D0C0] =	vst v63  }
0x88: {  	_ =	swait.ge [sflag:s23], $0x4000  }
0x89: {  	[sflag:s23] =	ssyncset.done $0x0  }
0x8a: {  	s19 =	simm.s32 $0x400;
	[sflag:s23] =	ssyncadd.s32 $0xFFFFC000  }
0x8b: {  	[tilespmem:s22], [sflag:$0x1] =	stream.indirect.gather [hbm4b:s12+s25], $0x80, s19, s25, $0xb8;
	[tilespmem:$0x1D0C0] =	vst v63  }
0x8c: {  	_ =	swait.ge [sflag:s30], $0x4000  }
0x8d: {  	[sflag:s30] =	ssyncset.done $0x0  }
0x8e: {  	s24 =	simm.s32 $0xF80;
	[sflag:s30] =	ssyncadd.s32 $0xFFFFC000  }
0x8f: {  	[spmem:s1] =	stream.indirect.scatter.add.f32 [tilespmem:s28], [sflag:$0x3], $0x80, s24, s25, $0xb8;
	[tilespmem:$0x1D0C0] =	vst v63  }
0x90: {  	_ =	swait.ge [sflag:s23], $0x4000  }
0x91: {  	[sflag:s23] =	ssyncset.done $0x0  }
0x92: {  	[sflag:s23] =	ssyncadd.s32 $0xFFFFC000  }
0x93: {  	_ =	swait.ge [sflag:s26], $0x4000  }
0x94: {  	[sflag:s26] =	ssyncset.done $0x0  }
0x95: {  	s29 =	simm.s32 $0x480;
	[sflag:s26] =	ssyncadd.s32 $0xFFFFC000  }
0x96: {  	[tilespmem:s28], [sflag:$0x2] =	stream.indirect.gather [hbm4b:s12+s25], $0x80, s29, s25, $0xb8;
	[tilespmem:$0x1D0C0] =	vst v63  }
0x97: {  	s7 =	simm.s32 $0x1000  }
0x98: {  	[spmem:s1] =	stream.indirect.scatter.add.f32 [tilespmem:s22], [sflag:$0x3], $0x80, s7, s25, $0xb8;
	[tilespmem:$0x1D0C0] =	vst v63  }
0x99: {  	_ =	swait.ge [sflag:s23], $0x4000  }
0x9a: {  	[sflag:s23] =	ssyncset.done $0x0  }
0x9b: {  	s9 =	simm.s32 $0x500;
	[sflag:s23] =	ssyncadd.s32 $0xFFFFC000  }
0x9c: {  	[tilespmem:s22], [sflag:$0x1] =	stream.indirect.gather [hbm4b:s12+s25], $0x80, s9, s25, $0xb8;
	[tilespmem:$0x1D0C0] =	vst v63  }
0x9d: {  	_ =	swait.ge [sflag:s30], $0x4000  }
0x9e: {  	[sflag:s30] =	ssyncset.done $0x0  }
0x9f: {  	s7 =	simm.s32 $0x1080;
	[sflag:s30] =	ssyncadd.s32 $0xFFFFC000  }
0xa0: {  	[spmem:s1] =	stream.indirect.scatter.add.f32 [tilespmem:s28], [sflag:$0x3], $0x80, s7, s25, $0xb8;
	[tilespmem:$0x1D0C0] =	vst v63  }
0xa1: {  	_ =	swait.ge [sflag:s23], $0x4000  }
0xa2: {  	[sflag:s23] =	ssyncset.done $0x0  }
0xa3: {  	[sflag:s23] =	ssyncadd.s32 $0xFFFFC000  }
0xa4: {  	_ =	swait.ge [sflag:s26], $0x4000  }
0xa5: {  	[sflag:s26] =	ssyncset.done $0x0  }
0xa6: {  	s9 =	simm.s32 $0x580;
	[sflag:s26] =	ssyncadd.s32 $0xFFFFC000  }
0xa7: {  	[tilespmem:s28], [sflag:$0x2] =	stream.indirect.gather [hbm4b:s12+s25], $0x80, s9, s25, $0xb8;
	[tilespmem:$0x1D0C0] =	vst v63  }
0xa8: {  	s9 =	simm.s32 $0x1100  }
0xa9: {  	[spmem:s1] =	stream.indirect.scatter.add.f32 [tilespmem:s22], [sflag:$0x3], $0x80, s9, s25, $0xb8;
	[tilespmem:$0x1D0C0] =	vst v63  }
0xaa: {  	_ =	swait.ge [sflag:s23], $0x4000  }
0xab: {  	[sflag:s23] =	ssyncset.done $0x0  }
0xac: {  	s9 =	simm.s32 $0x600;
	[sflag:s23] =	ssyncadd.s32 $0xFFFFC000  }
0xad: {  	[tilespmem:s22], [sflag:$0x1] =	stream.indirect.gather [hbm4b:s12+s25], $0x80, s9, s25, $0xb8;
	[tilespmem:$0x1D0C0] =	vst v63  }
0xae: {  	_ =	swait.ge [sflag:s30], $0x4000  }
0xaf: {  	[sflag:s30] =	ssyncset.done $0x0  }
0xb0: {  	s9 =	simm.s32 $0x1180;
	[sflag:s30] =	ssyncadd.s32 $0xFFFFC000  }
0xb1: {  	[spmem:s1] =	stream.indirect.scatter.add.f32 [tilespmem:s28], [sflag:$0x3], $0x80, s9, s25, $0xb8;
	[tilespmem:$0x1D0C0] =	vst v63  }
0xb2: {  	_ =	swait.ge [sflag:s23], $0x4000  }
0xb3: {  	[sflag:s23] =	ssyncset.done $0x0  }
0xb4: {  	[sflag:s23] =	ssyncadd.s32 $0xFFFFC000  }
0xb5: {  	_ =	swait.ge [sflag:s26], $0x4000  }
0xb6: {  	[sflag:s26] =	ssyncset.done $0x0  }
0xb7: {  	s9 =	simm.s32 $0x680;
	[sflag:s26] =	ssyncadd.s32 $0xFFFFC000  }
0xb8: {  	[tilespmem:s28], [sflag:$0x2] =	stream.indirect.gather [hbm4b:s12+s25], $0x80, s9, s25, $0xb8;
	[tilespmem:$0x1D0C0] =	vst v63  }
0xb9: {  	s9 =	simm.s32 $0x1200  }
0xba: {  	[spmem:s1] =	stream.indirect.scatter.add.f32 [tilespmem:s22], [sflag:$0x3], $0x80, s9, s25, $0xb8;
	[tilespmem:$0x1D0C0] =	vst v63  }
0xbb: {  	_ =	swait.ge [sflag:s23], $0x4000  }
0xbc: {  	[sflag:s23] =	ssyncset.done $0x0  }
0xbd: {  	s9 =	simm.s32 $0x700;
	[sflag:s23] =	ssyncadd.s32 $0xFFFFC000  }
0xbe: {  	[tilespmem:s22], [sflag:$0x1] =	stream.indirect.gather [hbm4b:s12+s25], $0x80, s9, s25, $0xb8;
	[tilespmem:$0x1D0C0] =	vst v63  }
0xbf: {  	_ =	swait.ge [sflag:s30], $0x4000  }
0xc0: {  	[sflag:s30] =	ssyncset.done $0x0  }
0xc1: {  	s9 =	simm.s32 $0x1280;
	[sflag:s30] =	ssyncadd.s32 $0xFFFFC000  }
0xc2: {  	[spmem:s1] =	stream.indirect.scatter.add.f32 [tilespmem:s28], [sflag:$0x3], $0x80, s9, s25, $0xb8;
	[tilespmem:$0x1D0C0] =	vst v63  }
0xc3: {  	_ =	swait.ge [sflag:s23], $0x4000  }
0xc4: {  	[sflag:s23] =	ssyncset.done $0x0  }
0xc5: {  	[sflag:s23] =	ssyncadd.s32 $0xFFFFC000  }
0xc6: {  	_ =	swait.ge [sflag:s26], $0x4000  }
0xc7: {  	[sflag:s26] =	ssyncset.done $0x0  }
0xc8: {  	s9 =	simm.s32 $0x780;
	[sflag:s26] =	ssyncadd.s32 $0xFFFFC000  }
0xc9: {  	[tilespmem:s28], [sflag:$0x2] =	stream.indirect.gather [hbm4b:s12+s25], $0x80, s9, s25, $0xb8;
	[tilespmem:$0x1D0C0] =	vst v63  }
0xca: {  	s9 =	simm.s32 $0x1300  }
0xcb: {  	[spmem:s1] =	stream.indirect.scatter.add.f32 [tilespmem:s22], [sflag:$0x3], $0x80, s9, s25, $0xb8;
	[tilespmem:$0x1D0C0] =	vst v63  }
0xcc: {  	_ =	swait.ge [sflag:s23], $0x4000  }
0xcd: {  	[sflag:s23] =	ssyncset.done $0x0  }
0xce: {  	s9 =	simm.s32 $0x800;
	[sflag:s23] =	ssyncadd.s32 $0xFFFFC000  }
0xcf: {  	[tilespmem:s22], [sflag:$0x1] =	stream.indirect.gather [hbm4b:s12+s25], $0x80, s9, s25, $0xb8;
	[tilespmem:$0x1D0C0] =	vst v63  }
0xd0: {  	_ =	swait.ge [sflag:s30], $0x4000  }
0xd1: {  	[sflag:s30] =	ssyncset.done $0x0  }
0xd2: {  	s9 =	simm.s32 $0x1380;
	[sflag:s30] =	ssyncadd.s32 $0xFFFFC000  }
0xd3: {  	[spmem:s1] =	stream.indirect.scatter.add.f32 [tilespmem:s28], [sflag:$0x3], $0x80, s9, s25, $0xb8;
	[tilespmem:$0x1D0C0] =	vst v63  }
0xd4: {  	_ =	swait.ge [sflag:s23], $0x4000  }
0xd5: {  	[sflag:s23] =	ssyncset.done $0x0  }
0xd6: {  	[sflag:s23] =	ssyncadd.s32 $0xFFFFC000  }
0xd7: {  	_ =	swait.ge [sflag:s26], $0x4000  }
0xd8: {  	[sflag:s26] =	ssyncset.done $0x0  }
0xd9: {  	s9 =	simm.s32 $0x880;
	[sflag:s26] =	ssyncadd.s32 $0xFFFFC000  }
0xda: {  	[tilespmem:s28], [sflag:$0x2] =	stream.indirect.gather [hbm4b:s12+s25], $0x80, s9, s25, $0xb8;
	[tilespmem:$0x1D0C0] =	vst v63  }
0xdb: {  	s9 =	simm.s32 $0x1400  }
0xdc: {  	[spmem:s1] =	stream.indirect.scatter.add.f32 [tilespmem:s22], [sflag:$0x3], $0x80, s9, s25, $0xb8;
	[tilespmem:$0x1D0C0] =	vst v63  }
0xdd: {  	_ =	swait.ge [sflag:s23], $0x4000  }
0xde: {  	[sflag:s23] =	ssyncset.done $0x0  }
0xdf: {  	s9 =	simm.s32 $0x900;
	[sflag:s23] =	ssyncadd.s32 $0xFFFFC000  }
0xe0: {  	[tilespmem:s22], [sflag:$0x1] =	stream.indirect.gather [hbm4b:s12+s25], $0x80, s9, s25, $0xb8;
	[tilespmem:$0x1D0C0] =	vst v63  }
0xe1: {  	_ =	swait.ge [sflag:s30], $0x4000  }
0xe2: {  	[sflag:s30] =	ssyncset.done $0x0  }
0xe3: {  	s9 =	simm.s32 $0x1480;
	[sflag:s30] =	ssyncadd.s32 $0xFFFFC000  }
0xe4: {  	[spmem:s1] =	stream.indirect.scatter.add.f32 [tilespmem:s28], [sflag:$0x3], $0x80, s9, s25, $0xb8;
	[tilespmem:$0x1D0C0] =	vst v63  }
0xe5: {  	_ =	swait.ge [sflag:s23], $0x4000  }
0xe6: {  	[sflag:s23] =	ssyncset.done $0x0  }
0xe7: {  	[sflag:s23] =	ssyncadd.s32 $0xFFFFC000  }
0xe8: {  	_ =	swait.ge [sflag:s26], $0x4000  }
0xe9: {  	[sflag:s26] =	ssyncset.done $0x0  }
0xea: {  	s9 =	simm.s32 $0x980;
	[sflag:s26] =	ssyncadd.s32 $0xFFFFC000  }
0xeb: {  	[tilespmem:s28], [sflag:$0x2] =	stream.indirect.gather [hbm4b:s12+s25], $0x80, s9, s25, $0xb8;
	[tilespmem:$0x1D0C0] =	vst v63  }
0xec: {  	s9 =	simm.s32 $0x1500  }
0xed: {  	[spmem:s1] =	stream.indirect.scatter.add.f32 [tilespmem:s22], [sflag:$0x3], $0x80, s9, s25, $0xb8;
	[tilespmem:$0x1D0C0] =	vst v63  }
0xee: {  	_ =	swait.ge [sflag:s23], $0x4000  }
0xef: {  	[sflag:s23] =	ssyncset.done $0x0  }
0xf0: {  	[sflag:s23] =	ssyncadd.s32 $0xFFFFC000  }
0xf1: {  	_ =	swait.ge [sflag:s30], $0x4000  }
0xf2: {  	[sflag:s30] =	ssyncset.done $0x0  }
0xf3: {  	s9 =	simm.s32 $0x1580;
	[sflag:s30] =	ssyncadd.s32 $0xFFFFC000  }
0xf4: {  	[spmem:s1] =	stream.indirect.scatter.add.f32 [tilespmem:s28], [sflag:$0x3], $0x80, s9, s25, $0xb8;
	[tilespmem:$0x1D0C0] =	vst v63  }
0xf5: {  	_ =	swait.ge [sflag:s23], $0x4000  }
0xf6: {  	[sflag:s23] =	ssyncset.done $0x0  }
0xf7: {  	s0 =	rddreg [dreg:$0xc];
	[sflag:s23] =	ssyncadd.s32 $0xFFFFC000  }
0xf8: {  	[tilespmem:s2], [sflag:$0x3] =	stream.linear.gather [hbm4b:s0+s2], $0xA00, $0x38;
	[tilespmem:$0x1D0C0] =	vst v63  }
0xf9: {  	_ =	swait.ge [sflag:s23], $0xA00  }
0xfa: {  	[sflag:s23] =	ssyncset.done $0x0  }
0xfb: {  	s0 =	rddreg [dreg:$0xd];
	[sflag:s23] =	ssyncadd.s32 $0xFFFFF600  }
0xfc: {  	[tilespmem:s3], [sflag:$0x3] =	stream.linear.gather [hbm4b:s0+s2], $0xA00, $0x38;
	[tilespmem:$0x1D0C0] =	vst v63  }
0xfd: {  	_ =	swait.ge [sflag:s23], $0xA00  }
0xfe: {  	[sflag:s23] =	ssyncset.done $0x0  }
0xff: {  	[sflag:s23] =	ssyncadd.s32 $0xFFFFF600  }
0x100: {  	[tilespmem:s22], [sflag:$0x1] =	stream.indirect.gather [hbm4b:s12+s25], $0x80, s2, s25, $0xb8;
	[tilespmem:$0x1D0C0] =	vst v63  }
0x101: {  	_ =	swait.ge [sflag:s26], $0x4000  }
0x102: {  	[sflag:s26] =	ssyncset.done $0x0  }
0x103: {  	[sflag:s26] =	ssyncadd.s32 $0xFFFFC000  }
0x104: {  	[tilespmem:s28], [sflag:$0x2] =	stream.indirect.gather [hbm4b:s12+s25], $0x80, s25, s25, $0xb8;
	[tilespmem:$0x1D0C0] =	vst v63  }
0x105: {  	_ = 	snop  }
0x106: {  	[spmem:s1] =	stream.indirect.scatter.add.f32 [tilespmem:s22], [sflag:$0x3], $0x80, s3, s25, $0xb8;
	[tilespmem:$0x1D0C0] =	vst v63  }
0x107: {  	_ =	swait.ge [sflag:s23], $0x4000  }
0x108: {  	[sflag:s23] =	ssyncset.done $0x0  }
0x109: {  	s31 =	simm.s32 $0x100;
	[sflag:s23] =	ssyncadd.s32 $0xFFFFC000  }
0x10a: {  	[tilespmem:s22], [sflag:$0x1] =	stream.indirect.gather [hbm4b:s12+s25], $0x80, s31, s25, $0xb8;
	[tilespmem:$0x1D0C0] =	vst v63  }
0x10b: {  	_ =	swait.ge [sflag:s30], $0x4000  }
0x10c: {  	[sflag:s30] =	ssyncset.done $0x0  }
0x10d: {  	s6 =	simm.s32 $0xC80;
	[sflag:s30] =	ssyncadd.s32 $0xFFFFC000  }
0x10e: {  	[spmem:s1] =	stream.indirect.scatter.add.f32 [tilespmem:s28], [sflag:$0x3], $0x80, s6, s25, $0xb8;
	[tilespmem:$0x1D0C0] =	vst v63  }
0x10f: {  	_ =	swait.ge [sflag:s23], $0x4000  }
0x110: {  	[sflag:s23] =	ssyncset.done $0x0  }
0x111: {  	[sflag:s23] =	ssyncadd.s32 $0xFFFFC000  }
0x112: {  	_ =	swait.ge [sflag:s26], $0x4000  }
0x113: {  	[sflag:s26] =	ssyncset.done $0x0  }
0x114: {  	s13 =	simm.s32 $0x180;
	[sflag:s26] =	ssyncadd.s32 $0xFFFFC000  }
0x115: {  	[tilespmem:s28], [sflag:$0x2] =	stream.indirect.gather [hbm4b:s12+s25], $0x80, s13, s25, $0xb8;
	[tilespmem:$0x1D0C0] =	vst v63  }
0x116: {  	s4 =	simm.s32 $0xD00  }
0x117: {  	[spmem:s1] =	stream.indirect.scatter.add.f32 [tilespmem:s22], [sflag:$0x3], $0x80, s4, s25, $0xb8;
	[tilespmem:$0x1D0C0] =	vst v63  }
0x118: {  	_ =	swait.ge [sflag:s23], $0x4000  }
0x119: {  	[sflag:s23] =	ssyncset.done $0x0  }
0x11a: {  	s10 =	simm.s32 $0x200;
	[sflag:s23] =	ssyncadd.s32 $0xFFFFC000  }
0x11b: {  	[tilespmem:s22], [sflag:$0x1] =	stream.indirect.gather [hbm4b:s12+s25], $0x80, s10, s25, $0xb8;
	[tilespmem:$0x1D0C0] =	vst v63  }
0x11c: {  	_ =	swait.ge [sflag:s30], $0x4000  }
0x11d: {  	[sflag:s30] =	ssyncset.done $0x0  }
0x11e: {  	s14 =	simm.s32 $0xD80;
	[sflag:s30] =	ssyncadd.s32 $0xFFFFC000  }
0x11f: {  	[spmem:s1] =	stream.indirect.scatter.add.f32 [tilespmem:s28], [sflag:$0x3], $0x80, s14, s25, $0xb8;
	[tilespmem:$0x1D0C0] =	vst v63  }
0x120: {  	_ =	swait.ge [sflag:s23], $0x4000  }
0x121: {  	[sflag:s23] =	ssyncset.done $0x0  }
0x122: {  	[sflag:s23] =	ssyncadd.s32 $0xFFFFC000  }
0x123: {  	_ =	swait.ge [sflag:s26], $0x4000  }
0x124: {  	[sflag:s26] =	ssyncset.done $0x0  }
0x125: {  	s5 =	simm.s32 $0x280;
	[sflag:s26] =	ssyncadd.s32 $0xFFFFC000  }
0x126: {  	[tilespmem:s28], [sflag:$0x2] =	stream.indirect.gather [hbm4b:s12+s25], $0x80, s5, s25, $0xb8;
	[tilespmem:$0x1D0C0] =	vst v63  }
0x127: {  	s15 =	simm.s32 $0xE00  }
0x128: {  	[spmem:s1] =	stream.indirect.scatter.add.f32 [tilespmem:s22], [sflag:$0x3], $0x80, s15, s25, $0xb8;
	[tilespmem:$0x1D0C0] =	vst v63  }
0x129: {  	_ =	swait.ge [sflag:s23], $0x4000  }
0x12a: {  	[sflag:s23] =	ssyncset.done $0x0  }
0x12b: {  	s16 =	simm.s32 $0x300;
	[sflag:s23] =	ssyncadd.s32 $0xFFFFC000  }
0x12c: {  	[tilespmem:s22], [sflag:$0x1] =	stream.indirect.gather [hbm4b:s12+s25], $0x80, s16, s25, $0xb8;
	[tilespmem:$0x1D0C0] =	vst v63  }
0x12d: {  	_ =	swait.ge [sflag:s30], $0x4000  }
0x12e: {  	[sflag:s30] =	ssyncset.done $0x0  }
0x12f: {  	s17 =	simm.s32 $0xE80;
	[sflag:s30] =	ssyncadd.s32 $0xFFFFC000  }
0x130: {  	[spmem:s1] =	stream.indirect.scatter.add.f32 [tilespmem:s28], [sflag:$0x3], $0x80, s17, s25, $0xb8;
	[tilespmem:$0x1D0C0] =	vst v63  }
0x131: {  	_ =	swait.ge [sflag:s23], $0x4000  }
0x132: {  	[sflag:s23] =	ssyncset.done $0x0  }
0x133: {  	[sflag:s23] =	ssyncadd.s32 $0xFFFFC000  }
0x134: {  	_ =	swait.ge [sflag:s26], $0x4000  }
0x135: {  	[sflag:s26] =	ssyncset.done $0x0  }
0x136: {  	s8 =	simm.s32 $0x380;
	[sflag:s26] =	ssyncadd.s32 $0xFFFFC000  }
0x137: {  	[tilespmem:s28], [sflag:$0x2] =	stream.indirect.gather [hbm4b:s12+s25], $0x80, s8, s25, $0xb8;
	[tilespmem:$0x1D0C0] =	vst v63  }
0x138: {  	s18 =	simm.s32 $0xF00  }
0x139: {  	[spmem:s1] =	stream.indirect.scatter.add.f32 [tilespmem:s22], [sflag:$0x3], $0x80, s18, s25, $0xb8;
	[tilespmem:$0x1D0C0] =	vst v63  }
0x13a: {  	_ =	swait.ge [sflag:s23], $0x4000  }
0x13b: {  	[sflag:s23] =	ssyncset.done $0x0  }
0x13c: {  	s19 =	simm.s32 $0x400;
	[sflag:s23] =	ssyncadd.s32 $0xFFFFC000  }
0x13d: {  	[tilespmem:s22], [sflag:$0x1] =	stream.indirect.gather [hbm4b:s12+s25], $0x80, s19, s25, $0xb8;
	[tilespmem:$0x1D0C0] =	vst v63  }
0x13e: {  	_ =	swait.ge [sflag:s30], $0x4000  }
0x13f: {  	[sflag:s30] =	ssyncset.done $0x0  }
0x140: {  	s24 =	simm.s32 $0xF80;
	[sflag:s30] =	ssyncadd.s32 $0xFFFFC000  }
0x141: {  	[spmem:s1] =	stream.indirect.scatter.add.f32 [tilespmem:s28], [sflag:$0x3], $0x80, s24, s25, $0xb8;
	[tilespmem:$0x1D0C0] =	vst v63  }
0x142: {  	_ =	swait.ge [sflag:s23], $0x4000  }
0x143: {  	[sflag:s23] =	ssyncset.done $0x0  }
0x144: {  	[sflag:s23] =	ssyncadd.s32 $0xFFFFC000  }
0x145: {  	_ =	swait.ge [sflag:s26], $0x4000  }
0x146: {  	[sflag:s26] =	ssyncset.done $0x0  }
0x147: {  	s11 =	simm.s32 $0x480;
	[sflag:s26] =	ssyncadd.s32 $0xFFFFC000  }
0x148: {  	[tilespmem:s28], [sflag:$0x2] =	stream.indirect.gather [hbm4b:s12+s25], $0x80, s11, s25, $0xb8;
	[tilespmem:$0x1D0C0] =	vst v63  }
0x149: {  	s29 =	simm.s32 $0x1000  }
0x14a: {  	[spmem:s1] =	stream.indirect.scatter.add.f32 [tilespmem:s22], [sflag:$0x3], $0x80, s29, s25, $0xb8;
	[tilespmem:$0x1D0C0] =	vst v63  }
0x14b: {  	_ =	swait.ge [sflag:s23], $0x4000  }
0x14c: {  	[sflag:s23] =	ssyncset.done $0x0  }
0x14d: {  	s31 =	simm.s32 $0x500;
	[sflag:s23] =	ssyncadd.s32 $0xFFFFC000  }
0x14e: {  	[tilespmem:s22], [sflag:$0x1] =	stream.indirect.gather [hbm4b:s12+s25], $0x80, s31, s25, $0xb8;
	[tilespmem:$0x1D0C0] =	vst v63  }
0x14f: {  	_ =	swait.ge [sflag:s30], $0x4000  }
0x150: {  	[sflag:s30] =	ssyncset.done $0x0  }
0x151: {  	s7 =	simm.s32 $0x1080;
	[sflag:s30] =	ssyncadd.s32 $0xFFFFC000  }
0x152: {  	[spmem:s1] =	stream.indirect.scatter.add.f32 [tilespmem:s28], [sflag:$0x3], $0x80, s7, s25, $0xb8;
	[tilespmem:$0x1D0C0] =	vst v63  }
0x153: {  	_ =	swait.ge [sflag:s23], $0x4000  }
0x154: {  	[sflag:s23] =	ssyncset.done $0x0  }
0x155: {  	[sflag:s23] =	ssyncadd.s32 $0xFFFFC000  }
0x156: {  	_ =	swait.ge [sflag:s26], $0x4000  }
0x157: {  	[sflag:s26] =	ssyncset.done $0x0  }
0x158: {  	s24 =	simm.s32 $0x580;
	[sflag:s26] =	ssyncadd.s32 $0xFFFFC000  }
0x159: {  	[tilespmem:s28], [sflag:$0x2] =	stream.indirect.gather [hbm4b:s12+s25], $0x80, s24, s25, $0xb8;
	[tilespmem:$0x1D0C0] =	vst v63  }
0x15a: {  	s8 =	simm.s32 $0x1100  }
0x15b: {  	[spmem:s1] =	stream.indirect.scatter.add.f32 [tilespmem:s22], [sflag:$0x3], $0x80, s8, s25, $0xb8;
	[tilespmem:$0x1D0C0] =	vst v63  }
0x15c: {  	_ =	swait.ge [sflag:s23], $0x4000  }
0x15d: {  	[sflag:s23] =	ssyncset.done $0x0  }
0x15e: {  	s11 =	simm.s32 $0x600;
	[sflag:s23] =	ssyncadd.s32 $0xFFFFC000  }
0x15f: {  	[tilespmem:s22], [sflag:$0x1] =	stream.indirect.gather [hbm4b:s12+s25], $0x80, s11, s25, $0xb8;
	[tilespmem:$0x1D0C0] =	vst v63  }
0x160: {  	_ =	swait.ge [sflag:s30], $0x4000  }
0x161: {  	[sflag:s30] =	ssyncset.done $0x0  }
0x162: {  	s13 =	simm.s32 $0x1180;
	[sflag:s30] =	ssyncadd.s32 $0xFFFFC000  }
0x163: {  	[spmem:s1] =	stream.indirect.scatter.add.f32 [tilespmem:s28], [sflag:$0x3], $0x80, s13, s25, $0xb8;
	[tilespmem:$0x1D0C0] =	vst v63  }
0x164: {  	_ =	swait.ge [sflag:s23], $0x4000  }
0x165: {  	[sflag:s23] =	ssyncset.done $0x0  }
0x166: {  	[sflag:s23] =	ssyncadd.s32 $0xFFFFC000  }
0x167: {  	_ =	swait.ge [sflag:s26], $0x4000  }
0x168: {  	[sflag:s26] =	ssyncset.done $0x0  }
0x169: {  	s0 =	simm.s32 $0x680;
	[sflag:s26] =	ssyncadd.s32 $0xFFFFC000  }
0x16a: {  	[tilespmem:s28], [sflag:$0x2] =	stream.indirect.gather [hbm4b:s12+s25], $0x80, s0, s25, $0xb8;
	[tilespmem:$0x1D0C0] =	vst v63  }
0x16b: {  	s14 =	simm.s32 $0x1200  }
0x16c: {  	[spmem:s1] =	stream.indirect.scatter.add.f32 [tilespmem:s22], [sflag:$0x3], $0x80, s14, s25, $0xb8;
	[tilespmem:$0x1D0C0] =	vst v63  }
0x16d: {  	_ =	swait.ge [sflag:s23], $0x4000  }
0x16e: {  	[sflag:s23] =	ssyncset.done $0x0  }
0x16f: {  	s15 =	simm.s32 $0x700;
	[sflag:s23] =	ssyncadd.s32 $0xFFFFC000  }
0x170: {  	[tilespmem:s22], [sflag:$0x1] =	stream.indirect.gather [hbm4b:s12+s25], $0x80, s15, s25, $0xb8;
	[tilespmem:$0x1D0C0] =	vst v63  }
0x171: {  	_ =	swait.ge [sflag:s30], $0x4000  }
0x172: {  	[sflag:s30] =	ssyncset.done $0x0  }
0x173: {  	s16 =	simm.s32 $0x1280;
	[sflag:s30] =	ssyncadd.s32 $0xFFFFC000  }
0x174: {  	[spmem:s1] =	stream.indirect.scatter.add.f32 [tilespmem:s28], [sflag:$0x3], $0x80, s16, s25, $0xb8;
	[tilespmem:$0x1D0C0] =	vst v63  }
0x175: {  	_ =	swait.ge [sflag:s23], $0x4000  }
0x176: {  	[sflag:s23] =	ssyncset.done $0x0  }
0x177: {  	[sflag:s23] =	ssyncadd.s32 $0xFFFFC000  }
0x178: {  	_ =	swait.ge [sflag:s26], $0x4000  }
0x179: {  	[sflag:s26] =	ssyncset.done $0x0  }
0x17a: {  	s5 =	simm.s32 $0x780;
	[sflag:s26] =	ssyncadd.s32 $0xFFFFC000  }
0x17b: {  	[tilespmem:s28], [sflag:$0x2] =	stream.indirect.gather [hbm4b:s12+s25], $0x80, s5, s25, $0xb8;
	[tilespmem:$0x1D0C0] =	vst v63  }
0x17c: {  	s17 =	simm.s32 $0x1300  }
0x17d: {  	[spmem:s1] =	stream.indirect.scatter.add.f32 [tilespmem:s22], [sflag:$0x3], $0x80, s17, s25, $0xb8;
	[tilespmem:$0x1D0C0] =	vst v63  }
0x17e: {  	_ =	swait.ge [sflag:s23], $0x4000  }
0x17f: {  	[sflag:s23] =	ssyncset.done $0x0  }
0x180: {  	s18 =	simm.s32 $0x800;
	[sflag:s23] =	ssyncadd.s32 $0xFFFFC000  }
0x181: {  	[tilespmem:s22], [sflag:$0x1] =	stream.indirect.gather [hbm4b:s12+s25], $0x80, s18, s25, $0xb8;
	[tilespmem:$0x1D0C0] =	vst v63  }
0x182: {  	_ =	swait.ge [sflag:s30], $0x4000  }
0x183: {  	[sflag:s30] =	ssyncset.done $0x0  }
0x184: {  	s19 =	simm.s32 $0x1380;
	[sflag:s30] =	ssyncadd.s32 $0xFFFFC000  }
0x185: {  	[spmem:s1] =	stream.indirect.scatter.add.f32 [tilespmem:s28], [sflag:$0x3], $0x80, s19, s25, $0xb8;
	[tilespmem:$0x1D0C0] =	vst v63  }
0x186: {  	_ =	swait.ge [sflag:s23], $0x4000  }
0x187: {  	[sflag:s23] =	ssyncset.done $0x0  }
0x188: {  	[sflag:s23] =	ssyncadd.s32 $0xFFFFC000  }
0x189: {  	_ =	swait.ge [sflag:s26], $0x4000  }
0x18a: {  	[sflag:s26] =	ssyncset.done $0x0  }
0x18b: {  	s6 =	simm.s32 $0x880;
	[sflag:s26] =	ssyncadd.s32 $0xFFFFC000  }
0x18c: {  	[tilespmem:s28], [sflag:$0x2] =	stream.indirect.gather [hbm4b:s12+s25], $0x80, s6, s25, $0xb8;
	[tilespmem:$0x1D0C0] =	vst v63  }
0x18d: {  	s4 =	simm.s32 $0x1400  }
0x18e: {  	[spmem:s1] =	stream.indirect.scatter.add.f32 [tilespmem:s22], [sflag:$0x3], $0x80, s4, s25, $0xb8;
	[tilespmem:$0x1D0C0] =	vst v63  }
0x18f: {  	_ =	swait.ge [sflag:s23], $0x4000  }
0x190: {  	[sflag:s23] =	ssyncset.done $0x0  }
0x191: {  	s10 =	simm.s32 $0x900;
	[sflag:s23] =	ssyncadd.s32 $0xFFFFC000  }
0x192: {  	[tilespmem:s22], [sflag:$0x1] =	stream.indirect.gather [hbm4b:s12+s25], $0x80, s10, s25, $0xb8;
	[tilespmem:$0x1D0C0] =	vst v63  }
0x193: {  	_ =	swait.ge [sflag:s30], $0x4000  }
0x194: {  	[sflag:s30] =	ssyncset.done $0x0  }
0x195: {  	s29 =	simm.s32 $0x1480;
	[sflag:s30] =	ssyncadd.s32 $0xFFFFC000  }
0x196: {  	[spmem:s1] =	stream.indirect.scatter.add.f32 [tilespmem:s28], [sflag:$0x3], $0x80, s29, s25, $0xb8;
	[tilespmem:$0x1D0C0] =	vst v63  }
0x197: {  	_ =	swait.ge [sflag:s23], $0x4000  }
0x198: {  	[sflag:s23] =	ssyncset.done $0x0  }
0x199: {  	[sflag:s23] =	ssyncadd.s32 $0xFFFFC000  }
0x19a: {  	_ =	swait.ge [sflag:s26], $0x4000  }
0x19b: {  	[sflag:s26] =	ssyncset.done $0x0  }
0x19c: {  	s7 =	simm.s32 $0x980;
	[sflag:s26] =	ssyncadd.s32 $0xFFFFC000  }
0x19d: {  	[tilespmem:s28], [sflag:$0x2] =	stream.indirect.gather [hbm4b:s12+s25], $0x80, s7, s25, $0xb8;
	[tilespmem:$0x1D0C0] =	vst v63  }
0x19e: {  	s9 =	simm.s32 $0x1500  }
0x19f: {  	[spmem:s1] =	stream.indirect.scatter.add.f32 [tilespmem:s22], [sflag:$0x3], $0x80, s9, s25, $0xb8;
	[tilespmem:$0x1D0C0] =	vst v63  }
0x1a0: {  	_ =	swait.ge [sflag:s23], $0x4000  }
0x1a1: {  	[sflag:s23] =	ssyncset.done $0x0  }
0x1a2: {  	[sflag:s23] =	ssyncadd.s32 $0xFFFFC000  }
0x1a3: {  	_ =	swait.ge [sflag:s30], $0x4000  }
0x1a4: {  	[sflag:s30] =	ssyncset.done $0x0  }
0x1a5: {  	s9 =	simm.s32 $0x1580;
	[sflag:s30] =	ssyncadd.s32 $0xFFFFC000  }
0x1a6: {  	[spmem:s1] =	stream.indirect.scatter.add.f32 [tilespmem:s28], [sflag:$0x3], $0x80, s9, s25, $0xb8;
	[tilespmem:$0x1D0C0] =	vst v63  }
0x1a7: {  	_ =	swait.ge [sflag:s23], $0x4000  }
0x1a8: {  	[sflag:s23] =	ssyncset.done $0x0  }
0x1a9: {  	s9 =	rddreg [dreg:$0xe];
	[sflag:s23] =	ssyncadd.s32 $0xFFFFC000  }
0x1aa: {  	[tilespmem:s2], [sflag:$0x3] =	stream.linear.gather [hbm4b:s9+s2], $0xA00, $0x38;
	[tilespmem:$0x1D0C0] =	vst v63  }
0x1ab: {  	_ =	swait.ge [sflag:s23], $0xA00  }
0x1ac: {  	[sflag:s23] =	ssyncset.done $0x0  }
0x1ad: {  	s9 =	rddreg [dreg:$0xf];
	[sflag:s23] =	ssyncadd.s32 $0xFFFFF600  }
0x1ae: {  	[tilespmem:s3], [sflag:$0x3] =	stream.linear.gather [hbm4b:s9+s2], $0xA00, $0x38;
	[tilespmem:$0x1D0C0] =	vst v63  }
0x1af: {  	_ =	swait.ge [sflag:s23], $0xA00  }
0x1b0: {  	[sflag:s23] =	ssyncset.done $0x0  }
0x1b1: {  	[sflag:s23] =	ssyncadd.s32 $0xFFFFF600  }
0x1b2: {  	[tilespmem:s22], [sflag:$0x1] =	stream.indirect.gather [hbm4b:s12+s25], $0x80, s2, s25, $0xb8;
	[tilespmem:$0x1D0C0] =	vst v63  }
0x1b3: {  	_ =	swait.ge [sflag:s26], $0x4000  }
0x1b4: {  	[sflag:s26] =	ssyncset.done $0x0  }
0x1b5: {  	[sflag:s26] =	ssyncadd.s32 $0xFFFFC000  }
0x1b6: {  	[tilespmem:s28], [sflag:$0x2] =	stream.indirect.gather [hbm4b:s12+s25], $0x80, s25, s25, $0xb8;
	[tilespmem:$0x1D0C0] =	vst v63  }
0x1b7: {  	_ = 	snop  }
0x1b8: {  	[spmem:s1] =	stream.indirect.scatter.add.f32 [tilespmem:s22], [sflag:$0x3], $0x80, s3, s25, $0xb8;
	[tilespmem:$0x1D0C0] =	vst v63  }
0x1b9: {  	_ =	swait.ge [sflag:s23], $0x4000  }
0x1ba: {  	[sflag:s23] =	ssyncset.done $0x0  }
0x1bb: {  	s9 =	simm.s32 $0x100;
	[sflag:s23] =	ssyncadd.s32 $0xFFFFC000  }
0x1bc: {  	[tilespmem:s22], [sflag:$0x1] =	stream.indirect.gather [hbm4b:s12+s25], $0x80, s9, s25, $0xb8;
	[tilespmem:$0x1D0C0] =	vst v63  }
0x1bd: {  	_ =	swait.ge [sflag:s30], $0x4000  }
0x1be: {  	[sflag:s30] =	ssyncset.done $0x0  }
0x1bf: {  	s9 =	simm.s32 $0xC80;
	[sflag:s30] =	ssyncadd.s32 $0xFFFFC000  }
0x1c0: {  	[spmem:s1] =	stream.indirect.scatter.add.f32 [tilespmem:s28], [sflag:$0x3], $0x80, s9, s25, $0xb8;
	[tilespmem:$0x1D0C0] =	vst v63  }
0x1c1: {  	_ =	swait.ge [sflag:s23], $0x4000  }
0x1c2: {  	[sflag:s23] =	ssyncset.done $0x0  }
0x1c3: {  	[sflag:s23] =	ssyncadd.s32 $0xFFFFC000  }
0x1c4: {  	_ =	swait.ge [sflag:s26], $0x4000  }
0x1c5: {  	[sflag:s26] =	ssyncset.done $0x0  }
0x1c6: {  	s9 =	simm.s32 $0x180;
	[sflag:s26] =	ssyncadd.s32 $0xFFFFC000  }
0x1c7: {  	[tilespmem:s28], [sflag:$0x2] =	stream.indirect.gather [hbm4b:s12+s25], $0x80, s9, s25, $0xb8;
	[tilespmem:$0x1D0C0] =	vst v63  }
0x1c8: {  	s9 =	simm.s32 $0xD00  }
0x1c9: {  	[spmem:s1] =	stream.indirect.scatter.add.f32 [tilespmem:s22], [sflag:$0x3], $0x80, s9, s25, $0xb8;
	[tilespmem:$0x1D0C0] =	vst v63  }
0x1ca: {  	_ =	swait.ge [sflag:s23], $0x4000  }
0x1cb: {  	[sflag:s23] =	ssyncset.done $0x0  }
0x1cc: {  	s9 =	simm.s32 $0x200;
	[sflag:s23] =	ssyncadd.s32 $0xFFFFC000  }
0x1cd: {  	[tilespmem:s22], [sflag:$0x1] =	stream.indirect.gather [hbm4b:s12+s25], $0x80, s9, s25, $0xb8;
	[tilespmem:$0x1D0C0] =	vst v63  }
0x1ce: {  	_ =	swait.ge [sflag:s30], $0x4000  }
0x1cf: {  	[sflag:s30] =	ssyncset.done $0x0  }
0x1d0: {  	s9 =	simm.s32 $0xD80;
	[sflag:s30] =	ssyncadd.s32 $0xFFFFC000  }
0x1d1: {  	[spmem:s1] =	stream.indirect.scatter.add.f32 [tilespmem:s28], [sflag:$0x3], $0x80, s9, s25, $0xb8;
	[tilespmem:$0x1D0C0] =	vst v63  }
0x1d2: {  	_ =	swait.ge [sflag:s23], $0x4000  }
0x1d3: {  	[sflag:s23] =	ssyncset.done $0x0  }
0x1d4: {  	[sflag:s23] =	ssyncadd.s32 $0xFFFFC000  }
0x1d5: {  	_ =	swait.ge [sflag:s26], $0x4000  }
0x1d6: {  	[sflag:s26] =	ssyncset.done $0x0  }
0x1d7: {  	s9 =	simm.s32 $0x280;
	[sflag:s26] =	ssyncadd.s32 $0xFFFFC000  }
0x1d8: {  	[tilespmem:s28], [sflag:$0x2] =	stream.indirect.gather [hbm4b:s12+s25], $0x80, s9, s25, $0xb8;
	[tilespmem:$0x1D0C0] =	vst v63  }
0x1d9: {  	s9 =	simm.s32 $0xE00  }
0x1da: {  	[spmem:s1] =	stream.indirect.scatter.add.f32 [tilespmem:s22], [sflag:$0x3], $0x80, s9, s25, $0xb8;
	[tilespmem:$0x1D0C0] =	vst v63  }
0x1db: {  	_ =	swait.ge [sflag:s23], $0x4000  }
0x1dc: {  	[sflag:s23] =	ssyncset.done $0x0  }
0x1dd: {  	s9 =	simm.s32 $0x300;
	[sflag:s23] =	ssyncadd.s32 $0xFFFFC000  }
0x1de: {  	[tilespmem:s22], [sflag:$0x1] =	stream.indirect.gather [hbm4b:s12+s25], $0x80, s9, s25, $0xb8;
	[tilespmem:$0x1D0C0] =	vst v63  }
0x1df: {  	_ =	swait.ge [sflag:s30], $0x4000  }
0x1e0: {  	[sflag:s30] =	ssyncset.done $0x0  }
0x1e1: {  	s9 =	simm.s32 $0xE80;
	[sflag:s30] =	ssyncadd.s32 $0xFFFFC000  }
0x1e2: {  	[spmem:s1] =	stream.indirect.scatter.add.f32 [tilespmem:s28], [sflag:$0x3], $0x80, s9, s25, $0xb8;
	[tilespmem:$0x1D0C0] =	vst v63  }
0x1e3: {  	_ =	swait.ge [sflag:s23], $0x4000  }
0x1e4: {  	[sflag:s23] =	ssyncset.done $0x0  }
0x1e5: {  	[sflag:s23] =	ssyncadd.s32 $0xFFFFC000  }
0x1e6: {  	_ =	swait.ge [sflag:s26], $0x4000  }
0x1e7: {  	[sflag:s26] =	ssyncset.done $0x0  }
0x1e8: {  	s9 =	simm.s32 $0x380;
	[sflag:s26] =	ssyncadd.s32 $0xFFFFC000  }
0x1e9: {  	[tilespmem:s28], [sflag:$0x2] =	stream.indirect.gather [hbm4b:s12+s25], $0x80, s9, s25, $0xb8;
	[tilespmem:$0x1D0C0] =	vst v63  }
0x1ea: {  	s9 =	simm.s32 $0xF00  }
0x1eb: {  	[spmem:s1] =	stream.indirect.scatter.add.f32 [tilespmem:s22], [sflag:$0x3], $0x80, s9, s25, $0xb8;
	[tilespmem:$0x1D0C0] =	vst v63  }
0x1ec: {  	_ =	swait.ge [sflag:s23], $0x4000  }
0x1ed: {  	[sflag:s23] =	ssyncset.done $0x0  }
0x1ee: {  	s9 =	simm.s32 $0x400;
	[sflag:s23] =	ssyncadd.s32 $0xFFFFC000  }
0x1ef: {  	[tilespmem:s22], [sflag:$0x1] =	stream.indirect.gather [hbm4b:s12+s25], $0x80, s9, s25, $0xb8;
	[tilespmem:$0x1D0C0] =	vst v63  }
0x1f0: {  	_ =	swait.ge [sflag:s30], $0x4000  }
0x1f1: {  	[sflag:s30] =	ssyncset.done $0x0  }
0x1f2: {  	s9 =	simm.s32 $0xF80;
	[sflag:s30] =	ssyncadd.s32 $0xFFFFC000  }
0x1f3: {  	[spmem:s1] =	stream.indirect.scatter.add.f32 [tilespmem:s28], [sflag:$0x3], $0x80, s9, s25, $0xb8;
	[tilespmem:$0x1D0C0] =	vst v63  }
0x1f4: {  	_ =	swait.ge [sflag:s23], $0x4000  }
0x1f5: {  	[sflag:s23] =	ssyncset.done $0x0  }
0x1f6: {  	[sflag:s23] =	ssyncadd.s32 $0xFFFFC000  }
0x1f7: {  	_ =	swait.ge [sflag:s26], $0x4000  }
0x1f8: {  	[sflag:s26] =	ssyncset.done $0x0  }
0x1f9: {  	s9 =	simm.s32 $0x480;
	[sflag:s26] =	ssyncadd.s32 $0xFFFFC000  }
0x1fa: {  	[tilespmem:s28], [sflag:$0x2] =	stream.indirect.gather [hbm4b:s12+s25], $0x80, s9, s25, $0xb8;
	[tilespmem:$0x1D0C0] =	vst v63  }
0x1fb: {  	s9 =	simm.s32 $0x1000  }
0x1fc: {  	[spmem:s1] =	stream.indirect.scatter.add.f32 [tilespmem:s22], [sflag:$0x3], $0x80, s9, s25, $0xb8;
	[tilespmem:$0x1D0C0] =	vst v63  }
0x1fd: {  	_ =	swait.ge [sflag:s23], $0x4000  }
0x1fe: {  	[sflag:s23] =	ssyncset.done $0x0  }
0x1ff: {  	[sflag:s23] =	ssyncadd.s32 $0xFFFFC000  }
0x200: {  	[tilespmem:s22], [sflag:$0x1] =	stream.indirect.gather [hbm4b:s12+s25], $0x80, s31, s25, $0xb8;
	[tilespmem:$0x1D0C0] =	vst v63  }
0x201: {  	_ =	swait.ge [sflag:s30], $0x4000  }
0x202: {  	[sflag:s30] =	ssyncset.done $0x0  }
0x203: {  	s9 =	simm.s32 $0x1080;
	[sflag:s30] =	ssyncadd.s32 $0xFFFFC000  }
0x204: {  	[spmem:s1] =	stream.indirect.scatter.add.f32 [tilespmem:s28], [sflag:$0x3], $0x80, s9, s25, $0xb8;
	[tilespmem:$0x1D0C0] =	vst v63  }
0x205: {  	_ =	swait.ge [sflag:s23], $0x4000  }
0x206: {  	[sflag:s23] =	ssyncset.done $0x0  }
0x207: {  	[sflag:s23] =	ssyncadd.s32 $0xFFFFC000  }
0x208: {  	_ =	swait.ge [sflag:s26], $0x4000  }
0x209: {  	[sflag:s26] =	ssyncset.done $0x0  }
0x20a: {  	[sflag:s26] =	ssyncadd.s32 $0xFFFFC000  }
0x20b: {  	[tilespmem:s28], [sflag:$0x2] =	stream.indirect.gather [hbm4b:s12+s25], $0x80, s24, s25, $0xb8;
	[tilespmem:$0x1D0C0] =	vst v63  }
0x20c: {  	_ = 	snop  }
0x20d: {  	[spmem:s1] =	stream.indirect.scatter.add.f32 [tilespmem:s22], [sflag:$0x3], $0x80, s8, s25, $0xb8;
	[tilespmem:$0x1D0C0] =	vst v63  }
0x20e: {  	_ =	swait.ge [sflag:s23], $0x4000  }
0x20f: {  	[sflag:s23] =	ssyncset.done $0x0  }
0x210: {  	[sflag:s23] =	ssyncadd.s32 $0xFFFFC000  }
0x211: {  	[tilespmem:s22], [sflag:$0x1] =	stream.indirect.gather [hbm4b:s12+s25], $0x80, s11, s25, $0xb8;
	[tilespmem:$0x1D0C0] =	vst v63  }
0x212: {  	_ =	swait.ge [sflag:s30], $0x4000  }
0x213: {  	[sflag:s30] =	ssyncset.done $0x0  }
0x214: {  	[sflag:s30] =	ssyncadd.s32 $0xFFFFC000  }
0x215: {  	[spmem:s1] =	stream.indirect.scatter.add.f32 [tilespmem:s28], [sflag:$0x3], $0x80, s13, s25, $0xb8;
	[tilespmem:$0x1D0C0] =	vst v63  }
0x216: {  	_ =	swait.ge [sflag:s23], $0x4000  }
0x217: {  	[sflag:s23] =	ssyncset.done $0x0  }
0x218: {  	[sflag:s23] =	ssyncadd.s32 $0xFFFFC000  }
0x219: {  	_ =	swait.ge [sflag:s26], $0x4000  }
0x21a: {  	[sflag:s26] =	ssyncset.done $0x0  }
0x21b: {  	[sflag:s26] =	ssyncadd.s32 $0xFFFFC000  }
0x21c: {  	[tilespmem:s28], [sflag:$0x2] =	stream.indirect.gather [hbm4b:s12+s25], $0x80, s0, s25, $0xb8;
	[tilespmem:$0x1D0C0] =	vst v63  }
0x21d: {  	_ = 	snop  }
0x21e: {  	[spmem:s1] =	stream.indirect.scatter.add.f32 [tilespmem:s22], [sflag:$0x3], $0x80, s14, s25, $0xb8;
	[tilespmem:$0x1D0C0] =	vst v63  }
0x21f: {  	_ =	swait.ge [sflag:s23], $0x4000  }
0x220: {  	[sflag:s23] =	ssyncset.done $0x0  }
0x221: {  	[sflag:s23] =	ssyncadd.s32 $0xFFFFC000  }
0x222: {  	[tilespmem:s22], [sflag:$0x1] =	stream.indirect.gather [hbm4b:s12+s25], $0x80, s15, s25, $0xb8;
	[tilespmem:$0x1D0C0] =	vst v63  }
0x223: {  	_ =	swait.ge [sflag:s30], $0x4000  }
0x224: {  	[sflag:s30] =	ssyncset.done $0x0  }
0x225: {  	[sflag:s30] =	ssyncadd.s32 $0xFFFFC000  }
0x226: {  	[spmem:s1] =	stream.indirect.scatter.add.f32 [tilespmem:s28], [sflag:$0x3], $0x80, s16, s25, $0xb8;
	[tilespmem:$0x1D0C0] =	vst v63  }
0x227: {  	_ =	swait.ge [sflag:s23], $0x4000  }
0x228: {  	[sflag:s23] =	ssyncset.done $0x0  }
0x229: {  	[sflag:s23] =	ssyncadd.s32 $0xFFFFC000  }
0x22a: {  	_ =	swait.ge [sflag:s26], $0x4000  }
0x22b: {  	[sflag:s26] =	ssyncset.done $0x0  }
0x22c: {  	[sflag:s26] =	ssyncadd.s32 $0xFFFFC000  }
0x22d: {  	[tilespmem:s28], [sflag:$0x2] =	stream.indirect.gather [hbm4b:s12+s25], $0x80, s5, s25, $0xb8;
	[tilespmem:$0x1D0C0] =	vst v63  }
0x22e: {  	_ = 	snop  }
0x22f: {  	[spmem:s1] =	stream.indirect.scatter.add.f32 [tilespmem:s22], [sflag:$0x3], $0x80, s17, s25, $0xb8;
	[tilespmem:$0x1D0C0] =	vst v63  }
0x230: {  	_ =	swait.ge [sflag:s23], $0x4000  }
0x231: {  	[sflag:s23] =	ssyncset.done $0x0  }
0x232: {  	[sflag:s23] =	ssyncadd.s32 $0xFFFFC000  }
0x233: {  	[tilespmem:s22], [sflag:$0x1] =	stream.indirect.gather [hbm4b:s12+s25], $0x80, s18, s25, $0xb8;
	[tilespmem:$0x1D0C0] =	vst v63  }
0x234: {  	_ =	swait.ge [sflag:s30], $0x4000  }
0x235: {  	[sflag:s30] =	ssyncset.done $0x0  }
0x236: {  	[sflag:s30] =	ssyncadd.s32 $0xFFFFC000  }
0x237: {  	[spmem:s1] =	stream.indirect.scatter.add.f32 [tilespmem:s28], [sflag:$0x3], $0x80, s19, s25, $0xb8;
	[tilespmem:$0x1D0C0] =	vst v63  }
0x238: {  	_ =	swait.ge [sflag:s23], $0x4000  }
0x239: {  	[sflag:s23] =	ssyncset.done $0x0  }
0x23a: {  	[sflag:s23] =	ssyncadd.s32 $0xFFFFC000  }
0x23b: {  	_ =	swait.ge [sflag:s26], $0x4000  }
0x23c: {  	[sflag:s26] =	ssyncset.done $0x0  }
0x23d: {  	[sflag:s26] =	ssyncadd.s32 $0xFFFFC000  }
0x23e: {  	[tilespmem:s28], [sflag:$0x2] =	stream.indirect.gather [hbm4b:s12+s25], $0x80, s6, s25, $0xb8;
	[tilespmem:$0x1D0C0] =	vst v63  }
0x23f: {  	_ = 	snop  }
0x240: {  	[spmem:s1] =	stream.indirect.scatter.add.f32 [tilespmem:s22], [sflag:$0x3], $0x80, s4, s25, $0xb8;
	[tilespmem:$0x1D0C0] =	vst v63  }
0x241: {  	_ =	swait.ge [sflag:s23], $0x4000  }
0x242: {  	[sflag:s23] =	ssyncset.done $0x0  }
0x243: {  	[sflag:s23] =	ssyncadd.s32 $0xFFFFC000  }
0x244: {  	[tilespmem:s22], [sflag:$0x1] =	stream.indirect.gather [hbm4b:s12+s25], $0x80, s10, s25, $0xb8;
	[tilespmem:$0x1D0C0] =	vst v63  }
0x245: {  	_ =	swait.ge [sflag:s30], $0x4000  }
0x246: {  	[sflag:s30] =	ssyncset.done $0x0  }
0x247: {  	[sflag:s30] =	ssyncadd.s32 $0xFFFFC000  }
0x248: {  	[spmem:s1] =	stream.indirect.scatter.add.f32 [tilespmem:s28], [sflag:$0x3], $0x80, s29, s25, $0xb8;
	[tilespmem:$0x1D0C0] =	vst v63  }
0x249: {  	_ =	swait.ge [sflag:s23], $0x4000  }
0x24a: {  	[sflag:s23] =	ssyncset.done $0x0  }
0x24b: {  	[sflag:s23] =	ssyncadd.s32 $0xFFFFC000  }
0x24c: {  	_ =	swait.ge [sflag:s26], $0x4000  }
0x24d: {  	[sflag:s26] =	ssyncset.done $0x0  }
0x24e: {  	[sflag:s26] =	ssyncadd.s32 $0xFFFFC000  }
0x24f: {  	[tilespmem:s28], [sflag:$0x2] =	stream.indirect.gather [hbm4b:s12+s25], $0x80, s7, s25, $0xb8;
	[tilespmem:$0x1D0C0] =	vst v63  }
0x250: {  	s9 =	simm.s32 $0x1500  }
0x251: {  	[spmem:s1] =	stream.indirect.scatter.add.f32 [tilespmem:s22], [sflag:$0x3], $0x80, s9, s25, $0xb8;
	[tilespmem:$0x1D0C0] =	vst v63  }
0x252: {  	_ =	swait.ge [sflag:s23], $0x4000  }
0x253: {  	[sflag:s23] =	ssyncset.done $0x0  }
0x254: {  	[sflag:s23] =	ssyncadd.s32 $0xFFFFC000  }
0x255: {  	_ =	swait.ge [sflag:s30], $0x4000  }
0x256: {  	[sflag:s30] =	ssyncset.done $0x0  }
0x257: {  	s9 =	simm.s32 $0x1580;
	[sflag:s30] =	ssyncadd.s32 $0xFFFFC000  }
0x258: {  	[spmem:s1] =	stream.indirect.scatter.add.f32 [tilespmem:s28], [sflag:$0x3], $0x80, s9, s25, $0xb8;
	[tilespmem:$0x1D0C0] =	vst v63  }
0x259: {  	_ =	swait.ge [sflag:s23], $0x4000  }
0x25a: {  	[sflag:s23] =	ssyncset.done $0x0  }
0x25b: {  	s9 =	rddreg [dreg:$0x10];
	[sflag:s23] =	ssyncadd.s32 $0xFFFFC000  }
0x25c: {  	[tilespmem:s2], [sflag:$0x3] =	stream.linear.gather [hbm4b:s9+s2], $0xA00, $0x38;
	[tilespmem:$0x1D0C0] =	vst v63  }
0x25d: {  	_ =	swait.ge [sflag:s23], $0xA00  }
0x25e: {  	[sflag:s23] =	ssyncset.done $0x0  }
0x25f: {  	s9 =	rddreg [dreg:$0x11];
	[sflag:s23] =	ssyncadd.s32 $0xFFFFF600  }
0x260: {  	[tilespmem:s3], [sflag:$0x3] =	stream.linear.gather [hbm4b:s9+s2], $0xA00, $0x38;
	[tilespmem:$0x1D0C0] =	vst v63  }
0x261: {  	_ =	swait.ge [sflag:s23], $0xA00  }
0x262: {  	[sflag:s23] =	ssyncset.done $0x0  }
0x263: {  	[sflag:s23] =	ssyncadd.s32 $0xFFFFF600  }
0x264: {  	[tilespmem:s22], [sflag:$0x1] =	stream.indirect.gather [hbm4b:s12+s25], $0x80, s2, s25, $0xb8;
	[tilespmem:$0x1D0C0] =	vst v63  }
0x265: {  	_ =	swait.ge [sflag:s26], $0x4000  }
0x266: {  	[sflag:s26] =	ssyncset.done $0x0  }
0x267: {  	[sflag:s26] =	ssyncadd.s32 $0xFFFFC000  }
0x268: {  	[tilespmem:s28], [sflag:$0x2] =	stream.indirect.gather [hbm4b:s12+s25], $0x80, s25, s25, $0xb8;
	[tilespmem:$0x1D0C0] =	vst v63  }
0x269: {  	_ = 	snop  }
0x26a: {  	[spmem:s1] =	stream.indirect.scatter.add.f32 [tilespmem:s22], [sflag:$0x4], $0x80, s3, s25, $0xb8;
	[tilespmem:$0x1D0C0] =	vst v63  }
0x26b: {  	_ =	swait.ge [sflag:s20], $0x4000  }
0x26c: {  	[sflag:s20] =	ssyncset.done $0x0  }
0x26d: {  	s9 =	simm.s32 $0x100;
	[sflag:s20] =	ssyncadd.s32 $0xFFFFC000  }
0x26e: {  	[tilespmem:s22], [sflag:$0x1] =	stream.indirect.gather [hbm4b:s12+s25], $0x80, s9, s25, $0xb8;
	[tilespmem:$0x1D0C0] =	vst v63  }
0x26f: {  	_ =	swait.ge [sflag:s30], $0x4000  }
0x270: {  	[sflag:s30] =	ssyncset.done $0x0  }
0x271: {  	s9 =	simm.s32 $0xC80;
	[sflag:s30] =	ssyncadd.s32 $0xFFFFC000  }
0x272: {  	[spmem:s1] =	stream.indirect.scatter.add.f32 [tilespmem:s28], [sflag:$0x3], $0x80, s9, s25, $0xb8;
	[tilespmem:$0x1D0C0] =	vst v63  }
0x273: {  	_ =	swait.ge [sflag:s23], $0x4000  }
0x274: {  	[sflag:s23] =	ssyncset.done $0x0  }
0x275: {  	[sflag:s23] =	ssyncadd.s32 $0xFFFFC000  }
0x276: {  	_ =	swait.ge [sflag:s26], $0x4000  }
0x277: {  	[sflag:s26] =	ssyncset.done $0x0  }
0x278: {  	s9 =	simm.s32 $0x180;
	[sflag:s26] =	ssyncadd.s32 $0xFFFFC000  }
0x279: {  	[tilespmem:s28], [sflag:$0x2] =	stream.indirect.gather [hbm4b:s12+s25], $0x80, s9, s25, $0xb8;
	[tilespmem:$0x1D0C0] =	vst v63  }
0x27a: {  	s9 =	simm.s32 $0xD00  }
0x27b: {  	[spmem:s1] =	stream.indirect.scatter.add.f32 [tilespmem:s22], [sflag:$0x4], $0x80, s9, s25, $0xb8;
	[tilespmem:$0x1D0C0] =	vst v63  }
0x27c: {  	_ =	swait.ge [sflag:s20], $0x4000  }
0x27d: {  	[sflag:s20] =	ssyncset.done $0x0  }
0x27e: {  	s9 =	simm.s32 $0x200;
	[sflag:s20] =	ssyncadd.s32 $0xFFFFC000  }
0x27f: {  	[tilespmem:s22], [sflag:$0x1] =	stream.indirect.gather [hbm4b:s12+s25], $0x80, s9, s25, $0xb8;
	[tilespmem:$0x1D0C0] =	vst v63  }
0x280: {  	_ =	swait.ge [sflag:s30], $0x4000  }
0x281: {  	[sflag:s30] =	ssyncset.done $0x0  }
0x282: {  	s9 =	simm.s32 $0xD80;
	[sflag:s30] =	ssyncadd.s32 $0xFFFFC000  }
0x283: {  	[spmem:s1] =	stream.indirect.scatter.add.f32 [tilespmem:s28], [sflag:$0x3], $0x80, s9, s25, $0xb8;
	[tilespmem:$0x1D0C0] =	vst v63  }
0x284: {  	_ =	swait.ge [sflag:s23], $0x4000  }
0x285: {  	[sflag:s23] =	ssyncset.done $0x0  }
0x286: {  	[sflag:s23] =	ssyncadd.s32 $0xFFFFC000  }
0x287: {  	_ =	swait.ge [sflag:s26], $0x4000  }
0x288: {  	[sflag:s26] =	ssyncset.done $0x0  }
0x289: {  	s9 =	simm.s32 $0x280;
	[sflag:s26] =	ssyncadd.s32 $0xFFFFC000  }
0x28a: {  	[tilespmem:s28], [sflag:$0x2] =	stream.indirect.gather [hbm4b:s12+s25], $0x80, s9, s25, $0xb8;
	[tilespmem:$0x1D0C0] =	vst v63  }
0x28b: {  	s9 =	simm.s32 $0xE00  }
0x28c: {  	[spmem:s1] =	stream.indirect.scatter.add.f32 [tilespmem:s22], [sflag:$0x4], $0x80, s9, s25, $0xb8;
	[tilespmem:$0x1D0C0] =	vst v63  }
0x28d: {  	_ =	swait.ge [sflag:s20], $0x4000  }
0x28e: {  	[sflag:s20] =	ssyncset.done $0x0  }
0x28f: {  	s9 =	simm.s32 $0x300;
	[sflag:s20] =	ssyncadd.s32 $0xFFFFC000  }
0x290: {  	[tilespmem:s22], [sflag:$0x1] =	stream.indirect.gather [hbm4b:s12+s25], $0x80, s9, s25, $0xb8;
	[tilespmem:$0x1D0C0] =	vst v63  }
0x291: {  	_ =	swait.ge [sflag:s30], $0x4000  }
0x292: {  	[sflag:s30] =	ssyncset.done $0x0  }
0x293: {  	s9 =	simm.s32 $0xE80;
	[sflag:s30] =	ssyncadd.s32 $0xFFFFC000  }
0x294: {  	[spmem:s1] =	stream.indirect.scatter.add.f32 [tilespmem:s28], [sflag:$0x3], $0x80, s9, s25, $0xb8;
	[tilespmem:$0x1D0C0] =	vst v63  }
0x295: {  	_ =	swait.ge [sflag:s23], $0x4000  }
0x296: {  	[sflag:s23] =	ssyncset.done $0x0  }
0x297: {  	[sflag:s23] =	ssyncadd.s32 $0xFFFFC000  }
0x298: {  	_ =	swait.ge [sflag:s26], $0x4000  }
0x299: {  	[sflag:s26] =	ssyncset.done $0x0  }
0x29a: {  	s9 =	simm.s32 $0x380;
	[sflag:s26] =	ssyncadd.s32 $0xFFFFC000  }
0x29b: {  	[tilespmem:s28], [sflag:$0x2] =	stream.indirect.gather [hbm4b:s12+s25], $0x80, s9, s25, $0xb8;
	[tilespmem:$0x1D0C0] =	vst v63  }
0x29c: {  	s9 =	simm.s32 $0xF00  }
0x29d: {  	[spmem:s1] =	stream.indirect.scatter.add.f32 [tilespmem:s22], [sflag:$0x4], $0x80, s9, s25, $0xb8;
	[tilespmem:$0x1D0C0] =	vst v63  }
0x29e: {  	_ =	swait.ge [sflag:s20], $0x4000  }
0x29f: {  	[sflag:s20] =	ssyncset.done $0x0  }
0x2a0: {  	s9 =	simm.s32 $0x400;
	[sflag:s20] =	ssyncadd.s32 $0xFFFFC000  }
0x2a1: {  	[tilespmem:s22], [sflag:$0x1] =	stream.indirect.gather [hbm4b:s12+s25], $0x80, s9, s25, $0xb8;
	[tilespmem:$0x1D0C0] =	vst v63  }
0x2a2: {  	_ =	swait.ge [sflag:s30], $0x4000  }
0x2a3: {  	[sflag:s30] =	ssyncset.done $0x0  }
0x2a4: {  	s9 =	simm.s32 $0xF80;
	[sflag:s30] =	ssyncadd.s32 $0xFFFFC000  }
0x2a5: {  	[spmem:s1] =	stream.indirect.scatter.add.f32 [tilespmem:s28], [sflag:$0x3], $0x80, s9, s25, $0xb8;
	[tilespmem:$0x1D0C0] =	vst v63  }
0x2a6: {  	_ =	swait.ge [sflag:s23], $0x4000  }
0x2a7: {  	[sflag:s23] =	ssyncset.done $0x0  }
0x2a8: {  	[sflag:s23] =	ssyncadd.s32 $0xFFFFC000  }
0x2a9: {  	_ =	swait.ge [sflag:s26], $0x4000  }
0x2aa: {  	[sflag:s26] =	ssyncset.done $0x0  }
0x2ab: {  	s9 =	simm.s32 $0x480;
	[sflag:s26] =	ssyncadd.s32 $0xFFFFC000  }
0x2ac: {  	[tilespmem:s28], [sflag:$0x2] =	stream.indirect.gather [hbm4b:s12+s25], $0x80, s9, s25, $0xb8;
	[tilespmem:$0x1D0C0] =	vst v63  }
0x2ad: {  	s9 =	simm.s32 $0x1000  }
0x2ae: {  	[spmem:s1] =	stream.indirect.scatter.add.f32 [tilespmem:s22], [sflag:$0x4], $0x80, s9, s25, $0xb8;
	[tilespmem:$0x1D0C0] =	vst v63  }
0x2af: {  	_ =	swait.ge [sflag:s20], $0x4000  }
0x2b0: {  	[sflag:s20] =	ssyncset.done $0x0  }
0x2b1: {  	s31 =	simm.s32 $0x500;
	[sflag:s20] =	ssyncadd.s32 $0xFFFFC000  }
0x2b2: {  	[tilespmem:s22], [sflag:$0x1] =	stream.indirect.gather [hbm4b:s12+s25], $0x80, s31, s25, $0xb8;
	[tilespmem:$0x1D0C0] =	vst v63  }
0x2b3: {  	_ =	swait.ge [sflag:s30], $0x4000  }
0x2b4: {  	[sflag:s30] =	ssyncset.done $0x0  }
0x2b5: {  	s9 =	simm.s32 $0x1080;
	[sflag:s30] =	ssyncadd.s32 $0xFFFFC000  }
0x2b6: {  	[spmem:s1] =	stream.indirect.scatter.add.f32 [tilespmem:s28], [sflag:$0x3], $0x80, s9, s25, $0xb8;
	[tilespmem:$0x1D0C0] =	vst v63  }
0x2b7: {  	_ =	swait.ge [sflag:s23], $0x4000  }
0x2b8: {  	[sflag:s23] =	ssyncset.done $0x0  }
0x2b9: {  	[sflag:s23] =	ssyncadd.s32 $0xFFFFC000  }
0x2ba: {  	_ =	swait.ge [sflag:s26], $0x4000  }
0x2bb: {  	[sflag:s26] =	ssyncset.done $0x0  }
0x2bc: {  	s24 =	simm.s32 $0x580;
	[sflag:s26] =	ssyncadd.s32 $0xFFFFC000  }
0x2bd: {  	[tilespmem:s28], [sflag:$0x2] =	stream.indirect.gather [hbm4b:s12+s25], $0x80, s24, s25, $0xb8;
	[tilespmem:$0x1D0C0] =	vst v63  }
0x2be: {  	s8 =	simm.s32 $0x1100  }
0x2bf: {  	[spmem:s1] =	stream.indirect.scatter.add.f32 [tilespmem:s22], [sflag:$0x4], $0x80, s8, s25, $0xb8;
	[tilespmem:$0x1D0C0] =	vst v63  }
0x2c0: {  	_ =	swait.ge [sflag:s20], $0x4000  }
0x2c1: {  	[sflag:s20] =	ssyncset.done $0x0  }
0x2c2: {  	s11 =	simm.s32 $0x600;
	[sflag:s20] =	ssyncadd.s32 $0xFFFFC000  }
0x2c3: {  	[tilespmem:s22], [sflag:$0x1] =	stream.indirect.gather [hbm4b:s12+s25], $0x80, s11, s25, $0xb8;
	[tilespmem:$0x1D0C0] =	vst v63  }
0x2c4: {  	_ =	swait.ge [sflag:s30], $0x4000  }
0x2c5: {  	[sflag:s30] =	ssyncset.done $0x0  }
0x2c6: {  	s13 =	simm.s32 $0x1180;
	[sflag:s30] =	ssyncadd.s32 $0xFFFFC000  }
0x2c7: {  	[spmem:s1] =	stream.indirect.scatter.add.f32 [tilespmem:s28], [sflag:$0x3], $0x80, s13, s25, $0xb8;
	[tilespmem:$0x1D0C0] =	vst v63  }
0x2c8: {  	_ =	swait.ge [sflag:s23], $0x4000  }
0x2c9: {  	[sflag:s23] =	ssyncset.done $0x0  }
0x2ca: {  	[sflag:s23] =	ssyncadd.s32 $0xFFFFC000  }
0x2cb: {  	_ =	swait.ge [sflag:s26], $0x4000  }
0x2cc: {  	[sflag:s26] =	ssyncset.done $0x0  }
0x2cd: {  	s0 =	simm.s32 $0x680;
	[sflag:s26] =	ssyncadd.s32 $0xFFFFC000  }
0x2ce: {  	[tilespmem:s28], [sflag:$0x2] =	stream.indirect.gather [hbm4b:s12+s25], $0x80, s0, s25, $0xb8;
	[tilespmem:$0x1D0C0] =	vst v63  }
0x2cf: {  	s14 =	simm.s32 $0x1200  }
0x2d0: {  	[spmem:s1] =	stream.indirect.scatter.add.f32 [tilespmem:s22], [sflag:$0x4], $0x80, s14, s25, $0xb8;
	[tilespmem:$0x1D0C0] =	vst v63  }
0x2d1: {  	_ =	swait.ge [sflag:s20], $0x4000  }
0x2d2: {  	[sflag:s20] =	ssyncset.done $0x0  }
0x2d3: {  	s15 =	simm.s32 $0x700;
	[sflag:s20] =	ssyncadd.s32 $0xFFFFC000  }
0x2d4: {  	[tilespmem:s22], [sflag:$0x1] =	stream.indirect.gather [hbm4b:s12+s25], $0x80, s15, s25, $0xb8;
	[tilespmem:$0x1D0C0] =	vst v63  }
0x2d5: {  	_ =	swait.ge [sflag:s30], $0x4000  }
0x2d6: {  	[sflag:s30] =	ssyncset.done $0x0  }
0x2d7: {  	s16 =	simm.s32 $0x1280;
	[sflag:s30] =	ssyncadd.s32 $0xFFFFC000  }
0x2d8: {  	[spmem:s1] =	stream.indirect.scatter.add.f32 [tilespmem:s28], [sflag:$0x3], $0x80, s16, s25, $0xb8;
	[tilespmem:$0x1D0C0] =	vst v63  }
0x2d9: {  	_ =	swait.ge [sflag:s23], $0x4000  }
0x2da: {  	[sflag:s23] =	ssyncset.done $0x0  }
0x2db: {  	[sflag:s23] =	ssyncadd.s32 $0xFFFFC000  }
0x2dc: {  	_ =	swait.ge [sflag:s26], $0x4000  }
0x2dd: {  	[sflag:s26] =	ssyncset.done $0x0  }
0x2de: {  	s5 =	simm.s32 $0x780;
	[sflag:s26] =	ssyncadd.s32 $0xFFFFC000  }
0x2df: {  	[tilespmem:s28], [sflag:$0x2] =	stream.indirect.gather [hbm4b:s12+s25], $0x80, s5, s25, $0xb8;
	[tilespmem:$0x1D0C0] =	vst v63  }
0x2e0: {  	s17 =	simm.s32 $0x1300  }
0x2e1: {  	[spmem:s1] =	stream.indirect.scatter.add.f32 [tilespmem:s22], [sflag:$0x4], $0x80, s17, s25, $0xb8;
	[tilespmem:$0x1D0C0] =	vst v63  }
0x2e2: {  	_ =	swait.ge [sflag:s20], $0x4000  }
0x2e3: {  	[sflag:s20] =	ssyncset.done $0x0  }
0x2e4: {  	s18 =	simm.s32 $0x800;
	[sflag:s20] =	ssyncadd.s32 $0xFFFFC000  }
0x2e5: {  	[tilespmem:s22], [sflag:$0x1] =	stream.indirect.gather [hbm4b:s12+s25], $0x80, s18, s25, $0xb8;
	[tilespmem:$0x1D0C0] =	vst v63  }
0x2e6: {  	_ =	swait.ge [sflag:s30], $0x4000  }
0x2e7: {  	[sflag:s30] =	ssyncset.done $0x0  }
0x2e8: {  	s19 =	simm.s32 $0x1380;
	[sflag:s30] =	ssyncadd.s32 $0xFFFFC000  }
0x2e9: {  	[spmem:s1] =	stream.indirect.scatter.add.f32 [tilespmem:s28], [sflag:$0x3], $0x80, s19, s25, $0xb8;
	[tilespmem:$0x1D0C0] =	vst v63  }
0x2ea: {  	_ =	swait.ge [sflag:s23], $0x4000  }
0x2eb: {  	[sflag:s23] =	ssyncset.done $0x0  }
0x2ec: {  	[sflag:s23] =	ssyncadd.s32 $0xFFFFC000  }
0x2ed: {  	_ =	swait.ge [sflag:s26], $0x4000  }
0x2ee: {  	[sflag:s26] =	ssyncset.done $0x0  }
0x2ef: {  	s6 =	simm.s32 $0x880;
	[sflag:s26] =	ssyncadd.s32 $0xFFFFC000  }
0x2f0: {  	[tilespmem:s28], [sflag:$0x2] =	stream.indirect.gather [hbm4b:s12+s25], $0x80, s6, s25, $0xb8;
	[tilespmem:$0x1D0C0] =	vst v63  }
0x2f1: {  	s4 =	simm.s32 $0x1400  }
0x2f2: {  	[spmem:s1] =	stream.indirect.scatter.add.f32 [tilespmem:s22], [sflag:$0x4], $0x80, s4, s25, $0xb8;
	[tilespmem:$0x1D0C0] =	vst v63  }
0x2f3: {  	_ =	swait.ge [sflag:s20], $0x4000  }
0x2f4: {  	[sflag:s20] =	ssyncset.done $0x0  }
0x2f5: {  	s10 =	simm.s32 $0x900;
	[sflag:s20] =	ssyncadd.s32 $0xFFFFC000  }
0x2f6: {  	[tilespmem:s22], [sflag:$0x1] =	stream.indirect.gather [hbm4b:s12+s25], $0x80, s10, s25, $0xb8;
	[tilespmem:$0x1D0C0] =	vst v63  }
0x2f7: {  	_ =	swait.ge [sflag:s30], $0x4000  }
0x2f8: {  	[sflag:s30] =	ssyncset.done $0x0  }
0x2f9: {  	s29 =	simm.s32 $0x1480;
	[sflag:s30] =	ssyncadd.s32 $0xFFFFC000  }
0x2fa: {  	[spmem:s1] =	stream.indirect.scatter.add.f32 [tilespmem:s28], [sflag:$0x3], $0x80, s29, s25, $0xb8;
	[tilespmem:$0x1D0C0] =	vst v63  }
0x2fb: {  	_ =	swait.ge [sflag:s23], $0x4000  }
0x2fc: {  	[sflag:s23] =	ssyncset.done $0x0  }
0x2fd: {  	[sflag:s23] =	ssyncadd.s32 $0xFFFFC000  }
0x2fe: {  	_ =	swait.ge [sflag:s26], $0x4000  }
0x2ff: {  	[sflag:s26] =	ssyncset.done $0x0  }
0x300: {  	s7 =	simm.s32 $0x980;
	[sflag:s26] =	ssyncadd.s32 $0xFFFFC000  }
0x301: {  	[tilespmem:s28], [sflag:$0x2] =	stream.indirect.gather [hbm4b:s12+s25], $0x80, s7, s25, $0xb8;
	[tilespmem:$0x1D0C0] =	vst v63  }
0x302: {  	s16 =	simm.s32 $0x1500  }
0x303: {  	[spmem:s1] =	stream.indirect.scatter.add.f32 [tilespmem:s22], [sflag:$0x4], $0x80, s16, s25, $0xb8;
	[tilespmem:$0x1D0C0] =	vst v63  }
0x304: {  	_ =	swait.ge [sflag:s20], $0x4000  }
0x305: {  	[sflag:s20] =	ssyncset.done $0x0  }
0x306: {  	[sflag:s20] =	ssyncadd.s32 $0xFFFFC000  }
0x307: {  	_ =	swait.ge [sflag:s30], $0x4000  }
0x308: {  	[sflag:s30] =	ssyncset.done $0x0  }
0x309: {  	[sflag:s30] =	ssyncadd.s32 $0xFFFFC000  }
0x30a: {  	s17 =	stileid.u32;
	[bflag:$0x0] =	sbarrier.arrive $0xFFFF  }
0x30b: {  	s9 =	sshll.u32 s17, $0x6;
	s18 =	rddreg [dreg:$0x9]  }
0x30c: {  	s9 =	sor.u32 $0x1C03, s9;
	s24 =	rddreg [dreg:$0x12];
	s19 =	sshrl.u32 s18, $0x3  }
0x30d: {  	[hbm:s24], [sflag:s9] =	dma.local [spmem:s19], $0x2700  }
0x30e: {  	_ =	swait.ge [sflag:s23], $0x2700  }
0x30f: {  	s0 =	rddreg [dreg:$0x8]  }
0x310: {  	[sflag:s23] =	ssyncset.done $0x0;
	s4 =	rddreg [dreg:$0x13]  }
0x311: {  	[sflag:s23] =	ssyncadd.s32 $0xFFFFD900;
	s29 =	sshrl.u32 @!p0 s0, $0x3;
	s0 =	simm.s32 @!p0 $0x3  }
0x312: {  	[hbm:s4], [sflag:s9] =	dma.local @!p0 [spmem:s29], $0x100  }
0x313: {  	_ =	swait.ge @!p0 [sflag:s0], $0x100  }
0x314: {  	s21 =	sadd.s32 $0x1, s21;
	s31 =	rddreg [dreg:$0x14]  }
0x315: {  	p1 =	sne.s32 s21, s31  }
.Ltmp1:
0x316: {  	_ = 	snop;
	(pc) =	sbr.rel @p1 .LBB2_1-.Ltmp1, $3  }
0x317: {  	_ =	sdelay $0x1  }
0x318: {  	[sflag:s0] =	ssyncset.done @!p0 $0x0;
	s0 =	simm.s32 @!p0 $0x3  }
0x319: {  	[sflag:s0] =	ssyncadd.s32 @!p0 $0xFFFFFF00  }
0x31a: {  	_ =	sfence.sel $0x180000  }
0x31b: {  	[bflag:$0x0] =	sbarrier.arrive $0xFFFF  }
0x31c: {  	_ =	strace $0x90000047  }
0x31d: {  	s0 =	stileid.u32;
	[bflag:$0x2] =	sbarrier.arrive $0xFFFF  }
0x31e: {  	p0 =	sne.s32 s0, $0x0;
	s0 =	rddreg [dreg:$0x3]  }
0x31f: {  	s0 =	sadd.s32 @!p0 $0x100000, s0  }
0x320: {  	[sflag:s0] =	ssyncadd.tile.s32 @!p0 $0x1;
	_ =	shalt  }
.Lfunc_end2:
_tile_overlayer_lowered:
.L_overlay_start_2:
0x321: {  	(tag) =	ssettag $0x2  }
0x322: {  	s0 =	rddreg [dreg:$0x0];
	s2 =	stileid.u32  }
0x323: {  	s1 =	rddreg [dreg:$0x1];
	p0 =	sne.s32 s2, $0x0  }
0x324: {  	s3 =	rddreg [dreg:$0x2];
	[bflag:$0x3] =	sbarrier.arrive $0xFFFF;
	s2 =	simm.s32 @!p0 $0x1C03  }
0x325: {  	[timem:s3], [sflag:s2] =	dma.local @!p0 [hbm:s0], s1  }
0x326: {  	s0 =	simm.s32 @!p0 $0x3  }
0x327: {  	_ =	swait.ge @!p0 [sflag:s0], s1  }
0x328: {  	s1 =	ssub.s32 @!p0 $0x0, s1;
	[sflag:s0] =	ssyncset.done @!p0 $0x0  }
0x329: {  	[sflag:s0] =	ssyncadd.s32 @!p0 s1  }
0x32a: {  	[bflag:$0x3] =	sbarrier.arrive $0xFFFF  }
0x32b: {  	_ =	shalt  }

// kernel: segsum.7.cloned.1.call-start
scs
__scs_entry_jumppad:
0x0: {  	(pc) =	sbr.rel $0x88, $3  }
0x1: {  	(tag) =	ssettag $0x0;
	lr =	simm.s32 $0x1  }
0x2: {  	[smem:$0x3F91] =	sst lr;
	_ =	strace $0xD0000000  }
0x3: {  	_ = 	snop  }
0x4: {  	_ = 	snop  }
0x5: {  	_ = 	snop  }
0x6: {  	_ = 	snop  }
0x7: {  	_ = 	snop  }
__scs_overlays_trampoline_lowered:
0x8: {  	[smem:$0x3FA0] =	sst s0  }
0x9: {  	[smem:$0x3FA1] =	sst s1  }
0xa: {  	[smem:$0x3FA2] =	sst s2  }
0xb: {  	[smem:$0x3FA3] =	sst s3  }
0xc: {  	[smem:$0x3FA4] =	sst s4  }
0xd: {  	[smem:$0x3FA5] =	sst s5  }
0xe: {  	[smem:$0x3FA6] =	sst s6  }
0xf: {  	[smem:$0x3FA7] =	sst s7  }
0x10: {  	[smem:$0x3FA8] =	sst s8  }
0x11: {  	[smem:$0x3FA9] =	sst s9;
	s0 =	simm.s32 @!p0 $0x0  }
0x12: {  	s1 =	sld [smem:$0x3F8F];
	s0 =	simm.s32 @p0 $0x1  }
0x13: {  	[smem:$0x3FAA] =	sst s0;
	s0 =	simm.s32 @!p1 $0x0  }
0x14: {  	s2 =	sld [smem:$0x3F8E];
	s0 =	simm.s32 @p1 $0x1  }
0x15: {  	[smem:$0x3FAB] =	sst s0;
	s0 =	simm.s32 @!p2 $0x0  }
0x16: {  	s3 =	sld [smem:$0x3FDB];
	s0 =	simm.s32 @p2 $0x1  }
0x17: {  	s4 =	simm.s32 $0x1BF5;
	[smem:$0x3FAD] =	sst s0  }
0x18: {  	s0 =	sld [smem:$0x3F90];
	_ =	swait.ge [sflag:s4], $0x0  }
0x19: {  	s7 =	sld [smem:$0x3F91]  }
0x1a: {  	s8 =	sadd.s32 $0xFFFFE003, lr  }
0x1b: {  	s9 =	sadd.s32 $0xFFFFFEF7, lr;
	s5 =	simm.s32 $0xFFFFFFFF;
	p2 =	slt.u32 s8, $0xFFFFF086  }
0x1c: {  	p1 =	slt.u32 s9, $0xF7A;
	s5 =	simm.s32 @!p2 $0x0  }
0x1d: {  	s5 =	simm.s32 @p1 $0x1;
	p0 =	seq.s32 s7, s2  }
0x1e: {  	s7 =	smul.u32 @!p0 $0xF7A, s2;
	p2 =	seq.s32 @!p0 s5, $0x0  }
0x1f: {  	s9 =	smul.u32 $0xF7A, s1;
	s8 =	simm.s32 @!p0 $0x1BF5;
	p2 =	por !p2, p0  }
0x20: {  	[sflag:s8] =	ssyncset.s32 @!p0 $0xFFFFF086;
	s6 =	sadd.s32 @!p0 s3, s7;
	s7 =	simm.s32 @!p0 $0x108  }
0x21: {  	s3 =	sadd.s32 s3, s9;
	s6 =	sadd.s32 @!p0 $0x88, s6;
	s7 =	simm.s32 @p2 $0x1082  }
0x22: {  	[simem:s7], [sflag:s8] =	dma.local @!p0 [hbm:s6], $0xF7A  }
0x23: {  	s9 =	sor.u32 $0xD0000000, s2;
	s6 =	simm.s32 $0x108;
	_ =	swait.ge @!p0 [sflag:s8], $0x0  }
0x24: {  	s3 =	sadd.s32 $0x88, s3;
	s6 =	simm.s32 @!p1 $0x1082;
	[sflag:s4] =	ssyncset.s32 $0xFFFFF086  }
0x25: {  	[simem:s6], [sflag:s4] =	dma.local [hbm:s3], $0xF7A  }
0x26: {  	[smem:$0x3F91] =	sst s1;
	(tag) =	ssettag s2;
	_ =	strace s9  }
0x27: {  	s1 =	sld [smem:$0x3FA1]  }
0x28: {  	s2 =	sld [smem:$0x3FA2]  }
0x29: {  	s4 =	sld [smem:$0x3FA4]  }
0x2a: {  	p0 =	seq.s32 s5, $0x0;
	s5 =	sld [smem:$0x3FA5]  }
0x2b: {  	s6 =	sld [smem:$0x3FA6]  }
0x2c: {  	s7 =	sld [smem:$0x3FA7]  }
0x2d: {  	s3 =	simm.s32 $0x108;
	s8 =	sld [smem:$0x3FA8]  }
0x2e: {  	s3 =	simm.s32 @!p0 $0x1082;
	s9 =	sld [smem:$0x3FA9]  }
0x2f: {  	lr =	sadd.s32 s0, s3;
	s0 =	sld [smem:$0x3FA0]  }
0x30: {  	s3 =	sld [smem:$0x3FA3]  }
0x31: {  	[smem:$0x3FAC] =	sst s10  }
0x32: {  	s10 =	sld [smem:$0x3FAA];
	_ =	sdelay $0x3  }
0x33: {  	p0 =	seq.s32 s10, $0x1;
	s10 =	sld [smem:$0x3FAC];
	_ =	sdelay $0x3  }
0x34: {  	[smem:$0x3FAC] =	sst s10  }
0x35: {  	s10 =	sld [smem:$0x3FAB];
	_ =	sdelay $0x3  }
0x36: {  	p1 =	seq.s32 s10, $0x1;
	s10 =	sld [smem:$0x3FAC];
	_ =	sdelay $0x3  }
0x37: {  	[smem:$0x3FAC] =	sst s10  }
0x38: {  	s10 =	sld [smem:$0x3FAD]  }
0x39: {  	_ = 	snop;
	(pc) =	sbr.ind lr, $3  }
0x3a: {  	_ = 	snop  }
0x3b: {  	_ = 	snop  }
0x3c: {  	p2 =	seq.s32 s10, $0x1;
	s10 =	sld [smem:$0x3FAC]  }
0x3d: {  	_ =	shalt  }
0x3e: {  	_ =	shalt  }
0x3f: {  	_ =	shalt  }
0x40: {  	_ =	shalt  }
0x41: {  	_ =	shalt  }
0x42: {  	_ =	shalt  }
0x43: {  	_ =	shalt  }
0x44: {  	_ =	shalt  }
0x45: {  	_ =	shalt  }
0x46: {  	_ =	shalt  }
0x47: {  	_ =	shalt  }
0x48: {  	_ =	shalt  }
0x49: {  	_ =	shalt  }
0x4a: {  	_ =	shalt  }
0x4b: {  	_ =	shalt  }
0x4c: {  	_ =	shalt  }
0x4d: {  	_ =	shalt  }
0x4e: {  	_ =	shalt  }
0x4f: {  	_ =	shalt  }
0x50: {  	_ =	shalt  }
0x51: {  	_ =	shalt  }
0x52: {  	_ =	shalt  }
0x53: {  	_ =	shalt  }
0x54: {  	_ =	shalt  }
0x55: {  	_ =	shalt  }
0x56: {  	_ =	shalt  }
0x57: {  	_ =	shalt  }
0x58: {  	_ =	shalt  }
0x59: {  	_ =	shalt  }
0x5a: {  	_ =	shalt  }
0x5b: {  	_ =	shalt  }
0x5c: {  	_ =	shalt  }
0x5d: {  	_ =	shalt  }
0x5e: {  	_ =	shalt  }
0x5f: {  	_ =	shalt  }
0x60: {  	_ =	shalt  }
0x61: {  	_ =	shalt  }
0x62: {  	_ =	shalt  }
0x63: {  	_ =	shalt  }
0x64: {  	_ =	shalt  }
0x65: {  	_ =	shalt  }
0x66: {  	_ =	shalt  }
0x67: {  	_ =	shalt  }
0x68: {  	_ =	shalt  }
0x69: {  	_ =	shalt  }
0x6a: {  	_ =	shalt  }
0x6b: {  	_ =	shalt  }
0x6c: {  	_ =	shalt  }
0x6d: {  	_ =	shalt  }
0x6e: {  	_ =	shalt  }
0x6f: {  	_ =	shalt  }
0x70: {  	_ =	shalt  }
0x71: {  	_ =	shalt  }
0x72: {  	_ =	shalt  }
0x73: {  	_ =	shalt  }
0x74: {  	_ =	shalt  }
0x75: {  	_ =	shalt  }
0x76: {  	_ =	shalt  }
0x77: {  	_ =	shalt  }
0x78: {  	_ =	shalt  }
0x79: {  	_ =	shalt  }
0x7a: {  	_ =	shalt  }
0x7b: {  	_ =	shalt  }
0x7c: {  	_ =	shalt  }
0x7d: {  	_ =	shalt  }
0x7e: {  	_ =	shalt  }
0x7f: {  	_ =	shalt  }
0x80: {  	_ =	shalt  }
0x81: {  	_ =	shalt  }
0x82: {  	_ =	shalt  }
0x83: {  	_ =	shalt  }
0x84: {  	_ =	shalt  }
0x85: {  	_ =	shalt  }
0x86: {  	_ =	shalt  }
0x87: {  	_ =	shalt  }
.Lfunc_end0:
.L_simem_size_0:
called_computation.1_lowered:
.L_overlay_start_0:
0x88: {  	s2 =	sld [smem:$0x3FD9]  }
0x89: {  	s3 =	sld [smem:$0x3FFE];
	_ =	sdelay $0x1  }
0x8a: {  	s1 =	srdreg.scid  }
0x8b: {  	s0 =	sand.u32 $0x1, s1  }
0x8c: {  	s17 =	sshll.u32 s0, $0xA;
	s2 =	sadd.s32 s3, s2  }
0x8d: {  	s2 =	sadd.s32 s2, s17  }
0x8e: {  	[smem:$0x3FB8] =	sst s2  }
0x8f: {  	_ = 	snop  }
0x90: {  	s2 =	sld [smem:$0x3FD0];
	(tm) =	ssettm $0x1  }
0x91: {  	s18 =	sld [smem:$0x3FFB];
	_ =	sdelay $0x3  }
0x92: {  	_ =	strace s18  }
0x93: {  	s3 =	sld [smem:$0x3FFC];
	_ =	sdelay $0x3  }
0x94: {  	_ =	strace s3  }
0x95: {  	s3 =	sld [smem:$0x3FFD];
	_ =	sdelay $0x3  }
0x96: {  	_ =	strace s3  }
0x97: {  	_ =	strace $0x8FFFFFFF  }
0x98: {  	s19 =	sld [smem:$0x3FDB];
	_ =	sdelay $0x1  }
0x99: {  	s4 =	simm.s32 $_scs_section_size  }
0x9a: {  	s5 =	simm.s32 $_size__tile_overlayer_lowered;
	s6 =	simm.s32 $_tile_overlayer_lowered  }
0x9b: {  	s22 =	simm.s32 $0x1BFF;
	s21 =	sshll.u32 s6, $0x1;
	s3 =	sadd.s32 s4, s19  }
0x9c: {  	s7 =	simm.s32 $0x0;
	s20 =	sshll.u32 s5, $0x1;
	s5 =	sadd.s32 s21, s3  }
0x9d: {  	[timem:s7], [sflag:s22] =	dma.local [hbm:s5], s20  }
0x9e: {  	_ =	swait.ge [sflag:s22], s20  }
0x9f: {  	s4 =	ssub.s32 $0x0, s20;
	[sflag:s22] =	ssyncset.done $0x0  }
0xa0: {  	[sflag:s22] =	ssyncadd.s32 s4;
	_ =	sdelay $0x1  }
0xa1: {  	s23 =	simm.s32 $0x1B8B  }
0xa2: {  	_ =	swait.ge [sflag:s23], $0x1  }
0xa3: {  	[sflag:s23] =	ssyncset.done $0x0  }
0xa4: {  	s25 =	simm.s32 $0x1B8E;
	s24 =	sld [smem:$0x3FFE];
	[sflag:s23] =	ssyncadd.s32 $0xFFFFFFFF  }
0xa5: {  	s26 =	simm.s32 $execute0_lowered;
	[smem:$0x3FD2] =	sst s25  }
0xa6: {  	s5 =	sshll.u32 s26, $0x1;
	_ =	strace $0x80000049;
	[dreg:$0x1] =	wrdreg $0xFFFFFFFF  }
0xa7: {  	s28 =	simm.s32 $_size_execute0_lowered;
	s3 =	sadd.s32 s3, s5;
	[dreg:$0x0] =	wrdreg $0x0  }
0xa8: {  	s5 =	sshll.u32 s28, $0x1;
	[dreg:$0x2] =	wrdreg s3  }
0xa9: {  	[dreg:$0x3] =	wrdreg s5  }
0xaa: {  	[dreg:$0x4] =	wrdreg $0xC0  }
0xab: {  	_ =	task [dreg:s7], $0x5FFFF  }
0xac: {  	[dreg:$0x1] =	wrdreg $0xFFFFFFFF  }
0xad: {  	[dreg:$0x0] =	wrdreg $0x60  }
0xae: {  	[dreg:$0x2] =	wrdreg s24  }
0xaf: {  	[dreg:$0x3] =	wrdreg s2  }
0xb0: {  	[dreg:$0x4] =	wrdreg $0x98000  }
0xb1: {  	[dreg:$0x5] =	wrdreg $0x9  }
0xb2: {  	_ =	task.clear_ibuf [dreg:s7], $0x6FFFF;
	_ =	strace $0x90000049  }
0xb3: {  	s29 =	simm.s32 $0x9;
	_ =	strace $0x8000004B  }
0xb4: {  	_ =	swait.ge [sflag:s29], $0x1  }
0xb5: {  	[sflag:s29] =	ssyncadd.s32 $0xFFFFFFFF  }
0xb6: {  	_ =	strace $0x9000004B  }
0xb7: {  	_ =	sfence  }
0xb8: {  	s30 =	sld [smem:$0x0];
	_ =	sdelay $0x2  }
0xb9: {  	s31 =	sshll.u32 s1, $0xD;
	s1 =	sshrl.u32 s1, $0x2  }
0xba: {  	s3 =	sand.u32 $0x4000, s31;
	s1 =	sadd.s32 s1, s30  }
0xbb: {  	s0 =	sor.u32 s3, s0;
	s1 =	sshll.u32 s1, $0x11  }
0xbc: {  	s0 =	sor.u32 s1, s0  }
0xbd: {  	s0 =	sadd.s32 $0x8F2B, s0  }
0xbe: {  	[sflag:s0] =	ssyncadd.remote.s32 $0x1  }
0xbf: {  	_ =	sfence.sel $0xFFFF  }
0xc0: {  	[dreg:$0x0] =	wrdreg $0xFFFFFFFF;
	(pc) =	sbr.abs _section_cstart, $3  }
0xc1: {  	[dreg:$0x1] =	wrdreg $0xFFFFFFFF  }
0xc2: {  	_ =	task.clear_ibuf [dreg:s7], $0x2FFFF;
	_ =	strace $0x9FFFFFFF  }
0xc3: {  	(tm) =	ssettm $0x7FFFFFFF  }
tec
execute0_lowered:
.L_overlay_start_1:
0x0: {  	(tag) =	ssettag $0x1  }
0x1: {  	s0 =	rddreg [dreg:$0x0]  }
0x2: {  	s2 =	rddreg [dreg:$0x1];
	s13 =	stileid.u32  }
0x3: {  	s1 =	rddreg [dreg:$0x2];
	s4 =	smul.u32 $0x4E000, s13  }
0x4: {  	s3 =	srdreg.scid;
	s11 =	simm.s32 $0x0;
	s12 =	smul.u32 $0x3000, s13  }
0x5: {  	s28 =	simm.s32 $0x5800;
	s30 =	simm.s32 $0x2;
	s10 =	smul.u32 $0x2700, s13  }
0x6: {  	s5 =	sand.u32 $0x1, s3;
	[smem:$0x7FF] =	sst s11;
	s16 =	smul.u32 $0x600, s13  }
0x7: {  	s17 =	sadd.s32 $0x138000, s1;
	p0 =	sne.s32 s13, $0xF;
	_ =	strace $0x8000004A  }
0x8: {  	[dreg:$0x8] =	wrdreg s17;
	s4 =	sshrl.u32 s4, $0x2;
	s18 =	sadd.s32 s2, s16  }
0x9: {  	s3 =	simm.s32 $0xC00;
	s4 =	sadd.s32 s4, s1;
	[dreg:$0xa] =	wrdreg s18  }
0xa: {  	s8 =	ssub.s32 $0x2, s5;
	s11 =	sadd.s32 $0x4000, s4;
	[dreg:$0x9] =	wrdreg s4  }
0xb: {  	s9 =	sshrl.u32 s8, $0x1;
	s14 =	sadd.s32 $0x8000, s4;
	[dreg:$0x4] =	wrdreg s11  }
0xc: {  	s8 =	ssub.s32 s8, s9;
	s15 =	sadd.s32 $0xC000, s4;
	[dreg:$0x5] =	wrdreg s14  }
0xd: {  	s9 =	sshrl.u32 s12, $0x3;
	s12 =	sadd.s32 $0x10000, s4;
	[dreg:$0x6] =	wrdreg s15  }
0xe: {  	s6 =	smul.u32 $0x27100, s5;
	s4 =	sadd.s32 $0x180, s18;
	[dreg:$0x7] =	wrdreg s12  }
0xf: {  	s9 =	sadd.s32 s2, s9;
	s31 =	smax.u32 s8, $0x1;
	[dreg:$0xc] =	wrdreg s4  }
0x10: {  	s20 =	smul.u32 $0x138800, s5;
	s19 =	sadd.s32 $0x6000, s9;
	[dreg:$0x14] =	wrdreg s31  }
0x11: {  	s7 =	sadd.s32 s6, s0;
	s21 =	sadd.s32 $0x6180, s9;
	[dreg:$0xb] =	wrdreg s19  }
0x12: {  	s0 =	sadd.s32 $0x51000, s0;
	s22 =	sadd.s32 $0x300, s9;
	[dreg:$0xd] =	wrdreg s21  }
0x13: {  	s25 =	sadd.s32 s10, s6;
	s23 =	sadd.s32 $0x6300, s9;
	[dreg:$0xe] =	wrdreg s22  }
0x14: {  	s2 =	sshrl.u32 s20, $0x3;
	s24 =	sadd.s32 $0x480, s9;
	[dreg:$0xf] =	wrdreg s23  }
0x15: {  	s20 =	simm.s32 $0x4;
	s26 =	sadd.s32 $0x6480, s9;
	[dreg:$0x10] =	wrdreg s24  }
0x16: {  	s2 =	sadd.s32 s0, s2;
	s0 =	sadd.s32 s0, s25;
	[dreg:$0x11] =	wrdreg s26  }
0x17: {  	s12 =	sadd.s32 $0x2E00, s7;
	s25 =	simm.s32 $0x80;
	[dreg:$0x12] =	wrdreg s0  }
0x18: {  	s29 =	sadd.s32 $0x27000, s2;
	s22 =	simm.s32 $0x1800;
	s23 =	simm.s32 $0x3  }
0x19: {  	v0 =	vimm.f32 $0.0e+00;
	s26 =	simm.s32 $0x1;
	s21 =	simm.s32 $0x0;
	[dreg:$0x13] =	wrdreg s29  }
.LBB2_1:
0x1a: {  	s10 =	simm.s32 $0x0;
	s9 =	simm.s32 $0x200  }
.LBB2_2:
0x1b: {  	p1 =	sne.s32 s9, $0xFE00;
	[tilespmem:s10+$0x1870] =	vst v0  }
0x1c: {  	[tilespmem:s10+$0x1800] =	vst v0  }
0x1d: {  	[tilespmem:s10+$0x1810] =	vst v0  }
.Ltmp0:
0x1e: {  	[tilespmem:s10+$0x1820] =	vst v0;
	(pc) =	sbr.rel @p1 .LBB2_2-.Ltmp0, $4  }
0x1f: {  	[tilespmem:s10+$0x1830] =	vst v0  }
0x20: {  	[tilespmem:s10+$0x1840] =	vst v0  }
0x21: {  	[tilespmem:s10+$0x1850] =	vst v0  }
0x22: {  	[tilespmem:s10+$0x1860] =	vst v0;
	s10 =	sshra.s32 s9, $0x2;
	s9 =	sadd.s32 $0x200, s9  }
0x23: {  	[tilespmem:s10+$0x1870] =	vst v0  }
0x24: {  	[tilespmem:s10+$0x1800] =	vst v0  }
0x25: {  	[tilespmem:s10+$0x1810] =	vst v0  }
0x26: {  	[tilespmem:s10+$0x1820] =	vst v0  }
0x27: {  	[tilespmem:s10+$0x1830] =	vst v0  }
0x28: {  	[tilespmem:s10+$0x1840] =	vst v0  }
0x29: {  	[tilespmem:s10+$0x1850] =	vst v0  }
0x2a: {  	[tilespmem:s10+$0x1860] =	vst v0;
	s0 =	rddreg [dreg:$0x9]  }
0x2b: {  	[spmem:s0] =	stream.linear.scatter [tilespmem:s22], [sflag:$0x3], $0x4000, $0x38;
	[tilespmem:$0x1D0C0] =	vst v63  }
0x2c: {  	_ =	swait.ge [sflag:s23], $0x4000  }
0x2d: {  	[sflag:s23] =	ssyncset.done $0x0  }
0x2e: {  	s9 =	rddreg [dreg:$0x4];
	[sflag:s23] =	ssyncadd.s32 $0xFFFFC000  }
0x2f: {  	[spmem:s9] =	stream.linear.scatter [tilespmem:s22], [sflag:$0x3], $0x4000, $0x38;
	[tilespmem:$0x1D0C0] =	vst v63  }
0x30: {  	_ =	swait.ge [sflag:s23], $0x4000  }
0x31: {  	[sflag:s23] =	ssyncset.done $0x0  }
0x32: {  	s10 =	rddreg [dreg:$0x5];
	[sflag:s23] =	ssyncadd.s32 $0xFFFFC000  }
0x33: {  	[spmem:s10] =	stream.linear.scatter [tilespmem:s22], [sflag:$0x3], $0x4000, $0x38;
	[tilespmem:$0x1D0C0] =	vst v63  }
0x34: {  	_ =	swait.ge [sflag:s23], $0x4000  }
0x35: {  	[sflag:s23] =	ssyncset.done $0x0  }
0x36: {  	s11 =	rddreg [dreg:$0x6];
	[sflag:s23] =	ssyncadd.s32 $0xFFFFC000  }
0x37: {  	[spmem:s11] =	stream.linear.scatter [tilespmem:s22], [sflag:$0x3], $0x4000, $0x38;
	[tilespmem:$0x1D0C0] =	vst v63  }
0x38: {  	_ =	swait.ge [sflag:s23], $0x4000  }
0x39: {  	[sflag:s23] =	ssyncset.done $0x0  }
0x3a: {  	s13 =	rddreg [dreg:$0x7];
	[sflag:s23] =	ssyncadd.s32 $0xFFFFC000  }
0x3b: {  	[spmem:s13] =	stream.linear.scatter [tilespmem:s22], [sflag:$0x3], $0x3800, $0x38;
	[tilespmem:$0x1D0C0] =	vst v63  }
0x3c: {  	_ =	swait.ge [sflag:s23], $0x3800  }
0x3d: {  	[sflag:s23] =	ssyncset.done $0x0  }
0x3e: {  	s9 =	simm.s32 @!p0 $0x1800;
	s0 =	rddreg [dreg:$0x8];
	[sflag:s23] =	ssyncadd.s32 $0xFFFFC800  }
0x3f: {  	[spmem:s0] =	stream.linear.scatter @!p0 [tilespmem:s9], [sflag:$0x3], $0xC00, $0x38;
	[tilespmem:$0x1D0C0] =	vst v63  }
0x40: {  	s0 =	simm.s32 @!p0 $0x3  }
0x41: {  	_ =	swait.ge @!p0 [sflag:s0], $0xC00  }
0x42: {  	[sflag:s0] =	ssyncset.done @!p0 $0x0  }
0x43: {  	[sflag:s0] =	ssyncadd.s32 @!p0 $0xFFFFF400  }
0x44: {  	[bflag:$0x0] =	sbarrier.arrive $0xFFFF  }
0x45: {  	s2 =	simm.s32 $0x0;
	s14 =	rddreg [dreg:$0xa]  }
0x46: {  	[tilespmem:s2], [sflag:$0x3] =	stream.linear.gather [hbm4b:s14+s2], $0xA00, $0x38;
	[tilespmem:$0x1D0C0] =	vst v63  }
0x47: {  	_ =	swait.ge [sflag:s23], $0xA00  }
0x48: {  	[sflag:s23] =	ssyncset.done $0x0  }
0x49: {  	s15 =	rddreg [dreg:$0xb];
	[sflag:s23] =	ssyncadd.s32 $0xFFFFF600  }
0x4a: {  	[tilespmem:s3], [sflag:$0x3] =	stream.linear.gather [hbm4b:s15+s2], $0xA00, $0x38;
	[tilespmem:$0x1D0C0] =	vst v63  }
0x4b: {  	_ =	swait.ge [sflag:s23], $0xA00  }
0x4c: {  	[sflag:s23] =	ssyncset.done $0x0  }
0x4d: {  	[sflag:s23] =	ssyncadd.s32 $0xFFFFF600  }
0x4e: {  	[tilespmem:s22], [sflag:$0x1] =	stream.indirect.gather [hbm4b:s12+s25], $0x80, s2, s25, $0xb8;
	[tilespmem:$0x1D0C0] =	vst v63  }
0x4f: {  	_ =	swait.ge [sflag:s26], $0x4000  }
0x50: {  	[sflag:s26] =	ssyncset.done $0x0  }
0x51: {  	[sflag:s26] =	ssyncadd.s32 $0xFFFFC000  }
0x52: {  	[tilespmem:s28], [sflag:$0x2] =	stream.indirect.gather [hbm4b:s12+s25], $0x80, s25, s25, $0xb8;
	[tilespmem:$0x1D0C0] =	vst v63  }
0x53: {  	_ = 	snop  }
0x54: {  	[spmem:s1] =	stream.indirect.scatter.add.f32 [tilespmem:s22], [sflag:$0x3], $0x80, s3, s25, $0xb8;
	[tilespmem:$0x1D0C0] =	vst v63  }
0x55: {  	_ =	swait.ge [sflag:s23], $0x4000  }
0x56: {  	[sflag:s23] =	ssyncset.done $0x0  }
0x57: {  	s16 =	simm.s32 $0x100;
	[sflag:s23] =	ssyncadd.s32 $0xFFFFC000  }
0x58: {  	[tilespmem:s22], [sflag:$0x1] =	stream.indirect.gather [hbm4b:s12+s25], $0x80, s16, s25, $0xb8;
	[tilespmem:$0x1D0C0] =	vst v63  }
0x59: {  	_ =	swait.ge [sflag:s30], $0x4000  }
0x5a: {  	[sflag:s30] =	ssyncset.done $0x0  }
0x5b: {  	s17 =	simm.s32 $0xC80;
	[sflag:s30] =	ssyncadd.s32 $0xFFFFC000  }
0x5c: {  	[spmem:s1] =	stream.indirect.scatter.add.f32 [tilespmem:s28], [sflag:$0x3], $0x80, s17, s25, $0xb8;
	[tilespmem:$0x1D0C0] =	vst v63  }
0x5d: {  	_ =	swait.ge [sflag:s23], $0x4000  }
0x5e: {  	[sflag:s23] =	ssyncset.done $0x0  }
0x5f: {  	[sflag:s23] =	ssyncadd.s32 $0xFFFFC000  }
0x60: {  	_ =	swait.ge [sflag:s26], $0x4000  }
0x61: {  	[sflag:s26] =	ssyncset.done $0x0  }
0x62: {  	s18 =	simm.s32 $0x180;
	[sflag:s26] =	ssyncadd.s32 $0xFFFFC000  }
0x63: {  	[tilespmem:s28], [sflag:$0x2] =	stream.indirect.gather [hbm4b:s12+s25], $0x80, s18, s25, $0xb8;
	[tilespmem:$0x1D0C0] =	vst v63  }
0x64: {  	s19 =	simm.s32 $0xD00  }
0x65: {  	[spmem:s1] =	stream.indirect.scatter.add.f32 [tilespmem:s22], [sflag:$0x3], $0x80, s19, s25, $0xb8;
	[tilespmem:$0x1D0C0] =	vst v63  }
0x66: {  	_ =	swait.ge [sflag:s23], $0x4000  }
0x67: {  	[sflag:s23] =	ssyncset.done $0x0  }
0x68: {  	s24 =	simm.s32 $0x200;
	[sflag:s23] =	ssyncadd.s32 $0xFFFFC000  }
0x69: {  	[tilespmem:s22], [sflag:$0x1] =	stream.indirect.gather [hbm4b:s12+s25], $0x80, s24, s25, $0xb8;
	[tilespmem:$0x1D0C0] =	vst v63  }
0x6a: {  	_ =	swait.ge [sflag:s30], $0x4000  }
0x6b: {  	[sflag:s30] =	ssyncset.done $0x0  }
0x6c: {  	s29 =	simm.s32 $0xD80;
	[sflag:s30] =	ssyncadd.s32 $0xFFFFC000  }
0x6d: {  	[spmem:s1] =	stream.indirect.scatter.add.f32 [tilespmem:s28], [sflag:$0x3], $0x80, s29, s25, $0xb8;
	[tilespmem:$0x1D0C0] =	vst v63  }
0x6e: {  	_ =	swait.ge [sflag:s23], $0x4000  }
0x6f: {  	[sflag:s23] =	ssyncset.done $0x0  }
0x70: {  	[sflag:s23] =	ssyncadd.s32 $0xFFFFC000  }
0x71: {  	_ =	swait.ge [sflag:s26], $0x4000  }
0x72: {  	[sflag:s26] =	ssyncset.done $0x0  }
0x73: {  	s5 =	simm.s32 $0x280;
	[sflag:s26] =	ssyncadd.s32 $0xFFFFC000  }
0x74: {  	[tilespmem:s28], [sflag:$0x2] =	stream.indirect.gather [hbm4b:s12+s25], $0x80, s5, s25, $0xb8;
	[tilespmem:$0x1D0C0] =	vst v63  }
0x75: {  	s7 =	simm.s32 $0xE00  }
0x76: {  	[spmem:s1] =	stream.indirect.scatter.add.f32 [tilespmem:s22], [sflag:$0x3], $0x80, s7, s25, $0xb8;
	[tilespmem:$0x1D0C0] =	vst v63  }
0x77: {  	_ =	swait.ge [sflag:s23], $0x4000  }
0x78: {  	[sflag:s23] =	ssyncset.done $0x0  }
0x79: {  	s8 =	simm.s32 $0x300;
	[sflag:s23] =	ssyncadd.s32 $0xFFFFC000  }
0x7a: {  	[tilespmem:s22], [sflag:$0x1] =	stream.indirect.gather [hbm4b:s12+s25], $0x80, s8, s25, $0xb8;
	[tilespmem:$0x1D0C0] =	vst v63  }
0x7b: {  	_ =	swait.ge [sflag:s30], $0x4000  }
0x7c: {  	[sflag:s30] =	ssyncset.done $0x0  }
0x7d: {  	s9 =	simm.s32 $0xE80;
	[sflag:s30] =	ssyncadd.s32 $0xFFFFC000  }
0x7e: {  	[spmem:s1] =	stream.indirect.scatter.add.f32 [tilespmem:s28], [sflag:$0x3], $0x80, s9, s25, $0xb8;
	[tilespmem:$0x1D0C0] =	vst v63  }
0x7f: {  	_ =	swait.ge [sflag:s23], $0x4000  }
0x80: {  	[sflag:s23] =	ssyncset.done $0x0  }
0x81: {  	[sflag:s23] =	ssyncadd.s32 $0xFFFFC000  }
0x82: {  	_ =	swait.ge [sflag:s26], $0x4000  }
0x83: {  	[sflag:s26] =	ssyncset.done $0x0  }
0x84: {  	s11 =	simm.s32 $0x380;
	[sflag:s26] =	ssyncadd.s32 $0xFFFFC000  }
0x85: {  	[tilespmem:s28], [sflag:$0x2] =	stream.indirect.gather [hbm4b:s12+s25], $0x80, s11, s25, $0xb8;
	[tilespmem:$0x1D0C0] =	vst v63  }
0x86: {  	s18 =	simm.s32 $0xF00  }
0x87: {  	[spmem:s1] =	stream.indirect.scatter.add.f32 [tilespmem:s22], [sflag:$0x3], $0x80, s18, s25, $0xb8;
	[tilespmem:$0x1D0C0] =	vst v63  }
0x88: {  	_ =	swait.ge [sflag:s23], $0x4000  }
0x89: {  	[sflag:s23] =	ssyncset.done $0x0  }
0x8a: {  	s19 =	simm.s32 $0x400;
	[sflag:s23] =	ssyncadd.s32 $0xFFFFC000  }
0x8b: {  	[tilespmem:s22], [sflag:$0x1] =	stream.indirect.gather [hbm4b:s12+s25], $0x80, s19, s25, $0xb8;
	[tilespmem:$0x1D0C0] =	vst v63  }
0x8c: {  	_ =	swait.ge [sflag:s30], $0x4000  }
0x8d: {  	[sflag:s30] =	ssyncset.done $0x0  }
0x8e: {  	s24 =	simm.s32 $0xF80;
	[sflag:s30] =	ssyncadd.s32 $0xFFFFC000  }
0x8f: {  	[spmem:s1] =	stream.indirect.scatter.add.f32 [tilespmem:s28], [sflag:$0x3], $0x80, s24, s25, $0xb8;
	[tilespmem:$0x1D0C0] =	vst v63  }
0x90: {  	_ =	swait.ge [sflag:s23], $0x4000  }
0x91: {  	[sflag:s23] =	ssyncset.done $0x0  }
0x92: {  	[sflag:s23] =	ssyncadd.s32 $0xFFFFC000  }
0x93: {  	_ =	swait.ge [sflag:s26], $0x4000  }
0x94: {  	[sflag:s26] =	ssyncset.done $0x0  }
0x95: {  	s29 =	simm.s32 $0x480;
	[sflag:s26] =	ssyncadd.s32 $0xFFFFC000  }
0x96: {  	[tilespmem:s28], [sflag:$0x2] =	stream.indirect.gather [hbm4b:s12+s25], $0x80, s29, s25, $0xb8;
	[tilespmem:$0x1D0C0] =	vst v63  }
0x97: {  	s7 =	simm.s32 $0x1000  }
0x98: {  	[spmem:s1] =	stream.indirect.scatter.add.f32 [tilespmem:s22], [sflag:$0x3], $0x80, s7, s25, $0xb8;
	[tilespmem:$0x1D0C0] =	vst v63  }
0x99: {  	_ =	swait.ge [sflag:s23], $0x4000  }
0x9a: {  	[sflag:s23] =	ssyncset.done $0x0  }
0x9b: {  	s9 =	simm.s32 $0x500;
	[sflag:s23] =	ssyncadd.s32 $0xFFFFC000  }
0x9c: {  	[tilespmem:s22], [sflag:$0x1] =	stream.indirect.gather [hbm4b:s12+s25], $0x80, s9, s25, $0xb8;
	[tilespmem:$0x1D0C0] =	vst v63  }
0x9d: {  	_ =	swait.ge [sflag:s30], $0x4000  }
0x9e: {  	[sflag:s30] =	ssyncset.done $0x0  }
0x9f: {  	s7 =	simm.s32 $0x1080;
	[sflag:s30] =	ssyncadd.s32 $0xFFFFC000  }
0xa0: {  	[spmem:s1] =	stream.indirect.scatter.add.f32 [tilespmem:s28], [sflag:$0x3], $0x80, s7, s25, $0xb8;
	[tilespmem:$0x1D0C0] =	vst v63  }
0xa1: {  	_ =	swait.ge [sflag:s23], $0x4000  }
0xa2: {  	[sflag:s23] =	ssyncset.done $0x0  }
0xa3: {  	[sflag:s23] =	ssyncadd.s32 $0xFFFFC000  }
0xa4: {  	_ =	swait.ge [sflag:s26], $0x4000  }
0xa5: {  	[sflag:s26] =	ssyncset.done $0x0  }
0xa6: {  	s9 =	simm.s32 $0x580;
	[sflag:s26] =	ssyncadd.s32 $0xFFFFC000  }
0xa7: {  	[tilespmem:s28], [sflag:$0x2] =	stream.indirect.gather [hbm4b:s12+s25], $0x80, s9, s25, $0xb8;
	[tilespmem:$0x1D0C0] =	vst v63  }
0xa8: {  	s9 =	simm.s32 $0x1100  }
0xa9: {  	[spmem:s1] =	stream.indirect.scatter.add.f32 [tilespmem:s22], [sflag:$0x3], $0x80, s9, s25, $0xb8;
	[tilespmem:$0x1D0C0] =	vst v63  }
0xaa: {  	_ =	swait.ge [sflag:s23], $0x4000  }
0xab: {  	[sflag:s23] =	ssyncset.done $0x0  }
0xac: {  	s9 =	simm.s32 $0x600;
	[sflag:s23] =	ssyncadd.s32 $0xFFFFC000  }
0xad: {  	[tilespmem:s22], [sflag:$0x1] =	stream.indirect.gather [hbm4b:s12+s25], $0x80, s9, s25, $0xb8;
	[tilespmem:$0x1D0C0] =	vst v63  }
0xae: {  	_ =	swait.ge [sflag:s30], $0x4000  }
0xaf: {  	[sflag:s30] =	ssyncset.done $0x0  }
0xb0: {  	s9 =	simm.s32 $0x1180;
	[sflag:s30] =	ssyncadd.s32 $0xFFFFC000  }
0xb1: {  	[spmem:s1] =	stream.indirect.scatter.add.f32 [tilespmem:s28], [sflag:$0x3], $0x80, s9, s25, $0xb8;
	[tilespmem:$0x1D0C0] =	vst v63  }
0xb2: {  	_ =	swait.ge [sflag:s23], $0x4000  }
0xb3: {  	[sflag:s23] =	ssyncset.done $0x0  }
0xb4: {  	[sflag:s23] =	ssyncadd.s32 $0xFFFFC000  }
0xb5: {  	_ =	swait.ge [sflag:s26], $0x4000  }
0xb6: {  	[sflag:s26] =	ssyncset.done $0x0  }
0xb7: {  	s9 =	simm.s32 $0x680;
	[sflag:s26] =	ssyncadd.s32 $0xFFFFC000  }
0xb8: {  	[tilespmem:s28], [sflag:$0x2] =	stream.indirect.gather [hbm4b:s12+s25], $0x80, s9, s25, $0xb8;
	[tilespmem:$0x1D0C0] =	vst v63  }
0xb9: {  	s9 =	simm.s32 $0x1200  }
0xba: {  	[spmem:s1] =	stream.indirect.scatter.add.f32 [tilespmem:s22], [sflag:$0x3], $0x80, s9, s25, $0xb8;
	[tilespmem:$0x1D0C0] =	vst v63  }
0xbb: {  	_ =	swait.ge [sflag:s23], $0x4000  }
0xbc: {  	[sflag:s23] =	ssyncset.done $0x0  }
0xbd: {  	s9 =	simm.s32 $0x700;
	[sflag:s23] =	ssyncadd.s32 $0xFFFFC000  }
0xbe: {  	[tilespmem:s22], [sflag:$0x1] =	stream.indirect.gather [hbm4b:s12+s25], $0x80, s9, s25, $0xb8;
	[tilespmem:$0x1D0C0] =	vst v63  }
0xbf: {  	_ =	swait.ge [sflag:s30], $0x4000  }
0xc0: {  	[sflag:s30] =	ssyncset.done $0x0  }
0xc1: {  	s9 =	simm.s32 $0x1280;
	[sflag:s30] =	ssyncadd.s32 $0xFFFFC000  }
0xc2: {  	[spmem:s1] =	stream.indirect.scatter.add.f32 [tilespmem:s28], [sflag:$0x3], $0x80, s9, s25, $0xb8;
	[tilespmem:$0x1D0C0] =	vst v63  }
0xc3: {  	_ =	swait.ge [sflag:s23], $0x4000  }
0xc4: {  	[sflag:s23] =	ssyncset.done $0x0  }
0xc5: {  	[sflag:s23] =	ssyncadd.s32 $0xFFFFC000  }
0xc6: {  	_ =	swait.ge [sflag:s26], $0x4000  }
0xc7: {  	[sflag:s26] =	ssyncset.done $0x0  }
0xc8: {  	s9 =	simm.s32 $0x780;
	[sflag:s26] =	ssyncadd.s32 $0xFFFFC000  }
0xc9: {  	[tilespmem:s28], [sflag:$0x2] =	stream.indirect.gather [hbm4b:s12+s25], $0x80, s9, s25, $0xb8;
	[tilespmem:$0x1D0C0] =	vst v63  }
0xca: {  	s9 =	simm.s32 $0x1300  }
0xcb: {  	[spmem:s1] =	stream.indirect.scatter.add.f32 [tilespmem:s22], [sflag:$0x3], $0x80, s9, s25, $0xb8;
	[tilespmem:$0x1D0C0] =	vst v63  }
0xcc: {  	_ =	swait.ge [sflag:s23], $0x4000  }
0xcd: {  	[sflag:s23] =	ssyncset.done $0x0  }
0xce: {  	s9 =	simm.s32 $0x800;
	[sflag:s23] =	ssyncadd.s32 $0xFFFFC000  }
0xcf: {  	[tilespmem:s22], [sflag:$0x1] =	stream.indirect.gather [hbm4b:s12+s25], $0x80, s9, s25, $0xb8;
	[tilespmem:$0x1D0C0] =	vst v63  }
0xd0: {  	_ =	swait.ge [sflag:s30], $0x4000  }
0xd1: {  	[sflag:s30] =	ssyncset.done $0x0  }
0xd2: {  	s9 =	simm.s32 $0x1380;
	[sflag:s30] =	ssyncadd.s32 $0xFFFFC000  }
0xd3: {  	[spmem:s1] =	stream.indirect.scatter.add.f32 [tilespmem:s28], [sflag:$0x3], $0x80, s9, s25, $0xb8;
	[tilespmem:$0x1D0C0] =	vst v63  }
0xd4: {  	_ =	swait.ge [sflag:s23], $0x4000  }
0xd5: {  	[sflag:s23] =	ssyncset.done $0x0  }
0xd6: {  	[sflag:s23] =	ssyncadd.s32 $0xFFFFC000  }
0xd7: {  	_ =	swait.ge [sflag:s26], $0x4000  }
0xd8: {  	[sflag:s26] =	ssyncset.done $0x0  }
0xd9: {  	s9 =	simm.s32 $0x880;
	[sflag:s26] =	ssyncadd.s32 $0xFFFFC000  }
0xda: {  	[tilespmem:s28], [sflag:$0x2] =	stream.indirect.gather [hbm4b:s12+s25], $0x80, s9, s25, $0xb8;
	[tilespmem:$0x1D0C0] =	vst v63  }
0xdb: {  	s9 =	simm.s32 $0x1400  }
0xdc: {  	[spmem:s1] =	stream.indirect.scatter.add.f32 [tilespmem:s22], [sflag:$0x3], $0x80, s9, s25, $0xb8;
	[tilespmem:$0x1D0C0] =	vst v63  }
0xdd: {  	_ =	swait.ge [sflag:s23], $0x4000  }
0xde: {  	[sflag:s23] =	ssyncset.done $0x0  }
0xdf: {  	s9 =	simm.s32 $0x900;
	[sflag:s23] =	ssyncadd.s32 $0xFFFFC000  }
0xe0: {  	[tilespmem:s22], [sflag:$0x1] =	stream.indirect.gather [hbm4b:s12+s25], $0x80, s9, s25, $0xb8;
	[tilespmem:$0x1D0C0] =	vst v63  }
0xe1: {  	_ =	swait.ge [sflag:s30], $0x4000  }
0xe2: {  	[sflag:s30] =	ssyncset.done $0x0  }
0xe3: {  	s9 =	simm.s32 $0x1480;
	[sflag:s30] =	ssyncadd.s32 $0xFFFFC000  }
0xe4: {  	[spmem:s1] =	stream.indirect.scatter.add.f32 [tilespmem:s28], [sflag:$0x3], $0x80, s9, s25, $0xb8;
	[tilespmem:$0x1D0C0] =	vst v63  }
0xe5: {  	_ =	swait.ge [sflag:s23], $0x4000  }
0xe6: {  	[sflag:s23] =	ssyncset.done $0x0  }
0xe7: {  	[sflag:s23] =	ssyncadd.s32 $0xFFFFC000  }
0xe8: {  	_ =	swait.ge [sflag:s26], $0x4000  }
0xe9: {  	[sflag:s26] =	ssyncset.done $0x0  }
0xea: {  	s9 =	simm.s32 $0x980;
	[sflag:s26] =	ssyncadd.s32 $0xFFFFC000  }
0xeb: {  	[tilespmem:s28], [sflag:$0x2] =	stream.indirect.gather [hbm4b:s12+s25], $0x80, s9, s25, $0xb8;
	[tilespmem:$0x1D0C0] =	vst v63  }
0xec: {  	s9 =	simm.s32 $0x1500  }
0xed: {  	[spmem:s1] =	stream.indirect.scatter.add.f32 [tilespmem:s22], [sflag:$0x3], $0x80, s9, s25, $0xb8;
	[tilespmem:$0x1D0C0] =	vst v63  }
0xee: {  	_ =	swait.ge [sflag:s23], $0x4000  }
0xef: {  	[sflag:s23] =	ssyncset.done $0x0  }
0xf0: {  	[sflag:s23] =	ssyncadd.s32 $0xFFFFC000  }
0xf1: {  	_ =	swait.ge [sflag:s30], $0x4000  }
0xf2: {  	[sflag:s30] =	ssyncset.done $0x0  }
0xf3: {  	s9 =	simm.s32 $0x1580;
	[sflag:s30] =	ssyncadd.s32 $0xFFFFC000  }
0xf4: {  	[spmem:s1] =	stream.indirect.scatter.add.f32 [tilespmem:s28], [sflag:$0x3], $0x80, s9, s25, $0xb8;
	[tilespmem:$0x1D0C0] =	vst v63  }
0xf5: {  	_ =	swait.ge [sflag:s23], $0x4000  }
0xf6: {  	[sflag:s23] =	ssyncset.done $0x0  }
0xf7: {  	s0 =	rddreg [dreg:$0xc];
	[sflag:s23] =	ssyncadd.s32 $0xFFFFC000  }
0xf8: {  	[tilespmem:s2], [sflag:$0x3] =	stream.linear.gather [hbm4b:s0+s2], $0xA00, $0x38;
	[tilespmem:$0x1D0C0] =	vst v63  }
0xf9: {  	_ =	swait.ge [sflag:s23], $0xA00  }
0xfa: {  	[sflag:s23] =	ssyncset.done $0x0  }
0xfb: {  	s0 =	rddreg [dreg:$0xd];
	[sflag:s23] =	ssyncadd.s32 $0xFFFFF600  }
0xfc: {  	[tilespmem:s3], [sflag:$0x3] =	stream.linear.gather [hbm4b:s0+s2], $0xA00, $0x38;
	[tilespmem:$0x1D0C0] =	vst v63  }
0xfd: {  	_ =	swait.ge [sflag:s23], $0xA00  }
0xfe: {  	[sflag:s23] =	ssyncset.done $0x0  }
0xff: {  	[sflag:s23] =	ssyncadd.s32 $0xFFFFF600  }
0x100: {  	[tilespmem:s22], [sflag:$0x1] =	stream.indirect.gather [hbm4b:s12+s25], $0x80, s2, s25, $0xb8;
	[tilespmem:$0x1D0C0] =	vst v63  }
0x101: {  	_ =	swait.ge [sflag:s26], $0x4000  }
0x102: {  	[sflag:s26] =	ssyncset.done $0x0  }
0x103: {  	[sflag:s26] =	ssyncadd.s32 $0xFFFFC000  }
0x104: {  	[tilespmem:s28], [sflag:$0x2] =	stream.indirect.gather [hbm4b:s12+s25], $0x80, s25, s25, $0xb8;
	[tilespmem:$0x1D0C0] =	vst v63  }
0x105: {  	_ = 	snop  }
0x106: {  	[spmem:s1] =	stream.indirect.scatter.add.f32 [tilespmem:s22], [sflag:$0x3], $0x80, s3, s25, $0xb8;
	[tilespmem:$0x1D0C0] =	vst v63  }
0x107: {  	_ =	swait.ge [sflag:s23], $0x4000  }
0x108: {  	[sflag:s23] =	ssyncset.done $0x0  }
0x109: {  	s31 =	simm.s32 $0x100;
	[sflag:s23] =	ssyncadd.s32 $0xFFFFC000  }
0x10a: {  	[tilespmem:s22], [sflag:$0x1] =	stream.indirect.gather [hbm4b:s12+s25], $0x80, s31, s25, $0xb8;
	[tilespmem:$0x1D0C0] =	vst v63  }
0x10b: {  	_ =	swait.ge [sflag:s30], $0x4000  }
0x10c: {  	[sflag:s30] =	ssyncset.done $0x0  }
0x10d: {  	s6 =	simm.s32 $0xC80;
	[sflag:s30] =	ssyncadd.s32 $0xFFFFC000  }
0x10e: {  	[spmem:s1] =	stream.indirect.scatter.add.f32 [tilespmem:s28], [sflag:$0x3], $0x80, s6, s25, $0xb8;
	[tilespmem:$0x1D0C0] =	vst v63  }
0x10f: {  	_ =	swait.ge [sflag:s23], $0x4000  }
0x110: {  	[sflag:s23] =	ssyncset.done $0x0  }
0x111: {  	[sflag:s23] =	ssyncadd.s32 $0xFFFFC000  }
0x112: {  	_ =	swait.ge [sflag:s26], $0x4000  }
0x113: {  	[sflag:s26] =	ssyncset.done $0x0  }
0x114: {  	s13 =	simm.s32 $0x180;
	[sflag:s26] =	ssyncadd.s32 $0xFFFFC000  }
0x115: {  	[tilespmem:s28], [sflag:$0x2] =	stream.indirect.gather [hbm4b:s12+s25], $0x80, s13, s25, $0xb8;
	[tilespmem:$0x1D0C0] =	vst v63  }
0x116: {  	s4 =	simm.s32 $0xD00  }
0x117: {  	[spmem:s1] =	stream.indirect.scatter.add.f32 [tilespmem:s22], [sflag:$0x3], $0x80, s4, s25, $0xb8;
	[tilespmem:$0x1D0C0] =	vst v63  }
0x118: {  	_ =	swait.ge [sflag:s23], $0x4000  }
0x119: {  	[sflag:s23] =	ssyncset.done $0x0  }
0x11a: {  	s10 =	simm.s32 $0x200;
	[sflag:s23] =	ssyncadd.s32 $0xFFFFC000  }
0x11b: {  	[tilespmem:s22], [sflag:$0x1] =	stream.indirect.gather [hbm4b:s12+s25], $0x80, s10, s25, $0xb8;
	[tilespmem:$0x1D0C0] =	vst v63  }
0x11c: {  	_ =	swait.ge [sflag:s30], $0x4000  }
0x11d: {  	[sflag:s30] =	ssyncset.done $0x0  }
0x11e: {  	s14 =	simm.s32 $0xD80;
	[sflag:s30] =	ssyncadd.s32 $0xFFFFC000  }
0x11f: {  	[spmem:s1] =	stream.indirect.scatter.add.f32 [tilespmem:s28], [sflag:$0x3], $0x80, s14, s25, $0xb8;
	[tilespmem:$0x1D0C0] =	vst v63  }
0x120: {  	_ =	swait.ge [sflag:s23], $0x4000  }
0x121: {  	[sflag:s23] =	ssyncset.done $0x0  }
0x122: {  	[sflag:s23] =	ssyncadd.s32 $0xFFFFC000  }
0x123: {  	_ =	swait.ge [sflag:s26], $0x4000  }
0x124: {  	[sflag:s26] =	ssyncset.done $0x0  }
0x125: {  	s5 =	simm.s32 $0x280;
	[sflag:s26] =	ssyncadd.s32 $0xFFFFC000  }
0x126: {  	[tilespmem:s28], [sflag:$0x2] =	stream.indirect.gather [hbm4b:s12+s25], $0x80, s5, s25, $0xb8;
	[tilespmem:$0x1D0C0] =	vst v63  }
0x127: {  	s15 =	simm.s32 $0xE00  }
0x128: {  	[spmem:s1] =	stream.indirect.scatter.add.f32 [tilespmem:s22], [sflag:$0x3], $0x80, s15, s25, $0xb8;
	[tilespmem:$0x1D0C0] =	vst v63  }
0x129: {  	_ =	swait.ge [sflag:s23], $0x4000  }
0x12a: {  	[sflag:s23] =	ssyncset.done $0x0  }
0x12b: {  	s16 =	simm.s32 $0x300;
	[sflag:s23] =	ssyncadd.s32 $0xFFFFC000  }
0x12c: {  	[tilespmem:s22], [sflag:$0x1] =	stream.indirect.gather [hbm4b:s12+s25], $0x80, s16, s25, $0xb8;
	[tilespmem:$0x1D0C0] =	vst v63  }
0x12d: {  	_ =	swait.ge [sflag:s30], $0x4000  }
0x12e: {  	[sflag:s30] =	ssyncset.done $0x0  }
0x12f: {  	s17 =	simm.s32 $0xE80;
	[sflag:s30] =	ssyncadd.s32 $0xFFFFC000  }
0x130: {  	[spmem:s1] =	stream.indirect.scatter.add.f32 [tilespmem:s28], [sflag:$0x3], $0x80, s17, s25, $0xb8;
	[tilespmem:$0x1D0C0] =	vst v63  }
0x131: {  	_ =	swait.ge [sflag:s23], $0x4000  }
0x132: {  	[sflag:s23] =	ssyncset.done $0x0  }
0x133: {  	[sflag:s23] =	ssyncadd.s32 $0xFFFFC000  }
0x134: {  	_ =	swait.ge [sflag:s26], $0x4000  }
0x135: {  	[sflag:s26] =	ssyncset.done $0x0  }
0x136: {  	s8 =	simm.s32 $0x380;
	[sflag:s26] =	ssyncadd.s32 $0xFFFFC000  }
0x137: {  	[tilespmem:s28], [sflag:$0x2] =	stream.indirect.gather [hbm4b:s12+s25], $0x80, s8, s25, $0xb8;
	[tilespmem:$0x1D0C0] =	vst v63  }
0x138: {  	s18 =	simm.s32 $0xF00  }
0x139: {  	[spmem:s1] =	stream.indirect.scatter.add.f32 [tilespmem:s22], [sflag:$0x3], $0x80, s18, s25, $0xb8;
	[tilespmem:$0x1D0C0] =	vst v63  }
0x13a: {  	_ =	swait.ge [sflag:s23], $0x4000  }
0x13b: {  	[sflag:s23] =	ssyncset.done $0x0  }
0x13c: {  	s19 =	simm.s32 $0x400;
	[sflag:s23] =	ssyncadd.s32 $0xFFFFC000  }
0x13d: {  	[tilespmem:s22], [sflag:$0x1] =	stream.indirect.gather [hbm4b:s12+s25], $0x80, s19, s25, $0xb8;
	[tilespmem:$0x1D0C0] =	vst v63  }
0x13e: {  	_ =	swait.ge [sflag:s30], $0x4000  }
0x13f: {  	[sflag:s30] =	ssyncset.done $0x0  }
0x140: {  	s24 =	simm.s32 $0xF80;
	[sflag:s30] =	ssyncadd.s32 $0xFFFFC000  }
0x141: {  	[spmem:s1] =	stream.indirect.scatter.add.f32 [tilespmem:s28], [sflag:$0x3], $0x80, s24, s25, $0xb8;
	[tilespmem:$0x1D0C0] =	vst v63  }
0x142: {  	_ =	swait.ge [sflag:s23], $0x4000  }
0x143: {  	[sflag:s23] =	ssyncset.done $0x0  }
0x144: {  	[sflag:s23] =	ssyncadd.s32 $0xFFFFC000  }
0x145: {  	_ =	swait.ge [sflag:s26], $0x4000  }
0x146: {  	[sflag:s26] =	ssyncset.done $0x0  }
0x147: {  	s11 =	simm.s32 $0x480;
	[sflag:s26] =	ssyncadd.s32 $0xFFFFC000  }
0x148: {  	[tilespmem:s28], [sflag:$0x2] =	stream.indirect.gather [hbm4b:s12+s25], $0x80, s11, s25, $0xb8;
	[tilespmem:$0x1D0C0] =	vst v63  }
0x149: {  	s29 =	simm.s32 $0x1000  }
0x14a: {  	[spmem:s1] =	stream.indirect.scatter.add.f32 [tilespmem:s22], [sflag:$0x3], $0x80, s29, s25, $0xb8;
	[tilespmem:$0x1D0C0] =	vst v63  }
0x14b: {  	_ =	swait.ge [sflag:s23], $0x4000  }
0x14c: {  	[sflag:s23] =	ssyncset.done $0x0  }
0x14d: {  	s31 =	simm.s32 $0x500;
	[sflag:s23] =	ssyncadd.s32 $0xFFFFC000  }
0x14e: {  	[tilespmem:s22], [sflag:$0x1] =	stream.indirect.gather [hbm4b:s12+s25], $0x80, s31, s25, $0xb8;
	[tilespmem:$0x1D0C0] =	vst v63  }
0x14f: {  	_ =	swait.ge [sflag:s30], $0x4000  }
0x150: {  	[sflag:s30] =	ssyncset.done $0x0  }
0x151: {  	s7 =	simm.s32 $0x1080;
	[sflag:s30] =	ssyncadd.s32 $0xFFFFC000  }
0x152: {  	[spmem:s1] =	stream.indirect.scatter.add.f32 [tilespmem:s28], [sflag:$0x3], $0x80, s7, s25, $0xb8;
	[tilespmem:$0x1D0C0] =	vst v63  }
0x153: {  	_ =	swait.ge [sflag:s23], $0x4000  }
0x154: {  	[sflag:s23] =	ssyncset.done $0x0  }
0x155: {  	[sflag:s23] =	ssyncadd.s32 $0xFFFFC000  }
0x156: {  	_ =	swait.ge [sflag:s26], $0x4000  }
0x157: {  	[sflag:s26] =	ssyncset.done $0x0  }
0x158: {  	s24 =	simm.s32 $0x580;
	[sflag:s26] =	ssyncadd.s32 $0xFFFFC000  }
0x159: {  	[tilespmem:s28], [sflag:$0x2] =	stream.indirect.gather [hbm4b:s12+s25], $0x80, s24, s25, $0xb8;
	[tilespmem:$0x1D0C0] =	vst v63  }
0x15a: {  	s8 =	simm.s32 $0x1100  }
0x15b: {  	[spmem:s1] =	stream.indirect.scatter.add.f32 [tilespmem:s22], [sflag:$0x3], $0x80, s8, s25, $0xb8;
	[tilespmem:$0x1D0C0] =	vst v63  }
0x15c: {  	_ =	swait.ge [sflag:s23], $0x4000  }
0x15d: {  	[sflag:s23] =	ssyncset.done $0x0  }
0x15e: {  	s11 =	simm.s32 $0x600;
	[sflag:s23] =	ssyncadd.s32 $0xFFFFC000  }
0x15f: {  	[tilespmem:s22], [sflag:$0x1] =	stream.indirect.gather [hbm4b:s12+s25], $0x80, s11, s25, $0xb8;
	[tilespmem:$0x1D0C0] =	vst v63  }
0x160: {  	_ =	swait.ge [sflag:s30], $0x4000  }
0x161: {  	[sflag:s30] =	ssyncset.done $0x0  }
0x162: {  	s13 =	simm.s32 $0x1180;
	[sflag:s30] =	ssyncadd.s32 $0xFFFFC000  }
0x163: {  	[spmem:s1] =	stream.indirect.scatter.add.f32 [tilespmem:s28], [sflag:$0x3], $0x80, s13, s25, $0xb8;
	[tilespmem:$0x1D0C0] =	vst v63  }
0x164: {  	_ =	swait.ge [sflag:s23], $0x4000  }
0x165: {  	[sflag:s23] =	ssyncset.done $0x0  }
0x166: {  	[sflag:s23] =	ssyncadd.s32 $0xFFFFC000  }
0x167: {  	_ =	swait.ge [sflag:s26], $0x4000  }
0x168: {  	[sflag:s26] =	ssyncset.done $0x0  }
0x169: {  	s0 =	simm.s32 $0x680;
	[sflag:s26] =	ssyncadd.s32 $0xFFFFC000  }
0x16a: {  	[tilespmem:s28], [sflag:$0x2] =	stream.indirect.gather [hbm4b:s12+s25], $0x80, s0, s25, $0xb8;
	[tilespmem:$0x1D0C0] =	vst v63  }
0x16b: {  	s14 =	simm.s32 $0x1200  }
0x16c: {  	[spmem:s1] =	stream.indirect.scatter.add.f32 [tilespmem:s22], [sflag:$0x3], $0x80, s14, s25, $0xb8;
	[tilespmem:$0x1D0C0] =	vst v63  }
0x16d: {  	_ =	swait.ge [sflag:s23], $0x4000  }
0x16e: {  	[sflag:s23] =	ssyncset.done $0x0  }
0x16f: {  	s15 =	simm.s32 $0x700;
	[sflag:s23] =	ssyncadd.s32 $0xFFFFC000  }
0x170: {  	[tilespmem:s22], [sflag:$0x1] =	stream.indirect.gather [hbm4b:s12+s25], $0x80, s15, s25, $0xb8;
	[tilespmem:$0x1D0C0] =	vst v63  }
0x171: {  	_ =	swait.ge [sflag:s30], $0x4000  }
0x172: {  	[sflag:s30] =	ssyncset.done $0x0  }
0x173: {  	s16 =	simm.s32 $0x1280;
	[sflag:s30] =	ssyncadd.s32 $0xFFFFC000  }
0x174: {  	[spmem:s1] =	stream.indirect.scatter.add.f32 [tilespmem:s28], [sflag:$0x3], $0x80, s16, s25, $0xb8;
	[tilespmem:$0x1D0C0] =	vst v63  }
0x175: {  	_ =	swait.ge [sflag:s23], $0x4000  }
0x176: {  	[sflag:s23] =	ssyncset.done $0x0  }
0x177: {  	[sflag:s23] =	ssyncadd.s32 $0xFFFFC000  }
0x178: {  	_ =	swait.ge [sflag:s26], $0x4000  }
0x179: {  	[sflag:s26] =	ssyncset.done $0x0  }
0x17a: {  	s5 =	simm.s32 $0x780;
	[sflag:s26] =	ssyncadd.s32 $0xFFFFC000  }
0x17b: {  	[tilespmem:s28], [sflag:$0x2] =	stream.indirect.gather [hbm4b:s12+s25], $0x80, s5, s25, $0xb8;
	[tilespmem:$0x1D0C0] =	vst v63  }
0x17c: {  	s17 =	simm.s32 $0x1300  }
0x17d: {  	[spmem:s1] =	stream.indirect.scatter.add.f32 [tilespmem:s22], [sflag:$0x3], $0x80, s17, s25, $0xb8;
	[tilespmem:$0x1D0C0] =	vst v63  }
0x17e: {  	_ =	swait.ge [sflag:s23], $0x4000  }
0x17f: {  	[sflag:s23] =	ssyncset.done $0x0  }
0x180: {  	s18 =	simm.s32 $0x800;
	[sflag:s23] =	ssyncadd.s32 $0xFFFFC000  }
0x181: {  	[tilespmem:s22], [sflag:$0x1] =	stream.indirect.gather [hbm4b:s12+s25], $0x80, s18, s25, $0xb8;
	[tilespmem:$0x1D0C0] =	vst v63  }
0x182: {  	_ =	swait.ge [sflag:s30], $0x4000  }
0x183: {  	[sflag:s30] =	ssyncset.done $0x0  }
0x184: {  	s19 =	simm.s32 $0x1380;
	[sflag:s30] =	ssyncadd.s32 $0xFFFFC000  }
0x185: {  	[spmem:s1] =	stream.indirect.scatter.add.f32 [tilespmem:s28], [sflag:$0x3], $0x80, s19, s25, $0xb8;
	[tilespmem:$0x1D0C0] =	vst v63  }
0x186: {  	_ =	swait.ge [sflag:s23], $0x4000  }
0x187: {  	[sflag:s23] =	ssyncset.done $0x0  }
0x188: {  	[sflag:s23] =	ssyncadd.s32 $0xFFFFC000  }
0x189: {  	_ =	swait.ge [sflag:s26], $0x4000  }
0x18a: {  	[sflag:s26] =	ssyncset.done $0x0  }
0x18b: {  	s6 =	simm.s32 $0x880;
	[sflag:s26] =	ssyncadd.s32 $0xFFFFC000  }
0x18c: {  	[tilespmem:s28], [sflag:$0x2] =	stream.indirect.gather [hbm4b:s12+s25], $0x80, s6, s25, $0xb8;
	[tilespmem:$0x1D0C0] =	vst v63  }
0x18d: {  	s4 =	simm.s32 $0x1400  }
0x18e: {  	[spmem:s1] =	stream.indirect.scatter.add.f32 [tilespmem:s22], [sflag:$0x3], $0x80, s4, s25, $0xb8;
	[tilespmem:$0x1D0C0] =	vst v63  }
0x18f: {  	_ =	swait.ge [sflag:s23], $0x4000  }
0x190: {  	[sflag:s23] =	ssyncset.done $0x0  }
0x191: {  	s10 =	simm.s32 $0x900;
	[sflag:s23] =	ssyncadd.s32 $0xFFFFC000  }
0x192: {  	[tilespmem:s22], [sflag:$0x1] =	stream.indirect.gather [hbm4b:s12+s25], $0x80, s10, s25, $0xb8;
	[tilespmem:$0x1D0C0] =	vst v63  }
0x193: {  	_ =	swait.ge [sflag:s30], $0x4000  }
0x194: {  	[sflag:s30] =	ssyncset.done $0x0  }
0x195: {  	s29 =	simm.s32 $0x1480;
	[sflag:s30] =	ssyncadd.s32 $0xFFFFC000  }
0x196: {  	[spmem:s1] =	stream.indirect.scatter.add.f32 [tilespmem:s28], [sflag:$0x3], $0x80, s29, s25, $0xb8;
	[tilespmem:$0x1D0C0] =	vst v63  }
0x197: {  	_ =	swait.ge [sflag:s23], $0x4000  }
0x198: {  	[sflag:s23] =	ssyncset.done $0x0  }
0x199: {  	[sflag:s23] =	ssyncadd.s32 $0xFFFFC000  }
0x19a: {  	_ =	swait.ge [sflag:s26], $0x4000  }
0x19b: {  	[sflag:s26] =	ssyncset.done $0x0  }
0x19c: {  	s7 =	simm.s32 $0x980;
	[sflag:s26] =	ssyncadd.s32 $0xFFFFC000  }
0x19d: {  	[tilespmem:s28], [sflag:$0x2] =	stream.indirect.gather [hbm4b:s12+s25], $0x80, s7, s25, $0xb8;
	[tilespmem:$0x1D0C0] =	vst v63  }
0x19e: {  	s9 =	simm.s32 $0x1500  }
0x19f: {  	[spmem:s1] =	stream.indirect.scatter.add.f32 [tilespmem:s22], [sflag:$0x3], $0x80, s9, s25, $0xb8;
	[tilespmem:$0x1D0C0] =	vst v63  }
0x1a0: {  	_ =	swait.ge [sflag:s23], $0x4000  }
0x1a1: {  	[sflag:s23] =	ssyncset.done $0x0  }
0x1a2: {  	[sflag:s23] =	ssyncadd.s32 $0xFFFFC000  }
0x1a3: {  	_ =	swait.ge [sflag:s30], $0x4000  }
0x1a4: {  	[sflag:s30] =	ssyncset.done $0x0  }
0x1a5: {  	s9 =	simm.s32 $0x1580;
	[sflag:s30] =	ssyncadd.s32 $0xFFFFC000  }
0x1a6: {  	[spmem:s1] =	stream.indirect.scatter.add.f32 [tilespmem:s28], [sflag:$0x3], $0x80, s9, s25, $0xb8;
	[tilespmem:$0x1D0C0] =	vst v63  }
0x1a7: {  	_ =	swait.ge [sflag:s23], $0x4000  }
0x1a8: {  	[sflag:s23] =	ssyncset.done $0x0  }
0x1a9: {  	s9 =	rddreg [dreg:$0xe];
	[sflag:s23] =	ssyncadd.s32 $0xFFFFC000  }
0x1aa: {  	[tilespmem:s2], [sflag:$0x3] =	stream.linear.gather [hbm4b:s9+s2], $0xA00, $0x38;
	[tilespmem:$0x1D0C0] =	vst v63  }
0x1ab: {  	_ =	swait.ge [sflag:s23], $0xA00  }
0x1ac: {  	[sflag:s23] =	ssyncset.done $0x0  }
0x1ad: {  	s9 =	rddreg [dreg:$0xf];
	[sflag:s23] =	ssyncadd.s32 $0xFFFFF600  }
0x1ae: {  	[tilespmem:s3], [sflag:$0x3] =	stream.linear.gather [hbm4b:s9+s2], $0xA00, $0x38;
	[tilespmem:$0x1D0C0] =	vst v63  }
0x1af: {  	_ =	swait.ge [sflag:s23], $0xA00  }
0x1b0: {  	[sflag:s23] =	ssyncset.done $0x0  }
0x1b1: {  	[sflag:s23] =	ssyncadd.s32 $0xFFFFF600  }
0x1b2: {  	[tilespmem:s22], [sflag:$0x1] =	stream.indirect.gather [hbm4b:s12+s25], $0x80, s2, s25, $0xb8;
	[tilespmem:$0x1D0C0] =	vst v63  }
0x1b3: {  	_ =	swait.ge [sflag:s26], $0x4000  }
0x1b4: {  	[sflag:s26] =	ssyncset.done $0x0  }
0x1b5: {  	[sflag:s26] =	ssyncadd.s32 $0xFFFFC000  }
0x1b6: {  	[tilespmem:s28], [sflag:$0x2] =	stream.indirect.gather [hbm4b:s12+s25], $0x80, s25, s25, $0xb8;
	[tilespmem:$0x1D0C0] =	vst v63  }
0x1b7: {  	_ = 	snop  }
0x1b8: {  	[spmem:s1] =	stream.indirect.scatter.add.f32 [tilespmem:s22], [sflag:$0x3], $0x80, s3, s25, $0xb8;
	[tilespmem:$0x1D0C0] =	vst v63  }
0x1b9: {  	_ =	swait.ge [sflag:s23], $0x4000  }
0x1ba: {  	[sflag:s23] =	ssyncset.done $0x0  }
0x1bb: {  	s9 =	simm.s32 $0x100;
	[sflag:s23] =	ssyncadd.s32 $0xFFFFC000  }
0x1bc: {  	[tilespmem:s22], [sflag:$0x1] =	stream.indirect.gather [hbm4b:s12+s25], $0x80, s9, s25, $0xb8;
	[tilespmem:$0x1D0C0] =	vst v63  }
0x1bd: {  	_ =	swait.ge [sflag:s30], $0x4000  }
0x1be: {  	[sflag:s30] =	ssyncset.done $0x0  }
0x1bf: {  	s9 =	simm.s32 $0xC80;
	[sflag:s30] =	ssyncadd.s32 $0xFFFFC000  }
0x1c0: {  	[spmem:s1] =	stream.indirect.scatter.add.f32 [tilespmem:s28], [sflag:$0x3], $0x80, s9, s25, $0xb8;
	[tilespmem:$0x1D0C0] =	vst v63  }
0x1c1: {  	_ =	swait.ge [sflag:s23], $0x4000  }
0x1c2: {  	[sflag:s23] =	ssyncset.done $0x0  }
0x1c3: {  	[sflag:s23] =	ssyncadd.s32 $0xFFFFC000  }
0x1c4: {  	_ =	swait.ge [sflag:s26], $0x4000  }
0x1c5: {  	[sflag:s26] =	ssyncset.done $0x0  }
0x1c6: {  	s9 =	simm.s32 $0x180;
	[sflag:s26] =	ssyncadd.s32 $0xFFFFC000  }
0x1c7: {  	[tilespmem:s28], [sflag:$0x2] =	stream.indirect.gather [hbm4b:s12+s25], $0x80, s9, s25, $0xb8;
	[tilespmem:$0x1D0C0] =	vst v63  }
0x1c8: {  	s9 =	simm.s32 $0xD00  }
0x1c9: {  	[spmem:s1] =	stream.indirect.scatter.add.f32 [tilespmem:s22], [sflag:$0x3], $0x80, s9, s25, $0xb8;
	[tilespmem:$0x1D0C0] =	vst v63  }
0x1ca: {  	_ =	swait.ge [sflag:s23], $0x4000  }
0x1cb: {  	[sflag:s23] =	ssyncset.done $0x0  }
0x1cc: {  	s9 =	simm.s32 $0x200;
	[sflag:s23] =	ssyncadd.s32 $0xFFFFC000  }
0x1cd: {  	[tilespmem:s22], [sflag:$0x1] =	stream.indirect.gather [hbm4b:s12+s25], $0x80, s9, s25, $0xb8;
	[tilespmem:$0x1D0C0] =	vst v63  }
0x1ce: {  	_ =	swait.ge [sflag:s30], $0x4000  }
0x1cf: {  	[sflag:s30] =	ssyncset.done $0x0  }
0x1d0: {  	s9 =	simm.s32 $0xD80;
	[sflag:s30] =	ssyncadd.s32 $0xFFFFC000  }
0x1d1: {  	[spmem:s1] =	stream.indirect.scatter.add.f32 [tilespmem:s28], [sflag:$0x3], $0x80, s9, s25, $0xb8;
	[tilespmem:$0x1D0C0] =	vst v63  }
0x1d2: {  	_ =	swait.ge [sflag:s23], $0x4000  }
0x1d3: {  	[sflag:s23] =	ssyncset.done $0x0  }
0x1d4: {  	[sflag:s23] =	ssyncadd.s32 $0xFFFFC000  }
0x1d5: {  	_ =	swait.ge [sflag:s26], $0x4000  }
0x1d6: {  	[sflag:s26] =	ssyncset.done $0x0  }
0x1d7: {  	s9 =	simm.s32 $0x280;
	[sflag:s26] =	ssyncadd.s32 $0xFFFFC000  }
0x1d8: {  	[tilespmem:s28], [sflag:$0x2] =	stream.indirect.gather [hbm4b:s12+s25], $0x80, s9, s25, $0xb8;
	[tilespmem:$0x1D0C0] =	vst v63  }
0x1d9: {  	s9 =	simm.s32 $0xE00  }
0x1da: {  	[spmem:s1] =	stream.indirect.scatter.add.f32 [tilespmem:s22], [sflag:$0x3], $0x80, s9, s25, $0xb8;
	[tilespmem:$0x1D0C0] =	vst v63  }
0x1db: {  	_ =	swait.ge [sflag:s23], $0x4000  }
0x1dc: {  	[sflag:s23] =	ssyncset.done $0x0  }
0x1dd: {  	s9 =	simm.s32 $0x300;
	[sflag:s23] =	ssyncadd.s32 $0xFFFFC000  }
0x1de: {  	[tilespmem:s22], [sflag:$0x1] =	stream.indirect.gather [hbm4b:s12+s25], $0x80, s9, s25, $0xb8;
	[tilespmem:$0x1D0C0] =	vst v63  }
0x1df: {  	_ =	swait.ge [sflag:s30], $0x4000  }
0x1e0: {  	[sflag:s30] =	ssyncset.done $0x0  }
0x1e1: {  	s9 =	simm.s32 $0xE80;
	[sflag:s30] =	ssyncadd.s32 $0xFFFFC000  }
0x1e2: {  	[spmem:s1] =	stream.indirect.scatter.add.f32 [tilespmem:s28], [sflag:$0x3], $0x80, s9, s25, $0xb8;
	[tilespmem:$0x1D0C0] =	vst v63  }
0x1e3: {  	_ =	swait.ge [sflag:s23], $0x4000  }
0x1e4: {  	[sflag:s23] =	ssyncset.done $0x0  }
0x1e5: {  	[sflag:s23] =	ssyncadd.s32 $0xFFFFC000  }
0x1e6: {  	_ =	swait.ge [sflag:s26], $0x4000  }
0x1e7: {  	[sflag:s26] =	ssyncset.done $0x0  }
0x1e8: {  	s9 =	simm.s32 $0x380;
	[sflag:s26] =	ssyncadd.s32 $0xFFFFC000  }
0x1e9: {  	[tilespmem:s28], [sflag:$0x2] =	stream.indirect.gather [hbm4b:s12+s25], $0x80, s9, s25, $0xb8;
	[tilespmem:$0x1D0C0] =	vst v63  }
0x1ea: {  	s9 =	simm.s32 $0xF00  }
0x1eb: {  	[spmem:s1] =	stream.indirect.scatter.add.f32 [tilespmem:s22], [sflag:$0x3], $0x80, s9, s25, $0xb8;
	[tilespmem:$0x1D0C0] =	vst v63  }
0x1ec: {  	_ =	swait.ge [sflag:s23], $0x4000  }
0x1ed: {  	[sflag:s23] =	ssyncset.done $0x0  }
0x1ee: {  	s9 =	simm.s32 $0x400;
	[sflag:s23] =	ssyncadd.s32 $0xFFFFC000  }
0x1ef: {  	[tilespmem:s22], [sflag:$0x1] =	stream.indirect.gather [hbm4b:s12+s25], $0x80, s9, s25, $0xb8;
	[tilespmem:$0x1D0C0] =	vst v63  }
0x1f0: {  	_ =	swait.ge [sflag:s30], $0x4000  }
0x1f1: {  	[sflag:s30] =	ssyncset.done $0x0  }
0x1f2: {  	s9 =	simm.s32 $0xF80;
	[sflag:s30] =	ssyncadd.s32 $0xFFFFC000  }
0x1f3: {  	[spmem:s1] =	stream.indirect.scatter.add.f32 [tilespmem:s28], [sflag:$0x3], $0x80, s9, s25, $0xb8;
	[tilespmem:$0x1D0C0] =	vst v63  }
0x1f4: {  	_ =	swait.ge [sflag:s23], $0x4000  }
0x1f5: {  	[sflag:s23] =	ssyncset.done $0x0  }
0x1f6: {  	[sflag:s23] =	ssyncadd.s32 $0xFFFFC000  }
0x1f7: {  	_ =	swait.ge [sflag:s26], $0x4000  }
0x1f8: {  	[sflag:s26] =	ssyncset.done $0x0  }
0x1f9: {  	s9 =	simm.s32 $0x480;
	[sflag:s26] =	ssyncadd.s32 $0xFFFFC000  }
0x1fa: {  	[tilespmem:s28], [sflag:$0x2] =	stream.indirect.gather [hbm4b:s12+s25], $0x80, s9, s25, $0xb8;
	[tilespmem:$0x1D0C0] =	vst v63  }
0x1fb: {  	s9 =	simm.s32 $0x1000  }
0x1fc: {  	[spmem:s1] =	stream.indirect.scatter.add.f32 [tilespmem:s22], [sflag:$0x3], $0x80, s9, s25, $0xb8;
	[tilespmem:$0x1D0C0] =	vst v63  }
0x1fd: {  	_ =	swait.ge [sflag:s23], $0x4000  }
0x1fe: {  	[sflag:s23] =	ssyncset.done $0x0  }
0x1ff: {  	[sflag:s23] =	ssyncadd.s32 $0xFFFFC000  }
0x200: {  	[tilespmem:s22], [sflag:$0x1] =	stream.indirect.gather [hbm4b:s12+s25], $0x80, s31, s25, $0xb8;
	[tilespmem:$0x1D0C0] =	vst v63  }
0x201: {  	_ =	swait.ge [sflag:s30], $0x4000  }
0x202: {  	[sflag:s30] =	ssyncset.done $0x0  }
0x203: {  	s9 =	simm.s32 $0x1080;
	[sflag:s30] =	ssyncadd.s32 $0xFFFFC000  }
0x204: {  	[spmem:s1] =	stream.indirect.scatter.add.f32 [tilespmem:s28], [sflag:$0x3], $0x80, s9, s25, $0xb8;
	[tilespmem:$0x1D0C0] =	vst v63  }
0x205: {  	_ =	swait.ge [sflag:s23], $0x4000  }
0x206: {  	[sflag:s23] =	ssyncset.done $0x0  }
0x207: {  	[sflag:s23] =	ssyncadd.s32 $0xFFFFC000  }
0x208: {  	_ =	swait.ge [sflag:s26], $0x4000  }
0x209: {  	[sflag:s26] =	ssyncset.done $0x0  }
0x20a: {  	[sflag:s26] =	ssyncadd.s32 $0xFFFFC000  }
0x20b: {  	[tilespmem:s28], [sflag:$0x2] =	stream.indirect.gather [hbm4b:s12+s25], $0x80, s24, s25, $0xb8;
	[tilespmem:$0x1D0C0] =	vst v63  }
0x20c: {  	_ = 	snop  }
0x20d: {  	[spmem:s1] =	stream.indirect.scatter.add.f32 [tilespmem:s22], [sflag:$0x3], $0x80, s8, s25, $0xb8;
	[tilespmem:$0x1D0C0] =	vst v63  }
0x20e: {  	_ =	swait.ge [sflag:s23], $0x4000  }
0x20f: {  	[sflag:s23] =	ssyncset.done $0x0  }
0x210: {  	[sflag:s23] =	ssyncadd.s32 $0xFFFFC000  }
0x211: {  	[tilespmem:s22], [sflag:$0x1] =	stream.indirect.gather [hbm4b:s12+s25], $0x80, s11, s25, $0xb8;
	[tilespmem:$0x1D0C0] =	vst v63  }
0x212: {  	_ =	swait.ge [sflag:s30], $0x4000  }
0x213: {  	[sflag:s30] =	ssyncset.done $0x0  }
0x214: {  	[sflag:s30] =	ssyncadd.s32 $0xFFFFC000  }
0x215: {  	[spmem:s1] =	stream.indirect.scatter.add.f32 [tilespmem:s28], [sflag:$0x3], $0x80, s13, s25, $0xb8;
	[tilespmem:$0x1D0C0] =	vst v63  }
0x216: {  	_ =	swait.ge [sflag:s23], $0x4000  }
0x217: {  	[sflag:s23] =	ssyncset.done $0x0  }
0x218: {  	[sflag:s23] =	ssyncadd.s32 $0xFFFFC000  }
0x219: {  	_ =	swait.ge [sflag:s26], $0x4000  }
0x21a: {  	[sflag:s26] =	ssyncset.done $0x0  }
0x21b: {  	[sflag:s26] =	ssyncadd.s32 $0xFFFFC000  }
0x21c: {  	[tilespmem:s28], [sflag:$0x2] =	stream.indirect.gather [hbm4b:s12+s25], $0x80, s0, s25, $0xb8;
	[tilespmem:$0x1D0C0] =	vst v63  }
0x21d: {  	_ = 	snop  }
0x21e: {  	[spmem:s1] =	stream.indirect.scatter.add.f32 [tilespmem:s22], [sflag:$0x3], $0x80, s14, s25, $0xb8;
	[tilespmem:$0x1D0C0] =	vst v63  }
0x21f: {  	_ =	swait.ge [sflag:s23], $0x4000  }
0x220: {  	[sflag:s23] =	ssyncset.done $0x0  }
0x221: {  	[sflag:s23] =	ssyncadd.s32 $0xFFFFC000  }
0x222: {  	[tilespmem:s22], [sflag:$0x1] =	stream.indirect.gather [hbm4b:s12+s25], $0x80, s15, s25, $0xb8;
	[tilespmem:$0x1D0C0] =	vst v63  }
0x223: {  	_ =	swait.ge [sflag:s30], $0x4000  }
0x224: {  	[sflag:s30] =	ssyncset.done $0x0  }
0x225: {  	[sflag:s30] =	ssyncadd.s32 $0xFFFFC000  }
0x226: {  	[spmem:s1] =	stream.indirect.scatter.add.f32 [tilespmem:s28], [sflag:$0x3], $0x80, s16, s25, $0xb8;
	[tilespmem:$0x1D0C0] =	vst v63  }
0x227: {  	_ =	swait.ge [sflag:s23], $0x4000  }
0x228: {  	[sflag:s23] =	ssyncset.done $0x0  }
0x229: {  	[sflag:s23] =	ssyncadd.s32 $0xFFFFC000  }
0x22a: {  	_ =	swait.ge [sflag:s26], $0x4000  }
0x22b: {  	[sflag:s26] =	ssyncset.done $0x0  }
0x22c: {  	[sflag:s26] =	ssyncadd.s32 $0xFFFFC000  }
0x22d: {  	[tilespmem:s28], [sflag:$0x2] =	stream.indirect.gather [hbm4b:s12+s25], $0x80, s5, s25, $0xb8;
	[tilespmem:$0x1D0C0] =	vst v63  }
0x22e: {  	_ = 	snop  }
0x22f: {  	[spmem:s1] =	stream.indirect.scatter.add.f32 [tilespmem:s22], [sflag:$0x3], $0x80, s17, s25, $0xb8;
	[tilespmem:$0x1D0C0] =	vst v63  }
0x230: {  	_ =	swait.ge [sflag:s23], $0x4000  }
0x231: {  	[sflag:s23] =	ssyncset.done $0x0  }
0x232: {  	[sflag:s23] =	ssyncadd.s32 $0xFFFFC000  }
0x233: {  	[tilespmem:s22], [sflag:$0x1] =	stream.indirect.gather [hbm4b:s12+s25], $0x80, s18, s25, $0xb8;
	[tilespmem:$0x1D0C0] =	vst v63  }
0x234: {  	_ =	swait.ge [sflag:s30], $0x4000  }
0x235: {  	[sflag:s30] =	ssyncset.done $0x0  }
0x236: {  	[sflag:s30] =	ssyncadd.s32 $0xFFFFC000  }
0x237: {  	[spmem:s1] =	stream.indirect.scatter.add.f32 [tilespmem:s28], [sflag:$0x3], $0x80, s19, s25, $0xb8;
	[tilespmem:$0x1D0C0] =	vst v63  }
0x238: {  	_ =	swait.ge [sflag:s23], $0x4000  }
0x239: {  	[sflag:s23] =	ssyncset.done $0x0  }
0x23a: {  	[sflag:s23] =	ssyncadd.s32 $0xFFFFC000  }
0x23b: {  	_ =	swait.ge [sflag:s26], $0x4000  }
0x23c: {  	[sflag:s26] =	ssyncset.done $0x0  }
0x23d: {  	[sflag:s26] =	ssyncadd.s32 $0xFFFFC000  }
0x23e: {  	[tilespmem:s28], [sflag:$0x2] =	stream.indirect.gather [hbm4b:s12+s25], $0x80, s6, s25, $0xb8;
	[tilespmem:$0x1D0C0] =	vst v63  }
0x23f: {  	_ = 	snop  }
0x240: {  	[spmem:s1] =	stream.indirect.scatter.add.f32 [tilespmem:s22], [sflag:$0x3], $0x80, s4, s25, $0xb8;
	[tilespmem:$0x1D0C0] =	vst v63  }
0x241: {  	_ =	swait.ge [sflag:s23], $0x4000  }
0x242: {  	[sflag:s23] =	ssyncset.done $0x0  }
0x243: {  	[sflag:s23] =	ssyncadd.s32 $0xFFFFC000  }
0x244: {  	[tilespmem:s22], [sflag:$0x1] =	stream.indirect.gather [hbm4b:s12+s25], $0x80, s10, s25, $0xb8;
	[tilespmem:$0x1D0C0] =	vst v63  }
0x245: {  	_ =	swait.ge [sflag:s30], $0x4000  }
0x246: {  	[sflag:s30] =	ssyncset.done $0x0  }
0x247: {  	[sflag:s30] =	ssyncadd.s32 $0xFFFFC000  }
0x248: {  	[spmem:s1] =	stream.indirect.scatter.add.f32 [tilespmem:s28], [sflag:$0x3], $0x80, s29, s25, $0xb8;
	[tilespmem:$0x1D0C0] =	vst v63  }
0x249: {  	_ =	swait.ge [sflag:s23], $0x4000  }
0x24a: {  	[sflag:s23] =	ssyncset.done $0x0  }
0x24b: {  	[sflag:s23] =	ssyncadd.s32 $0xFFFFC000  }
0x24c: {  	_ =	swait.ge [sflag:s26], $0x4000  }
0x24d: {  	[sflag:s26] =	ssyncset.done $0x0  }
0x24e: {  	[sflag:s26] =	ssyncadd.s32 $0xFFFFC000  }
0x24f: {  	[tilespmem:s28], [sflag:$0x2] =	stream.indirect.gather [hbm4b:s12+s25], $0x80, s7, s25, $0xb8;
	[tilespmem:$0x1D0C0] =	vst v63  }
0x250: {  	s9 =	simm.s32 $0x1500  }
0x251: {  	[spmem:s1] =	stream.indirect.scatter.add.f32 [tilespmem:s22], [sflag:$0x3], $0x80, s9, s25, $0xb8;
	[tilespmem:$0x1D0C0] =	vst v63  }
0x252: {  	_ =	swait.ge [sflag:s23], $0x4000  }
0x253: {  	[sflag:s23] =	ssyncset.done $0x0  }
0x254: {  	[sflag:s23] =	ssyncadd.s32 $0xFFFFC000  }
0x255: {  	_ =	swait.ge [sflag:s30], $0x4000  }
0x256: {  	[sflag:s30] =	ssyncset.done $0x0  }
0x257: {  	s9 =	simm.s32 $0x1580;
	[sflag:s30] =	ssyncadd.s32 $0xFFFFC000  }
0x258: {  	[spmem:s1] =	stream.indirect.scatter.add.f32 [tilespmem:s28], [sflag:$0x3], $0x80, s9, s25, $0xb8;
	[tilespmem:$0x1D0C0] =	vst v63  }
0x259: {  	_ =	swait.ge [sflag:s23], $0x4000  }
0x25a: {  	[sflag:s23] =	ssyncset.done $0x0  }
0x25b: {  	s9 =	rddreg [dreg:$0x10];
	[sflag:s23] =	ssyncadd.s32 $0xFFFFC000  }
0x25c: {  	[tilespmem:s2], [sflag:$0x3] =	stream.linear.gather [hbm4b:s9+s2], $0xA00, $0x38;
	[tilespmem:$0x1D0C0] =	vst v63  }
0x25d: {  	_ =	swait.ge [sflag:s23], $0xA00  }
0x25e: {  	[sflag:s23] =	ssyncset.done $0x0  }
0x25f: {  	s9 =	rddreg [dreg:$0x11];
	[sflag:s23] =	ssyncadd.s32 $0xFFFFF600  }
0x260: {  	[tilespmem:s3], [sflag:$0x3] =	stream.linear.gather [hbm4b:s9+s2], $0xA00, $0x38;
	[tilespmem:$0x1D0C0] =	vst v63  }
0x261: {  	_ =	swait.ge [sflag:s23], $0xA00  }
0x262: {  	[sflag:s23] =	ssyncset.done $0x0  }
0x263: {  	[sflag:s23] =	ssyncadd.s32 $0xFFFFF600  }
0x264: {  	[tilespmem:s22], [sflag:$0x1] =	stream.indirect.gather [hbm4b:s12+s25], $0x80, s2, s25, $0xb8;
	[tilespmem:$0x1D0C0] =	vst v63  }
0x265: {  	_ =	swait.ge [sflag:s26], $0x4000  }
0x266: {  	[sflag:s26] =	ssyncset.done $0x0  }
0x267: {  	[sflag:s26] =	ssyncadd.s32 $0xFFFFC000  }
0x268: {  	[tilespmem:s28], [sflag:$0x2] =	stream.indirect.gather [hbm4b:s12+s25], $0x80, s25, s25, $0xb8;
	[tilespmem:$0x1D0C0] =	vst v63  }
0x269: {  	_ = 	snop  }
0x26a: {  	[spmem:s1] =	stream.indirect.scatter.add.f32 [tilespmem:s22], [sflag:$0x4], $0x80, s3, s25, $0xb8;
	[tilespmem:$0x1D0C0] =	vst v63  }
0x26b: {  	_ =	swait.ge [sflag:s20], $0x4000  }
0x26c: {  	[sflag:s20] =	ssyncset.done $0x0  }
0x26d: {  	s9 =	simm.s32 $0x100;
	[sflag:s20] =	ssyncadd.s32 $0xFFFFC000  }
0x26e: {  	[tilespmem:s22], [sflag:$0x1] =	stream.indirect.gather [hbm4b:s12+s25], $0x80, s9, s25, $0xb8;
	[tilespmem:$0x1D0C0] =	vst v63  }
0x26f: {  	_ =	swait.ge [sflag:s30], $0x4000  }
0x270: {  	[sflag:s30] =	ssyncset.done $0x0  }
0x271: {  	s9 =	simm.s32 $0xC80;
	[sflag:s30] =	ssyncadd.s32 $0xFFFFC000  }
0x272: {  	[spmem:s1] =	stream.indirect.scatter.add.f32 [tilespmem:s28], [sflag:$0x3], $0x80, s9, s25, $0xb8;
	[tilespmem:$0x1D0C0] =	vst v63  }
0x273: {  	_ =	swait.ge [sflag:s23], $0x4000  }
0x274: {  	[sflag:s23] =	ssyncset.done $0x0  }
0x275: {  	[sflag:s23] =	ssyncadd.s32 $0xFFFFC000  }
0x276: {  	_ =	swait.ge [sflag:s26], $0x4000  }
0x277: {  	[sflag:s26] =	ssyncset.done $0x0  }
0x278: {  	s9 =	simm.s32 $0x180;
	[sflag:s26] =	ssyncadd.s32 $0xFFFFC000  }
0x279: {  	[tilespmem:s28], [sflag:$0x2] =	stream.indirect.gather [hbm4b:s12+s25], $0x80, s9, s25, $0xb8;
	[tilespmem:$0x1D0C0] =	vst v63  }
0x27a: {  	s9 =	simm.s32 $0xD00  }
0x27b: {  	[spmem:s1] =	stream.indirect.scatter.add.f32 [tilespmem:s22], [sflag:$0x4], $0x80, s9, s25, $0xb8;
	[tilespmem:$0x1D0C0] =	vst v63  }
0x27c: {  	_ =	swait.ge [sflag:s20], $0x4000  }
0x27d: {  	[sflag:s20] =	ssyncset.done $0x0  }
0x27e: {  	s9 =	simm.s32 $0x200;
	[sflag:s20] =	ssyncadd.s32 $0xFFFFC000  }
0x27f: {  	[tilespmem:s22], [sflag:$0x1] =	stream.indirect.gather [hbm4b:s12+s25], $0x80, s9, s25, $0xb8;
	[tilespmem:$0x1D0C0] =	vst v63  }
0x280: {  	_ =	swait.ge [sflag:s30], $0x4000  }
0x281: {  	[sflag:s30] =	ssyncset.done $0x0  }
0x282: {  	s9 =	simm.s32 $0xD80;
	[sflag:s30] =	ssyncadd.s32 $0xFFFFC000  }
0x283: {  	[spmem:s1] =	stream.indirect.scatter.add.f32 [tilespmem:s28], [sflag:$0x3], $0x80, s9, s25, $0xb8;
	[tilespmem:$0x1D0C0] =	vst v63  }
0x284: {  	_ =	swait.ge [sflag:s23], $0x4000  }
0x285: {  	[sflag:s23] =	ssyncset.done $0x0  }
0x286: {  	[sflag:s23] =	ssyncadd.s32 $0xFFFFC000  }
0x287: {  	_ =	swait.ge [sflag:s26], $0x4000  }
0x288: {  	[sflag:s26] =	ssyncset.done $0x0  }
0x289: {  	s9 =	simm.s32 $0x280;
	[sflag:s26] =	ssyncadd.s32 $0xFFFFC000  }
0x28a: {  	[tilespmem:s28], [sflag:$0x2] =	stream.indirect.gather [hbm4b:s12+s25], $0x80, s9, s25, $0xb8;
	[tilespmem:$0x1D0C0] =	vst v63  }
0x28b: {  	s9 =	simm.s32 $0xE00  }
0x28c: {  	[spmem:s1] =	stream.indirect.scatter.add.f32 [tilespmem:s22], [sflag:$0x4], $0x80, s9, s25, $0xb8;
	[tilespmem:$0x1D0C0] =	vst v63  }
0x28d: {  	_ =	swait.ge [sflag:s20], $0x4000  }
0x28e: {  	[sflag:s20] =	ssyncset.done $0x0  }
0x28f: {  	s9 =	simm.s32 $0x300;
	[sflag:s20] =	ssyncadd.s32 $0xFFFFC000  }
0x290: {  	[tilespmem:s22], [sflag:$0x1] =	stream.indirect.gather [hbm4b:s12+s25], $0x80, s9, s25, $0xb8;
	[tilespmem:$0x1D0C0] =	vst v63  }
0x291: {  	_ =	swait.ge [sflag:s30], $0x4000  }
0x292: {  	[sflag:s30] =	ssyncset.done $0x0  }
0x293: {  	s9 =	simm.s32 $0xE80;
	[sflag:s30] =	ssyncadd.s32 $0xFFFFC000  }
0x294: {  	[spmem:s1] =	stream.indirect.scatter.add.f32 [tilespmem:s28], [sflag:$0x3], $0x80, s9, s25, $0xb8;
	[tilespmem:$0x1D0C0] =	vst v63  }
0x295: {  	_ =	swait.ge [sflag:s23], $0x4000  }
0x296: {  	[sflag:s23] =	ssyncset.done $0x0  }
0x297: {  	[sflag:s23] =	ssyncadd.s32 $0xFFFFC000  }
0x298: {  	_ =	swait.ge [sflag:s26], $0x4000  }
0x299: {  	[sflag:s26] =	ssyncset.done $0x0  }
0x29a: {  	s9 =	simm.s32 $0x380;
	[sflag:s26] =	ssyncadd.s32 $0xFFFFC000  }
0x29b: {  	[tilespmem:s28], [sflag:$0x2] =	stream.indirect.gather [hbm4b:s12+s25], $0x80, s9, s25, $0xb8;
	[tilespmem:$0x1D0C0] =	vst v63  }
0x29c: {  	s9 =	simm.s32 $0xF00  }
0x29d: {  	[spmem:s1] =	stream.indirect.scatter.add.f32 [tilespmem:s22], [sflag:$0x4], $0x80, s9, s25, $0xb8;
	[tilespmem:$0x1D0C0] =	vst v63  }
0x29e: {  	_ =	swait.ge [sflag:s20], $0x4000  }
0x29f: {  	[sflag:s20] =	ssyncset.done $0x0  }
0x2a0: {  	s9 =	simm.s32 $0x400;
	[sflag:s20] =	ssyncadd.s32 $0xFFFFC000  }
0x2a1: {  	[tilespmem:s22], [sflag:$0x1] =	stream.indirect.gather [hbm4b:s12+s25], $0x80, s9, s25, $0xb8;
	[tilespmem:$0x1D0C0] =	vst v63  }
0x2a2: {  	_ =	swait.ge [sflag:s30], $0x4000  }
0x2a3: {  	[sflag:s30] =	ssyncset.done $0x0  }
0x2a4: {  	s9 =	simm.s32 $0xF80;
	[sflag:s30] =	ssyncadd.s32 $0xFFFFC000  }
0x2a5: {  	[spmem:s1] =	stream.indirect.scatter.add.f32 [tilespmem:s28], [sflag:$0x3], $0x80, s9, s25, $0xb8;
	[tilespmem:$0x1D0C0] =	vst v63  }
0x2a6: {  	_ =	swait.ge [sflag:s23], $0x4000  }
0x2a7: {  	[sflag:s23] =	ssyncset.done $0x0  }
0x2a8: {  	[sflag:s23] =	ssyncadd.s32 $0xFFFFC000  }
0x2a9: {  	_ =	swait.ge [sflag:s26], $0x4000  }
0x2aa: {  	[sflag:s26] =	ssyncset.done $0x0  }
0x2ab: {  	s9 =	simm.s32 $0x480;
	[sflag:s26] =	ssyncadd.s32 $0xFFFFC000  }
0x2ac: {  	[tilespmem:s28], [sflag:$0x2] =	stream.indirect.gather [hbm4b:s12+s25], $0x80, s9, s25, $0xb8;
	[tilespmem:$0x1D0C0] =	vst v63  }
0x2ad: {  	s9 =	simm.s32 $0x1000  }
0x2ae: {  	[spmem:s1] =	stream.indirect.scatter.add.f32 [tilespmem:s22], [sflag:$0x4], $0x80, s9, s25, $0xb8;
	[tilespmem:$0x1D0C0] =	vst v63  }
0x2af: {  	_ =	swait.ge [sflag:s20], $0x4000  }
0x2b0: {  	[sflag:s20] =	ssyncset.done $0x0  }
0x2b1: {  	s31 =	simm.s32 $0x500;
	[sflag:s20] =	ssyncadd.s32 $0xFFFFC000  }
0x2b2: {  	[tilespmem:s22], [sflag:$0x1] =	stream.indirect.gather [hbm4b:s12+s25], $0x80, s31, s25, $0xb8;
	[tilespmem:$0x1D0C0] =	vst v63  }
0x2b3: {  	_ =	swait.ge [sflag:s30], $0x4000  }
0x2b4: {  	[sflag:s30] =	ssyncset.done $0x0  }
0x2b5: {  	s9 =	simm.s32 $0x1080;
	[sflag:s30] =	ssyncadd.s32 $0xFFFFC000  }
0x2b6: {  	[spmem:s1] =	stream.indirect.scatter.add.f32 [tilespmem:s28], [sflag:$0x3], $0x80, s9, s25, $0xb8;
	[tilespmem:$0x1D0C0] =	vst v63  }
0x2b7: {  	_ =	swait.ge [sflag:s23], $0x4000  }
0x2b8: {  	[sflag:s23] =	ssyncset.done $0x0  }
0x2b9: {  	[sflag:s23] =	ssyncadd.s32 $0xFFFFC000  }
0x2ba: {  	_ =	swait.ge [sflag:s26], $0x4000  }
0x2bb: {  	[sflag:s26] =	ssyncset.done $0x0  }
0x2bc: {  	s24 =	simm.s32 $0x580;
	[sflag:s26] =	ssyncadd.s32 $0xFFFFC000  }
0x2bd: {  	[tilespmem:s28], [sflag:$0x2] =	stream.indirect.gather [hbm4b:s12+s25], $0x80, s24, s25, $0xb8;
	[tilespmem:$0x1D0C0] =	vst v63  }
0x2be: {  	s8 =	simm.s32 $0x1100  }
0x2bf: {  	[spmem:s1] =	stream.indirect.scatter.add.f32 [tilespmem:s22], [sflag:$0x4], $0x80, s8, s25, $0xb8;
	[tilespmem:$0x1D0C0] =	vst v63  }
0x2c0: {  	_ =	swait.ge [sflag:s20], $0x4000  }
0x2c1: {  	[sflag:s20] =	ssyncset.done $0x0  }
0x2c2: {  	s11 =	simm.s32 $0x600;
	[sflag:s20] =	ssyncadd.s32 $0xFFFFC000  }
0x2c3: {  	[tilespmem:s22], [sflag:$0x1] =	stream.indirect.gather [hbm4b:s12+s25], $0x80, s11, s25, $0xb8;
	[tilespmem:$0x1D0C0] =	vst v63  }
0x2c4: {  	_ =	swait.ge [sflag:s30], $0x4000  }
0x2c5: {  	[sflag:s30] =	ssyncset.done $0x0  }
0x2c6: {  	s13 =	simm.s32 $0x1180;
	[sflag:s30] =	ssyncadd.s32 $0xFFFFC000  }
0x2c7: {  	[spmem:s1] =	stream.indirect.scatter.add.f32 [tilespmem:s28], [sflag:$0x3], $0x80, s13, s25, $0xb8;
	[tilespmem:$0x1D0C0] =	vst v63  }
0x2c8: {  	_ =	swait.ge [sflag:s23], $0x4000  }
0x2c9: {  	[sflag:s23] =	ssyncset.done $0x0  }
0x2ca: {  	[sflag:s23] =	ssyncadd.s32 $0xFFFFC000  }
0x2cb: {  	_ =	swait.ge [sflag:s26], $0x4000  }
0x2cc: {  	[sflag:s26] =	ssyncset.done $0x0  }
0x2cd: {  	s0 =	simm.s32 $0x680;
	[sflag:s26] =	ssyncadd.s32 $0xFFFFC000  }
0x2ce: {  	[tilespmem:s28], [sflag:$0x2] =	stream.indirect.gather [hbm4b:s12+s25], $0x80, s0, s25, $0xb8;
	[tilespmem:$0x1D0C0] =	vst v63  }
0x2cf: {  	s14 =	simm.s32 $0x1200  }
0x2d0: {  	[spmem:s1] =	stream.indirect.scatter.add.f32 [tilespmem:s22], [sflag:$0x4], $0x80, s14, s25, $0xb8;
	[tilespmem:$0x1D0C0] =	vst v63  }
0x2d1: {  	_ =	swait.ge [sflag:s20], $0x4000  }
0x2d2: {  	[sflag:s20] =	ssyncset.done $0x0  }
0x2d3: {  	s15 =	simm.s32 $0x700;
	[sflag:s20] =	ssyncadd.s32 $0xFFFFC000  }
0x2d4: {  	[tilespmem:s22], [sflag:$0x1] =	stream.indirect.gather [hbm4b:s12+s25], $0x80, s15, s25, $0xb8;
	[tilespmem:$0x1D0C0] =	vst v63  }
0x2d5: {  	_ =	swait.ge [sflag:s30], $0x4000  }
0x2d6: {  	[sflag:s30] =	ssyncset.done $0x0  }
0x2d7: {  	s16 =	simm.s32 $0x1280;
	[sflag:s30] =	ssyncadd.s32 $0xFFFFC000  }
0x2d8: {  	[spmem:s1] =	stream.indirect.scatter.add.f32 [tilespmem:s28], [sflag:$0x3], $0x80, s16, s25, $0xb8;
	[tilespmem:$0x1D0C0] =	vst v63  }
0x2d9: {  	_ =	swait.ge [sflag:s23], $0x4000  }
0x2da: {  	[sflag:s23] =	ssyncset.done $0x0  }
0x2db: {  	[sflag:s23] =	ssyncadd.s32 $0xFFFFC000  }
0x2dc: {  	_ =	swait.ge [sflag:s26], $0x4000  }
0x2dd: {  	[sflag:s26] =	ssyncset.done $0x0  }
0x2de: {  	s5 =	simm.s32 $0x780;
	[sflag:s26] =	ssyncadd.s32 $0xFFFFC000  }
0x2df: {  	[tilespmem:s28], [sflag:$0x2] =	stream.indirect.gather [hbm4b:s12+s25], $0x80, s5, s25, $0xb8;
	[tilespmem:$0x1D0C0] =	vst v63  }
0x2e0: {  	s17 =	simm.s32 $0x1300  }
0x2e1: {  	[spmem:s1] =	stream.indirect.scatter.add.f32 [tilespmem:s22], [sflag:$0x4], $0x80, s17, s25, $0xb8;
	[tilespmem:$0x1D0C0] =	vst v63  }
0x2e2: {  	_ =	swait.ge [sflag:s20], $0x4000  }
0x2e3: {  	[sflag:s20] =	ssyncset.done $0x0  }
0x2e4: {  	s18 =	simm.s32 $0x800;
	[sflag:s20] =	ssyncadd.s32 $0xFFFFC000  }
0x2e5: {  	[tilespmem:s22], [sflag:$0x1] =	stream.indirect.gather [hbm4b:s12+s25], $0x80, s18, s25, $0xb8;
	[tilespmem:$0x1D0C0] =	vst v63  }
0x2e6: {  	_ =	swait.ge [sflag:s30], $0x4000  }
0x2e7: {  	[sflag:s30] =	ssyncset.done $0x0  }
0x2e8: {  	s19 =	simm.s32 $0x1380;
	[sflag:s30] =	ssyncadd.s32 $0xFFFFC000  }
0x2e9: {  	[spmem:s1] =	stream.indirect.scatter.add.f32 [tilespmem:s28], [sflag:$0x3], $0x80, s19, s25, $0xb8;
	[tilespmem:$0x1D0C0] =	vst v63  }
0x2ea: {  	_ =	swait.ge [sflag:s23], $0x4000  }
0x2eb: {  	[sflag:s23] =	ssyncset.done $0x0  }
0x2ec: {  	[sflag:s23] =	ssyncadd.s32 $0xFFFFC000  }
0x2ed: {  	_ =	swait.ge [sflag:s26], $0x4000  }
0x2ee: {  	[sflag:s26] =	ssyncset.done $0x0  }
0x2ef: {  	s6 =	simm.s32 $0x880;
	[sflag:s26] =	ssyncadd.s32 $0xFFFFC000  }
0x2f0: {  	[tilespmem:s28], [sflag:$0x2] =	stream.indirect.gather [hbm4b:s12+s25], $0x80, s6, s25, $0xb8;
	[tilespmem:$0x1D0C0] =	vst v63  }
0x2f1: {  	s4 =	simm.s32 $0x1400  }
0x2f2: {  	[spmem:s1] =	stream.indirect.scatter.add.f32 [tilespmem:s22], [sflag:$0x4], $0x80, s4, s25, $0xb8;
	[tilespmem:$0x1D0C0] =	vst v63  }
0x2f3: {  	_ =	swait.ge [sflag:s20], $0x4000  }
0x2f4: {  	[sflag:s20] =	ssyncset.done $0x0  }
0x2f5: {  	s10 =	simm.s32 $0x900;
	[sflag:s20] =	ssyncadd.s32 $0xFFFFC000  }
0x2f6: {  	[tilespmem:s22], [sflag:$0x1] =	stream.indirect.gather [hbm4b:s12+s25], $0x80, s10, s25, $0xb8;
	[tilespmem:$0x1D0C0] =	vst v63  }
0x2f7: {  	_ =	swait.ge [sflag:s30], $0x4000  }
0x2f8: {  	[sflag:s30] =	ssyncset.done $0x0  }
0x2f9: {  	s29 =	simm.s32 $0x1480;
	[sflag:s30] =	ssyncadd.s32 $0xFFFFC000  }
0x2fa: {  	[spmem:s1] =	stream.indirect.scatter.add.f32 [tilespmem:s28], [sflag:$0x3], $0x80, s29, s25, $0xb8;
	[tilespmem:$0x1D0C0] =	vst v63  }
0x2fb: {  	_ =	swait.ge [sflag:s23], $0x4000  }
0x2fc: {  	[sflag:s23] =	ssyncset.done $0x0  }
0x2fd: {  	[sflag:s23] =	ssyncadd.s32 $0xFFFFC000  }
0x2fe: {  	_ =	swait.ge [sflag:s26], $0x4000  }
0x2ff: {  	[sflag:s26] =	ssyncset.done $0x0  }
0x300: {  	s7 =	simm.s32 $0x980;
	[sflag:s26] =	ssyncadd.s32 $0xFFFFC000  }
0x301: {  	[tilespmem:s28], [sflag:$0x2] =	stream.indirect.gather [hbm4b:s12+s25], $0x80, s7, s25, $0xb8;
	[tilespmem:$0x1D0C0] =	vst v63  }
0x302: {  	s16 =	simm.s32 $0x1500  }
0x303: {  	[spmem:s1] =	stream.indirect.scatter.add.f32 [tilespmem:s22], [sflag:$0x4], $0x80, s16, s25, $0xb8;
	[tilespmem:$0x1D0C0] =	vst v63  }
0x304: {  	_ =	swait.ge [sflag:s20], $0x4000  }
0x305: {  	[sflag:s20] =	ssyncset.done $0x0  }
0x306: {  	[sflag:s20] =	ssyncadd.s32 $0xFFFFC000  }
0x307: {  	_ =	swait.ge [sflag:s30], $0x4000  }
0x308: {  	[sflag:s30] =	ssyncset.done $0x0  }
0x309: {  	[sflag:s30] =	ssyncadd.s32 $0xFFFFC000  }
0x30a: {  	s17 =	stileid.u32;
	[bflag:$0x0] =	sbarrier.arrive $0xFFFF  }
0x30b: {  	s9 =	sshll.u32 s17, $0x6;
	s18 =	rddreg [dreg:$0x9]  }
0x30c: {  	s9 =	sor.u32 $0x1C03, s9;
	s24 =	rddreg [dreg:$0x12];
	s19 =	sshrl.u32 s18, $0x3  }
0x30d: {  	[hbm:s24], [sflag:s9] =	dma.local [spmem:s19], $0x2700  }
0x30e: {  	_ =	swait.ge [sflag:s23], $0x2700  }
0x30f: {  	s0 =	rddreg [dreg:$0x8]  }
0x310: {  	[sflag:s23] =	ssyncset.done $0x0;
	s4 =	rddreg [dreg:$0x13]  }
0x311: {  	[sflag:s23] =	ssyncadd.s32 $0xFFFFD900;
	s29 =	sshrl.u32 @!p0 s0, $0x3;
	s0 =	simm.s32 @!p0 $0x3  }
0x312: {  	[hbm:s4], [sflag:s9] =	dma.local @!p0 [spmem:s29], $0x100  }
0x313: {  	_ =	swait.ge @!p0 [sflag:s0], $0x100  }
0x314: {  	s21 =	sadd.s32 $0x1, s21;
	s31 =	rddreg [dreg:$0x14]  }
0x315: {  	p1 =	sne.s32 s21, s31  }
.Ltmp1:
0x316: {  	_ = 	snop;
	(pc) =	sbr.rel @p1 .LBB2_1-.Ltmp1, $3  }
0x317: {  	_ =	sdelay $0x1  }
0x318: {  	[sflag:s0] =	ssyncset.done @!p0 $0x0;
	s0 =	simm.s32 @!p0 $0x3  }
0x319: {  	[sflag:s0] =	ssyncadd.s32 @!p0 $0xFFFFFF00  }
0x31a: {  	_ =	sfence.sel $0x180000  }
0x31b: {  	[bflag:$0x0] =	sbarrier.arrive $0xFFFF  }
0x31c: {  	_ =	strace $0x9000004A  }
0x31d: {  	s0 =	stileid.u32;
	[bflag:$0x2] =	sbarrier.arrive $0xFFFF  }
0x31e: {  	p0 =	sne.s32 s0, $0x0;
	s0 =	rddreg [dreg:$0x3]  }
0x31f: {  	s0 =	sadd.s32 @!p0 $0x100000, s0  }
0x320: {  	[sflag:s0] =	ssyncadd.tile.s32 @!p0 $0x1;
	_ =	shalt  }
.Lfunc_end2:
_tile_overlayer_lowered:
.L_overlay_start_2:
0x321: {  	(tag) =	ssettag $0x2  }
0x322: {  	s0 =	rddreg [dreg:$0x0];
	s2 =	stileid.u32  }
0x323: {  	s1 =	rddreg [dreg:$0x1];
	p0 =	sne.s32 s2, $0x0  }
0x324: {  	s3 =	rddreg [dreg:$0x2];
	[bflag:$0x3] =	sbarrier.arrive $0xFFFF;
	s2 =	simm.s32 @!p0 $0x1C03  }
0x325: {  	[timem:s3], [sflag:s2] =	dma.local @!p0 [hbm:s0], s1  }
0x326: {  	s0 =	simm.s32 @!p0 $0x3  }
0x327: {  	_ =	swait.ge @!p0 [sflag:s0], s1  }
0x328: {  	s1 =	ssub.s32 @!p0 $0x0, s1;
	[sflag:s0] =	ssyncset.done @!p0 $0x0  }
0x329: {  	[sflag:s0] =	ssyncadd.s32 @!p0 s1  }
0x32a: {  	[bflag:$0x3] =	sbarrier.arrive $0xFFFF  }
0x32b: {  	_ =	shalt  }

</sc_bundles>
